<compile_context>
chip_gen: v7x
topology: tpu7x:2x2x1
jax: 0.10.2.dev20260603
libtpu: 0.0.44.dev20260713+nightly
codegen_flags: <defaults>
</compile_context>

<pallas_src>
import jax
import jax.numpy as jnp
from jax import lax
from jax.experimental import pallas as pl
from jax.experimental.pallas import tpu as pltpu
from jax.experimental.pallas import tpu_sc as plsc

_B = 16384
_F = 128
_NC = 2
_NS = 16
_NW = _NC * _NS
_BPW = _B // _NW
_CHUNK = 128
_NCHUNK = _BPW // _CHUNK
_NGRP = _CHUNK // 16


def _mf_body(uid_hbm, iid_hbm, p_hbm, q_hbm, bias_hbm, out_hbm,
             idx_u, idx_i, idx_ib, pu0, qi0, pu1, qi1, bu, bi, out_v, tp,
             sem_i, sem_b, sem_p0, sem_q0, sem_p1, sem_q1):
    wid = lax.axis_index("s") * _NC + lax.axis_index("c")
    base = wid * _BPW

    iota = lax.iota(jnp.int32, 16)
    col = iota * 17

    ci_u = pltpu.async_copy(uid_hbm.at[pl.ds(base, _BPW)], idx_u, sem_i)
    ci_i = pltpu.async_copy(iid_hbm.at[pl.ds(base, _BPW)], idx_i, sem_i)
    ci_u.wait()
    ci_i.wait()

    bufs = ((pu0, qi0, sem_p0, sem_q0), (pu1, qi1, sem_p1, sem_q1))

    def issue(c, par):
        pu_b, qi_b, sp, sq = bufs[par]
        off = c * _CHUNK
        iu = idx_u.at[pl.ds(off, _CHUNK)]
        ii = idx_i.at[pl.ds(off, _CHUNK)]
        pltpu.async_copy(p_hbm.at[iu], pu_b, sp)
        pltpu.async_copy(q_hbm.at[ii], qi_b, sq)

    def wait(par):
        pu_b, qi_b, sp, sq = bufs[par]
        pltpu.make_async_copy(p_hbm.at[idx_u.at[pl.ds(0, _CHUNK)]], pu_b, sp).wait()
        pltpu.make_async_copy(q_hbm.at[idx_i.at[pl.ds(0, _CHUNK)]], qi_b, sq).wait()

    @plsc.parallel_loop(0, _BPW // 16)
    def _shift(j):
        idx_ib[pl.ds(j * 16, 16)] = idx_i[pl.ds(j * 16, 16)] + 100000

    bias_cps = []
    for c in range(_NCHUNK):
        iu = idx_u.at[pl.ds(c * _CHUNK, _CHUNK)]
        ib = idx_ib.at[pl.ds(c * _CHUNK, _CHUNK)]
        bias_cps.append(pltpu.async_copy(bias_hbm.at[iu], bu.at[pl.ds(c * _CHUNK, _CHUNK)], sem_b))
        bias_cps.append(pltpu.async_copy(bias_hbm.at[ib], bi.at[pl.ds(c * _CHUNK, _CHUNK)], sem_b))

    issue(0, 0)
    for cp in bias_cps:
        cp.wait()

    def compute(c, par):
        pu_b, qi_b = bufs[par][0], bufs[par][1]

        @plsc.parallel_loop(0, _NGRP, unroll=2)
        def grp(g):
            tbase = g * 272
            for r in range(16):
                row = g * 16 + r
                acc = pu_b[row, pl.ds(0, 16)] * qi_b[row, pl.ds(0, 16)]
                for k in range(1, _F // 16):
                    acc += pu_b[row, pl.ds(k * 16, 16)] * qi_b[row, pl.ds(k * 16, 16)]
                tp[pl.ds(tbase + r * 17, 16)] = acc
            boff = c * _CHUNK + g * 16
            tot = bu[pl.ds(boff, 16)] + bi[pl.ds(boff, 16)]
            for j in range(16):
                tot += plsc.load_gather(tp, [tbase + col + j])
            out_v[pl.ds(boff, 16)] = tot

    def pair(h, _):
        c = h * 2
        issue(c + 1, 1)
        wait(0)
        compute(c, 0)

        @pl.when(c + 2 < _NCHUNK)
        def _():
            issue(c + 2, 0)

        wait(1)
        compute(c + 1, 1)
        return 0

    lax.fori_loop(0, _NCHUNK // 2, pair, 0)

    pltpu.sync_copy(out_v, out_hbm.at[pl.ds(base, _BPW)])


_mf = pl.kernel(
    _mf_body,
    out_type=jax.ShapeDtypeStruct((_B,), jnp.float32),
    mesh=plsc.VectorSubcoreMesh(core_axis_name="c", subcore_axis_name="s"),
    scratch_types=[
        pltpu.VMEM((_BPW,), jnp.int32),
        pltpu.VMEM((_BPW,), jnp.int32),
        pltpu.VMEM((_BPW,), jnp.int32),
        pltpu.VMEM((_CHUNK, _F), jnp.float32),
        pltpu.VMEM((_CHUNK, _F), jnp.float32),
        pltpu.VMEM((_CHUNK, _F), jnp.float32),
        pltpu.VMEM((_CHUNK, _F), jnp.float32),
        pltpu.VMEM((_BPW,), jnp.float32),
        pltpu.VMEM((_BPW,), jnp.float32),
        pltpu.VMEM((_BPW,), jnp.float32),
        pltpu.VMEM((_NGRP * 16 * 17,), jnp.float32),
        pltpu.SemaphoreType.DMA,
        pltpu.SemaphoreType.DMA,
        pltpu.SemaphoreType.DMA,
        pltpu.SemaphoreType.DMA,
        pltpu.SemaphoreType.DMA,
        pltpu.SemaphoreType.DMA,
    ],
    compiler_params=pltpu.CompilerParams(
        needs_layout_passes=False, skip_device_barrier=True),
)


def kernel(user_id, item_id, P, Q, user_bias, item_bias):
    bias_all = jnp.concatenate([user_bias.reshape(-1), item_bias.reshape(-1)])
    return _mf(user_id, item_id, P, Q, bias_all)

# --- scband reference (transcript-rebuilt; emitter-appended) ---
"""Pipeline reference for scband-mf-44298292690965 (READ-ONLY COPY).

The authoritative reference and input builder live on the scoring server;
editing this copy changes nothing except your own understanding.
"""

import jax, jax.numpy as jnp
import numpy as np

NUM_USERS = 100000
NUM_ITEMS = 100000
NUM_FACTORS = 128
BATCH = 16384


def setup_inputs(seed: int = 0) -> dict:
    key = jax.random.key(seed)
    k1, k2, k3, k4, k5, k6 = jax.random.split(key, 6)
    user_id = jax.random.randint(k1, (BATCH,), 0, NUM_USERS, dtype=jnp.int64 if jax.config.jax_enable_x64 else jnp.int32)
    item_id = jax.random.randint(k2, (BATCH,), 0, NUM_ITEMS, dtype=jnp.int64 if jax.config.jax_enable_x64 else jnp.int32)
    P = jax.random.normal(k3, (NUM_USERS, NUM_FACTORS), dtype=jnp.float32)
    Q = jax.random.normal(k4, (NUM_ITEMS, NUM_FACTORS), dtype=jnp.float32)
    user_bias = jax.random.normal(k5, (NUM_USERS, 1), dtype=jnp.float32)
    item_bias = jax.random.normal(k6, (NUM_ITEMS, 1), dtype=jnp.float32)
    return {"user_id": user_id, "item_id": item_id, "P": P, "Q": Q, "user_bias": user_bias, "item_bias": item_bias}


def reference(user_id, item_id, P, Q, user_bias, item_bias):
    # Embedding lookups (gathers)
    P_u = jnp.take(P, user_id, axis=0)            # [B, F]
    Q_i = jnp.take(Q, item_id, axis=0)            # [B, F]
    b_u = jnp.take(user_bias, user_id, axis=0).reshape(-1)  # [B]
    b_i = jnp.take(item_bias, item_id, axis=0).reshape(-1)  # [B]
    outputs = (P_u * Q_i).sum(axis=1) + b_u + b_i
    return outputs

if __name__ == "__main__":
    import jax
    _d = setup_inputs()
    print(jax.jit(kernel)(*tuple(_d.values())))

</pallas_src>

<mosaic_0001>
#map = affine_map<(d0, d1) -> (0)>
#map1 = affine_map<(d0, d1) -> (0, 0)>
module attributes {stable_mosaic.version = 14 : i64} {
  func.func @_mf_body(%arg0: i32, %arg1: i32, %arg2: memref<16384xi32, #tpu.memory_space<hbm>>, %arg3: memref<16384xi32, #tpu.memory_space<hbm>>, %arg4: memref<100000x128xf32, #tpu.memory_space<hbm>>, %arg5: memref<100000x128xf32, #tpu.memory_space<hbm>>, %arg6: memref<200000xf32, #tpu.memory_space<hbm>>, %arg7: memref<16384xf32, #tpu.memory_space<hbm>>, %arg8: memref<512xi32, #tpu.memory_space<vmem>>, %arg9: memref<512xi32, #tpu.memory_space<vmem>>, %arg10: memref<512xi32, #tpu.memory_space<vmem>>, %arg11: memref<128x128xf32, #tpu.memory_space<vmem>>, %arg12: memref<128x128xf32, #tpu.memory_space<vmem>>, %arg13: memref<128x128xf32, #tpu.memory_space<vmem>>, %arg14: memref<128x128xf32, #tpu.memory_space<vmem>>, %arg15: memref<512xf32, #tpu.memory_space<vmem>>, %arg16: memref<512xf32, #tpu.memory_space<vmem>>, %arg17: memref<512xf32, #tpu.memory_space<vmem>>, %arg18: memref<2176xf32, #tpu.memory_space<vmem>>, %arg19: memref<!tpu.dma_semaphore, #tpu.memory_space<semaphore_mem>>, %arg20: memref<!tpu.dma_semaphore, #tpu.memory_space<semaphore_mem>>, %arg21: memref<!tpu.dma_semaphore, #tpu.memory_space<semaphore_mem>>, %arg22: memref<!tpu.dma_semaphore, #tpu.memory_space<semaphore_mem>>, %arg23: memref<!tpu.dma_semaphore, #tpu.memory_space<semaphore_mem>>, %arg24: memref<!tpu.dma_semaphore, #tpu.memory_space<semaphore_mem>>) attributes {dimension_semantics = [#tpu.dimension_semantics<core_parallel>, #tpu.dimension_semantics<subcore_parallel>], iteration_bounds = array<i64: 2, 16>, scalar_prefetch = 0 : i64, scratch_operands = 17 : i64, tpu.core_type = #tpu.core_type<sc_vector_subcore>, window_params = [{transform_indices = #map}, {transform_indices = #map}, {transform_indices = #map1}, {transform_indices = #map1}, {transform_indices = #map}, {transform_indices = #map}]} {
    %mul3A = arith.constant 2 : i32
    %mul3A_0 = arith.muli %arg1, %mul3A : i32
    %add3A = arith.addi %mul3A_0, %arg0 : i32
    %mul3A_1 = arith.constant 512 : i32
    %mul3A_2 = arith.muli %add3A, %mul3A_1 : i32
    %iota3A = tpu.iota {dimensions = array<i32: 0>} : vector<16xi32>
    %mul3A_3 = arith.constant 17 : i32
    %mul3A_4 = vector.broadcast %mul3A_3 : i32 to vector<16xi32>
    %mul3A_5 = arith.muli %iota3A, %mul3A_4 : vector<16xi32>
    %dma_start3A = tpu.memref_slice %arg2[%mul3A_2] : memref<16384xi32, #tpu.memory_space<hbm>> -> memref<512xi32, #tpu.memory_space<hbm>>
    %dma_start3A_6 = tpu.memref_slice %arg2[%mul3A_2] : memref<16384xi32, #tpu.memory_space<hbm>> -> memref<512xi32, #tpu.memory_space<hbm>>
    tpu.enqueue_dma source(%dma_start3A_6 : memref<512xi32, #tpu.memory_space<hbm>>) target(%arg8 : memref<512xi32, #tpu.memory_space<vmem>>) target_semaphore(%arg19 : memref<!tpu.dma_semaphore, #tpu.memory_space<semaphore_mem>>)
    %dma_start3A_7 = tpu.memref_slice %arg3[%mul3A_2] : memref<16384xi32, #tpu.memory_space<hbm>> -> memref<512xi32, #tpu.memory_space<hbm>>
    %dma_start3A_8 = tpu.memref_slice %arg3[%mul3A_2] : memref<16384xi32, #tpu.memory_space<hbm>> -> memref<512xi32, #tpu.memory_space<hbm>>
    tpu.enqueue_dma source(%dma_start3A_8 : memref<512xi32, #tpu.memory_space<hbm>>) target(%arg9 : memref<512xi32, #tpu.memory_space<vmem>>) target_semaphore(%arg19 : memref<!tpu.dma_semaphore, #tpu.memory_space<semaphore_mem>>)
    %dma_wait3A = tpu.memref_slice %arg2[%mul3A_2] : memref<16384xi32, #tpu.memory_space<hbm>> -> memref<512xi32, #tpu.memory_space<hbm>>
    %dma_wait3A_9 = tpu.memref_slice %arg2[%mul3A_2] : memref<16384xi32, #tpu.memory_space<hbm>> -> memref<512xi32, #tpu.memory_space<hbm>>
    tpu.wait_dma2 semaphore(%arg19 : memref<!tpu.dma_semaphore, #tpu.memory_space<semaphore_mem>>) src(%dma_wait3A_9 : memref<512xi32, #tpu.memory_space<hbm>>) dst(%arg8 : memref<512xi32, #tpu.memory_space<vmem>>)
    %dma_wait3A_10 = tpu.memref_slice %arg3[%mul3A_2] : memref<16384xi32, #tpu.memory_space<hbm>> -> memref<512xi32, #tpu.memory_space<hbm>>
    %dma_wait3A_11 = tpu.memref_slice %arg3[%mul3A_2] : memref<16384xi32, #tpu.memory_space<hbm>> -> memref<512xi32, #tpu.memory_space<hbm>>
    tpu.wait_dma2 semaphore(%arg19 : memref<!tpu.dma_semaphore, #tpu.memory_space<semaphore_mem>>) src(%dma_wait3A_11 : memref<512xi32, #tpu.memory_space<hbm>>) dst(%arg9 : memref<512xi32, #tpu.memory_space<vmem>>)
    %parallel_loop3A = arith.constant 0 : i32
    %parallel_loop3A_12 = arith.constant 32 : i32
    %parallel_loop3A_13 = arith.constant 1 : i32
    scf.for %parallel_loop3A_126 = %parallel_loop3A to %parallel_loop3A_12 step %parallel_loop3A_13  : i32 {
      %parallel_loop3A_127 = arith.constant 16 : i32
      %parallel_loop3A_128 = arith.muli %parallel_loop3A_126, %parallel_loop3A_127 : i32
      %parallel_loop3A_129 = arith.index_cast %parallel_loop3A_128 : i32 to index
      %parallel_loop3A_130 = tpu.vector_load %arg9[%parallel_loop3A_129] {strides = array<i32>} : memref<512xi32, #tpu.memory_space<vmem>>, vector<16xi32>,
      %parallel_loop3A_131 = arith.constant 100000 : i32
      %parallel_loop3A_132 = vector.broadcast %parallel_loop3A_131 : i32 to vector<16xi32>
      %parallel_loop3A_133 = arith.addi %parallel_loop3A_130, %parallel_loop3A_132 : vector<16xi32>
      %parallel_loop3A_134 = arith.constant 16 : i32
      %parallel_loop3A_135 = arith.muli %parallel_loop3A_126, %parallel_loop3A_134 : i32
      %parallel_loop3A_136 = arith.index_cast %parallel_loop3A_135 : i32 to index
      %parallel_loop3A_137 = tpu.vector_load %arg10[%parallel_loop3A_136] {strides = array<i32>} : memref<512xi32, #tpu.memory_space<vmem>>, vector<16xi32>,
      tpu.vector_store %arg10[%parallel_loop3A_136], %parallel_loop3A_133 {strides = array<i32>} : memref<512xi32, #tpu.memory_space<vmem>>, vector<16xi32>,
    } {sc.loop_unroll_factor = 1 : i64, sc.parallel_access}
    %dma_start3A_14 = arith.constant 0 : i32
    %dma_start3A_15 = tpu.memref_slice %arg15[%dma_start3A_14] : memref<512xf32, #tpu.memory_space<vmem>> -> memref<128xf32, #tpu.memory_space<vmem>>
    %dma_start3A_16 = arith.constant 0 : i32
    %dma_start3A_17 = tpu.memref_slice %arg8[%dma_start3A_16] : memref<512xi32, #tpu.memory_space<vmem>> -> memref<128xi32, #tpu.memory_space<vmem>>
    %dma_start3A_18 = arith.constant 0 : i32
    %dma_start3A_19 = tpu.memref_slice %arg6[%dma_start3A_18] : memref<200000xf32, #tpu.memory_space<hbm>> -> memref<200000xf32, #tpu.memory_space<hbm>>
    tpu.enqueue_indirect_dma source(%dma_start3A_19 : memref<200000xf32, #tpu.memory_space<hbm>>) target(%dma_start3A_15 : memref<128xf32, #tpu.memory_space<vmem>>) offsets(%dma_start3A_17 : memref<128xi32, #tpu.memory_space<vmem>>) semaphore(%arg20 : memref<!tpu.dma_semaphore, #tpu.memory_space<semaphore_mem>>)
    %dma_start3A_20 = arith.constant 0 : i32
    %dma_start3A_21 = tpu.memref_slice %arg16[%dma_start3A_20] : memref<512xf32, #tpu.memory_space<vmem>> -> memref<128xf32, #tpu.memory_space<vmem>>
    %dma_start3A_22 = arith.constant 0 : i32
    %dma_start3A_23 = tpu.memref_slice %arg10[%dma_start3A_22] : memref<512xi32, #tpu.memory_space<vmem>> -> memref<128xi32, #tpu.memory_space<vmem>>
    %dma_start3A_24 = arith.constant 0 : i32
    %dma_start3A_25 = tpu.memref_slice %arg6[%dma_start3A_24] : memref<200000xf32, #tpu.memory_space<hbm>> -> memref<200000xf32, #tpu.memory_space<hbm>>
    tpu.enqueue_indirect_dma source(%dma_start3A_25 : memref<200000xf32, #tpu.memory_space<hbm>>) target(%dma_start3A_21 : memref<128xf32, #tpu.memory_space<vmem>>) offsets(%dma_start3A_23 : memref<128xi32, #tpu.memory_space<vmem>>) semaphore(%arg20 : memref<!tpu.dma_semaphore, #tpu.memory_space<semaphore_mem>>)
    %dma_start3A_26 = arith.constant 128 : i32
    %dma_start3A_27 = tpu.memref_slice %arg15[%dma_start3A_26] : memref<512xf32, #tpu.memory_space<vmem>> -> memref<128xf32, #tpu.memory_space<vmem>>
    %dma_start3A_28 = arith.constant 128 : i32
    %dma_start3A_29 = tpu.memref_slice %arg8[%dma_start3A_28] : memref<512xi32, #tpu.memory_space<vmem>> -> memref<128xi32, #tpu.memory_space<vmem>>
    %dma_start3A_30 = arith.constant 0 : i32
    %dma_start3A_31 = tpu.memref_slice %arg6[%dma_start3A_30] : memref<200000xf32, #tpu.memory_space<hbm>> -> memref<200000xf32, #tpu.memory_space<hbm>>
    tpu.enqueue_indirect_dma source(%dma_start3A_31 : memref<200000xf32, #tpu.memory_space<hbm>>) target(%dma_start3A_27 : memref<128xf32, #tpu.memory_space<vmem>>) offsets(%dma_start3A_29 : memref<128xi32, #tpu.memory_space<vmem>>) semaphore(%arg20 : memref<!tpu.dma_semaphore, #tpu.memory_space<semaphore_mem>>)
    %dma_start3A_32 = arith.constant 128 : i32
    %dma_start3A_33 = tpu.memref_slice %arg16[%dma_start3A_32] : memref<512xf32, #tpu.memory_space<vmem>> -> memref<128xf32, #tpu.memory_space<vmem>>
    %dma_start3A_34 = arith.constant 128 : i32
    %dma_start3A_35 = tpu.memref_slice %arg10[%dma_start3A_34] : memref<512xi32, #tpu.memory_space<vmem>> -> memref<128xi32, #tpu.memory_space<vmem>>
    %dma_start3A_36 = arith.constant 0 : i32
    %dma_start3A_37 = tpu.memref_slice %arg6[%dma_start3A_36] : memref<200000xf32, #tpu.memory_space<hbm>> -> memref<200000xf32, #tpu.memory_space<hbm>>
    tpu.enqueue_indirect_dma source(%dma_start3A_37 : memref<200000xf32, #tpu.memory_space<hbm>>) target(%dma_start3A_33 : memref<128xf32, #tpu.memory_space<vmem>>) offsets(%dma_start3A_35 : memref<128xi32, #tpu.memory_space<vmem>>) semaphore(%arg20 : memref<!tpu.dma_semaphore, #tpu.memory_space<semaphore_mem>>)
    %dma_start3A_38 = arith.constant 256 : i32
    %dma_start3A_39 = tpu.memref_slice %arg15[%dma_start3A_38] : memref<512xf32, #tpu.memory_space<vmem>> -> memref<128xf32, #tpu.memory_space<vmem>>
    %dma_start3A_40 = arith.constant 256 : i32
    %dma_start3A_41 = tpu.memref_slice %arg8[%dma_start3A_40] : memref<512xi32, #tpu.memory_space<vmem>> -> memref<128xi32, #tpu.memory_space<vmem>>
    %dma_start3A_42 = arith.constant 0 : i32
    %dma_start3A_43 = tpu.memref_slice %arg6[%dma_start3A_42] : memref<200000xf32, #tpu.memory_space<hbm>> -> memref<200000xf32, #tpu.memory_space<hbm>>
    tpu.enqueue_indirect_dma source(%dma_start3A_43 : memref<200000xf32, #tpu.memory_space<hbm>>) target(%dma_start3A_39 : memref<128xf32, #tpu.memory_space<vmem>>) offsets(%dma_start3A_41 : memref<128xi32, #tpu.memory_space<vmem>>) semaphore(%arg20 : memref<!tpu.dma_semaphore, #tpu.memory_space<semaphore_mem>>)
    %dma_start3A_44 = arith.constant 256 : i32
    %dma_start3A_45 = tpu.memref_slice %arg16[%dma_start3A_44] : memref<512xf32, #tpu.memory_space<vmem>> -> memref<128xf32, #tpu.memory_space<vmem>>
    %dma_start3A_46 = arith.constant 256 : i32
    %dma_start3A_47 = tpu.memref_slice %arg10[%dma_start3A_46] : memref<512xi32, #tpu.memory_space<vmem>> -> memref<128xi32, #tpu.memory_space<vmem>>
    %dma_start3A_48 = arith.constant 0 : i32
    %dma_start3A_49 = tpu.memref_slice %arg6[%dma_start3A_48] : memref<200000xf32, #tpu.memory_space<hbm>> -> memref<200000xf32, #tpu.memory_space<hbm>>
    tpu.enqueue_indirect_dma source(%dma_start3A_49 : memref<200000xf32, #tpu.memory_space<hbm>>) target(%dma_start3A_45 : memref<128xf32, #tpu.memory_space<vmem>>) offsets(%dma_start3A_47 : memref<128xi32, #tpu.memory_space<vmem>>) semaphore(%arg20 : memref<!tpu.dma_semaphore, #tpu.memory_space<semaphore_mem>>)
    %dma_start3A_50 = arith.constant 384 : i32
    %dma_start3A_51 = tpu.memref_slice %arg15[%dma_start3A_50] : memref<512xf32, #tpu.memory_space<vmem>> -> memref<128xf32, #tpu.memory_space<vmem>>
    %dma_start3A_52 = arith.constant 384 : i32
    %dma_start3A_53 = tpu.memref_slice %arg8[%dma_start3A_52] : memref<512xi32, #tpu.memory_space<vmem>> -> memref<128xi32, #tpu.memory_space<vmem>>
    %dma_start3A_54 = arith.constant 0 : i32
    %dma_start3A_55 = tpu.memref_slice %arg6[%dma_start3A_54] : memref<200000xf32, #tpu.memory_space<hbm>> -> memref<200000xf32, #tpu.memory_space<hbm>>
    tpu.enqueue_indirect_dma source(%dma_start3A_55 : memref<200000xf32, #tpu.memory_space<hbm>>) target(%dma_start3A_51 : memref<128xf32, #tpu.memory_space<vmem>>) offsets(%dma_start3A_53 : memref<128xi32, #tpu.memory_space<vmem>>) semaphore(%arg20 : memref<!tpu.dma_semaphore, #tpu.memory_space<semaphore_mem>>)
    %dma_start3A_56 = arith.constant 384 : i32
    %dma_start3A_57 = tpu.memref_slice %arg16[%dma_start3A_56] : memref<512xf32, #tpu.memory_space<vmem>> -> memref<128xf32, #tpu.memory_space<vmem>>
    %dma_start3A_58 = arith.constant 384 : i32
    %dma_start3A_59 = tpu.memref_slice %arg10[%dma_start3A_58] : memref<512xi32, #tpu.memory_space<vmem>> -> memref<128xi32, #tpu.memory_space<vmem>>
    %dma_start3A_60 = arith.constant 0 : i32
    %dma_start3A_61 = tpu.memref_slice %arg6[%dma_start3A_60] : memref<200000xf32, #tpu.memory_space<hbm>> -> memref<200000xf32, #tpu.memory_space<hbm>>
    tpu.enqueue_indirect_dma source(%dma_start3A_61 : memref<200000xf32, #tpu.memory_space<hbm>>) target(%dma_start3A_57 : memref<128xf32, #tpu.memory_space<vmem>>) offsets(%dma_start3A_59 : memref<128xi32, #tpu.memory_space<vmem>>) semaphore(%arg20 : memref<!tpu.dma_semaphore, #tpu.memory_space<semaphore_mem>>)
    %dma_start3A_62 = arith.constant 0 : i32
    %dma_start3A_63 = tpu.memref_slice %arg8[%dma_start3A_62] : memref<512xi32, #tpu.memory_space<vmem>> -> memref<128xi32, #tpu.memory_space<vmem>>
    %dma_start3A_64 = arith.constant 0 : i32
    %dma_start3A_65 = arith.constant 0 : i32
    %dma_start3A_66 = tpu.memref_slice %arg4[%dma_start3A_64, %dma_start3A_65] : memref<100000x128xf32, #tpu.memory_space<hbm>> -> memref<100000x128xf32, #tpu.memory_space<hbm>>
    tpu.enqueue_indirect_dma source(%dma_start3A_66 : memref<100000x128xf32, #tpu.memory_space<hbm>>) target(%arg11 : memref<128x128xf32, #tpu.memory_space<vmem>>) offsets(%dma_start3A_63 : memref<128xi32, #tpu.memory_space<vmem>>) semaphore(%arg21 : memref<!tpu.dma_semaphore, #tpu.memory_space<semaphore_mem>>)
    %dma_start3A_67 = arith.constant 0 : i32
    %dma_start3A_68 = tpu.memref_slice %arg9[%dma_start3A_67] : memref<512xi32, #tpu.memory_space<vmem>> -> memref<128xi32, #tpu.memory_space<vmem>>
    %dma_start3A_69 = arith.constant 0 : i32
    %dma_start3A_70 = arith.constant 0 : i32
    %dma_start3A_71 = tpu.memref_slice %arg5[%dma_start3A_69, %dma_start3A_70] : memref<100000x128xf32, #tpu.memory_space<hbm>> -> memref<100000x128xf32, #tpu.memory_space<hbm>>
    tpu.enqueue_indirect_dma source(%dma_start3A_71 : memref<100000x128xf32, #tpu.memory_space<hbm>>) target(%arg12 : memref<128x128xf32, #tpu.memory_space<vmem>>) offsets(%dma_start3A_68 : memref<128xi32, #tpu.memory_space<vmem>>) semaphore(%arg22 : memref<!tpu.dma_semaphore, #tpu.memory_space<semaphore_mem>>)
    %dma_wait3A_72 = arith.constant 0 : i32
    %dma_wait3A_73 = tpu.memref_slice %arg15[%dma_wait3A_72] : memref<512xf32, #tpu.memory_space<vmem>> -> memref<128xf32, #tpu.memory_space<vmem>>
    %dma_wait3A_74 = arith.constant 0 : i32
    %dma_wait3A_75 = tpu.memref_slice %arg8[%dma_wait3A_74] : memref<512xi32, #tpu.memory_space<vmem>> -> memref<128xi32, #tpu.memory_space<vmem>>
    %dma_wait3A_76 = arith.constant 0 : i32
    %dma_wait3A_77 = tpu.memref_slice %arg6[%dma_wait3A_76] : memref<200000xf32, #tpu.memory_space<hbm>> -> memref<200000xf32, #tpu.memory_space<hbm>>
    tpu.wait_indirect_dma semaphore(%arg20 : memref<!tpu.dma_semaphore, #tpu.memory_space<semaphore_mem>>) src(%dma_wait3A_77 : memref<200000xf32, #tpu.memory_space<hbm>>) dst(%dma_wait3A_73 : memref<128xf32, #tpu.memory_space<vmem>>)
    %dma_wait3A_78 = arith.constant 0 : i32
    %dma_wait3A_79 = tpu.memref_slice %arg16[%dma_wait3A_78] : memref<512xf32, #tpu.memory_space<vmem>> -> memref<128xf32, #tpu.memory_space<vmem>>
    %dma_wait3A_80 = arith.constant 0 : i32
    %dma_wait3A_81 = tpu.memref_slice %arg10[%dma_wait3A_80] : memref<512xi32, #tpu.memory_space<vmem>> -> memref<128xi32, #tpu.memory_space<vmem>>
    %dma_wait3A_82 = arith.constant 0 : i32
    %dma_wait3A_83 = tpu.memref_slice %arg6[%dma_wait3A_82] : memref<200000xf32, #tpu.memory_space<hbm>> -> memref<200000xf32, #tpu.memory_space<hbm>>
    tpu.wait_indirect_dma semaphore(%arg20 : memref<!tpu.dma_semaphore, #tpu.memory_space<semaphore_mem>>) src(%dma_wait3A_83 : memref<200000xf32, #tpu.memory_space<hbm>>) dst(%dma_wait3A_79 : memref<128xf32, #tpu.memory_space<vmem>>)
    %dma_wait3A_84 = arith.constant 128 : i32
    %dma_wait3A_85 = tpu.memref_slice %arg15[%dma_wait3A_84] : memref<512xf32, #tpu.memory_space<vmem>> -> memref<128xf32, #tpu.memory_space<vmem>>
    %dma_wait3A_86 = arith.constant 128 : i32
    %dma_wait3A_87 = tpu.memref_slice %arg8[%dma_wait3A_86] : memref<512xi32, #tpu.memory_space<vmem>> -> memref<128xi32, #tpu.memory_space<vmem>>
    %dma_wait3A_88 = arith.constant 0 : i32
    %dma_wait3A_89 = tpu.memref_slice %arg6[%dma_wait3A_88] : memref<200000xf32, #tpu.memory_space<hbm>> -> memref<200000xf32, #tpu.memory_space<hbm>>
    tpu.wait_indirect_dma semaphore(%arg20 : memref<!tpu.dma_semaphore, #tpu.memory_space<semaphore_mem>>) src(%dma_wait3A_89 : memref<200000xf32, #tpu.memory_space<hbm>>) dst(%dma_wait3A_85 : memref<128xf32, #tpu.memory_space<vmem>>)
    %dma_wait3A_90 = arith.constant 128 : i32
    %dma_wait3A_91 = tpu.memref_slice %arg16[%dma_wait3A_90] : memref<512xf32, #tpu.memory_space<vmem>> -> memref<128xf32, #tpu.memory_space<vmem>>
    %dma_wait3A_92 = arith.constant 128 : i32
    %dma_wait3A_93 = tpu.memref_slice %arg10[%dma_wait3A_92] : memref<512xi32, #tpu.memory_space<vmem>> -> memref<128xi32, #tpu.memory_space<vmem>>
    %dma_wait3A_94 = arith.constant 0 : i32
    %dma_wait3A_95 = tpu.memref_slice %arg6[%dma_wait3A_94] : memref<200000xf32, #tpu.memory_space<hbm>> -> memref<200000xf32, #tpu.memory_space<hbm>>
    tpu.wait_indirect_dma semaphore(%arg20 : memref<!tpu.dma_semaphore, #tpu.memory_space<semaphore_mem>>) src(%dma_wait3A_95 : memref<200000xf32, #tpu.memory_space<hbm>>) dst(%dma_wait3A_91 : memref<128xf32, #tpu.memory_space<vmem>>)
    %dma_wait3A_96 = arith.constant 256 : i32
    %dma_wait3A_97 = tpu.memref_slice %arg15[%dma_wait3A_96] : memref<512xf32, #tpu.memory_space<vmem>> -> memref<128xf32, #tpu.memory_space<vmem>>
    %dma_wait3A_98 = arith.constant 256 : i32
    %dma_wait3A_99 = tpu.memref_slice %arg8[%dma_wait3A_98] : memref<512xi32, #tpu.memory_space<vmem>> -> memref<128xi32, #tpu.memory_space<vmem>>
    %dma_wait3A_100 = arith.constant 0 : i32
    %dma_wait3A_101 = tpu.memref_slice %arg6[%dma_wait3A_100] : memref<200000xf32, #tpu.memory_space<hbm>> -> memref<200000xf32, #tpu.memory_space<hbm>>
    tpu.wait_indirect_dma semaphore(%arg20 : memref<!tpu.dma_semaphore, #tpu.memory_space<semaphore_mem>>) src(%dma_wait3A_101 : memref<200000xf32, #tpu.memory_space<hbm>>) dst(%dma_wait3A_97 : memref<128xf32, #tpu.memory_space<vmem>>)
    %dma_wait3A_102 = arith.constant 256 : i32
    %dma_wait3A_103 = tpu.memref_slice %arg16[%dma_wait3A_102] : memref<512xf32, #tpu.memory_space<vmem>> -> memref<128xf32, #tpu.memory_space<vmem>>
    %dma_wait3A_104 = arith.constant 256 : i32
    %dma_wait3A_105 = tpu.memref_slice %arg10[%dma_wait3A_104] : memref<512xi32, #tpu.memory_space<vmem>> -> memref<128xi32, #tpu.memory_space<vmem>>
    %dma_wait3A_106 = arith.constant 0 : i32
    %dma_wait3A_107 = tpu.memref_slice %arg6[%dma_wait3A_106] : memref<200000xf32, #tpu.memory_space<hbm>> -> memref<200000xf32, #tpu.memory_space<hbm>>
    tpu.wait_indirect_dma semaphore(%arg20 : memref<!tpu.dma_semaphore, #tpu.memory_space<semaphore_mem>>) src(%dma_wait3A_107 : memref<200000xf32, #tpu.memory_space<hbm>>) dst(%dma_wait3A_103 : memref<128xf32, #tpu.memory_space<vmem>>)
    %dma_wait3A_108 = arith.constant 384 : i32
    %dma_wait3A_109 = tpu.memref_slice %arg15[%dma_wait3A_108] : memref<512xf32, #tpu.memory_space<vmem>> -> memref<128xf32, #tpu.memory_space<vmem>>
    %dma_wait3A_110 = arith.constant 384 : i32
    %dma_wait3A_111 = tpu.memref_slice %arg8[%dma_wait3A_110] : memref<512xi32, #tpu.memory_space<vmem>> -> memref<128xi32, #tpu.memory_space<vmem>>
    %dma_wait3A_112 = arith.constant 0 : i32
    %dma_wait3A_113 = tpu.memref_slice %arg6[%dma_wait3A_112] : memref<200000xf32, #tpu.memory_space<hbm>> -> memref<200000xf32, #tpu.memory_space<hbm>>
    tpu.wait_indirect_dma semaphore(%arg20 : memref<!tpu.dma_semaphore, #tpu.memory_space<semaphore_mem>>) src(%dma_wait3A_113 : memref<200000xf32, #tpu.memory_space<hbm>>) dst(%dma_wait3A_109 : memref<128xf32, #tpu.memory_space<vmem>>)
    %dma_wait3A_114 = arith.constant 384 : i32
    %dma_wait3A_115 = tpu.memref_slice %arg16[%dma_wait3A_114] : memref<512xf32, #tpu.memory_space<vmem>> -> memref<128xf32, #tpu.memory_space<vmem>>
    %dma_wait3A_116 = arith.constant 384 : i32
    %dma_wait3A_117 = tpu.memref_slice %arg10[%dma_wait3A_116] : memref<512xi32, #tpu.memory_space<vmem>> -> memref<128xi32, #tpu.memory_space<vmem>>
    %dma_wait3A_118 = arith.constant 0 : i32
    %dma_wait3A_119 = tpu.memref_slice %arg6[%dma_wait3A_118] : memref<200000xf32, #tpu.memory_space<hbm>> -> memref<200000xf32, #tpu.memory_space<hbm>>
    tpu.wait_indirect_dma semaphore(%arg20 : memref<!tpu.dma_semaphore, #tpu.memory_space<semaphore_mem>>) src(%dma_wait3A_119 : memref<200000xf32, #tpu.memory_space<hbm>>) dst(%dma_wait3A_115 : memref<128xf32, #tpu.memory_space<vmem>>)
    %scan3A = arith.constant 0 : i32
    %scan3A_120 = arith.constant 0 : i32
    %scan3A_121 = arith.constant 2 : i32
    %scan3A_122 = arith.addi %scan3A_120, %scan3A_121 : i32
    %scan3A_123 = arith.constant 1 : i32
    %scan3A_124 = scf.for %scan3A_126 = %scan3A_120 to %scan3A_122 step %scan3A_123 iter_args(%scan3A_127 = %scan3A) -> (i32)  : i32 {
      %mul3A_128 = arith.constant 2 : i32
      %mul3A_129 = arith.muli %scan3A_126, %mul3A_128 : i32
      %add3A_130 = arith.constant 1 : i32
      %add3A_131 = arith.addi %mul3A_129, %add3A_130 : i32
      %mul3A_132 = arith.constant 128 : i32
      %mul3A_133 = arith.muli %add3A_131, %mul3A_132 : i32
      %dma_start3A_134 = tpu.memref_slice %arg8[%mul3A_133] : memref<512xi32, #tpu.memory_space<vmem>> -> memref<128xi32, #tpu.memory_space<vmem>>
      %dma_start3A_135 = arith.constant 0 : i32
      %dma_start3A_136 = arith.constant 0 : i32
      %dma_start3A_137 = tpu.memref_slice %arg4[%dma_start3A_135, %dma_start3A_136] : memref<100000x128xf32, #tpu.memory_space<hbm>> -> memref<100000x128xf32, #tpu.memory_space<hbm>>
      tpu.enqueue_indirect_dma source(%dma_start3A_137 : memref<100000x128xf32, #tpu.memory_space<hbm>>) target(%arg13 : memref<128x128xf32, #tpu.memory_space<vmem>>) offsets(%dma_start3A_134 : memref<128xi32, #tpu.memory_space<vmem>>) semaphore(%arg23 : memref<!tpu.dma_semaphore, #tpu.memory_space<semaphore_mem>>)
      %dma_start3A_138 = tpu.memref_slice %arg9[%mul3A_133] : memref<512xi32, #tpu.memory_space<vmem>> -> memref<128xi32, #tpu.memory_space<vmem>>
      %dma_start3A_139 = arith.constant 0 : i32
      %dma_start3A_140 = arith.constant 0 : i32
      %dma_start3A_141 = tpu.memref_slice %arg5[%dma_start3A_139, %dma_start3A_140] : memref<100000x128xf32, #tpu.memory_space<hbm>> -> memref<100000x128xf32, #tpu.memory_space<hbm>>
      tpu.enqueue_indirect_dma source(%dma_start3A_141 : memref<100000x128xf32, #tpu.memory_space<hbm>>) target(%arg14 : memref<128x128xf32, #tpu.memory_space<vmem>>) offsets(%dma_start3A_138 : memref<128xi32, #tpu.memory_space<vmem>>) semaphore(%arg24 : memref<!tpu.dma_semaphore, #tpu.memory_space<semaphore_mem>>)
      %dma_wait3A_142 = arith.constant 0 : i32
      %dma_wait3A_143 = tpu.memref_slice %arg8[%dma_wait3A_142] : memref<512xi32, #tpu.memory_space<vmem>> -> memref<128xi32, #tpu.memory_space<vmem>>
      %dma_wait3A_144 = arith.constant 0 : i32
      %dma_wait3A_145 = arith.constant 0 : i32
      %dma_wait3A_146 = tpu.memref_slice %arg4[%dma_wait3A_144, %dma_wait3A_145] : memref<100000x128xf32, #tpu.memory_space<hbm>> -> memref<100000x128xf32, #tpu.memory_space<hbm>>
      tpu.wait_indirect_dma semaphore(%arg21 : memref<!tpu.dma_semaphore, #tpu.memory_space<semaphore_mem>>) src(%dma_wait3A_146 : memref<100000x128xf32, #tpu.memory_space<hbm>>) dst(%arg11 : memref<128x128xf32, #tpu.memory_space<vmem>>)
      %dma_wait3A_147 = arith.constant 0 : i32
      %dma_wait3A_148 = tpu.memref_slice %arg9[%dma_wait3A_147] : memref<512xi32, #tpu.memory_space<vmem>> -> memref<128xi32, #tpu.memory_space<vmem>>
      %dma_wait3A_149 = arith.constant 0 : i32
      %dma_wait3A_150 = arith.constant 0 : i32
      %dma_wait3A_151 = tpu.memref_slice %arg5[%dma_wait3A_149, %dma_wait3A_150] : memref<100000x128xf32, #tpu.memory_space<hbm>> -> memref<100000x128xf32, #tpu.memory_space<hbm>>
      tpu.wait_indirect_dma semaphore(%arg22 : memref<!tpu.dma_semaphore, #tpu.memory_space<semaphore_mem>>) src(%dma_wait3A_151 : memref<100000x128xf32, #tpu.memory_space<hbm>>) dst(%arg12 : memref<128x128xf32, #tpu.memory_space<vmem>>)
      %parallel_loop3A_152 = arith.constant 0 : i32
      %parallel_loop3A_153 = arith.constant 8 : i32
      %parallel_loop3A_154 = arith.constant 1 : i32
      scf.for %parallel_loop3A_175 = %parallel_loop3A_152 to %parallel_loop3A_153 step %parallel_loop3A_154  : i32 {
        %parallel_loop3A_176 = arith.constant 272 : i32
        %parallel_loop3A_177 = arith.muli %parallel_loop3A_175, %parallel_loop3A_176 : i32
        %parallel_loop3A_178 = arith.constant 16 : i32
        %parallel_loop3A_179 = arith.muli %parallel_loop3A_175, %parallel_loop3A_178 : i32
        %parallel_loop3A_180 = arith.constant 0 : i32
        %parallel_loop3A_181 = arith.addi %parallel_loop3A_179, %parallel_loop3A_180 : i32
        %parallel_loop3A_182 = arith.index_cast %parallel_loop3A_181 : i32 to index
        %parallel_loop3A_183 = arith.constant 0 : index
        %parallel_loop3A_184 = tpu.vector_load %arg11[%parallel_loop3A_182, %parallel_loop3A_183] {strides = array<i32>} : memref<128x128xf32, #tpu.memory_space<vmem>>, vector<16xf32>,
        %parallel_loop3A_185 = arith.index_cast %parallel_loop3A_181 : i32 to index
        %parallel_loop3A_186 = arith.constant 0 : index
        %parallel_loop3A_187 = tpu.vector_load %arg12[%parallel_loop3A_185, %parallel_loop3A_186] {strides = array<i32>} : memref<128x128xf32, #tpu.memory_space<vmem>>, vector<16xf32>,
        %parallel_loop3A_188 = arith.mulf %parallel_loop3A_184, %parallel_loop3A_187 : vector<16xf32>
        %parallel_loop3A_189 = arith.index_cast %parallel_loop3A_181 : i32 to index
        %parallel_loop3A_190 = arith.constant 16 : index
        %parallel_loop3A_191 = tpu.vector_load %arg11[%parallel_loop3A_189, %parallel_loop3A_190] {strides = array<i32>} : memref<128x128xf32, #tpu.memory_space<vmem>>, vector<16xf32>,
        %parallel_loop3A_192 = arith.index_cast %parallel_loop3A_181 : i32 to index
        %parallel_loop3A_193 = arith.constant 16 : index
        %parallel_loop3A_194 = tpu.vector_load %arg12[%parallel_loop3A_192, %parallel_loop3A_193] {strides = array<i32>} : memref<128x128xf32, #tpu.memory_space<vmem>>, vector<16xf32>,
        %parallel_loop3A_195 = arith.mulf %parallel_loop3A_191, %parallel_loop3A_194 : vector<16xf32>
        %parallel_loop3A_196 = arith.addf %parallel_loop3A_188, %parallel_loop3A_195 : vector<16xf32>
        %parallel_loop3A_197 = arith.index_cast %parallel_loop3A_181 : i32 to index
        %parallel_loop3A_198 = arith.constant 32 : index
        %parallel_loop3A_199 = tpu.vector_load %arg11[%parallel_loop3A_197, %parallel_loop3A_198] {strides = array<i32>} : memref<128x128xf32, #tpu.memory_space<vmem>>, vector<16xf32>,
        %parallel_loop3A_200 = arith.index_cast %parallel_loop3A_181 : i32 to index
        %parallel_loop3A_201 = arith.constant 32 : index
        %parallel_loop3A_202 = tpu.vector_load %arg12[%parallel_loop3A_200, %parallel_loop3A_201] {strides = array<i32>} : memref<128x128xf32, #tpu.memory_space<vmem>>, vector<16xf32>,
        %parallel_loop3A_203 = arith.mulf %parallel_loop3A_199, %parallel_loop3A_202 : vector<16xf32>
        %parallel_loop3A_204 = arith.addf %parallel_loop3A_196, %parallel_loop3A_203 : vector<16xf32>
        %parallel_loop3A_205 = arith.index_cast %parallel_loop3A_181 : i32 to index
        %parallel_loop3A_206 = arith.constant 48 : index
        %parallel_loop3A_207 = tpu.vector_load %arg11[%parallel_loop3A_205, %parallel_loop3A_206] {strides = array<i32>} : memref<128x128xf32, #tpu.memory_space<vmem>>, vector<16xf32>,
        %parallel_loop3A_208 = arith.index_cast %parallel_loop3A_181 : i32 to index
        %parallel_loop3A_209 = arith.constant 48 : index
        %parallel_loop3A_210 = tpu.vector_load %arg12[%parallel_loop3A_208, %parallel_loop3A_209] {strides = array<i32>} : memref<128x128xf32, #tpu.memory_space<vmem>>, vector<16xf32>,
        %parallel_loop3A_211 = arith.mulf %parallel_loop3A_207, %parallel_loop3A_210 : vector<16xf32>
        %parallel_loop3A_212 = arith.addf %parallel_loop3A_204, %parallel_loop3A_211 : vector<16xf32>
        %parallel_loop3A_213 = arith.index_cast %parallel_loop3A_181 : i32 to index
        %parallel_loop3A_214 = arith.constant 64 : index
        %parallel_loop3A_215 = tpu.vector_load %arg11[%parallel_loop3A_213, %parallel_loop3A_214] {strides = array<i32>} : memref<128x128xf32, #tpu.memory_space<vmem>>, vector<16xf32>,
        %parallel_loop3A_216 = arith.index_cast %parallel_loop3A_181 : i32 to index
        %parallel_loop3A_217 = arith.constant 64 : index
        %parallel_loop3A_218 = tpu.vector_load %arg12[%parallel_loop3A_216, %parallel_loop3A_217] {strides = array<i32>} : memref<128x128xf32, #tpu.memory_space<vmem>>, vector<16xf32>,
        %parallel_loop3A_219 = arith.mulf %parallel_loop3A_215, %parallel_loop3A_218 : vector<16xf32>
        %parallel_loop3A_220 = arith.addf %parallel_loop3A_212, %parallel_loop3A_219 : vector<16xf32>
        %parallel_loop3A_221 = arith.index_cast %parallel_loop3A_181 : i32 to index
        %parallel_loop3A_222 = arith.constant 80 : index
        %parallel_loop3A_223 = tpu.vector_load %arg11[%parallel_loop3A_221, %parallel_loop3A_222] {strides = array<i32>} : memref<128x128xf32, #tpu.memory_space<vmem>>, vector<16xf32>,
        %parallel_loop3A_224 = arith.index_cast %parallel_loop3A_181 : i32 to index
        %parallel_loop3A_225 = arith.constant 80 : index
        %parallel_loop3A_226 = tpu.vector_load %arg12[%parallel_loop3A_224, %parallel_loop3A_225] {strides = array<i32>} : memref<128x128xf32, #tpu.memory_space<vmem>>, vector<16xf32>,
        %parallel_loop3A_227 = arith.mulf %parallel_loop3A_223, %parallel_loop3A_226 : vector<16xf32>
        %parallel_loop3A_228 = arith.addf %parallel_loop3A_220, %parallel_loop3A_227 : vector<16xf32>
        %parallel_loop3A_229 = arith.index_cast %parallel_loop3A_181 : i32 to index
        %parallel_loop3A_230 = arith.constant 96 : index
        %parallel_loop3A_231 = tpu.vector_load %arg11[%parallel_loop3A_229, %parallel_loop3A_230] {strides = array<i32>} : memref<128x128xf32, #tpu.memory_space<vmem>>, vector<16xf32>,
        %parallel_loop3A_232 = arith.index_cast %parallel_loop3A_181 : i32 to index
        %parallel_loop3A_233 = arith.constant 96 : index
        %parallel_loop3A_234 = tpu.vector_load %arg12[%parallel_loop3A_232, %parallel_loop3A_233] {strides = array<i32>} : memref<128x128xf32, #tpu.memory_space<vmem>>, vector<16xf32>,
        %parallel_loop3A_235 = arith.mulf %parallel_loop3A_231, %parallel_loop3A_234 : vector<16xf32>
        %parallel_loop3A_236 = arith.addf %parallel_loop3A_228, %parallel_loop3A_235 : vector<16xf32>
        %parallel_loop3A_237 = arith.index_cast %parallel_loop3A_181 : i32 to index
        %parallel_loop3A_238 = arith.constant 112 : index
        %parallel_loop3A_239 = tpu.vector_load %arg11[%parallel_loop3A_237, %parallel_loop3A_238] {strides = array<i32>} : memref<128x128xf32, #tpu.memory_space<vmem>>, vector<16xf32>,
        %parallel_loop3A_240 = arith.index_cast %parallel_loop3A_181 : i32 to index
        %parallel_loop3A_241 = arith.constant 112 : index
        %parallel_loop3A_242 = tpu.vector_load %arg12[%parallel_loop3A_240, %parallel_loop3A_241] {strides = array<i32>} : memref<128x128xf32, #tpu.memory_space<vmem>>, vector<16xf32>,
        %parallel_loop3A_243 = arith.mulf %parallel_loop3A_239, %parallel_loop3A_242 : vector<16xf32>
        %parallel_loop3A_244 = arith.addf %parallel_loop3A_236, %parallel_loop3A_243 : vector<16xf32>
        %parallel_loop3A_245 = arith.constant 0 : i32
        %parallel_loop3A_246 = arith.addi %parallel_loop3A_177, %parallel_loop3A_245 : i32
        %parallel_loop3A_247 = arith.index_cast %parallel_loop3A_246 : i32 to index
        %parallel_loop3A_248 = tpu.vector_load %arg18[%parallel_loop3A_247] {strides = array<i32>} : memref<2176xf32, #tpu.memory_space<vmem>>, vector<16xf32>,
        tpu.vector_store %arg18[%parallel_loop3A_247], %parallel_loop3A_244 {strides = array<i32>} : memref<2176xf32, #tpu.memory_space<vmem>>, vector<16xf32>,
        %parallel_loop3A_249 = arith.constant 16 : i32
        %parallel_loop3A_250 = arith.muli %parallel_loop3A_175, %parallel_loop3A_249 : i32
        %parallel_loop3A_251 = arith.constant 1 : i32
        %parallel_loop3A_252 = arith.addi %parallel_loop3A_250, %parallel_loop3A_251 : i32
        %parallel_loop3A_253 = arith.index_cast %parallel_loop3A_252 : i32 to index
        %parallel_loop3A_254 = arith.constant 0 : index
        %parallel_loop3A_255 = tpu.vector_load %arg11[%parallel_loop3A_253, %parallel_loop3A_254] {strides = array<i32>} : memref<128x128xf32, #tpu.memory_space<vmem>>, vector<16xf32>,
        %parallel_loop3A_256 = arith.index_cast %parallel_loop3A_252 : i32 to index
        %parallel_loop3A_257 = arith.constant 0 : index
        %parallel_loop3A_258 = tpu.vector_load %arg12[%parallel_loop3A_256, %parallel_loop3A_257] {strides = array<i32>} : memref<128x128xf32, #tpu.memory_space<vmem>>, vector<16xf32>,
        %parallel_loop3A_259 = arith.mulf %parallel_loop3A_255, %parallel_loop3A_258 : vector<16xf32>
        %parallel_loop3A_260 = arith.index_cast %parallel_loop3A_252 : i32 to index
        %parallel_loop3A_261 = arith.constant 16 : index
        %parallel_loop3A_262 = tpu.vector_load %arg11[%parallel_loop3A_260, %parallel_loop3A_261] {strides = array<i32>} : memref<128x128xf32, #tpu.memory_space<vmem>>, vector<16xf32>,
        %parallel_loop3A_263 = arith.index_cast %parallel_loop3A_252 : i32 to index
        %parallel_loop3A_264 = arith.constant 16 : index
        %parallel_loop3A_265 = tpu.vector_load %arg12[%parallel_loop3A_263, %parallel_loop3A_264] {strides = array<i32>} : memref<128x128xf32, #tpu.memory_space<vmem>>, vector<16xf32>,
        %parallel_loop3A_266 = arith.mulf %parallel_loop3A_262, %parallel_loop3A_265 : vector<16xf32>
        %parallel_loop3A_267 = arith.addf %parallel_loop3A_259, %parallel_loop3A_266 : vector<16xf32>
        %parallel_loop3A_268 = arith.index_cast %parallel_loop3A_252 : i32 to index
        %parallel_loop3A_269 = arith.constant 32 : index
        %parallel_loop3A_270 = tpu.vector_load %arg11[%parallel_loop3A_268, %parallel_loop3A_269] {strides = array<i32>} : memref<128x128xf32, #tpu.memory_space<vmem>>, vector<16xf32>,
        %parallel_loop3A_271 = arith.index_cast %parallel_loop3A_252 : i32 to index
        %parallel_loop3A_272 = arith.constant 32 : index
        %parallel_loop3A_273 = tpu.vector_load %arg12[%parallel_loop3A_271, %parallel_loop3A_272] {strides = array<i32>} : memref<128x128xf32, #tpu.memory_space<vmem>>, vector<16xf32>,
        %parallel_loop3A_274 = arith.mulf %parallel_loop3A_270, %parallel_loop3A_273 : vector<16xf32>
        %parallel_loop3A_275 = arith.addf %parallel_loop3A_267, %parallel_loop3A_274 : vector<16xf32>
        %parallel_loop3A_276 = arith.index_cast %parallel_loop3A_252 : i32 to index
        %parallel_loop3A_277 = arith.constant 48 : index
        %parallel_loop3A_278 = tpu.vector_load %arg11[%parallel_loop3A_276, %parallel_loop3A_277] {strides = array<i32>} : memref<128x128xf32, #tpu.memory_space<vmem>>, vector<16xf32>,
        %parallel_loop3A_279 = arith.index_cast %parallel_loop3A_252 : i32 to index
        %parallel_loop3A_280 = arith.constant 48 : index
        %parallel_loop3A_281 = tpu.vector_load %arg12[%parallel_loop3A_279, %parallel_loop3A_280] {strides = array<i32>} : memref<128x128xf32, #tpu.memory_space<vmem>>, vector<16xf32>,
        %parallel_loop3A_282 = arith.mulf %parallel_loop3A_278, %parallel_loop3A_281 : vector<16xf32>
        %parallel_loop3A_283 = arith.addf %parallel_loop3A_275, %parallel_loop3A_282 : vector<16xf32>
        %parallel_loop3A_284 = arith.index_cast %parallel_loop3A_252 : i32 to index
        %parallel_loop3A_285 = arith.constant 64 : index
        %parallel_loop3A_286 = tpu.vector_load %arg11[%parallel_loop3A_284, %parallel_loop3A_285] {strides = array<i32>} : memref<128x128xf32, #tpu.memory_space<vmem>>, vector<16xf32>,
        %parallel_loop3A_287 = arith.index_cast %parallel_loop3A_252 : i32 to index
        %parallel_loop3A_288 = arith.constant 64 : index
        %parallel_loop3A_289 = tpu.vector_load %arg12[%parallel_loop3A_287, %parallel_loop3A_288] {strides = array<i32>} : memref<128x128xf32, #tpu.memory_space<vmem>>, vector<16xf32>,
        %parallel_loop3A_290 = arith.mulf %parallel_loop3A_286, %parallel_loop3A_289 : vector<16xf32>
        %parallel_loop3A_291 = arith.addf %parallel_loop3A_283, %parallel_loop3A_290 : vector<16xf32>
        %parallel_loop3A_292 = arith.index_cast %parallel_loop3A_252 : i32 to index
        %parallel_loop3A_293 = arith.constant 80 : index
        %parallel_loop3A_294 = tpu.vector_load %arg11[%parallel_loop3A_292, %parallel_loop3A_293] {strides = array<i32>} : memref<128x128xf32, #tpu.memory_space<vmem>>, vector<16xf32>,
        %parallel_loop3A_295 = arith.index_cast %parallel_loop3A_252 : i32 to index
        %parallel_loop3A_296 = arith.constant 80 : index
        %parallel_loop3A_297 = tpu.vector_load %arg12[%parallel_loop3A_295, %parallel_loop3A_296] {strides = array<i32>} : memref<128x128xf32, #tpu.memory_space<vmem>>, vector<16xf32>,
        %parallel_loop3A_298 = arith.mulf %parallel_loop3A_294, %parallel_loop3A_297 : vector<16xf32>
        %parallel_loop3A_299 = arith.addf %parallel_loop3A_291, %parallel_loop3A_298 : vector<16xf32>
        %parallel_loop3A_300 = arith.index_cast %parallel_loop3A_252 : i32 to index
        %parallel_loop3A_301 = arith.constant 96 : index
        %parallel_loop3A_302 = tpu.vector_load %arg11[%parallel_loop3A_300, %parallel_loop3A_301] {strides = array<i32>} : memref<128x128xf32, #tpu.memory_space<vmem>>, vector<16xf32>,
        %parallel_loop3A_303 = arith.index_cast %parallel_loop3A_252 : i32 to index
        %parallel_loop3A_304 = arith.constant 96 : index
        %parallel_loop3A_305 = tpu.vector_load %arg12[%parallel_loop3A_303, %parallel_loop3A_304] {strides = array<i32>} : memref<128x128xf32, #tpu.memory_space<vmem>>, vector<16xf32>,
        %parallel_loop3A_306 = arith.mulf %parallel_loop3A_302, %parallel_loop3A_305 : vector<16xf32>
        %parallel_loop3A_307 = arith.addf %parallel_loop3A_299, %parallel_loop3A_306 : vector<16xf32>
        %parallel_loop3A_308 = arith.index_cast %parallel_loop3A_252 : i32 to index
        %parallel_loop3A_309 = arith.constant 112 : index
        %parallel_loop3A_310 = tpu.vector_load %arg11[%parallel_loop3A_308, %parallel_loop3A_309] {strides = array<i32>} : memref<128x128xf32, #tpu.memory_space<vmem>>, vector<16xf32>,
        %parallel_loop3A_311 = arith.index_cast %parallel_loop3A_252 : i32 to index
        %parallel_loop3A_312 = arith.constant 112 : index
        %parallel_loop3A_313 = tpu.vector_load %arg12[%parallel_loop3A_311, %parallel_loop3A_312] {strides = array<i32>} : memref<128x128xf32, #tpu.memory_space<vmem>>, vector<16xf32>,
        %parallel_loop3A_314 = arith.mulf %parallel_loop3A_310, %parallel_loop3A_313 : vector<16xf32>
        %parallel_loop3A_315 = arith.addf %parallel_loop3A_307, %parallel_loop3A_314 : vector<16xf32>
        %parallel_loop3A_316 = arith.constant 17 : i32
        %parallel_loop3A_317 = arith.addi %parallel_loop3A_177, %parallel_loop3A_316 : i32
        %parallel_loop3A_318 = arith.index_cast %parallel_loop3A_317 : i32 to index
        %parallel_loop3A_319 = tpu.vector_load %arg18[%parallel_loop3A_318] {strides = array<i32>} : memref<2176xf32, #tpu.memory_space<vmem>>, vector<16xf32>,
        tpu.vector_store %arg18[%parallel_loop3A_318], %parallel_loop3A_315 {strides = array<i32>} : memref<2176xf32, #tpu.memory_space<vmem>>, vector<16xf32>,
        %parallel_loop3A_320 = arith.constant 16 : i32
        %parallel_loop3A_321 = arith.muli %parallel_loop3A_175, %parallel_loop3A_320 : i32
        %parallel_loop3A_322 = arith.constant 2 : i32
        %parallel_loop3A_323 = arith.addi %parallel_loop3A_321, %parallel_loop3A_322 : i32
        %parallel_loop3A_324 = arith.index_cast %parallel_loop3A_323 : i32 to index
        %parallel_loop3A_325 = arith.constant 0 : index
        %parallel_loop3A_326 = tpu.vector_load %arg11[%parallel_loop3A_324, %parallel_loop3A_325] {strides = array<i32>} : memref<128x128xf32, #tpu.memory_space<vmem>>, vector<16xf32>,
        %parallel_loop3A_327 = arith.index_cast %parallel_loop3A_323 : i32 to index
        %parallel_loop3A_328 = arith.constant 0 : index
        %parallel_loop3A_329 = tpu.vector_load %arg12[%parallel_loop3A_327, %parallel_loop3A_328] {strides = array<i32>} : memref<128x128xf32, #tpu.memory_space<vmem>>, vector<16xf32>,
        %parallel_loop3A_330 = arith.mulf %parallel_loop3A_326, %parallel_loop3A_329 : vector<16xf32>
        %parallel_loop3A_331 = arith.index_cast %parallel_loop3A_323 : i32 to index
        %parallel_loop3A_332 = arith.constant 16 : index
        %parallel_loop3A_333 = tpu.vector_load %arg11[%parallel_loop3A_331, %parallel_loop3A_332] {strides = array<i32>} : memref<128x128xf32, #tpu.memory_space<vmem>>, vector<16xf32>,
        %parallel_loop3A_334 = arith.index_cast %parallel_loop3A_323 : i32 to index
        %parallel_loop3A_335 = arith.constant 16 : index
        %parallel_loop3A_336 = tpu.vector_load %arg12[%parallel_loop3A_334, %parallel_loop3A_335] {strides = array<i32>} : memref<128x128xf32, #tpu.memory_space<vmem>>, vector<16xf32>,
        %parallel_loop3A_337 = arith.mulf %parallel_loop3A_333, %parallel_loop3A_336 : vector<16xf32>
        %parallel_loop3A_338 = arith.addf %parallel_loop3A_330, %parallel_loop3A_337 : vector<16xf32>
        %parallel_loop3A_339 = arith.index_cast %parallel_loop3A_323 : i32 to index
        %parallel_loop3A_340 = arith.constant 32 : index
        %parallel_loop3A_341 = tpu.vector_load %arg11[%parallel_loop3A_339, %parallel_loop3A_340] {strides = array<i32>} : memref<128x128xf32, #tpu.memory_space<vmem>>, vector<16xf32>,
        %parallel_loop3A_342 = arith.index_cast %parallel_loop3A_323 : i32 to index
        %parallel_loop3A_343 = arith.constant 32 : index
        %parallel_loop3A_344 = tpu.vector_load %arg12[%parallel_loop3A_342, %parallel_loop3A_343] {strides = array<i32>} : memref<128x128xf32, #tpu.memory_space<vmem>>, vector<16xf32>,
        %parallel_loop3A_345 = arith.mulf %parallel_loop3A_341, %parallel_loop3A_344 : vector<16xf32>
        %parallel_loop3A_346 = arith.addf %parallel_loop3A_338, %parallel_loop3A_345 : vector<16xf32>
        %parallel_loop3A_347 = arith.index_cast %parallel_loop3A_323 : i32 to index
        %parallel_loop3A_348 = arith.constant 48 : index
        %parallel_loop3A_349 = tpu.vector_load %arg11[%parallel_loop3A_347, %parallel_loop3A_348] {strides = array<i32>} : memref<128x128xf32, #tpu.memory_space<vmem>>, vector<16xf32>,
        %parallel_loop3A_350 = arith.index_cast %parallel_loop3A_323 : i32 to index
        %parallel_loop3A_351 = arith.constant 48 : index
        %parallel_loop3A_352 = tpu.vector_load %arg12[%parallel_loop3A_350, %parallel_loop3A_351] {strides = array<i32>} : memref<128x128xf32, #tpu.memory_space<vmem>>, vector<16xf32>,
        %parallel_loop3A_353 = arith.mulf %parallel_loop3A_349, %parallel_loop3A_352 : vector<16xf32>
        %parallel_loop3A_354 = arith.addf %parallel_loop3A_346, %parallel_loop3A_353 : vector<16xf32>
        %parallel_loop3A_355 = arith.index_cast %parallel_loop3A_323 : i32 to index
        %parallel_loop3A_356 = arith.constant 64 : index
        %parallel_loop3A_357 = tpu.vector_load %arg11[%parallel_loop3A_355, %parallel_loop3A_356] {strides = array<i32>} : memref<128x128xf32, #tpu.memory_space<vmem>>, vector<16xf32>,
        %parallel_loop3A_358 = arith.index_cast %parallel_loop3A_323 : i32 to index
        %parallel_loop3A_359 = arith.constant 64 : index
        %parallel_loop3A_360 = tpu.vector_load %arg12[%parallel_loop3A_358, %parallel_loop3A_359] {strides = array<i32>} : memref<128x128xf32, #tpu.memory_space<vmem>>, vector<16xf32>,
        %parallel_loop3A_361 = arith.mulf %parallel_loop3A_357, %parallel_loop3A_360 : vector<16xf32>
        %parallel_loop3A_362 = arith.addf %parallel_loop3A_354, %parallel_loop3A_361 : vector<16xf32>
        %parallel_loop3A_363 = arith.index_cast %parallel_loop3A_323 : i32 to index
        %parallel_loop3A_364 = arith.constant 80 : index
        %parallel_loop3A_365 = tpu.vector_load %arg11[%parallel_loop3A_363, %parallel_loop3A_364] {strides = array<i32>} : memref<128x128xf32, #tpu.memory_space<vmem>>, vector<16xf32>,
        %parallel_loop3A_366 = arith.index_cast %parallel_loop3A_323 : i32 to index
        %parallel_loop3A_367 = arith.constant 80 : index
        %parallel_loop3A_368 = tpu.vector_load %arg12[%parallel_loop3A_366, %parallel_loop3A_367] {strides = array<i32>} : memref<128x128xf32, #tpu.memory_space<vmem>>, vector<16xf32>,
        %parallel_loop3A_369 = arith.mulf %parallel_loop3A_365, %parallel_loop3A_368 : vector<16xf32>
        %parallel_loop3A_370 = arith.addf %parallel_loop3A_362, %parallel_loop3A_369 : vector<16xf32>
        %parallel_loop3A_371 = arith.index_cast %parallel_loop3A_323 : i32 to index
        %parallel_loop3A_372 = arith.constant 96 : index
        %parallel_loop3A_373 = tpu.vector_load %arg11[%parallel_loop3A_371, %parallel_loop3A_372] {strides = array<i32>} : memref<128x128xf32, #tpu.memory_space<vmem>>, vector<16xf32>,
        %parallel_loop3A_374 = arith.index_cast %parallel_loop3A_323 : i32 to index
        %parallel_loop3A_375 = arith.constant 96 : index
        %parallel_loop3A_376 = tpu.vector_load %arg12[%parallel_loop3A_374, %parallel_loop3A_375] {strides = array<i32>} : memref<128x128xf32, #tpu.memory_space<vmem>>, vector<16xf32>,
        %parallel_loop3A_377 = arith.mulf %parallel_loop3A_373, %parallel_loop3A_376 : vector<16xf32>
        %parallel_loop3A_378 = arith.addf %parallel_loop3A_370, %parallel_loop3A_377 : vector<16xf32>
        %parallel_loop3A_379 = arith.index_cast %parallel_loop3A_323 : i32 to index
        %parallel_loop3A_380 = arith.constant 112 : index
        %parallel_loop3A_381 = tpu.vector_load %arg11[%parallel_loop3A_379, %parallel_loop3A_380] {strides = array<i32>} : memref<128x128xf32, #tpu.memory_space<vmem>>, vector<16xf32>,
        %parallel_loop3A_382 = arith.index_cast %parallel_loop3A_323 : i32 to index
        %parallel_loop3A_383 = arith.constant 112 : index
        %parallel_loop3A_384 = tpu.vector_load %arg12[%parallel_loop3A_382, %parallel_loop3A_383] {strides = array<i32>} : memref<128x128xf32, #tpu.memory_space<vmem>>, vector<16xf32>,
        %parallel_loop3A_385 = arith.mulf %parallel_loop3A_381, %parallel_loop3A_384 : vector<16xf32>
        %parallel_loop3A_386 = arith.addf %parallel_loop3A_378, %parallel_loop3A_385 : vector<16xf32>
        %parallel_loop3A_387 = arith.constant 34 : i32
        %parallel_loop3A_388 = arith.addi %parallel_loop3A_177, %parallel_loop3A_387 : i32
        %parallel_loop3A_389 = arith.index_cast %parallel_loop3A_388 : i32 to index
        %parallel_loop3A_390 = tpu.vector_load %arg18[%parallel_loop3A_389] {strides = array<i32>} : memref<2176xf32, #tpu.memory_space<vmem>>, vector<16xf32>,
        tpu.vector_store %arg18[%parallel_loop3A_389], %parallel_loop3A_386 {strides = array<i32>} : memref<2176xf32, #tpu.memory_space<vmem>>, vector<16xf32>,
        %parallel_loop3A_391 = arith.constant 16 : i32
        %parallel_loop3A_392 = arith.muli %parallel_loop3A_175, %parallel_loop3A_391 : i32
        %parallel_loop3A_393 = arith.constant 3 : i32
        %parallel_loop3A_394 = arith.addi %parallel_loop3A_392, %parallel_loop3A_393 : i32
        %parallel_loop3A_395 = arith.index_cast %parallel_loop3A_394 : i32 to index
        %parallel_loop3A_396 = arith.constant 0 : index
        %parallel_loop3A_397 = tpu.vector_load %arg11[%parallel_loop3A_395, %parallel_loop3A_396] {strides = array<i32>} : memref<128x128xf32, #tpu.memory_space<vmem>>, vector<16xf32>,
        %parallel_loop3A_398 = arith.index_cast %parallel_loop3A_394 : i32 to index
        %parallel_loop3A_399 = arith.constant 0 : index
        %parallel_loop3A_400 = tpu.vector_load %arg12[%parallel_loop3A_398, %parallel_loop3A_399] {strides = array<i32>} : memref<128x128xf32, #tpu.memory_space<vmem>>, vector<16xf32>,
        %parallel_loop3A_401 = arith.mulf %parallel_loop3A_397, %parallel_loop3A_400 : vector<16xf32>
        %parallel_loop3A_402 = arith.index_cast %parallel_loop3A_394 : i32 to index
        %parallel_loop3A_403 = arith.constant 16 : index
        %parallel_loop3A_404 = tpu.vector_load %arg11[%parallel_loop3A_402, %parallel_loop3A_403] {strides = array<i32>} : memref<128x128xf32, #tpu.memory_space<vmem>>, vector<16xf32>,
        %parallel_loop3A_405 = arith.index_cast %parallel_loop3A_394 : i32 to index
        %parallel_loop3A_406 = arith.constant 16 : index
        %parallel_loop3A_407 = tpu.vector_load %arg12[%parallel_loop3A_405, %parallel_loop3A_406] {strides = array<i32>} : memref<128x128xf32, #tpu.memory_space<vmem>>, vector<16xf32>,
        %parallel_loop3A_408 = arith.mulf %parallel_loop3A_404, %parallel_loop3A_407 : vector<16xf32>
        %parallel_loop3A_409 = arith.addf %parallel_loop3A_401, %parallel_loop3A_408 : vector<16xf32>
        %parallel_loop3A_410 = arith.index_cast %parallel_loop3A_394 : i32 to index
        %parallel_loop3A_411 = arith.constant 32 : index
        %parallel_loop3A_412 = tpu.vector_load %arg11[%parallel_loop3A_410, %parallel_loop3A_411] {strides = array<i32>} : memref<128x128xf32, #tpu.memory_space<vmem>>, vector<16xf32>,
        %parallel_loop3A_413 = arith.index_cast %parallel_loop3A_394 : i32 to index
        %parallel_loop3A_414 = arith.constant 32 : index
        %parallel_loop3A_415 = tpu.vector_load %arg12[%parallel_loop3A_413, %parallel_loop3A_414] {strides = array<i32>} : memref<128x128xf32, #tpu.memory_space<vmem>>, vector<16xf32>,
        %parallel_loop3A_416 = arith.mulf %parallel_loop3A_412, %parallel_loop3A_415 : vector<16xf32>
        %parallel_loop3A_417 = arith.addf %parallel_loop3A_409, %parallel_loop3A_416 : vector<16xf32>
        %parallel_loop3A_418 = arith.index_cast %parallel_loop3A_394 : i32 to index
        %parallel_loop3A_419 = arith.constant 48 : index
        %parallel_loop3A_420 = tpu.vector_load %arg11[%parallel_loop3A_418, %parallel_loop3A_419] {strides = array<i32>} : memref<128x128xf32, #tpu.memory_space<vmem>>, vector<16xf32>,
        %parallel_loop3A_421 = arith.index_cast %parallel_loop3A_394 : i32 to index
        %parallel_loop3A_422 = arith.constant 48 : index
        %parallel_loop3A_423 = tpu.vector_load %arg12[%parallel_loop3A_421, %parallel_loop3A_422] {strides = array<i32>} : memref<128x128xf32, #tpu.memory_space<vmem>>, vector<16xf32>,
        %parallel_loop3A_424 = arith.mulf %parallel_loop3A_420, %parallel_loop3A_423 : vector<16xf32>
        %parallel_loop3A_425 = arith.addf %parallel_loop3A_417, %parallel_loop3A_424 : vector<16xf32>
        %parallel_loop3A_426 = arith.index_cast %parallel_loop3A_394 : i32 to index
        %parallel_loop3A_427 = arith.constant 64 : index
        %parallel_loop3A_428 = tpu.vector_load %arg11[%parallel_loop3A_426, %parallel_loop3A_427] {strides = array<i32>} : memref<128x128xf32, #tpu.memory_space<vmem>>, vector<16xf32>,
        %parallel_loop3A_429 = arith.index_cast %parallel_loop3A_394 : i32 to index
        %parallel_loop3A_430 = arith.constant 64 : index
        %parallel_loop3A_431 = tpu.vector_load %arg12[%parallel_loop3A_429, %parallel_loop3A_430] {strides = array<i32>} : memref<128x128xf32, #tpu.memory_space<vmem>>, vector<16xf32>,
        %parallel_loop3A_432 = arith.mulf %parallel_loop3A_428, %parallel_loop3A_431 : vector<16xf32>
        %parallel_loop3A_433 = arith.addf %parallel_loop3A_425, %parallel_loop3A_432 : vector<16xf32>
        %parallel_loop3A_434 = arith.index_cast %parallel_loop3A_394 : i32 to index
        %parallel_loop3A_435 = arith.constant 80 : index
        %parallel_loop3A_436 = tpu.vector_load %arg11[%parallel_loop3A_434, %parallel_loop3A_435] {strides = array<i32>} : memref<128x128xf32, #tpu.memory_space<vmem>>, vector<16xf32>,
        %parallel_loop3A_437 = arith.index_cast %parallel_loop3A_394 : i32 to index
        %parallel_loop3A_438 = arith.constant 80 : index
        %parallel_loop3A_439 = tpu.vector_load %arg12[%parallel_loop3A_437, %parallel_loop3A_438] {strides = array<i32>} : memref<128x128xf32, #tpu.memory_space<vmem>>, vector<16xf32>,
        %parallel_loop3A_440 = arith.mulf %parallel_loop3A_436, %parallel_loop3A_439 : vector<16xf32>
        %parallel_loop3A_441 = arith.addf %parallel_loop3A_433, %parallel_loop3A_440 : vector<16xf32>
        %parallel_loop3A_442 = arith.index_cast %parallel_loop3A_394 : i32 to index
        %parallel_loop3A_443 = arith.constant 96 : index
        %parallel_loop3A_444 = tpu.vector_load %arg11[%parallel_loop3A_442, %parallel_loop3A_443] {strides = array<i32>} : memref<128x128xf32, #tpu.memory_space<vmem>>, vector<16xf32>,
        %parallel_loop3A_445 = arith.index_cast %parallel_loop3A_394 : i32 to index
        %parallel_loop3A_446 = arith.constant 96 : index
        %parallel_loop3A_447 = tpu.vector_load %arg12[%parallel_loop3A_445, %parallel_loop3A_446] {strides = array<i32>} : memref<128x128xf32, #tpu.memory_space<vmem>>, vector<16xf32>,
        %parallel_loop3A_448 = arith.mulf %parallel_loop3A_444, %parallel_loop3A_447 : vector<16xf32>
        %parallel_loop3A_449 = arith.addf %parallel_loop3A_441, %parallel_loop3A_448 : vector<16xf32>
        %parallel_loop3A_450 = arith.index_cast %parallel_loop3A_394 : i32 to index
        %parallel_loop3A_451 = arith.constant 112 : index
        %parallel_loop3A_452 = tpu.vector_load %arg11[%parallel_loop3A_450, %parallel_loop3A_451] {strides = array<i32>} : memref<128x128xf32, #tpu.memory_space<vmem>>, vector<16xf32>,
        %parallel_loop3A_453 = arith.index_cast %parallel_loop3A_394 : i32 to index
        %parallel_loop3A_454 = arith.constant 112 : index
        %parallel_loop3A_455 = tpu.vector_load %arg12[%parallel_loop3A_453, %parallel_loop3A_454] {strides = array<i32>} : memref<128x128xf32, #tpu.memory_space<vmem>>, vector<16xf32>,
        %parallel_loop3A_456 = arith.mulf %parallel_loop3A_452, %parallel_loop3A_455 : vector<16xf32>
        %parallel_loop3A_457 = arith.addf %parallel_loop3A_449, %parallel_loop3A_456 : vector<16xf32>
        %parallel_loop3A_458 = arith.constant 51 : i32
        %parallel_loop3A_459 = arith.addi %parallel_loop3A_177, %parallel_loop3A_458 : i32
        %parallel_loop3A_460 = arith.index_cast %parallel_loop3A_459 : i32 to index
        %parallel_loop3A_461 = tpu.vector_load %arg18[%parallel_loop3A_460] {strides = array<i32>} : memref<2176xf32, #tpu.memory_space<vmem>>, vector<16xf32>,
        tpu.vector_store %arg18[%parallel_loop3A_460], %parallel_loop3A_457 {strides = array<i32>} : memref<2176xf32, #tpu.memory_space<vmem>>, vector<16xf32>,
        %parallel_loop3A_462 = arith.constant 16 : i32
        %parallel_loop3A_463 = arith.muli %parallel_loop3A_175, %parallel_loop3A_462 : i32
        %parallel_loop3A_464 = arith.constant 4 : i32
        %parallel_loop3A_465 = arith.addi %parallel_loop3A_463, %parallel_loop3A_464 : i32
        %parallel_loop3A_466 = arith.index_cast %parallel_loop3A_465 : i32 to index
        %parallel_loop3A_467 = arith.constant 0 : index
        %parallel_loop3A_468 = tpu.vector_load %arg11[%parallel_loop3A_466, %parallel_loop3A_467] {strides = array<i32>} : memref<128x128xf32, #tpu.memory_space<vmem>>, vector<16xf32>,
        %parallel_loop3A_469 = arith.index_cast %parallel_loop3A_465 : i32 to index
        %parallel_loop3A_470 = arith.constant 0 : index
        %parallel_loop3A_471 = tpu.vector_load %arg12[%parallel_loop3A_469, %parallel_loop3A_470] {strides = array<i32>} : memref<128x128xf32, #tpu.memory_space<vmem>>, vector<16xf32>,
        %parallel_loop3A_472 = arith.mulf %parallel_loop3A_468, %parallel_loop3A_471 : vector<16xf32>
        %parallel_loop3A_473 = arith.index_cast %parallel_loop3A_465 : i32 to index
        %parallel_loop3A_474 = arith.constant 16 : index
        %parallel_loop3A_475 = tpu.vector_load %arg11[%parallel_loop3A_473, %parallel_loop3A_474] {strides = array<i32>} : memref<128x128xf32, #tpu.memory_space<vmem>>, vector<16xf32>,
        %parallel_loop3A_476 = arith.index_cast %parallel_loop3A_465 : i32 to index
        %parallel_loop3A_477 = arith.constant 16 : index
        %parallel_loop3A_478 = tpu.vector_load %arg12[%parallel_loop3A_476, %parallel_loop3A_477] {strides = array<i32>} : memref<128x128xf32, #tpu.memory_space<vmem>>, vector<16xf32>,
        %parallel_loop3A_479 = arith.mulf %parallel_loop3A_475, %parallel_loop3A_478 : vector<16xf32>
        %parallel_loop3A_480 = arith.addf %parallel_loop3A_472, %parallel_loop3A_479 : vector<16xf32>
        %parallel_loop3A_481 = arith.index_cast %parallel_loop3A_465 : i32 to index
        %parallel_loop3A_482 = arith.constant 32 : index
        %parallel_loop3A_483 = tpu.vector_load %arg11[%parallel_loop3A_481, %parallel_loop3A_482] {strides = array<i32>} : memref<128x128xf32, #tpu.memory_space<vmem>>, vector<16xf32>,
        %parallel_loop3A_484 = arith.index_cast %parallel_loop3A_465 : i32 to index
        %parallel_loop3A_485 = arith.constant 32 : index
        %parallel_loop3A_486 = tpu.vector_load %arg12[%parallel_loop3A_484, %parallel_loop3A_485] {strides = array<i32>} : memref<128x128xf32, #tpu.memory_space<vmem>>, vector<16xf32>,
        %parallel_loop3A_487 = arith.mulf %parallel_loop3A_483, %parallel_loop3A_486 : vector<16xf32>
        %parallel_loop3A_488 = arith.addf %parallel_loop3A_480, %parallel_loop3A_487 : vector<16xf32>
        %parallel_loop3A_489 = arith.index_cast %parallel_loop3A_465 : i32 to index
        %parallel_loop3A_490 = arith.constant 48 : index
        %parallel_loop3A_491 = tpu.vector_load %arg11[%parallel_loop3A_489, %parallel_loop3A_490] {strides = array<i32>} : memref<128x128xf32, #tpu.memory_space<vmem>>, vector<16xf32>,
        %parallel_loop3A_492 = arith.index_cast %parallel_loop3A_465 : i32 to index
        %parallel_loop3A_493 = arith.constant 48 : index
        %parallel_loop3A_494 = tpu.vector_load %arg12[%parallel_loop3A_492, %parallel_loop3A_493] {strides = array<i32>} : memref<128x128xf32, #tpu.memory_space<vmem>>, vector<16xf32>,
        %parallel_loop3A_495 = arith.mulf %parallel_loop3A_491, %parallel_loop3A_494 : vector<16xf32>
        %parallel_loop3A_496 = arith.addf %parallel_loop3A_488, %parallel_loop3A_495 : vector<16xf32>
        %parallel_loop3A_497 = arith.index_cast %parallel_loop3A_465 : i32 to index
        %parallel_loop3A_498 = arith.constant 64 : index
        %parallel_loop3A_499 = tpu.vector_load %arg11[%parallel_loop3A_497, %parallel_loop3A_498] {strides = array<i32>} : memref<128x128xf32, #tpu.memory_space<vmem>>, vector<16xf32>,
        %parallel_loop3A_500 = arith.index_cast %parallel_loop3A_465 : i32 to index
        %parallel_loop3A_501 = arith.constant 64 : index
        %parallel_loop3A_502 = tpu.vector_load %arg12[%parallel_loop3A_500, %parallel_loop3A_501] {strides = array<i32>} : memref<128x128xf32, #tpu.memory_space<vmem>>, vector<16xf32>,
        %parallel_loop3A_503 = arith.mulf %parallel_loop3A_499, %parallel_loop3A_502 : vector<16xf32>
        %parallel_loop3A_504 = arith.addf %parallel_loop3A_496, %parallel_loop3A_503 : vector<16xf32>
        %parallel_loop3A_505 = arith.index_cast %parallel_loop3A_465 : i32 to index
        %parallel_loop3A_506 = arith.constant 80 : index
        %parallel_loop3A_507 = tpu.vector_load %arg11[%parallel_loop3A_505, %parallel_loop3A_506] {strides = array<i32>} : memref<128x128xf32, #tpu.memory_space<vmem>>, vector<16xf32>,
        %parallel_loop3A_508 = arith.index_cast %parallel_loop3A_465 : i32 to index
        %parallel_loop3A_509 = arith.constant 80 : index
        %parallel_loop3A_510 = tpu.vector_load %arg12[%parallel_loop3A_508, %parallel_loop3A_509] {strides = array<i32>} : memref<128x128xf32, #tpu.memory_space<vmem>>, vector<16xf32>,
        %parallel_loop3A_511 = arith.mulf %parallel_loop3A_507, %parallel_loop3A_510 : vector<16xf32>
        %parallel_loop3A_512 = arith.addf %parallel_loop3A_504, %parallel_loop3A_511 : vector<16xf32>
        %parallel_loop3A_513 = arith.index_cast %parallel_loop3A_465 : i32 to index
        %parallel_loop3A_514 = arith.constant 96 : index
        %parallel_loop3A_515 = tpu.vector_load %arg11[%parallel_loop3A_513, %parallel_loop3A_514] {strides = array<i32>} : memref<128x128xf32, #tpu.memory_space<vmem>>, vector<16xf32>,
        %parallel_loop3A_516 = arith.index_cast %parallel_loop3A_465 : i32 to index
        %parallel_loop3A_517 = arith.constant 96 : index
        %parallel_loop3A_518 = tpu.vector_load %arg12[%parallel_loop3A_516, %parallel_loop3A_517] {strides = array<i32>} : memref<128x128xf32, #tpu.memory_space<vmem>>, vector<16xf32>,
        %parallel_loop3A_519 = arith.mulf %parallel_loop3A_515, %parallel_loop3A_518 : vector<16xf32>
        %parallel_loop3A_520 = arith.addf %parallel_loop3A_512, %parallel_loop3A_519 : vector<16xf32>
        %parallel_loop3A_521 = arith.index_cast %parallel_loop3A_465 : i32 to index
        %parallel_loop3A_522 = arith.constant 112 : index
        %parallel_loop3A_523 = tpu.vector_load %arg11[%parallel_loop3A_521, %parallel_loop3A_522] {strides = array<i32>} : memref<128x128xf32, #tpu.memory_space<vmem>>, vector<16xf32>,
        %parallel_loop3A_524 = arith.index_cast %parallel_loop3A_465 : i32 to index
        %parallel_loop3A_525 = arith.constant 112 : index
        %parallel_loop3A_526 = tpu.vector_load %arg12[%parallel_loop3A_524, %parallel_loop3A_525] {strides = array<i32>} : memref<128x128xf32, #tpu.memory_space<vmem>>, vector<16xf32>,
        %parallel_loop3A_527 = arith.mulf %parallel_loop3A_523, %parallel_loop3A_526 : vector<16xf32>
        %parallel_loop3A_528 = arith.addf %parallel_loop3A_520, %parallel_loop3A_527 : vector<16xf32>
        %parallel_loop3A_529 = arith.constant 68 : i32
        %parallel_loop3A_530 = arith.addi %parallel_loop3A_177, %parallel_loop3A_529 : i32
        %parallel_loop3A_531 = arith.index_cast %parallel_loop3A_530 : i32 to index
        %parallel_loop3A_532 = tpu.vector_load %arg18[%parallel_loop3A_531] {strides = array<i32>} : memref<2176xf32, #tpu.memory_space<vmem>>, vector<16xf32>,
        tpu.vector_store %arg18[%parallel_loop3A_531], %parallel_loop3A_528 {strides = array<i32>} : memref<2176xf32, #tpu.memory_space<vmem>>, vector<16xf32>,
        %parallel_loop3A_533 = arith.constant 16 : i32
        %parallel_loop3A_534 = arith.muli %parallel_loop3A_175, %parallel_loop3A_533 : i32
        %parallel_loop3A_535 = arith.constant 5 : i32
        %parallel_loop3A_536 = arith.addi %parallel_loop3A_534, %parallel_loop3A_535 : i32
        %parallel_loop3A_537 = arith.index_cast %parallel_loop3A_536 : i32 to index
        %parallel_loop3A_538 = arith.constant 0 : index
        %parallel_loop3A_539 = tpu.vector_load %arg11[%parallel_loop3A_537, %parallel_loop3A_538] {strides = array<i32>} : memref<128x128xf32, #tpu.memory_space<vmem>>, vector<16xf32>,
        %parallel_loop3A_540 = arith.index_cast %parallel_loop3A_536 : i32 to index
        %parallel_loop3A_541 = arith.constant 0 : index
        %parallel_loop3A_542 = tpu.vector_load %arg12[%parallel_loop3A_540, %parallel_loop3A_541] {strides = array<i32>} : memref<128x128xf32, #tpu.memory_space<vmem>>, vector<16xf32>,
        %parallel_loop3A_543 = arith.mulf %parallel_loop3A_539, %parallel_loop3A_542 : vector<16xf32>
        %parallel_loop3A_544 = arith.index_cast %parallel_loop3A_536 : i32 to index
        %parallel_loop3A_545 = arith.constant 16 : index
        %parallel_loop3A_546 = tpu.vector_load %arg11[%parallel_loop3A_544, %parallel_loop3A_545] {strides = array<i32>} : memref<128x128xf32, #tpu.memory_space<vmem>>, vector<16xf32>,
        %parallel_loop3A_547 = arith.index_cast %parallel_loop3A_536 : i32 to index
        %parallel_loop3A_548 = arith.constant 16 : index
        %parallel_loop3A_549 = tpu.vector_load %arg12[%parallel_loop3A_547, %parallel_loop3A_548] {strides = array<i32>} : memref<128x128xf32, #tpu.memory_space<vmem>>, vector<16xf32>,
        %parallel_loop3A_550 = arith.mulf %parallel_loop3A_546, %parallel_loop3A_549 : vector<16xf32>
        %parallel_loop3A_551 = arith.addf %parallel_loop3A_543, %parallel_loop3A_550 : vector<16xf32>
        %parallel_loop3A_552 = arith.index_cast %parallel_loop3A_536 : i32 to index
        %parallel_loop3A_553 = arith.constant 32 : index
        %parallel_loop3A_554 = tpu.vector_load %arg11[%parallel_loop3A_552, %parallel_loop3A_553] {strides = array<i32>} : memref<128x128xf32, #tpu.memory_space<vmem>>, vector<16xf32>,
        %parallel_loop3A_555 = arith.index_cast %parallel_loop3A_536 : i32 to index
        %parallel_loop3A_556 = arith.constant 32 : index
        %parallel_loop3A_557 = tpu.vector_load %arg12[%parallel_loop3A_555, %parallel_loop3A_556] {strides = array<i32>} : memref<128x128xf32, #tpu.memory_space<vmem>>, vector<16xf32>,
        %parallel_loop3A_558 = arith.mulf %parallel_loop3A_554, %parallel_loop3A_557 : vector<16xf32>
        %parallel_loop3A_559 = arith.addf %parallel_loop3A_551, %parallel_loop3A_558 : vector<16xf32>
        %parallel_loop3A_560 = arith.index_cast %parallel_loop3A_536 : i32 to index
        %parallel_loop3A_561 = arith.constant 48 : index
        %parallel_loop3A_562 = tpu.vector_load %arg11[%parallel_loop3A_560, %parallel_loop3A_561] {strides = array<i32>} : memref<128x128xf32, #tpu.memory_space<vmem>>, vector<16xf32>,
        %parallel_loop3A_563 = arith.index_cast %parallel_loop3A_536 : i32 to index
        %parallel_loop3A_564 = arith.constant 48 : index
        %parallel_loop3A_565 = tpu.vector_load %arg12[%parallel_loop3A_563, %parallel_loop3A_564] {strides = array<i32>} : memref<128x128xf32, #tpu.memory_space<vmem>>, vector<16xf32>,
        %parallel_loop3A_566 = arith.mulf %parallel_loop3A_562, %parallel_loop3A_565 : vector<16xf32>
        %parallel_loop3A_567 = arith.addf %parallel_loop3A_559, %parallel_loop3A_566 : vector<16xf32>
        %parallel_loop3A_568 = arith.index_cast %parallel_loop3A_536 : i32 to index
        %parallel_loop3A_569 = arith.constant 64 : index
        %parallel_loop3A_570 = tpu.vector_load %arg11[%parallel_loop3A_568, %parallel_loop3A_569] {strides = array<i32>} : memref<128x128xf32, #tpu.memory_space<vmem>>, vector<16xf32>,
        %parallel_loop3A_571 = arith.index_cast %parallel_loop3A_536 : i32 to index
        %parallel_loop3A_572 = arith.constant 64 : index
        %parallel_loop3A_573 = tpu.vector_load %arg12[%parallel_loop3A_571, %parallel_loop3A_572] {strides = array<i32>} : memref<128x128xf32, #tpu.memory_space<vmem>>, vector<16xf32>,
        %parallel_loop3A_574 = arith.mulf %parallel_loop3A_570, %parallel_loop3A_573 : vector<16xf32>
        %parallel_loop3A_575 = arith.addf %parallel_loop3A_567, %parallel_loop3A_574 : vector<16xf32>
        %parallel_loop3A_576 = arith.index_cast %parallel_loop3A_536 : i32 to index
        %parallel_loop3A_577 = arith.constant 80 : index
        %parallel_loop3A_578 = tpu.vector_load %arg11[%parallel_loop3A_576, %parallel_loop3A_577] {strides = array<i32>} : memref<128x128xf32, #tpu.memory_space<vmem>>, vector<16xf32>,
        %parallel_loop3A_579 = arith.index_cast %parallel_loop3A_536 : i32 to index
        %parallel_loop3A_580 = arith.constant 80 : index
        %parallel_loop3A_581 = tpu.vector_load %arg12[%parallel_loop3A_579, %parallel_loop3A_580] {strides = array<i32>} : memref<128x128xf32, #tpu.memory_space<vmem>>, vector<16xf32>,
        %parallel_loop3A_582 = arith.mulf %parallel_loop3A_578, %parallel_loop3A_581 : vector<16xf32>
        %parallel_loop3A_583 = arith.addf %parallel_loop3A_575, %parallel_loop3A_582 : vector<16xf32>
        %parallel_loop3A_584 = arith.index_cast %parallel_loop3A_536 : i32 to index
        %parallel_loop3A_585 = arith.constant 96 : index
        %parallel_loop3A_586 = tpu.vector_load %arg11[%parallel_loop3A_584, %parallel_loop3A_585] {strides = array<i32>} : memref<128x128xf32, #tpu.memory_space<vmem>>, vector<16xf32>,
        %parallel_loop3A_587 = arith.index_cast %parallel_loop3A_536 : i32 to index
        %parallel_loop3A_588 = arith.constant 96 : index
        %parallel_loop3A_589 = tpu.vector_load %arg12[%parallel_loop3A_587, %parallel_loop3A_588] {strides = array<i32>} : memref<128x128xf32, #tpu.memory_space<vmem>>, vector<16xf32>,
        %parallel_loop3A_590 = arith.mulf %parallel_loop3A_586, %parallel_loop3A_589 : vector<16xf32>
        %parallel_loop3A_591 = arith.addf %parallel_loop3A_583, %parallel_loop3A_590 : vector<16xf32>
        %parallel_loop3A_592 = arith.index_cast %parallel_loop3A_536 : i32 to index
        %parallel_loop3A_593 = arith.constant 112 : index
        %parallel_loop3A_594 = tpu.vector_load %arg11[%parallel_loop3A_592, %parallel_loop3A_593] {strides = array<i32>} : memref<128x128xf32, #tpu.memory_space<vmem>>, vector<16xf32>,
        %parallel_loop3A_595 = arith.index_cast %parallel_loop3A_536 : i32 to index
        %parallel_loop3A_596 = arith.constant 112 : index
        %parallel_loop3A_597 = tpu.vector_load %arg12[%parallel_loop3A_595, %parallel_loop3A_596] {strides = array<i32>} : memref<128x128xf32, #tpu.memory_space<vmem>>, vector<16xf32>,
        %parallel_loop3A_598 = arith.mulf %parallel_loop3A_594, %parallel_loop3A_597 : vector<16xf32>
        %parallel_loop3A_599 = arith.addf %parallel_loop3A_591, %parallel_loop3A_598 : vector<16xf32>
        %parallel_loop3A_600 = arith.constant 85 : i32
        %parallel_loop3A_601 = arith.addi %parallel_loop3A_177, %parallel_loop3A_600 : i32
        %parallel_loop3A_602 = arith.index_cast %parallel_loop3A_601 : i32 to index
        %parallel_loop3A_603 = tpu.vector_load %arg18[%parallel_loop3A_602] {strides = array<i32>} : memref<2176xf32, #tpu.memory_space<vmem>>, vector<16xf32>,
        tpu.vector_store %arg18[%parallel_loop3A_602], %parallel_loop3A_599 {strides = array<i32>} : memref<2176xf32, #tpu.memory_space<vmem>>, vector<16xf32>,
        %parallel_loop3A_604 = arith.constant 16 : i32
        %parallel_loop3A_605 = arith.muli %parallel_loop3A_175, %parallel_loop3A_604 : i32
        %parallel_loop3A_606 = arith.constant 6 : i32
        %parallel_loop3A_607 = arith.addi %parallel_loop3A_605, %parallel_loop3A_606 : i32
        %parallel_loop3A_608 = arith.index_cast %parallel_loop3A_607 : i32 to index
        %parallel_loop3A_609 = arith.constant 0 : index
        %parallel_loop3A_610 = tpu.vector_load %arg11[%parallel_loop3A_608, %parallel_loop3A_609] {strides = array<i32>} : memref<128x128xf32, #tpu.memory_space<vmem>>, vector<16xf32>,
        %parallel_loop3A_611 = arith.index_cast %parallel_loop3A_607 : i32 to index
        %parallel_loop3A_612 = arith.constant 0 : index
        %parallel_loop3A_613 = tpu.vector_load %arg12[%parallel_loop3A_611, %parallel_loop3A_612] {strides = array<i32>} : memref<128x128xf32, #tpu.memory_space<vmem>>, vector<16xf32>,
        %parallel_loop3A_614 = arith.mulf %parallel_loop3A_610, %parallel_loop3A_613 : vector<16xf32>
        %parallel_loop3A_615 = arith.index_cast %parallel_loop3A_607 : i32 to index
        %parallel_loop3A_616 = arith.constant 16 : index
        %parallel_loop3A_617 = tpu.vector_load %arg11[%parallel_loop3A_615, %parallel_loop3A_616] {strides = array<i32>} : memref<128x128xf32, #tpu.memory_space<vmem>>, vector<16xf32>,
        %parallel_loop3A_618 = arith.index_cast %parallel_loop3A_607 : i32 to index
        %parallel_loop3A_619 = arith.constant 16 : index
        %parallel_loop3A_620 = tpu.vector_load %arg12[%parallel_loop3A_618, %parallel_loop3A_619] {strides = array<i32>} : memref<128x128xf32, #tpu.memory_space<vmem>>, vector<16xf32>,
        %parallel_loop3A_621 = arith.mulf %parallel_loop3A_617, %parallel_loop3A_620 : vector<16xf32>
        %parallel_loop3A_622 = arith.addf %parallel_loop3A_614, %parallel_loop3A_621 : vector<16xf32>
        %parallel_loop3A_623 = arith.index_cast %parallel_loop3A_607 : i32 to index
        %parallel_loop3A_624 = arith.constant 32 : index
        %parallel_loop3A_625 = tpu.vector_load %arg11[%parallel_loop3A_623, %parallel_loop3A_624] {strides = array<i32>} : memref<128x128xf32, #tpu.memory_space<vmem>>, vector<16xf32>,
        %parallel_loop3A_626 = arith.index_cast %parallel_loop3A_607 : i32 to index
        %parallel_loop3A_627 = arith.constant 32 : index
        %parallel_loop3A_628 = tpu.vector_load %arg12[%parallel_loop3A_626, %parallel_loop3A_627] {strides = array<i32>} : memref<128x128xf32, #tpu.memory_space<vmem>>, vector<16xf32>,
        %parallel_loop3A_629 = arith.mulf %parallel_loop3A_625, %parallel_loop3A_628 : vector<16xf32>
        %parallel_loop3A_630 = arith.addf %parallel_loop3A_622, %parallel_loop3A_629 : vector<16xf32>
        %parallel_loop3A_631 = arith.index_cast %parallel_loop3A_607 : i32 to index
        %parallel_loop3A_632 = arith.constant 48 : index
        %parallel_loop3A_633 = tpu.vector_load %arg11[%parallel_loop3A_631, %parallel_loop3A_632] {strides = array<i32>} : memref<128x128xf32, #tpu.memory_space<vmem>>, vector<16xf32>,
        %parallel_loop3A_634 = arith.index_cast %parallel_loop3A_607 : i32 to index
        %parallel_loop3A_635 = arith.constant 48 : index
        %parallel_loop3A_636 = tpu.vector_load %arg12[%parallel_loop3A_634, %parallel_loop3A_635] {strides = array<i32>} : memref<128x128xf32, #tpu.memory_space<vmem>>, vector<16xf32>,
        %parallel_loop3A_637 = arith.mulf %parallel_loop3A_633, %parallel_loop3A_636 : vector<16xf32>
        %parallel_loop3A_638 = arith.addf %parallel_loop3A_630, %parallel_loop3A_637 : vector<16xf32>
        %parallel_loop3A_639 = arith.index_cast %parallel_loop3A_607 : i32 to index
        %parallel_loop3A_640 = arith.constant 64 : index
        %parallel_loop3A_641 = tpu.vector_load %arg11[%parallel_loop3A_639, %parallel_loop3A_640] {strides = array<i32>} : memref<128x128xf32, #tpu.memory_space<vmem>>, vector<16xf32>,
        %parallel_loop3A_642 = arith.index_cast %parallel_loop3A_607 : i32 to index
        %parallel_loop3A_643 = arith.constant 64 : index
        %parallel_loop3A_644 = tpu.vector_load %arg12[%parallel_loop3A_642, %parallel_loop3A_643] {strides = array<i32>} : memref<128x128xf32, #tpu.memory_space<vmem>>, vector<16xf32>,
        %parallel_loop3A_645 = arith.mulf %parallel_loop3A_641, %parallel_loop3A_644 : vector<16xf32>
        %parallel_loop3A_646 = arith.addf %parallel_loop3A_638, %parallel_loop3A_645 : vector<16xf32>
        %parallel_loop3A_647 = arith.index_cast %parallel_loop3A_607 : i32 to index
        %parallel_loop3A_648 = arith.constant 80 : index
        %parallel_loop3A_649 = tpu.vector_load %arg11[%parallel_loop3A_647, %parallel_loop3A_648] {strides = array<i32>} : memref<128x128xf32, #tpu.memory_space<vmem>>, vector<16xf32>,
        %parallel_loop3A_650 = arith.index_cast %parallel_loop3A_607 : i32 to index
        %parallel_loop3A_651 = arith.constant 80 : index
        %parallel_loop3A_652 = tpu.vector_load %arg12[%parallel_loop3A_650, %parallel_loop3A_651] {strides = array<i32>} : memref<128x128xf32, #tpu.memory_space<vmem>>, vector<16xf32>,
        %parallel_loop3A_653 = arith.mulf %parallel_loop3A_649, %parallel_loop3A_652 : vector<16xf32>
        %parallel_loop3A_654 = arith.addf %parallel_loop3A_646, %parallel_loop3A_653 : vector<16xf32>
        %parallel_loop3A_655 = arith.index_cast %parallel_loop3A_607 : i32 to index
        %parallel_loop3A_656 = arith.constant 96 : index
        %parallel_loop3A_657 = tpu.vector_load %arg11[%parallel_loop3A_655, %parallel_loop3A_656] {strides = array<i32>} : memref<128x128xf32, #tpu.memory_space<vmem>>, vector<16xf32>,
        %parallel_loop3A_658 = arith.index_cast %parallel_loop3A_607 : i32 to index
        %parallel_loop3A_659 = arith.constant 96 : index
        %parallel_loop3A_660 = tpu.vector_load %arg12[%parallel_loop3A_658, %parallel_loop3A_659] {strides = array<i32>} : memref<128x128xf32, #tpu.memory_space<vmem>>, vector<16xf32>,
        %parallel_loop3A_661 = arith.mulf %parallel_loop3A_657, %parallel_loop3A_660 : vector<16xf32>
        %parallel_loop3A_662 = arith.addf %parallel_loop3A_654, %parallel_loop3A_661 : vector<16xf32>
        %parallel_loop3A_663 = arith.index_cast %parallel_loop3A_607 : i32 to index
        %parallel_loop3A_664 = arith.constant 112 : index
        %parallel_loop3A_665 = tpu.vector_load %arg11[%parallel_loop3A_663, %parallel_loop3A_664] {strides = array<i32>} : memref<128x128xf32, #tpu.memory_space<vmem>>, vector<16xf32>,
        %parallel_loop3A_666 = arith.index_cast %parallel_loop3A_607 : i32 to index
        %parallel_loop3A_667 = arith.constant 112 : index
        %parallel_loop3A_668 = tpu.vector_load %arg12[%parallel_loop3A_666, %parallel_loop3A_667] {strides = array<i32>} : memref<128x128xf32, #tpu.memory_space<vmem>>, vector<16xf32>,
        %parallel_loop3A_669 = arith.mulf %parallel_loop3A_665, %parallel_loop3A_668 : vector<16xf32>
        %parallel_loop3A_670 = arith.addf %parallel_loop3A_662, %parallel_loop3A_669 : vector<16xf32>
        %parallel_loop3A_671 = arith.constant 102 : i32
        %parallel_loop3A_672 = arith.addi %parallel_loop3A_177, %parallel_loop3A_671 : i32
        %parallel_loop3A_673 = arith.index_cast %parallel_loop3A_672 : i32 to index
        %parallel_loop3A_674 = tpu.vector_load %arg18[%parallel_loop3A_673] {strides = array<i32>} : memref<2176xf32, #tpu.memory_space<vmem>>, vector<16xf32>,
        tpu.vector_store %arg18[%parallel_loop3A_673], %parallel_loop3A_670 {strides = array<i32>} : memref<2176xf32, #tpu.memory_space<vmem>>, vector<16xf32>,
        %parallel_loop3A_675 = arith.constant 16 : i32
        %parallel_loop3A_676 = arith.muli %parallel_loop3A_175, %parallel_loop3A_675 : i32
        %parallel_loop3A_677 = arith.constant 7 : i32
        %parallel_loop3A_678 = arith.addi %parallel_loop3A_676, %parallel_loop3A_677 : i32
        %parallel_loop3A_679 = arith.index_cast %parallel_loop3A_678 : i32 to index
        %parallel_loop3A_680 = arith.constant 0 : index
        %parallel_loop3A_681 = tpu.vector_load %arg11[%parallel_loop3A_679, %parallel_loop3A_680] {strides = array<i32>} : memref<128x128xf32, #tpu.memory_space<vmem>>, vector<16xf32>,
        %parallel_loop3A_682 = arith.index_cast %parallel_loop3A_678 : i32 to index
        %parallel_loop3A_683 = arith.constant 0 : index
        %parallel_loop3A_684 = tpu.vector_load %arg12[%parallel_loop3A_682, %parallel_loop3A_683] {strides = array<i32>} : memref<128x128xf32, #tpu.memory_space<vmem>>, vector<16xf32>,
        %parallel_loop3A_685 = arith.mulf %parallel_loop3A_681, %parallel_loop3A_684 : vector<16xf32>
        %parallel_loop3A_686 = arith.index_cast %parallel_loop3A_678 : i32 to index
        %parallel_loop3A_687 = arith.constant 16 : index
        %parallel_loop3A_688 = tpu.vector_load %arg11[%parallel_loop3A_686, %parallel_loop3A_687] {strides = array<i32>} : memref<128x128xf32, #tpu.memory_space<vmem>>, vector<16xf32>,
        %parallel_loop3A_689 = arith.index_cast %parallel_loop3A_678 : i32 to index
        %parallel_loop3A_690 = arith.constant 16 : index
        %parallel_loop3A_691 = tpu.vector_load %arg12[%parallel_loop3A_689, %parallel_loop3A_690] {strides = array<i32>} : memref<128x128xf32, #tpu.memory_space<vmem>>, vector<16xf32>,
        %parallel_loop3A_692 = arith.mulf %parallel_loop3A_688, %parallel_loop3A_691 : vector<16xf32>
        %parallel_loop3A_693 = arith.addf %parallel_loop3A_685, %parallel_loop3A_692 : vector<16xf32>
        %parallel_loop3A_694 = arith.index_cast %parallel_loop3A_678 : i32 to index
        %parallel_loop3A_695 = arith.constant 32 : index
        %parallel_loop3A_696 = tpu.vector_load %arg11[%parallel_loop3A_694, %parallel_loop3A_695] {strides = array<i32>} : memref<128x128xf32, #tpu.memory_space<vmem>>, vector<16xf32>,
        %parallel_loop3A_697 = arith.index_cast %parallel_loop3A_678 : i32 to index
        %parallel_loop3A_698 = arith.constant 32 : index
        %parallel_loop3A_699 = tpu.vector_load %arg12[%parallel_loop3A_697, %parallel_loop3A_698] {strides = array<i32>} : memref<128x128xf32, #tpu.memory_space<vmem>>, vector<16xf32>,
        %parallel_loop3A_700 = arith.mulf %parallel_loop3A_696, %parallel_loop3A_699 : vector<16xf32>
        %parallel_loop3A_701 = arith.addf %parallel_loop3A_693, %parallel_loop3A_700 : vector<16xf32>
        %parallel_loop3A_702 = arith.index_cast %parallel_loop3A_678 : i32 to index
        %parallel_loop3A_703 = arith.constant 48 : index
        %parallel_loop3A_704 = tpu.vector_load %arg11[%parallel_loop3A_702, %parallel_loop3A_703] {strides = array<i32>} : memref<128x128xf32, #tpu.memory_space<vmem>>, vector<16xf32>,
        %parallel_loop3A_705 = arith.index_cast %parallel_loop3A_678 : i32 to index
        %parallel_loop3A_706 = arith.constant 48 : index
        %parallel_loop3A_707 = tpu.vector_load %arg12[%parallel_loop3A_705, %parallel_loop3A_706] {strides = array<i32>} : memref<128x128xf32, #tpu.memory_space<vmem>>, vector<16xf32>,
        %parallel_loop3A_708 = arith.mulf %parallel_loop3A_704, %parallel_loop3A_707 : vector<16xf32>
        %parallel_loop3A_709 = arith.addf %parallel_loop3A_701, %parallel_loop3A_708 : vector<16xf32>
        %parallel_loop3A_710 = arith.index_cast %parallel_loop3A_678 : i32 to index
        %parallel_loop3A_711 = arith.constant 64 : index
        %parallel_loop3A_712 = tpu.vector_load %arg11[%parallel_loop3A_710, %parallel_loop3A_711] {strides = array<i32>} : memref<128x128xf32, #tpu.memory_space<vmem>>, vector<16xf32>,
        %parallel_loop3A_713 = arith.index_cast %parallel_loop3A_678 : i32 to index
        %parallel_loop3A_714 = arith.constant 64 : index
        %parallel_loop3A_715 = tpu.vector_load %arg12[%parallel_loop3A_713, %parallel_loop3A_714] {strides = array<i32>} : memref<128x128xf32, #tpu.memory_space<vmem>>, vector<16xf32>,
        %parallel_loop3A_716 = arith.mulf %parallel_loop3A_712, %parallel_loop3A_715 : vector<16xf32>
        %parallel_loop3A_717 = arith.addf %parallel_loop3A_709, %parallel_loop3A_716 : vector<16xf32>
        %parallel_loop3A_718 = arith.index_cast %parallel_loop3A_678 : i32 to index
        %parallel_loop3A_719 = arith.constant 80 : index
        %parallel_loop3A_720 = tpu.vector_load %arg11[%parallel_loop3A_718, %parallel_loop3A_719] {strides = array<i32>} : memref<128x128xf32, #tpu.memory_space<vmem>>, vector<16xf32>,
        %parallel_loop3A_721 = arith.index_cast %parallel_loop3A_678 : i32 to index
        %parallel_loop3A_722 = arith.constant 80 : index
        %parallel_loop3A_723 = tpu.vector_load %arg12[%parallel_loop3A_721, %parallel_loop3A_722] {strides = array<i32>} : memref<128x128xf32, #tpu.memory_space<vmem>>, vector<16xf32>,
        %parallel_loop3A_724 = arith.mulf %parallel_loop3A_720, %parallel_loop3A_723 : vector<16xf32>
        %parallel_loop3A_725 = arith.addf %parallel_loop3A_717, %parallel_loop3A_724 : vector<16xf32>
        %parallel_loop3A_726 = arith.index_cast %parallel_loop3A_678 : i32 to index
        %parallel_loop3A_727 = arith.constant 96 : index
        %parallel_loop3A_728 = tpu.vector_load %arg11[%parallel_loop3A_726, %parallel_loop3A_727] {strides = array<i32>} : memref<128x128xf32, #tpu.memory_space<vmem>>, vector<16xf32>,
        %parallel_loop3A_729 = arith.index_cast %parallel_loop3A_678 : i32 to index
        %parallel_loop3A_730 = arith.constant 96 : index
        %parallel_loop3A_731 = tpu.vector_load %arg12[%parallel_loop3A_729, %parallel_loop3A_730] {strides = array<i32>} : memref<128x128xf32, #tpu.memory_space<vmem>>, vector<16xf32>,
        %parallel_loop3A_732 = arith.mulf %parallel_loop3A_728, %parallel_loop3A_731 : vector<16xf32>
        %parallel_loop3A_733 = arith.addf %parallel_loop3A_725, %parallel_loop3A_732 : vector<16xf32>
        %parallel_loop3A_734 = arith.index_cast %parallel_loop3A_678 : i32 to index
        %parallel_loop3A_735 = arith.constant 112 : index
        %parallel_loop3A_736 = tpu.vector_load %arg11[%parallel_loop3A_734, %parallel_loop3A_735] {strides = array<i32>} : memref<128x128xf32, #tpu.memory_space<vmem>>, vector<16xf32>,
        %parallel_loop3A_737 = arith.index_cast %parallel_loop3A_678 : i32 to index
        %parallel_loop3A_738 = arith.constant 112 : index
        %parallel_loop3A_739 = tpu.vector_load %arg12[%parallel_loop3A_737, %parallel_loop3A_738] {strides = array<i32>} : memref<128x128xf32, #tpu.memory_space<vmem>>, vector<16xf32>,
        %parallel_loop3A_740 = arith.mulf %parallel_loop3A_736, %parallel_loop3A_739 : vector<16xf32>
        %parallel_loop3A_741 = arith.addf %parallel_loop3A_733, %parallel_loop3A_740 : vector<16xf32>
        %parallel_loop3A_742 = arith.constant 119 : i32
        %parallel_loop3A_743 = arith.addi %parallel_loop3A_177, %parallel_loop3A_742 : i32
        %parallel_loop3A_744 = arith.index_cast %parallel_loop3A_743 : i32 to index
        %parallel_loop3A_745 = tpu.vector_load %arg18[%parallel_loop3A_744] {strides = array<i32>} : memref<2176xf32, #tpu.memory_space<vmem>>, vector<16xf32>,
        tpu.vector_store %arg18[%parallel_loop3A_744], %parallel_loop3A_741 {strides = array<i32>} : memref<2176xf32, #tpu.memory_space<vmem>>, vector<16xf32>,
        %parallel_loop3A_746 = arith.constant 16 : i32
        %parallel_loop3A_747 = arith.muli %parallel_loop3A_175, %parallel_loop3A_746 : i32
        %parallel_loop3A_748 = arith.constant 8 : i32
        %parallel_loop3A_749 = arith.addi %parallel_loop3A_747, %parallel_loop3A_748 : i32
        %parallel_loop3A_750 = arith.index_cast %parallel_loop3A_749 : i32 to index
        %parallel_loop3A_751 = arith.constant 0 : index
        %parallel_loop3A_752 = tpu.vector_load %arg11[%parallel_loop3A_750, %parallel_loop3A_751] {strides = array<i32>} : memref<128x128xf32, #tpu.memory_space<vmem>>, vector<16xf32>,
        %parallel_loop3A_753 = arith.index_cast %parallel_loop3A_749 : i32 to index
        %parallel_loop3A_754 = arith.constant 0 : index
        %parallel_loop3A_755 = tpu.vector_load %arg12[%parallel_loop3A_753, %parallel_loop3A_754] {strides = array<i32>} : memref<128x128xf32, #tpu.memory_space<vmem>>, vector<16xf32>,
        %parallel_loop3A_756 = arith.mulf %parallel_loop3A_752, %parallel_loop3A_755 : vector<16xf32>
        %parallel_loop3A_757 = arith.index_cast %parallel_loop3A_749 : i32 to index
        %parallel_loop3A_758 = arith.constant 16 : index
        %parallel_loop3A_759 = tpu.vector_load %arg11[%parallel_loop3A_757, %parallel_loop3A_758] {strides = array<i32>} : memref<128x128xf32, #tpu.memory_space<vmem>>, vector<16xf32>,
        %parallel_loop3A_760 = arith.index_cast %parallel_loop3A_749 : i32 to index
        %parallel_loop3A_761 = arith.constant 16 : index
        %parallel_loop3A_762 = tpu.vector_load %arg12[%parallel_loop3A_760, %parallel_loop3A_761] {strides = array<i32>} : memref<128x128xf32, #tpu.memory_space<vmem>>, vector<16xf32>,
        %parallel_loop3A_763 = arith.mulf %parallel_loop3A_759, %parallel_loop3A_762 : vector<16xf32>
        %parallel_loop3A_764 = arith.addf %parallel_loop3A_756, %parallel_loop3A_763 : vector<16xf32>
        %parallel_loop3A_765 = arith.index_cast %parallel_loop3A_749 : i32 to index
        %parallel_loop3A_766 = arith.constant 32 : index
        %parallel_loop3A_767 = tpu.vector_load %arg11[%parallel_loop3A_765, %parallel_loop3A_766] {strides = array<i32>} : memref<128x128xf32, #tpu.memory_space<vmem>>, vector<16xf32>,
        %parallel_loop3A_768 = arith.index_cast %parallel_loop3A_749 : i32 to index
        %parallel_loop3A_769 = arith.constant 32 : index
        %parallel_loop3A_770 = tpu.vector_load %arg12[%parallel_loop3A_768, %parallel_loop3A_769] {strides = array<i32>} : memref<128x128xf32, #tpu.memory_space<vmem>>, vector<16xf32>,
        %parallel_loop3A_771 = arith.mulf %parallel_loop3A_767, %parallel_loop3A_770 : vector<16xf32>
        %parallel_loop3A_772 = arith.addf %parallel_loop3A_764, %parallel_loop3A_771 : vector<16xf32>
        %parallel_loop3A_773 = arith.index_cast %parallel_loop3A_749 : i32 to index
        %parallel_loop3A_774 = arith.constant 48 : index
        %parallel_loop3A_775 = tpu.vector_load %arg11[%parallel_loop3A_773, %parallel_loop3A_774] {strides = array<i32>} : memref<128x128xf32, #tpu.memory_space<vmem>>, vector<16xf32>,
        %parallel_loop3A_776 = arith.index_cast %parallel_loop3A_749 : i32 to index
        %parallel_loop3A_777 = arith.constant 48 : index
        %parallel_loop3A_778 = tpu.vector_load %arg12[%parallel_loop3A_776, %parallel_loop3A_777] {strides = array<i32>} : memref<128x128xf32, #tpu.memory_space<vmem>>, vector<16xf32>,
        %parallel_loop3A_779 = arith.mulf %parallel_loop3A_775, %parallel_loop3A_778 : vector<16xf32>
        %parallel_loop3A_780 = arith.addf %parallel_loop3A_772, %parallel_loop3A_779 : vector<16xf32>
        %parallel_loop3A_781 = arith.index_cast %parallel_loop3A_749 : i32 to index
        %parallel_loop3A_782 = arith.constant 64 : index
        %parallel_loop3A_783 = tpu.vector_load %arg11[%parallel_loop3A_781, %parallel_loop3A_782] {strides = array<i32>} : memref<128x128xf32, #tpu.memory_space<vmem>>, vector<16xf32>,
        %parallel_loop3A_784 = arith.index_cast %parallel_loop3A_749 : i32 to index
        %parallel_loop3A_785 = arith.constant 64 : index
        %parallel_loop3A_786 = tpu.vector_load %arg12[%parallel_loop3A_784, %parallel_loop3A_785] {strides = array<i32>} : memref<128x128xf32, #tpu.memory_space<vmem>>, vector<16xf32>,
        %parallel_loop3A_787 = arith.mulf %parallel_loop3A_783, %parallel_loop3A_786 : vector<16xf32>
        %parallel_loop3A_788 = arith.addf %parallel_loop3A_780, %parallel_loop3A_787 : vector<16xf32>
        %parallel_loop3A_789 = arith.index_cast %parallel_loop3A_749 : i32 to index
        %parallel_loop3A_790 = arith.constant 80 : index
        %parallel_loop3A_791 = tpu.vector_load %arg11[%parallel_loop3A_789, %parallel_loop3A_790] {strides = array<i32>} : memref<128x128xf32, #tpu.memory_space<vmem>>, vector<16xf32>,
        %parallel_loop3A_792 = arith.index_cast %parallel_loop3A_749 : i32 to index
        %parallel_loop3A_793 = arith.constant 80 : index
        %parallel_loop3A_794 = tpu.vector_load %arg12[%parallel_loop3A_792, %parallel_loop3A_793] {strides = array<i32>} : memref<128x128xf32, #tpu.memory_space<vmem>>, vector<16xf32>,
        %parallel_loop3A_795 = arith.mulf %parallel_loop3A_791, %parallel_loop3A_794 : vector<16xf32>
        %parallel_loop3A_796 = arith.addf %parallel_loop3A_788, %parallel_loop3A_795 : vector<16xf32>
        %parallel_loop3A_797 = arith.index_cast %parallel_loop3A_749 : i32 to index
        %parallel_loop3A_798 = arith.constant 96 : index
        %parallel_loop3A_799 = tpu.vector_load %arg11[%parallel_loop3A_797, %parallel_loop3A_798] {strides = array<i32>} : memref<128x128xf32, #tpu.memory_space<vmem>>, vector<16xf32>,
        %parallel_loop3A_800 = arith.index_cast %parallel_loop3A_749 : i32 to index
        %parallel_loop3A_801 = arith.constant 96 : index
        %parallel_loop3A_802 = tpu.vector_load %arg12[%parallel_loop3A_800, %parallel_loop3A_801] {strides = array<i32>} : memref<128x128xf32, #tpu.memory_space<vmem>>, vector<16xf32>,
        %parallel_loop3A_803 = arith.mulf %parallel_loop3A_799, %parallel_loop3A_802 : vector<16xf32>
        %parallel_loop3A_804 = arith.addf %parallel_loop3A_796, %parallel_loop3A_803 : vector<16xf32>
        %parallel_loop3A_805 = arith.index_cast %parallel_loop3A_749 : i32 to index
        %parallel_loop3A_806 = arith.constant 112 : index
        %parallel_loop3A_807 = tpu.vector_load %arg11[%parallel_loop3A_805, %parallel_loop3A_806] {strides = array<i32>} : memref<128x128xf32, #tpu.memory_space<vmem>>, vector<16xf32>,
        %parallel_loop3A_808 = arith.index_cast %parallel_loop3A_749 : i32 to index
        %parallel_loop3A_809 = arith.constant 112 : index
        %parallel_loop3A_810 = tpu.vector_load %arg12[%parallel_loop3A_808, %parallel_loop3A_809] {strides = array<i32>} : memref<128x128xf32, #tpu.memory_space<vmem>>, vector<16xf32>,
        %parallel_loop3A_811 = arith.mulf %parallel_loop3A_807, %parallel_loop3A_810 : vector<16xf32>
        %parallel_loop3A_812 = arith.addf %parallel_loop3A_804, %parallel_loop3A_811 : vector<16xf32>
        %parallel_loop3A_813 = arith.constant 136 : i32
        %parallel_loop3A_814 = arith.addi %parallel_loop3A_177, %parallel_loop3A_813 : i32
        %parallel_loop3A_815 = arith.index_cast %parallel_loop3A_814 : i32 to index
        %parallel_loop3A_816 = tpu.vector_load %arg18[%parallel_loop3A_815] {strides = array<i32>} : memref<2176xf32, #tpu.memory_space<vmem>>, vector<16xf32>,
        tpu.vector_store %arg18[%parallel_loop3A_815], %parallel_loop3A_812 {strides = array<i32>} : memref<2176xf32, #tpu.memory_space<vmem>>, vector<16xf32>,
        %parallel_loop3A_817 = arith.constant 16 : i32
        %parallel_loop3A_818 = arith.muli %parallel_loop3A_175, %parallel_loop3A_817 : i32
        %parallel_loop3A_819 = arith.constant 9 : i32
        %parallel_loop3A_820 = arith.addi %parallel_loop3A_818, %parallel_loop3A_819 : i32
        %parallel_loop3A_821 = arith.index_cast %parallel_loop3A_820 : i32 to index
        %parallel_loop3A_822 = arith.constant 0 : index
        %parallel_loop3A_823 = tpu.vector_load %arg11[%parallel_loop3A_821, %parallel_loop3A_822] {strides = array<i32>} : memref<128x128xf32, #tpu.memory_space<vmem>>, vector<16xf32>,
        %parallel_loop3A_824 = arith.index_cast %parallel_loop3A_820 : i32 to index
        %parallel_loop3A_825 = arith.constant 0 : index
        %parallel_loop3A_826 = tpu.vector_load %arg12[%parallel_loop3A_824, %parallel_loop3A_825] {strides = array<i32>} : memref<128x128xf32, #tpu.memory_space<vmem>>, vector<16xf32>,
        %parallel_loop3A_827 = arith.mulf %parallel_loop3A_823, %parallel_loop3A_826 : vector<16xf32>
        %parallel_loop3A_828 = arith.index_cast %parallel_loop3A_820 : i32 to index
        %parallel_loop3A_829 = arith.constant 16 : index
        %parallel_loop3A_830 = tpu.vector_load %arg11[%parallel_loop3A_828, %parallel_loop3A_829] {strides = array<i32>} : memref<128x128xf32, #tpu.memory_space<vmem>>, vector<16xf32>,
        %parallel_loop3A_831 = arith.index_cast %parallel_loop3A_820 : i32 to index
        %parallel_loop3A_832 = arith.constant 16 : index
        %parallel_loop3A_833 = tpu.vector_load %arg12[%parallel_loop3A_831, %parallel_loop3A_832] {strides = array<i32>} : memref<128x128xf32, #tpu.memory_space<vmem>>, vector<16xf32>,
        %parallel_loop3A_834 = arith.mulf %parallel_loop3A_830, %parallel_loop3A_833 : vector<16xf32>
        %parallel_loop3A_835 = arith.addf %parallel_loop3A_827, %parallel_loop3A_834 : vector<16xf32>
        %parallel_loop3A_836 = arith.index_cast %parallel_loop3A_820 : i32 to index
        %parallel_loop3A_837 = arith.constant 32 : index
        %parallel_loop3A_838 = tpu.vector_load %arg11[%parallel_loop3A_836, %parallel_loop3A_837] {strides = array<i32>} : memref<128x128xf32, #tpu.memory_space<vmem>>, vector<16xf32>,
        %parallel_loop3A_839 = arith.index_cast %parallel_loop3A_820 : i32 to index
        %parallel_loop3A_840 = arith.constant 32 : index
        %parallel_loop3A_841 = tpu.vector_load %arg12[%parallel_loop3A_839, %parallel_loop3A_840] {strides = array<i32>} : memref<128x128xf32, #tpu.memory_space<vmem>>, vector<16xf32>,
        %parallel_loop3A_842 = arith.mulf %parallel_loop3A_838, %parallel_loop3A_841 : vector<16xf32>
        %parallel_loop3A_843 = arith.addf %parallel_loop3A_835, %parallel_loop3A_842 : vector<16xf32>
        %parallel_loop3A_844 = arith.index_cast %parallel_loop3A_820 : i32 to index
        %parallel_loop3A_845 = arith.constant 48 : index
        %parallel_loop3A_846 = tpu.vector_load %arg11[%parallel_loop3A_844, %parallel_loop3A_845] {strides = array<i32>} : memref<128x128xf32, #tpu.memory_space<vmem>>, vector<16xf32>,
        %parallel_loop3A_847 = arith.index_cast %parallel_loop3A_820 : i32 to index
        %parallel_loop3A_848 = arith.constant 48 : index
        %parallel_loop3A_849 = tpu.vector_load %arg12[%parallel_loop3A_847, %parallel_loop3A_848] {strides = array<i32>} : memref<128x128xf32, #tpu.memory_space<vmem>>, vector<16xf32>,
        %parallel_loop3A_850 = arith.mulf %parallel_loop3A_846, %parallel_loop3A_849 : vector<16xf32>
        %parallel_loop3A_851 = arith.addf %parallel_loop3A_843, %parallel_loop3A_850 : vector<16xf32>
        %parallel_loop3A_852 = arith.index_cast %parallel_loop3A_820 : i32 to index
        %parallel_loop3A_853 = arith.constant 64 : index
        %parallel_loop3A_854 = tpu.vector_load %arg11[%parallel_loop3A_852, %parallel_loop3A_853] {strides = array<i32>} : memref<128x128xf32, #tpu.memory_space<vmem>>, vector<16xf32>,
        %parallel_loop3A_855 = arith.index_cast %parallel_loop3A_820 : i32 to index
        %parallel_loop3A_856 = arith.constant 64 : index
        %parallel_loop3A_857 = tpu.vector_load %arg12[%parallel_loop3A_855, %parallel_loop3A_856] {strides = array<i32>} : memref<128x128xf32, #tpu.memory_space<vmem>>, vector<16xf32>,
        %parallel_loop3A_858 = arith.mulf %parallel_loop3A_854, %parallel_loop3A_857 : vector<16xf32>
        %parallel_loop3A_859 = arith.addf %parallel_loop3A_851, %parallel_loop3A_858 : vector<16xf32>
        %parallel_loop3A_860 = arith.index_cast %parallel_loop3A_820 : i32 to index
        %parallel_loop3A_861 = arith.constant 80 : index
        %parallel_loop3A_862 = tpu.vector_load %arg11[%parallel_loop3A_860, %parallel_loop3A_861] {strides = array<i32>} : memref<128x128xf32, #tpu.memory_space<vmem>>, vector<16xf32>,
        %parallel_loop3A_863 = arith.index_cast %parallel_loop3A_820 : i32 to index
        %parallel_loop3A_864 = arith.constant 80 : index
        %parallel_loop3A_865 = tpu.vector_load %arg12[%parallel_loop3A_863, %parallel_loop3A_864] {strides = array<i32>} : memref<128x128xf32, #tpu.memory_space<vmem>>, vector<16xf32>,
        %parallel_loop3A_866 = arith.mulf %parallel_loop3A_862, %parallel_loop3A_865 : vector<16xf32>
        %parallel_loop3A_867 = arith.addf %parallel_loop3A_859, %parallel_loop3A_866 : vector<16xf32>
        %parallel_loop3A_868 = arith.index_cast %parallel_loop3A_820 : i32 to index
        %parallel_loop3A_869 = arith.constant 96 : index
        %parallel_loop3A_870 = tpu.vector_load %arg11[%parallel_loop3A_868, %parallel_loop3A_869] {strides = array<i32>} : memref<128x128xf32, #tpu.memory_space<vmem>>, vector<16xf32>,
        %parallel_loop3A_871 = arith.index_cast %parallel_loop3A_820 : i32 to index
        %parallel_loop3A_872 = arith.constant 96 : index
        %parallel_loop3A_873 = tpu.vector_load %arg12[%parallel_loop3A_871, %parallel_loop3A_872] {strides = array<i32>} : memref<128x128xf32, #tpu.memory_space<vmem>>, vector<16xf32>,
        %parallel_loop3A_874 = arith.mulf %parallel_loop3A_870, %parallel_loop3A_873 : vector<16xf32>
        %parallel_loop3A_875 = arith.addf %parallel_loop3A_867, %parallel_loop3A_874 : vector<16xf32>
        %parallel_loop3A_876 = arith.index_cast %parallel_loop3A_820 : i32 to index
        %parallel_loop3A_877 = arith.constant 112 : index
        %parallel_loop3A_878 = tpu.vector_load %arg11[%parallel_loop3A_876, %parallel_loop3A_877] {strides = array<i32>} : memref<128x128xf32, #tpu.memory_space<vmem>>, vector<16xf32>,
        %parallel_loop3A_879 = arith.index_cast %parallel_loop3A_820 : i32 to index
        %parallel_loop3A_880 = arith.constant 112 : index
        %parallel_loop3A_881 = tpu.vector_load %arg12[%parallel_loop3A_879, %parallel_loop3A_880] {strides = array<i32>} : memref<128x128xf32, #tpu.memory_space<vmem>>, vector<16xf32>,
        %parallel_loop3A_882 = arith.mulf %parallel_loop3A_878, %parallel_loop3A_881 : vector<16xf32>
        %parallel_loop3A_883 = arith.addf %parallel_loop3A_875, %parallel_loop3A_882 : vector<16xf32>
        %parallel_loop3A_884 = arith.constant 153 : i32
        %parallel_loop3A_885 = arith.addi %parallel_loop3A_177, %parallel_loop3A_884 : i32
        %parallel_loop3A_886 = arith.index_cast %parallel_loop3A_885 : i32 to index
        %parallel_loop3A_887 = tpu.vector_load %arg18[%parallel_loop3A_886] {strides = array<i32>} : memref<2176xf32, #tpu.memory_space<vmem>>, vector<16xf32>,
        tpu.vector_store %arg18[%parallel_loop3A_886], %parallel_loop3A_883 {strides = array<i32>} : memref<2176xf32, #tpu.memory_space<vmem>>, vector<16xf32>,
        %parallel_loop3A_888 = arith.constant 16 : i32
        %parallel_loop3A_889 = arith.muli %parallel_loop3A_175, %parallel_loop3A_888 : i32
        %parallel_loop3A_890 = arith.constant 10 : i32
        %parallel_loop3A_891 = arith.addi %parallel_loop3A_889, %parallel_loop3A_890 : i32
        %parallel_loop3A_892 = arith.index_cast %parallel_loop3A_891 : i32 to index
        %parallel_loop3A_893 = arith.constant 0 : index
        %parallel_loop3A_894 = tpu.vector_load %arg11[%parallel_loop3A_892, %parallel_loop3A_893] {strides = array<i32>} : memref<128x128xf32, #tpu.memory_space<vmem>>, vector<16xf32>,
        %parallel_loop3A_895 = arith.index_cast %parallel_loop3A_891 : i32 to index
        %parallel_loop3A_896 = arith.constant 0 : index
        %parallel_loop3A_897 = tpu.vector_load %arg12[%parallel_loop3A_895, %parallel_loop3A_896] {strides = array<i32>} : memref<128x128xf32, #tpu.memory_space<vmem>>, vector<16xf32>,
        %parallel_loop3A_898 = arith.mulf %parallel_loop3A_894, %parallel_loop3A_897 : vector<16xf32>
        %parallel_loop3A_899 = arith.index_cast %parallel_loop3A_891 : i32 to index
        %parallel_loop3A_900 = arith.constant 16 : index
        %parallel_loop3A_901 = tpu.vector_load %arg11[%parallel_loop3A_899, %parallel_loop3A_900] {strides = array<i32>} : memref<128x128xf32, #tpu.memory_space<vmem>>, vector<16xf32>,
        %parallel_loop3A_902 = arith.index_cast %parallel_loop3A_891 : i32 to index
        %parallel_loop3A_903 = arith.constant 16 : index
        %parallel_loop3A_904 = tpu.vector_load %arg12[%parallel_loop3A_902, %parallel_loop3A_903] {strides = array<i32>} : memref<128x128xf32, #tpu.memory_space<vmem>>, vector<16xf32>,
        %parallel_loop3A_905 = arith.mulf %parallel_loop3A_901, %parallel_loop3A_904 : vector<16xf32>
        %parallel_loop3A_906 = arith.addf %parallel_loop3A_898, %parallel_loop3A_905 : vector<16xf32>
        %parallel_loop3A_907 = arith.index_cast %parallel_loop3A_891 : i32 to index
        %parallel_loop3A_908 = arith.constant 32 : index
        %parallel_loop3A_909 = tpu.vector_load %arg11[%parallel_loop3A_907, %parallel_loop3A_908] {strides = array<i32>} : memref<128x128xf32, #tpu.memory_space<vmem>>, vector<16xf32>,
        %parallel_loop3A_910 = arith.index_cast %parallel_loop3A_891 : i32 to index
        %parallel_loop3A_911 = arith.constant 32 : index
        %parallel_loop3A_912 = tpu.vector_load %arg12[%parallel_loop3A_910, %parallel_loop3A_911] {strides = array<i32>} : memref<128x128xf32, #tpu.memory_space<vmem>>, vector<16xf32>,
        %parallel_loop3A_913 = arith.mulf %parallel_loop3A_909, %parallel_loop3A_912 : vector<16xf32>
        %parallel_loop3A_914 = arith.addf %parallel_loop3A_906, %parallel_loop3A_913 : vector<16xf32>
        %parallel_loop3A_915 = arith.index_cast %parallel_loop3A_891 : i32 to index
        %parallel_loop3A_916 = arith.constant 48 : index
        %parallel_loop3A_917 = tpu.vector_load %arg11[%parallel_loop3A_915, %parallel_loop3A_916] {strides = array<i32>} : memref<128x128xf32, #tpu.memory_space<vmem>>, vector<16xf32>,
        %parallel_loop3A_918 = arith.index_cast %parallel_loop3A_891 : i32 to index
        %parallel_loop3A_919 = arith.constant 48 : index
        %parallel_loop3A_920 = tpu.vector_load %arg12[%parallel_loop3A_918, %parallel_loop3A_919] {strides = array<i32>} : memref<128x128xf32, #tpu.memory_space<vmem>>, vector<16xf32>,
        %parallel_loop3A_921 = arith.mulf %parallel_loop3A_917, %parallel_loop3A_920 : vector<16xf32>
        %parallel_loop3A_922 = arith.addf %parallel_loop3A_914, %parallel_loop3A_921 : vector<16xf32>
        %parallel_loop3A_923 = arith.index_cast %parallel_loop3A_891 : i32 to index
        %parallel_loop3A_924 = arith.constant 64 : index
        %parallel_loop3A_925 = tpu.vector_load %arg11[%parallel_loop3A_923, %parallel_loop3A_924] {strides = array<i32>} : memref<128x128xf32, #tpu.memory_space<vmem>>, vector<16xf32>,
        %parallel_loop3A_926 = arith.index_cast %parallel_loop3A_891 : i32 to index
        %parallel_loop3A_927 = arith.constant 64 : index
        %parallel_loop3A_928 = tpu.vector_load %arg12[%parallel_loop3A_926, %parallel_loop3A_927] {strides = array<i32>} : memref<128x128xf32, #tpu.memory_space<vmem>>, vector<16xf32>,
        %parallel_loop3A_929 = arith.mulf %parallel_loop3A_925, %parallel_loop3A_928 : vector<16xf32>
        %parallel_loop3A_930 = arith.addf %parallel_loop3A_922, %parallel_loop3A_929 : vector<16xf32>
        %parallel_loop3A_931 = arith.index_cast %parallel_loop3A_891 : i32 to index
        %parallel_loop3A_932 = arith.constant 80 : index
        %parallel_loop3A_933 = tpu.vector_load %arg11[%parallel_loop3A_931, %parallel_loop3A_932] {strides = array<i32>} : memref<128x128xf32, #tpu.memory_space<vmem>>, vector<16xf32>,
        %parallel_loop3A_934 = arith.index_cast %parallel_loop3A_891 : i32 to index
        %parallel_loop3A_935 = arith.constant 80 : index
        %parallel_loop3A_936 = tpu.vector_load %arg12[%parallel_loop3A_934, %parallel_loop3A_935] {strides = array<i32>} : memref<128x128xf32, #tpu.memory_space<vmem>>, vector<16xf32>,
        %parallel_loop3A_937 = arith.mulf %parallel_loop3A_933, %parallel_loop3A_936 : vector<16xf32>
        %parallel_loop3A_938 = arith.addf %parallel_loop3A_930, %parallel_loop3A_937 : vector<16xf32>
        %parallel_loop3A_939 = arith.index_cast %parallel_loop3A_891 : i32 to index
        %parallel_loop3A_940 = arith.constant 96 : index
        %parallel_loop3A_941 = tpu.vector_load %arg11[%parallel_loop3A_939, %parallel_loop3A_940] {strides = array<i32>} : memref<128x128xf32, #tpu.memory_space<vmem>>, vector<16xf32>,
        %parallel_loop3A_942 = arith.index_cast %parallel_loop3A_891 : i32 to index
        %parallel_loop3A_943 = arith.constant 96 : index
        %parallel_loop3A_944 = tpu.vector_load %arg12[%parallel_loop3A_942, %parallel_loop3A_943] {strides = array<i32>} : memref<128x128xf32, #tpu.memory_space<vmem>>, vector<16xf32>,
        %parallel_loop3A_945 = arith.mulf %parallel_loop3A_941, %parallel_loop3A_944 : vector<16xf32>
        %parallel_loop3A_946 = arith.addf %parallel_loop3A_938, %parallel_loop3A_945 : vector<16xf32>
        %parallel_loop3A_947 = arith.index_cast %parallel_loop3A_891 : i32 to index
        %parallel_loop3A_948 = arith.constant 112 : index
        %parallel_loop3A_949 = tpu.vector_load %arg11[%parallel_loop3A_947, %parallel_loop3A_948] {strides = array<i32>} : memref<128x128xf32, #tpu.memory_space<vmem>>, vector<16xf32>,
        %parallel_loop3A_950 = arith.index_cast %parallel_loop3A_891 : i32 to index
        %parallel_loop3A_951 = arith.constant 112 : index
        %parallel_loop3A_952 = tpu.vector_load %arg12[%parallel_loop3A_950, %parallel_loop3A_951] {strides = array<i32>} : memref<128x128xf32, #tpu.memory_space<vmem>>, vector<16xf32>,
        %parallel_loop3A_953 = arith.mulf %parallel_loop3A_949, %parallel_loop3A_952 : vector<16xf32>
        %parallel_loop3A_954 = arith.addf %parallel_loop3A_946, %parallel_loop3A_953 : vector<16xf32>
        %parallel_loop3A_955 = arith.constant 170 : i32
        %parallel_loop3A_956 = arith.addi %parallel_loop3A_177, %parallel_loop3A_955 : i32
        %parallel_loop3A_957 = arith.index_cast %parallel_loop3A_956 : i32 to index
        %parallel_loop3A_958 = tpu.vector_load %arg18[%parallel_loop3A_957] {strides = array<i32>} : memref<2176xf32, #tpu.memory_space<vmem>>, vector<16xf32>,
        tpu.vector_store %arg18[%parallel_loop3A_957], %parallel_loop3A_954 {strides = array<i32>} : memref<2176xf32, #tpu.memory_space<vmem>>, vector<16xf32>,
        %parallel_loop3A_959 = arith.constant 16 : i32
        %parallel_loop3A_960 = arith.muli %parallel_loop3A_175, %parallel_loop3A_959 : i32
        %parallel_loop3A_961 = arith.constant 11 : i32
        %parallel_loop3A_962 = arith.addi %parallel_loop3A_960, %parallel_loop3A_961 : i32
        %parallel_loop3A_963 = arith.index_cast %parallel_loop3A_962 : i32 to index
        %parallel_loop3A_964 = arith.constant 0 : index
        %parallel_loop3A_965 = tpu.vector_load %arg11[%parallel_loop3A_963, %parallel_loop3A_964] {strides = array<i32>} : memref<128x128xf32, #tpu.memory_space<vmem>>, vector<16xf32>,
        %parallel_loop3A_966 = arith.index_cast %parallel_loop3A_962 : i32 to index
        %parallel_loop3A_967 = arith.constant 0 : index
        %parallel_loop3A_968 = tpu.vector_load %arg12[%parallel_loop3A_966, %parallel_loop3A_967] {strides = array<i32>} : memref<128x128xf32, #tpu.memory_space<vmem>>, vector<16xf32>,
        %parallel_loop3A_969 = arith.mulf %parallel_loop3A_965, %parallel_loop3A_968 : vector<16xf32>
        %parallel_loop3A_970 = arith.index_cast %parallel_loop3A_962 : i32 to index
        %parallel_loop3A_971 = arith.constant 16 : index
        %parallel_loop3A_972 = tpu.vector_load %arg11[%parallel_loop3A_970, %parallel_loop3A_971] {strides = array<i32>} : memref<128x128xf32, #tpu.memory_space<vmem>>, vector<16xf32>,
        %parallel_loop3A_973 = arith.index_cast %parallel_loop3A_962 : i32 to index
        %parallel_loop3A_974 = arith.constant 16 : index
        %parallel_loop3A_975 = tpu.vector_load %arg12[%parallel_loop3A_973, %parallel_loop3A_974] {strides = array<i32>} : memref<128x128xf32, #tpu.memory_space<vmem>>, vector<16xf32>,
        %parallel_loop3A_976 = arith.mulf %parallel_loop3A_972, %parallel_loop3A_975 : vector<16xf32>
        %parallel_loop3A_977 = arith.addf %parallel_loop3A_969, %parallel_loop3A_976 : vector<16xf32>
        %parallel_loop3A_978 = arith.index_cast %parallel_loop3A_962 : i32 to index
        %parallel_loop3A_979 = arith.constant 32 : index
        %parallel_loop3A_980 = tpu.vector_load %arg11[%parallel_loop3A_978, %parallel_loop3A_979] {strides = array<i32>} : memref<128x128xf32, #tpu.memory_space<vmem>>, vector<16xf32>,
        %parallel_loop3A_981 = arith.index_cast %parallel_loop3A_962 : i32 to index
        %parallel_loop3A_982 = arith.constant 32 : index
        %parallel_loop3A_983 = tpu.vector_load %arg12[%parallel_loop3A_981, %parallel_loop3A_982] {strides = array<i32>} : memref<128x128xf32, #tpu.memory_space<vmem>>, vector<16xf32>,
        %parallel_loop3A_984 = arith.mulf %parallel_loop3A_980, %parallel_loop3A_983 : vector<16xf32>
        %parallel_loop3A_985 = arith.addf %parallel_loop3A_977, %parallel_loop3A_984 : vector<16xf32>
        %parallel_loop3A_986 = arith.index_cast %parallel_loop3A_962 : i32 to index
        %parallel_loop3A_987 = arith.constant 48 : index
        %parallel_loop3A_988 = tpu.vector_load %arg11[%parallel_loop3A_986, %parallel_loop3A_987] {strides = array<i32>} : memref<128x128xf32, #tpu.memory_space<vmem>>, vector<16xf32>,
        %parallel_loop3A_989 = arith.index_cast %parallel_loop3A_962 : i32 to index
        %parallel_loop3A_990 = arith.constant 48 : index
        %parallel_loop3A_991 = tpu.vector_load %arg12[%parallel_loop3A_989, %parallel_loop3A_990] {strides = array<i32>} : memref<128x128xf32, #tpu.memory_space<vmem>>, vector<16xf32>,
        %parallel_loop3A_992 = arith.mulf %parallel_loop3A_988, %parallel_loop3A_991 : vector<16xf32>
        %parallel_loop3A_993 = arith.addf %parallel_loop3A_985, %parallel_loop3A_992 : vector<16xf32>
        %parallel_loop3A_994 = arith.index_cast %parallel_loop3A_962 : i32 to index
        %parallel_loop3A_995 = arith.constant 64 : index
        %parallel_loop3A_996 = tpu.vector_load %arg11[%parallel_loop3A_994, %parallel_loop3A_995] {strides = array<i32>} : memref<128x128xf32, #tpu.memory_space<vmem>>, vector<16xf32>,
        %parallel_loop3A_997 = arith.index_cast %parallel_loop3A_962 : i32 to index
        %parallel_loop3A_998 = arith.constant 64 : index
        %parallel_loop3A_999 = tpu.vector_load %arg12[%parallel_loop3A_997, %parallel_loop3A_998] {strides = array<i32>} : memref<128x128xf32, #tpu.memory_space<vmem>>, vector<16xf32>,
        %parallel_loop3A_1000 = arith.mulf %parallel_loop3A_996, %parallel_loop3A_999 : vector<16xf32>
        %parallel_loop3A_1001 = arith.addf %parallel_loop3A_993, %parallel_loop3A_1000 : vector<16xf32>
        %parallel_loop3A_1002 = arith.index_cast %parallel_loop3A_962 : i32 to index
        %parallel_loop3A_1003 = arith.constant 80 : index
        %parallel_loop3A_1004 = tpu.vector_load %arg11[%parallel_loop3A_1002, %parallel_loop3A_1003] {strides = array<i32>} : memref<128x128xf32, #tpu.memory_space<vmem>>, vector<16xf32>,
        %parallel_loop3A_1005 = arith.index_cast %parallel_loop3A_962 : i32 to index
        %parallel_loop3A_1006 = arith.constant 80 : index
        %parallel_loop3A_1007 = tpu.vector_load %arg12[%parallel_loop3A_1005, %parallel_loop3A_1006] {strides = array<i32>} : memref<128x128xf32, #tpu.memory_space<vmem>>, vector<16xf32>,
        %parallel_loop3A_1008 = arith.mulf %parallel_loop3A_1004, %parallel_loop3A_1007 : vector<16xf32>
        %parallel_loop3A_1009 = arith.addf %parallel_loop3A_1001, %parallel_loop3A_1008 : vector<16xf32>
        %parallel_loop3A_1010 = arith.index_cast %parallel_loop3A_962 : i32 to index
        %parallel_loop3A_1011 = arith.constant 96 : index
        %parallel_loop3A_1012 = tpu.vector_load %arg11[%parallel_loop3A_1010, %parallel_loop3A_1011] {strides = array<i32>} : memref<128x128xf32, #tpu.memory_space<vmem>>, vector<16xf32>,
        %parallel_loop3A_1013 = arith.index_cast %parallel_loop3A_962 : i32 to index
        %parallel_loop3A_1014 = arith.constant 96 : index
        %parallel_loop3A_1015 = tpu.vector_load %arg12[%parallel_loop3A_1013, %parallel_loop3A_1014] {strides = array<i32>} : memref<128x128xf32, #tpu.memory_space<vmem>>, vector<16xf32>,
        %parallel_loop3A_1016 = arith.mulf %parallel_loop3A_1012, %parallel_loop3A_1015 : vector<16xf32>
        %parallel_loop3A_1017 = arith.addf %parallel_loop3A_1009, %parallel_loop3A_1016 : vector<16xf32>
        %parallel_loop3A_1018 = arith.index_cast %parallel_loop3A_962 : i32 to index
        %parallel_loop3A_1019 = arith.constant 112 : index
        %parallel_loop3A_1020 = tpu.vector_load %arg11[%parallel_loop3A_1018, %parallel_loop3A_1019] {strides = array<i32>} : memref<128x128xf32, #tpu.memory_space<vmem>>, vector<16xf32>,
        %parallel_loop3A_1021 = arith.index_cast %parallel_loop3A_962 : i32 to index
        %parallel_loop3A_1022 = arith.constant 112 : index
        %parallel_loop3A_1023 = tpu.vector_load %arg12[%parallel_loop3A_1021, %parallel_loop3A_1022] {strides = array<i32>} : memref<128x128xf32, #tpu.memory_space<vmem>>, vector<16xf32>,
        %parallel_loop3A_1024 = arith.mulf %parallel_loop3A_1020, %parallel_loop3A_1023 : vector<16xf32>
        %parallel_loop3A_1025 = arith.addf %parallel_loop3A_1017, %parallel_loop3A_1024 : vector<16xf32>
        %parallel_loop3A_1026 = arith.constant 187 : i32
        %parallel_loop3A_1027 = arith.addi %parallel_loop3A_177, %parallel_loop3A_1026 : i32
        %parallel_loop3A_1028 = arith.index_cast %parallel_loop3A_1027 : i32 to index
        %parallel_loop3A_1029 = tpu.vector_load %arg18[%parallel_loop3A_1028] {strides = array<i32>} : memref<2176xf32, #tpu.memory_space<vmem>>, vector<16xf32>,
        tpu.vector_store %arg18[%parallel_loop3A_1028], %parallel_loop3A_1025 {strides = array<i32>} : memref<2176xf32, #tpu.memory_space<vmem>>, vector<16xf32>,
        %parallel_loop3A_1030 = arith.constant 16 : i32
        %parallel_loop3A_1031 = arith.muli %parallel_loop3A_175, %parallel_loop3A_1030 : i32
        %parallel_loop3A_1032 = arith.constant 12 : i32
        %parallel_loop3A_1033 = arith.addi %parallel_loop3A_1031, %parallel_loop3A_1032 : i32
        %parallel_loop3A_1034 = arith.index_cast %parallel_loop3A_1033 : i32 to index
        %parallel_loop3A_1035 = arith.constant 0 : index
        %parallel_loop3A_1036 = tpu.vector_load %arg11[%parallel_loop3A_1034, %parallel_loop3A_1035] {strides = array<i32>} : memref<128x128xf32, #tpu.memory_space<vmem>>, vector<16xf32>,
        %parallel_loop3A_1037 = arith.index_cast %parallel_loop3A_1033 : i32 to index
        %parallel_loop3A_1038 = arith.constant 0 : index
        %parallel_loop3A_1039 = tpu.vector_load %arg12[%parallel_loop3A_1037, %parallel_loop3A_1038] {strides = array<i32>} : memref<128x128xf32, #tpu.memory_space<vmem>>, vector<16xf32>,
        %parallel_loop3A_1040 = arith.mulf %parallel_loop3A_1036, %parallel_loop3A_1039 : vector<16xf32>
        %parallel_loop3A_1041 = arith.index_cast %parallel_loop3A_1033 : i32 to index
        %parallel_loop3A_1042 = arith.constant 16 : index
        %parallel_loop3A_1043 = tpu.vector_load %arg11[%parallel_loop3A_1041, %parallel_loop3A_1042] {strides = array<i32>} : memref<128x128xf32, #tpu.memory_space<vmem>>, vector<16xf32>,
        %parallel_loop3A_1044 = arith.index_cast %parallel_loop3A_1033 : i32 to index
        %parallel_loop3A_1045 = arith.constant 16 : index
        %parallel_loop3A_1046 = tpu.vector_load %arg12[%parallel_loop3A_1044, %parallel_loop3A_1045] {strides = array<i32>} : memref<128x128xf32, #tpu.memory_space<vmem>>, vector<16xf32>,
        %parallel_loop3A_1047 = arith.mulf %parallel_loop3A_1043, %parallel_loop3A_1046 : vector<16xf32>
        %parallel_loop3A_1048 = arith.addf %parallel_loop3A_1040, %parallel_loop3A_1047 : vector<16xf32>
        %parallel_loop3A_1049 = arith.index_cast %parallel_loop3A_1033 : i32 to index
        %parallel_loop3A_1050 = arith.constant 32 : index
        %parallel_loop3A_1051 = tpu.vector_load %arg11[%parallel_loop3A_1049, %parallel_loop3A_1050] {strides = array<i32>} : memref<128x128xf32, #tpu.memory_space<vmem>>, vector<16xf32>,
        %parallel_loop3A_1052 = arith.index_cast %parallel_loop3A_1033 : i32 to index
        %parallel_loop3A_1053 = arith.constant 32 : index
        %parallel_loop3A_1054 = tpu.vector_load %arg12[%parallel_loop3A_1052, %parallel_loop3A_1053] {strides = array<i32>} : memref<128x128xf32, #tpu.memory_space<vmem>>, vector<16xf32>,
        %parallel_loop3A_1055 = arith.mulf %parallel_loop3A_1051, %parallel_loop3A_1054 : vector<16xf32>
        %parallel_loop3A_1056 = arith.addf %parallel_loop3A_1048, %parallel_loop3A_1055 : vector<16xf32>
        %parallel_loop3A_1057 = arith.index_cast %parallel_loop3A_1033 : i32 to index
        %parallel_loop3A_1058 = arith.constant 48 : index
        %parallel_loop3A_1059 = tpu.vector_load %arg11[%parallel_loop3A_1057, %parallel_loop3A_1058] {strides = array<i32>} : memref<128x128xf32, #tpu.memory_space<vmem>>, vector<16xf32>,
        %parallel_loop3A_1060 = arith.index_cast %parallel_loop3A_1033 : i32 to index
        %parallel_loop3A_1061 = arith.constant 48 : index
        %parallel_loop3A_1062 = tpu.vector_load %arg12[%parallel_loop3A_1060, %parallel_loop3A_1061] {strides = array<i32>} : memref<128x128xf32, #tpu.memory_space<vmem>>, vector<16xf32>,
        %parallel_loop3A_1063 = arith.mulf %parallel_loop3A_1059, %parallel_loop3A_1062 : vector<16xf32>
        %parallel_loop3A_1064 = arith.addf %parallel_loop3A_1056, %parallel_loop3A_1063 : vector<16xf32>
        %parallel_loop3A_1065 = arith.index_cast %parallel_loop3A_1033 : i32 to index
        %parallel_loop3A_1066 = arith.constant 64 : index
        %parallel_loop3A_1067 = tpu.vector_load %arg11[%parallel_loop3A_1065, %parallel_loop3A_1066] {strides = array<i32>} : memref<128x128xf32, #tpu.memory_space<vmem>>, vector<16xf32>,
        %parallel_loop3A_1068 = arith.index_cast %parallel_loop3A_1033 : i32 to index
        %parallel_loop3A_1069 = arith.constant 64 : index
        %parallel_loop3A_1070 = tpu.vector_load %arg12[%parallel_loop3A_1068, %parallel_loop3A_1069] {strides = array<i32>} : memref<128x128xf32, #tpu.memory_space<vmem>>, vector<16xf32>,
        %parallel_loop3A_1071 = arith.mulf %parallel_loop3A_1067, %parallel_loop3A_1070 : vector<16xf32>
        %parallel_loop3A_1072 = arith.addf %parallel_loop3A_1064, %parallel_loop3A_1071 : vector<16xf32>
        %parallel_loop3A_1073 = arith.index_cast %parallel_loop3A_1033 : i32 to index
        %parallel_loop3A_1074 = arith.constant 80 : index
        %parallel_loop3A_1075 = tpu.vector_load %arg11[%parallel_loop3A_1073, %parallel_loop3A_1074] {strides = array<i32>} : memref<128x128xf32, #tpu.memory_space<vmem>>, vector<16xf32>,
        %parallel_loop3A_1076 = arith.index_cast %parallel_loop3A_1033 : i32 to index
        %parallel_loop3A_1077 = arith.constant 80 : index
        %parallel_loop3A_1078 = tpu.vector_load %arg12[%parallel_loop3A_1076, %parallel_loop3A_1077] {strides = array<i32>} : memref<128x128xf32, #tpu.memory_space<vmem>>, vector<16xf32>,
        %parallel_loop3A_1079 = arith.mulf %parallel_loop3A_1075, %parallel_loop3A_1078 : vector<16xf32>
        %parallel_loop3A_1080 = arith.addf %parallel_loop3A_1072, %parallel_loop3A_1079 : vector<16xf32>
        %parallel_loop3A_1081 = arith.index_cast %parallel_loop3A_1033 : i32 to index
        %parallel_loop3A_1082 = arith.constant 96 : index
        %parallel_loop3A_1083 = tpu.vector_load %arg11[%parallel_loop3A_1081, %parallel_loop3A_1082] {strides = array<i32>} : memref<128x128xf32, #tpu.memory_space<vmem>>, vector<16xf32>,
        %parallel_loop3A_1084 = arith.index_cast %parallel_loop3A_1033 : i32 to index
        %parallel_loop3A_1085 = arith.constant 96 : index
        %parallel_loop3A_1086 = tpu.vector_load %arg12[%parallel_loop3A_1084, %parallel_loop3A_1085] {strides = array<i32>} : memref<128x128xf32, #tpu.memory_space<vmem>>, vector<16xf32>,
        %parallel_loop3A_1087 = arith.mulf %parallel_loop3A_1083, %parallel_loop3A_1086 : vector<16xf32>
        %parallel_loop3A_1088 = arith.addf %parallel_loop3A_1080, %parallel_loop3A_1087 : vector<16xf32>
        %parallel_loop3A_1089 = arith.index_cast %parallel_loop3A_1033 : i32 to index
        %parallel_loop3A_1090 = arith.constant 112 : index
        %parallel_loop3A_1091 = tpu.vector_load %arg11[%parallel_loop3A_1089, %parallel_loop3A_1090] {strides = array<i32>} : memref<128x128xf32, #tpu.memory_space<vmem>>, vector<16xf32>,
        %parallel_loop3A_1092 = arith.index_cast %parallel_loop3A_1033 : i32 to index
        %parallel_loop3A_1093 = arith.constant 112 : index
        %parallel_loop3A_1094 = tpu.vector_load %arg12[%parallel_loop3A_1092, %parallel_loop3A_1093] {strides = array<i32>} : memref<128x128xf32, #tpu.memory_space<vmem>>, vector<16xf32>,
        %parallel_loop3A_1095 = arith.mulf %parallel_loop3A_1091, %parallel_loop3A_1094 : vector<16xf32>
        %parallel_loop3A_1096 = arith.addf %parallel_loop3A_1088, %parallel_loop3A_1095 : vector<16xf32>
        %parallel_loop3A_1097 = arith.constant 204 : i32
        %parallel_loop3A_1098 = arith.addi %parallel_loop3A_177, %parallel_loop3A_1097 : i32
        %parallel_loop3A_1099 = arith.index_cast %parallel_loop3A_1098 : i32 to index
        %parallel_loop3A_1100 = tpu.vector_load %arg18[%parallel_loop3A_1099] {strides = array<i32>} : memref<2176xf32, #tpu.memory_space<vmem>>, vector<16xf32>,
        tpu.vector_store %arg18[%parallel_loop3A_1099], %parallel_loop3A_1096 {strides = array<i32>} : memref<2176xf32, #tpu.memory_space<vmem>>, vector<16xf32>,
        %parallel_loop3A_1101 = arith.constant 16 : i32
        %parallel_loop3A_1102 = arith.muli %parallel_loop3A_175, %parallel_loop3A_1101 : i32
        %parallel_loop3A_1103 = arith.constant 13 : i32
        %parallel_loop3A_1104 = arith.addi %parallel_loop3A_1102, %parallel_loop3A_1103 : i32
        %parallel_loop3A_1105 = arith.index_cast %parallel_loop3A_1104 : i32 to index
        %parallel_loop3A_1106 = arith.constant 0 : index
        %parallel_loop3A_1107 = tpu.vector_load %arg11[%parallel_loop3A_1105, %parallel_loop3A_1106] {strides = array<i32>} : memref<128x128xf32, #tpu.memory_space<vmem>>, vector<16xf32>,
        %parallel_loop3A_1108 = arith.index_cast %parallel_loop3A_1104 : i32 to index
        %parallel_loop3A_1109 = arith.constant 0 : index
        %parallel_loop3A_1110 = tpu.vector_load %arg12[%parallel_loop3A_1108, %parallel_loop3A_1109] {strides = array<i32>} : memref<128x128xf32, #tpu.memory_space<vmem>>, vector<16xf32>,
        %parallel_loop3A_1111 = arith.mulf %parallel_loop3A_1107, %parallel_loop3A_1110 : vector<16xf32>
        %parallel_loop3A_1112 = arith.index_cast %parallel_loop3A_1104 : i32 to index
        %parallel_loop3A_1113 = arith.constant 16 : index
        %parallel_loop3A_1114 = tpu.vector_load %arg11[%parallel_loop3A_1112, %parallel_loop3A_1113] {strides = array<i32>} : memref<128x128xf32, #tpu.memory_space<vmem>>, vector<16xf32>,
        %parallel_loop3A_1115 = arith.index_cast %parallel_loop3A_1104 : i32 to index
        %parallel_loop3A_1116 = arith.constant 16 : index
        %parallel_loop3A_1117 = tpu.vector_load %arg12[%parallel_loop3A_1115, %parallel_loop3A_1116] {strides = array<i32>} : memref<128x128xf32, #tpu.memory_space<vmem>>, vector<16xf32>,
        %parallel_loop3A_1118 = arith.mulf %parallel_loop3A_1114, %parallel_loop3A_1117 : vector<16xf32>
        %parallel_loop3A_1119 = arith.addf %parallel_loop3A_1111, %parallel_loop3A_1118 : vector<16xf32>
        %parallel_loop3A_1120 = arith.index_cast %parallel_loop3A_1104 : i32 to index
        %parallel_loop3A_1121 = arith.constant 32 : index
        %parallel_loop3A_1122 = tpu.vector_load %arg11[%parallel_loop3A_1120, %parallel_loop3A_1121] {strides = array<i32>} : memref<128x128xf32, #tpu.memory_space<vmem>>, vector<16xf32>,
        %parallel_loop3A_1123 = arith.index_cast %parallel_loop3A_1104 : i32 to index
        %parallel_loop3A_1124 = arith.constant 32 : index
        %parallel_loop3A_1125 = tpu.vector_load %arg12[%parallel_loop3A_1123, %parallel_loop3A_1124] {strides = array<i32>} : memref<128x128xf32, #tpu.memory_space<vmem>>, vector<16xf32>,
        %parallel_loop3A_1126 = arith.mulf %parallel_loop3A_1122, %parallel_loop3A_1125 : vector<16xf32>
        %parallel_loop3A_1127 = arith.addf %parallel_loop3A_1119, %parallel_loop3A_1126 : vector<16xf32>
        %parallel_loop3A_1128 = arith.index_cast %parallel_loop3A_1104 : i32 to index
        %parallel_loop3A_1129 = arith.constant 48 : index
        %parallel_loop3A_1130 = tpu.vector_load %arg11[%parallel_loop3A_1128, %parallel_loop3A_1129] {strides = array<i32>} : memref<128x128xf32, #tpu.memory_space<vmem>>, vector<16xf32>,
        %parallel_loop3A_1131 = arith.index_cast %parallel_loop3A_1104 : i32 to index
        %parallel_loop3A_1132 = arith.constant 48 : index
        %parallel_loop3A_1133 = tpu.vector_load %arg12[%parallel_loop3A_1131, %parallel_loop3A_1132] {strides = array<i32>} : memref<128x128xf32, #tpu.memory_space<vmem>>, vector<16xf32>,
        %parallel_loop3A_1134 = arith.mulf %parallel_loop3A_1130, %parallel_loop3A_1133 : vector<16xf32>
        %parallel_loop3A_1135 = arith.addf %parallel_loop3A_1127, %parallel_loop3A_1134 : vector<16xf32>
        %parallel_loop3A_1136 = arith.index_cast %parallel_loop3A_1104 : i32 to index
        %parallel_loop3A_1137 = arith.constant 64 : index
        %parallel_loop3A_1138 = tpu.vector_load %arg11[%parallel_loop3A_1136, %parallel_loop3A_1137] {strides = array<i32>} : memref<128x128xf32, #tpu.memory_space<vmem>>, vector<16xf32>,
        %parallel_loop3A_1139 = arith.index_cast %parallel_loop3A_1104 : i32 to index
        %parallel_loop3A_1140 = arith.constant 64 : index
        %parallel_loop3A_1141 = tpu.vector_load %arg12[%parallel_loop3A_1139, %parallel_loop3A_1140] {strides = array<i32>} : memref<128x128xf32, #tpu.memory_space<vmem>>, vector<16xf32>,
        %parallel_loop3A_1142 = arith.mulf %parallel_loop3A_1138, %parallel_loop3A_1141 : vector<16xf32>
        %parallel_loop3A_1143 = arith.addf %parallel_loop3A_1135, %parallel_loop3A_1142 : vector<16xf32>
        %parallel_loop3A_1144 = arith.index_cast %parallel_loop3A_1104 : i32 to index
        %parallel_loop3A_1145 = arith.constant 80 : index
        %parallel_loop3A_1146 = tpu.vector_load %arg11[%parallel_loop3A_1144, %parallel_loop3A_1145] {strides = array<i32>} : memref<128x128xf32, #tpu.memory_space<vmem>>, vector<16xf32>,
        %parallel_loop3A_1147 = arith.index_cast %parallel_loop3A_1104 : i32 to index
        %parallel_loop3A_1148 = arith.constant 80 : index
        %parallel_loop3A_1149 = tpu.vector_load %arg12[%parallel_loop3A_1147, %parallel_loop3A_1148] {strides = array<i32>} : memref<128x128xf32, #tpu.memory_space<vmem>>, vector<16xf32>,
        %parallel_loop3A_1150 = arith.mulf %parallel_loop3A_1146, %parallel_loop3A_1149 : vector<16xf32>
        %parallel_loop3A_1151 = arith.addf %parallel_loop3A_1143, %parallel_loop3A_1150 : vector<16xf32>
        %parallel_loop3A_1152 = arith.index_cast %parallel_loop3A_1104 : i32 to index
        %parallel_loop3A_1153 = arith.constant 96 : index
        %parallel_loop3A_1154 = tpu.vector_load %arg11[%parallel_loop3A_1152, %parallel_loop3A_1153] {strides = array<i32>} : memref<128x128xf32, #tpu.memory_space<vmem>>, vector<16xf32>,
        %parallel_loop3A_1155 = arith.index_cast %parallel_loop3A_1104 : i32 to index
        %parallel_loop3A_1156 = arith.constant 96 : index
        %parallel_loop3A_1157 = tpu.vector_load %arg12[%parallel_loop3A_1155, %parallel_loop3A_1156] {strides = array<i32>} : memref<128x128xf32, #tpu.memory_space<vmem>>, vector<16xf32>,
        %parallel_loop3A_1158 = arith.mulf %parallel_loop3A_1154, %parallel_loop3A_1157 : vector<16xf32>
        %parallel_loop3A_1159 = arith.addf %parallel_loop3A_1151, %parallel_loop3A_1158 : vector<16xf32>
        %parallel_loop3A_1160 = arith.index_cast %parallel_loop3A_1104 : i32 to index
        %parallel_loop3A_1161 = arith.constant 112 : index
        %parallel_loop3A_1162 = tpu.vector_load %arg11[%parallel_loop3A_1160, %parallel_loop3A_1161] {strides = array<i32>} : memref<128x128xf32, #tpu.memory_space<vmem>>, vector<16xf32>,
        %parallel_loop3A_1163 = arith.index_cast %parallel_loop3A_1104 : i32 to index
        %parallel_loop3A_1164 = arith.constant 112 : index
        %parallel_loop3A_1165 = tpu.vector_load %arg12[%parallel_loop3A_1163, %parallel_loop3A_1164] {strides = array<i32>} : memref<128x128xf32, #tpu.memory_space<vmem>>, vector<16xf32>,
        %parallel_loop3A_1166 = arith.mulf %parallel_loop3A_1162, %parallel_loop3A_1165 : vector<16xf32>
        %parallel_loop3A_1167 = arith.addf %parallel_loop3A_1159, %parallel_loop3A_1166 : vector<16xf32>
        %parallel_loop3A_1168 = arith.constant 221 : i32
        %parallel_loop3A_1169 = arith.addi %parallel_loop3A_177, %parallel_loop3A_1168 : i32
        %parallel_loop3A_1170 = arith.index_cast %parallel_loop3A_1169 : i32 to index
        %parallel_loop3A_1171 = tpu.vector_load %arg18[%parallel_loop3A_1170] {strides = array<i32>} : memref<2176xf32, #tpu.memory_space<vmem>>, vector<16xf32>,
        tpu.vector_store %arg18[%parallel_loop3A_1170], %parallel_loop3A_1167 {strides = array<i32>} : memref<2176xf32, #tpu.memory_space<vmem>>, vector<16xf32>,
        %parallel_loop3A_1172 = arith.constant 16 : i32
        %parallel_loop3A_1173 = arith.muli %parallel_loop3A_175, %parallel_loop3A_1172 : i32
        %parallel_loop3A_1174 = arith.constant 14 : i32
        %parallel_loop3A_1175 = arith.addi %parallel_loop3A_1173, %parallel_loop3A_1174 : i32
        %parallel_loop3A_1176 = arith.index_cast %parallel_loop3A_1175 : i32 to index
        %parallel_loop3A_1177 = arith.constant 0 : index
        %parallel_loop3A_1178 = tpu.vector_load %arg11[%parallel_loop3A_1176, %parallel_loop3A_1177] {strides = array<i32>} : memref<128x128xf32, #tpu.memory_space<vmem>>, vector<16xf32>,
        %parallel_loop3A_1179 = arith.index_cast %parallel_loop3A_1175 : i32 to index
        %parallel_loop3A_1180 = arith.constant 0 : index
        %parallel_loop3A_1181 = tpu.vector_load %arg12[%parallel_loop3A_1179, %parallel_loop3A_1180] {strides = array<i32>} : memref<128x128xf32, #tpu.memory_space<vmem>>, vector<16xf32>,
        %parallel_loop3A_1182 = arith.mulf %parallel_loop3A_1178, %parallel_loop3A_1181 : vector<16xf32>
        %parallel_loop3A_1183 = arith.index_cast %parallel_loop3A_1175 : i32 to index
        %parallel_loop3A_1184 = arith.constant 16 : index
        %parallel_loop3A_1185 = tpu.vector_load %arg11[%parallel_loop3A_1183, %parallel_loop3A_1184] {strides = array<i32>} : memref<128x128xf32, #tpu.memory_space<vmem>>, vector<16xf32>,
        %parallel_loop3A_1186 = arith.index_cast %parallel_loop3A_1175 : i32 to index
        %parallel_loop3A_1187 = arith.constant 16 : index
        %parallel_loop3A_1188 = tpu.vector_load %arg12[%parallel_loop3A_1186, %parallel_loop3A_1187] {strides = array<i32>} : memref<128x128xf32, #tpu.memory_space<vmem>>, vector<16xf32>,
        %parallel_loop3A_1189 = arith.mulf %parallel_loop3A_1185, %parallel_loop3A_1188 : vector<16xf32>
        %parallel_loop3A_1190 = arith.addf %parallel_loop3A_1182, %parallel_loop3A_1189 : vector<16xf32>
        %parallel_loop3A_1191 = arith.index_cast %parallel_loop3A_1175 : i32 to index
        %parallel_loop3A_1192 = arith.constant 32 : index
        %parallel_loop3A_1193 = tpu.vector_load %arg11[%parallel_loop3A_1191, %parallel_loop3A_1192] {strides = array<i32>} : memref<128x128xf32, #tpu.memory_space<vmem>>, vector<16xf32>,
        %parallel_loop3A_1194 = arith.index_cast %parallel_loop3A_1175 : i32 to index
        %parallel_loop3A_1195 = arith.constant 32 : index
        %parallel_loop3A_1196 = tpu.vector_load %arg12[%parallel_loop3A_1194, %parallel_loop3A_1195] {strides = array<i32>} : memref<128x128xf32, #tpu.memory_space<vmem>>, vector<16xf32>,
        %parallel_loop3A_1197 = arith.mulf %parallel_loop3A_1193, %parallel_loop3A_1196 : vector<16xf32>
        %parallel_loop3A_1198 = arith.addf %parallel_loop3A_1190, %parallel_loop3A_1197 : vector<16xf32>
        %parallel_loop3A_1199 = arith.index_cast %parallel_loop3A_1175 : i32 to index
        %parallel_loop3A_1200 = arith.constant 48 : index
        %parallel_loop3A_1201 = tpu.vector_load %arg11[%parallel_loop3A_1199, %parallel_loop3A_1200] {strides = array<i32>} : memref<128x128xf32, #tpu.memory_space<vmem>>, vector<16xf32>,
        %parallel_loop3A_1202 = arith.index_cast %parallel_loop3A_1175 : i32 to index
        %parallel_loop3A_1203 = arith.constant 48 : index
        %parallel_loop3A_1204 = tpu.vector_load %arg12[%parallel_loop3A_1202, %parallel_loop3A_1203] {strides = array<i32>} : memref<128x128xf32, #tpu.memory_space<vmem>>, vector<16xf32>,
        %parallel_loop3A_1205 = arith.mulf %parallel_loop3A_1201, %parallel_loop3A_1204 : vector<16xf32>
        %parallel_loop3A_1206 = arith.addf %parallel_loop3A_1198, %parallel_loop3A_1205 : vector<16xf32>
        %parallel_loop3A_1207 = arith.index_cast %parallel_loop3A_1175 : i32 to index
        %parallel_loop3A_1208 = arith.constant 64 : index
        %parallel_loop3A_1209 = tpu.vector_load %arg11[%parallel_loop3A_1207, %parallel_loop3A_1208] {strides = array<i32>} : memref<128x128xf32, #tpu.memory_space<vmem>>, vector<16xf32>,
        %parallel_loop3A_1210 = arith.index_cast %parallel_loop3A_1175 : i32 to index
        %parallel_loop3A_1211 = arith.constant 64 : index
        %parallel_loop3A_1212 = tpu.vector_load %arg12[%parallel_loop3A_1210, %parallel_loop3A_1211] {strides = array<i32>} : memref<128x128xf32, #tpu.memory_space<vmem>>, vector<16xf32>,
        %parallel_loop3A_1213 = arith.mulf %parallel_loop3A_1209, %parallel_loop3A_1212 : vector<16xf32>
        %parallel_loop3A_1214 = arith.addf %parallel_loop3A_1206, %parallel_loop3A_1213 : vector<16xf32>
        %parallel_loop3A_1215 = arith.index_cast %parallel_loop3A_1175 : i32 to index
        %parallel_loop3A_1216 = arith.constant 80 : index
        %parallel_loop3A_1217 = tpu.vector_load %arg11[%parallel_loop3A_1215, %parallel_loop3A_1216] {strides = array<i32>} : memref<128x128xf32, #tpu.memory_space<vmem>>, vector<16xf32>,
        %parallel_loop3A_1218 = arith.index_cast %parallel_loop3A_1175 : i32 to index
        %parallel_loop3A_1219 = arith.constant 80 : index
        %parallel_loop3A_1220 = tpu.vector_load %arg12[%parallel_loop3A_1218, %parallel_loop3A_1219] {strides = array<i32>} : memref<128x128xf32, #tpu.memory_space<vmem>>, vector<16xf32>,
        %parallel_loop3A_1221 = arith.mulf %parallel_loop3A_1217, %parallel_loop3A_1220 : vector<16xf32>
        %parallel_loop3A_1222 = arith.addf %parallel_loop3A_1214, %parallel_loop3A_1221 : vector<16xf32>
        %parallel_loop3A_1223 = arith.index_cast %parallel_loop3A_1175 : i32 to index
        %parallel_loop3A_1224 = arith.constant 96 : index
        %parallel_loop3A_1225 = tpu.vector_load %arg11[%parallel_loop3A_1223, %parallel_loop3A_1224] {strides = array<i32>} : memref<128x128xf32, #tpu.memory_space<vmem>>, vector<16xf32>,
        %parallel_loop3A_1226 = arith.index_cast %parallel_loop3A_1175 : i32 to index
        %parallel_loop3A_1227 = arith.constant 96 : index
        %parallel_loop3A_1228 = tpu.vector_load %arg12[%parallel_loop3A_1226, %parallel_loop3A_1227] {strides = array<i32>} : memref<128x128xf32, #tpu.memory_space<vmem>>, vector<16xf32>,
        %parallel_loop3A_1229 = arith.mulf %parallel_loop3A_1225, %parallel_loop3A_1228 : vector<16xf32>
        %parallel_loop3A_1230 = arith.addf %parallel_loop3A_1222, %parallel_loop3A_1229 : vector<16xf32>
        %parallel_loop3A_1231 = arith.index_cast %parallel_loop3A_1175 : i32 to index
        %parallel_loop3A_1232 = arith.constant 112 : index
        %parallel_loop3A_1233 = tpu.vector_load %arg11[%parallel_loop3A_1231, %parallel_loop3A_1232] {strides = array<i32>} : memref<128x128xf32, #tpu.memory_space<vmem>>, vector<16xf32>,
        %parallel_loop3A_1234 = arith.index_cast %parallel_loop3A_1175 : i32 to index
        %parallel_loop3A_1235 = arith.constant 112 : index
        %parallel_loop3A_1236 = tpu.vector_load %arg12[%parallel_loop3A_1234, %parallel_loop3A_1235] {strides = array<i32>} : memref<128x128xf32, #tpu.memory_space<vmem>>, vector<16xf32>,
        %parallel_loop3A_1237 = arith.mulf %parallel_loop3A_1233, %parallel_loop3A_1236 : vector<16xf32>
        %parallel_loop3A_1238 = arith.addf %parallel_loop3A_1230, %parallel_loop3A_1237 : vector<16xf32>
        %parallel_loop3A_1239 = arith.constant 238 : i32
        %parallel_loop3A_1240 = arith.addi %parallel_loop3A_177, %parallel_loop3A_1239 : i32
        %parallel_loop3A_1241 = arith.index_cast %parallel_loop3A_1240 : i32 to index
        %parallel_loop3A_1242 = tpu.vector_load %arg18[%parallel_loop3A_1241] {strides = array<i32>} : memref<2176xf32, #tpu.memory_space<vmem>>, vector<16xf32>,
        tpu.vector_store %arg18[%parallel_loop3A_1241], %parallel_loop3A_1238 {strides = array<i32>} : memref<2176xf32, #tpu.memory_space<vmem>>, vector<16xf32>,
        %parallel_loop3A_1243 = arith.constant 16 : i32
        %parallel_loop3A_1244 = arith.muli %parallel_loop3A_175, %parallel_loop3A_1243 : i32
        %parallel_loop3A_1245 = arith.constant 15 : i32
        %parallel_loop3A_1246 = arith.addi %parallel_loop3A_1244, %parallel_loop3A_1245 : i32
        %parallel_loop3A_1247 = arith.index_cast %parallel_loop3A_1246 : i32 to index
        %parallel_loop3A_1248 = arith.constant 0 : index
        %parallel_loop3A_1249 = tpu.vector_load %arg11[%parallel_loop3A_1247, %parallel_loop3A_1248] {strides = array<i32>} : memref<128x128xf32, #tpu.memory_space<vmem>>, vector<16xf32>,
        %parallel_loop3A_1250 = arith.index_cast %parallel_loop3A_1246 : i32 to index
        %parallel_loop3A_1251 = arith.constant 0 : index
        %parallel_loop3A_1252 = tpu.vector_load %arg12[%parallel_loop3A_1250, %parallel_loop3A_1251] {strides = array<i32>} : memref<128x128xf32, #tpu.memory_space<vmem>>, vector<16xf32>,
        %parallel_loop3A_1253 = arith.mulf %parallel_loop3A_1249, %parallel_loop3A_1252 : vector<16xf32>
        %parallel_loop3A_1254 = arith.index_cast %parallel_loop3A_1246 : i32 to index
        %parallel_loop3A_1255 = arith.constant 16 : index
        %parallel_loop3A_1256 = tpu.vector_load %arg11[%parallel_loop3A_1254, %parallel_loop3A_1255] {strides = array<i32>} : memref<128x128xf32, #tpu.memory_space<vmem>>, vector<16xf32>,
        %parallel_loop3A_1257 = arith.index_cast %parallel_loop3A_1246 : i32 to index
        %parallel_loop3A_1258 = arith.constant 16 : index
        %parallel_loop3A_1259 = tpu.vector_load %arg12[%parallel_loop3A_1257, %parallel_loop3A_1258] {strides = array<i32>} : memref<128x128xf32, #tpu.memory_space<vmem>>, vector<16xf32>,
        %parallel_loop3A_1260 = arith.mulf %parallel_loop3A_1256, %parallel_loop3A_1259 : vector<16xf32>
        %parallel_loop3A_1261 = arith.addf %parallel_loop3A_1253, %parallel_loop3A_1260 : vector<16xf32>
        %parallel_loop3A_1262 = arith.index_cast %parallel_loop3A_1246 : i32 to index
        %parallel_loop3A_1263 = arith.constant 32 : index
        %parallel_loop3A_1264 = tpu.vector_load %arg11[%parallel_loop3A_1262, %parallel_loop3A_1263] {strides = array<i32>} : memref<128x128xf32, #tpu.memory_space<vmem>>, vector<16xf32>,
        %parallel_loop3A_1265 = arith.index_cast %parallel_loop3A_1246 : i32 to index
        %parallel_loop3A_1266 = arith.constant 32 : index
        %parallel_loop3A_1267 = tpu.vector_load %arg12[%parallel_loop3A_1265, %parallel_loop3A_1266] {strides = array<i32>} : memref<128x128xf32, #tpu.memory_space<vmem>>, vector<16xf32>,
        %parallel_loop3A_1268 = arith.mulf %parallel_loop3A_1264, %parallel_loop3A_1267 : vector<16xf32>
        %parallel_loop3A_1269 = arith.addf %parallel_loop3A_1261, %parallel_loop3A_1268 : vector<16xf32>
        %parallel_loop3A_1270 = arith.index_cast %parallel_loop3A_1246 : i32 to index
        %parallel_loop3A_1271 = arith.constant 48 : index
        %parallel_loop3A_1272 = tpu.vector_load %arg11[%parallel_loop3A_1270, %parallel_loop3A_1271] {strides = array<i32>} : memref<128x128xf32, #tpu.memory_space<vmem>>, vector<16xf32>,
        %parallel_loop3A_1273 = arith.index_cast %parallel_loop3A_1246 : i32 to index
        %parallel_loop3A_1274 = arith.constant 48 : index
        %parallel_loop3A_1275 = tpu.vector_load %arg12[%parallel_loop3A_1273, %parallel_loop3A_1274] {strides = array<i32>} : memref<128x128xf32, #tpu.memory_space<vmem>>, vector<16xf32>,
        %parallel_loop3A_1276 = arith.mulf %parallel_loop3A_1272, %parallel_loop3A_1275 : vector<16xf32>
        %parallel_loop3A_1277 = arith.addf %parallel_loop3A_1269, %parallel_loop3A_1276 : vector<16xf32>
        %parallel_loop3A_1278 = arith.index_cast %parallel_loop3A_1246 : i32 to index
        %parallel_loop3A_1279 = arith.constant 64 : index
        %parallel_loop3A_1280 = tpu.vector_load %arg11[%parallel_loop3A_1278, %parallel_loop3A_1279] {strides = array<i32>} : memref<128x128xf32, #tpu.memory_space<vmem>>, vector<16xf32>,
        %parallel_loop3A_1281 = arith.index_cast %parallel_loop3A_1246 : i32 to index
        %parallel_loop3A_1282 = arith.constant 64 : index
        %parallel_loop3A_1283 = tpu.vector_load %arg12[%parallel_loop3A_1281, %parallel_loop3A_1282] {strides = array<i32>} : memref<128x128xf32, #tpu.memory_space<vmem>>, vector<16xf32>,
        %parallel_loop3A_1284 = arith.mulf %parallel_loop3A_1280, %parallel_loop3A_1283 : vector<16xf32>
        %parallel_loop3A_1285 = arith.addf %parallel_loop3A_1277, %parallel_loop3A_1284 : vector<16xf32>
        %parallel_loop3A_1286 = arith.index_cast %parallel_loop3A_1246 : i32 to index
        %parallel_loop3A_1287 = arith.constant 80 : index
        %parallel_loop3A_1288 = tpu.vector_load %arg11[%parallel_loop3A_1286, %parallel_loop3A_1287] {strides = array<i32>} : memref<128x128xf32, #tpu.memory_space<vmem>>, vector<16xf32>,
        %parallel_loop3A_1289 = arith.index_cast %parallel_loop3A_1246 : i32 to index
        %parallel_loop3A_1290 = arith.constant 80 : index
        %parallel_loop3A_1291 = tpu.vector_load %arg12[%parallel_loop3A_1289, %parallel_loop3A_1290] {strides = array<i32>} : memref<128x128xf32, #tpu.memory_space<vmem>>, vector<16xf32>,
        %parallel_loop3A_1292 = arith.mulf %parallel_loop3A_1288, %parallel_loop3A_1291 : vector<16xf32>
        %parallel_loop3A_1293 = arith.addf %parallel_loop3A_1285, %parallel_loop3A_1292 : vector<16xf32>
        %parallel_loop3A_1294 = arith.index_cast %parallel_loop3A_1246 : i32 to index
        %parallel_loop3A_1295 = arith.constant 96 : index
        %parallel_loop3A_1296 = tpu.vector_load %arg11[%parallel_loop3A_1294, %parallel_loop3A_1295] {strides = array<i32>} : memref<128x128xf32, #tpu.memory_space<vmem>>, vector<16xf32>,
        %parallel_loop3A_1297 = arith.index_cast %parallel_loop3A_1246 : i32 to index
        %parallel_loop3A_1298 = arith.constant 96 : index
        %parallel_loop3A_1299 = tpu.vector_load %arg12[%parallel_loop3A_1297, %parallel_loop3A_1298] {strides = array<i32>} : memref<128x128xf32, #tpu.memory_space<vmem>>, vector<16xf32>,
        %parallel_loop3A_1300 = arith.mulf %parallel_loop3A_1296, %parallel_loop3A_1299 : vector<16xf32>
        %parallel_loop3A_1301 = arith.addf %parallel_loop3A_1293, %parallel_loop3A_1300 : vector<16xf32>
        %parallel_loop3A_1302 = arith.index_cast %parallel_loop3A_1246 : i32 to index
        %parallel_loop3A_1303 = arith.constant 112 : index
        %parallel_loop3A_1304 = tpu.vector_load %arg11[%parallel_loop3A_1302, %parallel_loop3A_1303] {strides = array<i32>} : memref<128x128xf32, #tpu.memory_space<vmem>>, vector<16xf32>,
        %parallel_loop3A_1305 = arith.index_cast %parallel_loop3A_1246 : i32 to index
        %parallel_loop3A_1306 = arith.constant 112 : index
        %parallel_loop3A_1307 = tpu.vector_load %arg12[%parallel_loop3A_1305, %parallel_loop3A_1306] {strides = array<i32>} : memref<128x128xf32, #tpu.memory_space<vmem>>, vector<16xf32>,
        %parallel_loop3A_1308 = arith.mulf %parallel_loop3A_1304, %parallel_loop3A_1307 : vector<16xf32>
        %parallel_loop3A_1309 = arith.addf %parallel_loop3A_1301, %parallel_loop3A_1308 : vector<16xf32>
        %parallel_loop3A_1310 = arith.constant 255 : i32
        %parallel_loop3A_1311 = arith.addi %parallel_loop3A_177, %parallel_loop3A_1310 : i32
        %parallel_loop3A_1312 = arith.index_cast %parallel_loop3A_1311 : i32 to index
        %parallel_loop3A_1313 = tpu.vector_load %arg18[%parallel_loop3A_1312] {strides = array<i32>} : memref<2176xf32, #tpu.memory_space<vmem>>, vector<16xf32>,
        tpu.vector_store %arg18[%parallel_loop3A_1312], %parallel_loop3A_1309 {strides = array<i32>} : memref<2176xf32, #tpu.memory_space<vmem>>, vector<16xf32>,
        %parallel_loop3A_1314 = arith.constant 128 : i32
        %parallel_loop3A_1315 = arith.muli %mul3A_129, %parallel_loop3A_1314 : i32
        %parallel_loop3A_1316 = arith.constant 16 : i32
        %parallel_loop3A_1317 = arith.muli %parallel_loop3A_175, %parallel_loop3A_1316 : i32
        %parallel_loop3A_1318 = arith.addi %parallel_loop3A_1315, %parallel_loop3A_1317 : i32
        %parallel_loop3A_1319 = arith.index_cast %parallel_loop3A_1318 : i32 to index
        %parallel_loop3A_1320 = tpu.vector_load %arg15[%parallel_loop3A_1319] {strides = array<i32>} : memref<512xf32, #tpu.memory_space<vmem>>, vector<16xf32>,
        %parallel_loop3A_1321 = arith.index_cast %parallel_loop3A_1318 : i32 to index
        %parallel_loop3A_1322 = tpu.vector_load %arg16[%parallel_loop3A_1321] {strides = array<i32>} : memref<512xf32, #tpu.memory_space<vmem>>, vector<16xf32>,
        %parallel_loop3A_1323 = arith.addf %parallel_loop3A_1320, %parallel_loop3A_1322 : vector<16xf32>
        %parallel_loop3A_1324 = vector.broadcast %parallel_loop3A_177 : i32 to vector<16xi32>
        %parallel_loop3A_1325 = arith.addi %parallel_loop3A_1324, %mul3A_5 : vector<16xi32>
        %parallel_loop3A_1326 = arith.constant 0 : i32
        %parallel_loop3A_1327 = vector.broadcast %parallel_loop3A_1326 : i32 to vector<16xi32>
        %parallel_loop3A_1328 = arith.addi %parallel_loop3A_1325, %parallel_loop3A_1327 : vector<16xi32>
        %parallel_loop3A_1329 = tpu.vector_load_idx %arg18[%parallel_loop3A_1328] : memref<2176xf32, #tpu.memory_space<vmem>>[vector<16xi32>], vector<16xf32>,
        %parallel_loop3A_1330 = arith.addf %parallel_loop3A_1323, %parallel_loop3A_1329 : vector<16xf32>
        %parallel_loop3A_1331 = vector.broadcast %parallel_loop3A_177 : i32 to vector<16xi32>
        %parallel_loop3A_1332 = arith.addi %parallel_loop3A_1331, %mul3A_5 : vector<16xi32>
        %parallel_loop3A_1333 = arith.constant 1 : i32
        %parallel_loop3A_1334 = vector.broadcast %parallel_loop3A_1333 : i32 to vector<16xi32>
        %parallel_loop3A_1335 = arith.addi %parallel_loop3A_1332, %parallel_loop3A_1334 : vector<16xi32>
        %parallel_loop3A_1336 = tpu.vector_load_idx %arg18[%parallel_loop3A_1335] : memref<2176xf32, #tpu.memory_space<vmem>>[vector<16xi32>], vector<16xf32>,
        %parallel_loop3A_1337 = arith.addf %parallel_loop3A_1330, %parallel_loop3A_1336 : vector<16xf32>
        %parallel_loop3A_1338 = vector.broadcast %parallel_loop3A_177 : i32 to vector<16xi32>
        %parallel_loop3A_1339 = arith.addi %parallel_loop3A_1338, %mul3A_5 : vector<16xi32>
        %parallel_loop3A_1340 = arith.constant 2 : i32
        %parallel_loop3A_1341 = vector.broadcast %parallel_loop3A_1340 : i32 to vector<16xi32>
        %parallel_loop3A_1342 = arith.addi %parallel_loop3A_1339, %parallel_loop3A_1341 : vector<16xi32>
        %parallel_loop3A_1343 = tpu.vector_load_idx %arg18[%parallel_loop3A_1342] : memref<2176xf32, #tpu.memory_space<vmem>>[vector<16xi32>], vector<16xf32>,
        %parallel_loop3A_1344 = arith.addf %parallel_loop3A_1337, %parallel_loop3A_1343 : vector<16xf32>
        %parallel_loop3A_1345 = vector.broadcast %parallel_loop3A_177 : i32 to vector<16xi32>
        %parallel_loop3A_1346 = arith.addi %parallel_loop3A_1345, %mul3A_5 : vector<16xi32>
        %parallel_loop3A_1347 = arith.constant 3 : i32
        %parallel_loop3A_1348 = vector.broadcast %parallel_loop3A_1347 : i32 to vector<16xi32>
        %parallel_loop3A_1349 = arith.addi %parallel_loop3A_1346, %parallel_loop3A_1348 : vector<16xi32>
        %parallel_loop3A_1350 = tpu.vector_load_idx %arg18[%parallel_loop3A_1349] : memref<2176xf32, #tpu.memory_space<vmem>>[vector<16xi32>], vector<16xf32>,
        %parallel_loop3A_1351 = arith.addf %parallel_loop3A_1344, %parallel_loop3A_1350 : vector<16xf32>
        %parallel_loop3A_1352 = vector.broadcast %parallel_loop3A_177 : i32 to vector<16xi32>
        %parallel_loop3A_1353 = arith.addi %parallel_loop3A_1352, %mul3A_5 : vector<16xi32>
        %parallel_loop3A_1354 = arith.constant 4 : i32
        %parallel_loop3A_1355 = vector.broadcast %parallel_loop3A_1354 : i32 to vector<16xi32>
        %parallel_loop3A_1356 = arith.addi %parallel_loop3A_1353, %parallel_loop3A_1355 : vector<16xi32>
        %parallel_loop3A_1357 = tpu.vector_load_idx %arg18[%parallel_loop3A_1356] : memref<2176xf32, #tpu.memory_space<vmem>>[vector<16xi32>], vector<16xf32>,
        %parallel_loop3A_1358 = arith.addf %parallel_loop3A_1351, %parallel_loop3A_1357 : vector<16xf32>
        %parallel_loop3A_1359 = vector.broadcast %parallel_loop3A_177 : i32 to vector<16xi32>
        %parallel_loop3A_1360 = arith.addi %parallel_loop3A_1359, %mul3A_5 : vector<16xi32>
        %parallel_loop3A_1361 = arith.constant 5 : i32
        %parallel_loop3A_1362 = vector.broadcast %parallel_loop3A_1361 : i32 to vector<16xi32>
        %parallel_loop3A_1363 = arith.addi %parallel_loop3A_1360, %parallel_loop3A_1362 : vector<16xi32>
        %parallel_loop3A_1364 = tpu.vector_load_idx %arg18[%parallel_loop3A_1363] : memref<2176xf32, #tpu.memory_space<vmem>>[vector<16xi32>], vector<16xf32>,
        %parallel_loop3A_1365 = arith.addf %parallel_loop3A_1358, %parallel_loop3A_1364 : vector<16xf32>
        %parallel_loop3A_1366 = vector.broadcast %parallel_loop3A_177 : i32 to vector<16xi32>
        %parallel_loop3A_1367 = arith.addi %parallel_loop3A_1366, %mul3A_5 : vector<16xi32>
        %parallel_loop3A_1368 = arith.constant 6 : i32
        %parallel_loop3A_1369 = vector.broadcast %parallel_loop3A_1368 : i32 to vector<16xi32>
        %parallel_loop3A_1370 = arith.addi %parallel_loop3A_1367, %parallel_loop3A_1369 : vector<16xi32>
        %parallel_loop3A_1371 = tpu.vector_load_idx %arg18[%parallel_loop3A_1370] : memref<2176xf32, #tpu.memory_space<vmem>>[vector<16xi32>], vector<16xf32>,
        %parallel_loop3A_1372 = arith.addf %parallel_loop3A_1365, %parallel_loop3A_1371 : vector<16xf32>
        %parallel_loop3A_1373 = vector.broadcast %parallel_loop3A_177 : i32 to vector<16xi32>
        %parallel_loop3A_1374 = arith.addi %parallel_loop3A_1373, %mul3A_5 : vector<16xi32>
        %parallel_loop3A_1375 = arith.constant 7 : i32
        %parallel_loop3A_1376 = vector.broadcast %parallel_loop3A_1375 : i32 to vector<16xi32>
        %parallel_loop3A_1377 = arith.addi %parallel_loop3A_1374, %parallel_loop3A_1376 : vector<16xi32>
        %parallel_loop3A_1378 = tpu.vector_load_idx %arg18[%parallel_loop3A_1377] : memref<2176xf32, #tpu.memory_space<vmem>>[vector<16xi32>], vector<16xf32>,
        %parallel_loop3A_1379 = arith.addf %parallel_loop3A_1372, %parallel_loop3A_1378 : vector<16xf32>
        %parallel_loop3A_1380 = vector.broadcast %parallel_loop3A_177 : i32 to vector<16xi32>
        %parallel_loop3A_1381 = arith.addi %parallel_loop3A_1380, %mul3A_5 : vector<16xi32>
        %parallel_loop3A_1382 = arith.constant 8 : i32
        %parallel_loop3A_1383 = vector.broadcast %parallel_loop3A_1382 : i32 to vector<16xi32>
        %parallel_loop3A_1384 = arith.addi %parallel_loop3A_1381, %parallel_loop3A_1383 : vector<16xi32>
        %parallel_loop3A_1385 = tpu.vector_load_idx %arg18[%parallel_loop3A_1384] : memref<2176xf32, #tpu.memory_space<vmem>>[vector<16xi32>], vector<16xf32>,
        %parallel_loop3A_1386 = arith.addf %parallel_loop3A_1379, %parallel_loop3A_1385 : vector<16xf32>
        %parallel_loop3A_1387 = vector.broadcast %parallel_loop3A_177 : i32 to vector<16xi32>
        %parallel_loop3A_1388 = arith.addi %parallel_loop3A_1387, %mul3A_5 : vector<16xi32>
        %parallel_loop3A_1389 = arith.constant 9 : i32
        %parallel_loop3A_1390 = vector.broadcast %parallel_loop3A_1389 : i32 to vector<16xi32>
        %parallel_loop3A_1391 = arith.addi %parallel_loop3A_1388, %parallel_loop3A_1390 : vector<16xi32>
        %parallel_loop3A_1392 = tpu.vector_load_idx %arg18[%parallel_loop3A_1391] : memref<2176xf32, #tpu.memory_space<vmem>>[vector<16xi32>], vector<16xf32>,
        %parallel_loop3A_1393 = arith.addf %parallel_loop3A_1386, %parallel_loop3A_1392 : vector<16xf32>
        %parallel_loop3A_1394 = vector.broadcast %parallel_loop3A_177 : i32 to vector<16xi32>
        %parallel_loop3A_1395 = arith.addi %parallel_loop3A_1394, %mul3A_5 : vector<16xi32>
        %parallel_loop3A_1396 = arith.constant 10 : i32
        %parallel_loop3A_1397 = vector.broadcast %parallel_loop3A_1396 : i32 to vector<16xi32>
        %parallel_loop3A_1398 = arith.addi %parallel_loop3A_1395, %parallel_loop3A_1397 : vector<16xi32>
        %parallel_loop3A_1399 = tpu.vector_load_idx %arg18[%parallel_loop3A_1398] : memref<2176xf32, #tpu.memory_space<vmem>>[vector<16xi32>], vector<16xf32>,
        %parallel_loop3A_1400 = arith.addf %parallel_loop3A_1393, %parallel_loop3A_1399 : vector<16xf32>
        %parallel_loop3A_1401 = vector.broadcast %parallel_loop3A_177 : i32 to vector<16xi32>
        %parallel_loop3A_1402 = arith.addi %parallel_loop3A_1401, %mul3A_5 : vector<16xi32>
        %parallel_loop3A_1403 = arith.constant 11 : i32
        %parallel_loop3A_1404 = vector.broadcast %parallel_loop3A_1403 : i32 to vector<16xi32>
        %parallel_loop3A_1405 = arith.addi %parallel_loop3A_1402, %parallel_loop3A_1404 : vector<16xi32>
        %parallel_loop3A_1406 = tpu.vector_load_idx %arg18[%parallel_loop3A_1405] : memref<2176xf32, #tpu.memory_space<vmem>>[vector<16xi32>], vector<16xf32>,
        %parallel_loop3A_1407 = arith.addf %parallel_loop3A_1400, %parallel_loop3A_1406 : vector<16xf32>
        %parallel_loop3A_1408 = vector.broadcast %parallel_loop3A_177 : i32 to vector<16xi32>
        %parallel_loop3A_1409 = arith.addi %parallel_loop3A_1408, %mul3A_5 : vector<16xi32>
        %parallel_loop3A_1410 = arith.constant 12 : i32
        %parallel_loop3A_1411 = vector.broadcast %parallel_loop3A_1410 : i32 to vector<16xi32>
        %parallel_loop3A_1412 = arith.addi %parallel_loop3A_1409, %parallel_loop3A_1411 : vector<16xi32>
        %parallel_loop3A_1413 = tpu.vector_load_idx %arg18[%parallel_loop3A_1412] : memref<2176xf32, #tpu.memory_space<vmem>>[vector<16xi32>], vector<16xf32>,
        %parallel_loop3A_1414 = arith.addf %parallel_loop3A_1407, %parallel_loop3A_1413 : vector<16xf32>
        %parallel_loop3A_1415 = vector.broadcast %parallel_loop3A_177 : i32 to vector<16xi32>
        %parallel_loop3A_1416 = arith.addi %parallel_loop3A_1415, %mul3A_5 : vector<16xi32>
        %parallel_loop3A_1417 = arith.constant 13 : i32
        %parallel_loop3A_1418 = vector.broadcast %parallel_loop3A_1417 : i32 to vector<16xi32>
        %parallel_loop3A_1419 = arith.addi %parallel_loop3A_1416, %parallel_loop3A_1418 : vector<16xi32>
        %parallel_loop3A_1420 = tpu.vector_load_idx %arg18[%parallel_loop3A_1419] : memref<2176xf32, #tpu.memory_space<vmem>>[vector<16xi32>], vector<16xf32>,
        %parallel_loop3A_1421 = arith.addf %parallel_loop3A_1414, %parallel_loop3A_1420 : vector<16xf32>
        %parallel_loop3A_1422 = vector.broadcast %parallel_loop3A_177 : i32 to vector<16xi32>
        %parallel_loop3A_1423 = arith.addi %parallel_loop3A_1422, %mul3A_5 : vector<16xi32>
        %parallel_loop3A_1424 = arith.constant 14 : i32
        %parallel_loop3A_1425 = vector.broadcast %parallel_loop3A_1424 : i32 to vector<16xi32>
        %parallel_loop3A_1426 = arith.addi %parallel_loop3A_1423, %parallel_loop3A_1425 : vector<16xi32>
        %parallel_loop3A_1427 = tpu.vector_load_idx %arg18[%parallel_loop3A_1426] : memref<2176xf32, #tpu.memory_space<vmem>>[vector<16xi32>], vector<16xf32>,
        %parallel_loop3A_1428 = arith.addf %parallel_loop3A_1421, %parallel_loop3A_1427 : vector<16xf32>
        %parallel_loop3A_1429 = vector.broadcast %parallel_loop3A_177 : i32 to vector<16xi32>
        %parallel_loop3A_1430 = arith.addi %parallel_loop3A_1429, %mul3A_5 : vector<16xi32>
        %parallel_loop3A_1431 = arith.constant 15 : i32
        %parallel_loop3A_1432 = vector.broadcast %parallel_loop3A_1431 : i32 to vector<16xi32>
        %parallel_loop3A_1433 = arith.addi %parallel_loop3A_1430, %parallel_loop3A_1432 : vector<16xi32>
        %parallel_loop3A_1434 = tpu.vector_load_idx %arg18[%parallel_loop3A_1433] : memref<2176xf32, #tpu.memory_space<vmem>>[vector<16xi32>], vector<16xf32>,
        %parallel_loop3A_1435 = arith.addf %parallel_loop3A_1428, %parallel_loop3A_1434 : vector<16xf32>
        %parallel_loop3A_1436 = arith.index_cast %parallel_loop3A_1318 : i32 to index
        %parallel_loop3A_1437 = tpu.vector_load %arg17[%parallel_loop3A_1436] {strides = array<i32>} : memref<512xf32, #tpu.memory_space<vmem>>, vector<16xf32>,
        tpu.vector_store %arg17[%parallel_loop3A_1436], %parallel_loop3A_1435 {strides = array<i32>} : memref<512xf32, #tpu.memory_space<vmem>>, vector<16xf32>,
      } {sc.loop_unroll_factor = 2 : i64, sc.parallel_access}
      %add3A_155 = arith.constant 2 : i32
      %add3A_156 = arith.addi %mul3A_129, %add3A_155 : i32
      %lt3A = arith.constant 4 : i32
      %lt3A_157 = arith.cmpi slt, %add3A_156, %lt3A : i32
      %convert_element_type3A = arith.extui %lt3A_157 : i1 to i32
      %cond3A = arith.constant 0 : i32
      %cond3A_158 = arith.cmpi ne, %convert_element_type3A, %cond3A : i32
      scf.if %cond3A_158 {
        %add3A_175 = arith.constant 2 : i32
        %add3A_176 = arith.addi %mul3A_129, %add3A_175 : i32
        %mul3A_177 = arith.constant 128 : i32
        %mul3A_178 = arith.muli %add3A_176, %mul3A_177 : i32
        %dma_start3A_179 = tpu.memref_slice %arg8[%mul3A_178] : memref<512xi32, #tpu.memory_space<vmem>> -> memref<128xi32, #tpu.memory_space<vmem>>
        %dma_start3A_180 = arith.constant 0 : i32
        %dma_start3A_181 = arith.constant 0 : i32
        %dma_start3A_182 = tpu.memref_slice %arg4[%dma_start3A_180, %dma_start3A_181] : memref<100000x128xf32, #tpu.memory_space<hbm>> -> memref<100000x128xf32, #tpu.memory_space<hbm>>
        tpu.enqueue_indirect_dma source(%dma_start3A_182 : memref<100000x128xf32, #tpu.memory_space<hbm>>) target(%arg11 : memref<128x128xf32, #tpu.memory_space<vmem>>) offsets(%dma_start3A_179 : memref<128xi32, #tpu.memory_space<vmem>>) semaphore(%arg21 : memref<!tpu.dma_semaphore, #tpu.memory_space<semaphore_mem>>)
        %dma_start3A_183 = tpu.memref_slice %arg9[%mul3A_178] : memref<512xi32, #tpu.memory_space<vmem>> -> memref<128xi32, #tpu.memory_space<vmem>>
        %dma_start3A_184 = arith.constant 0 : i32
        %dma_start3A_185 = arith.constant 0 : i32
        %dma_start3A_186 = tpu.memref_slice %arg5[%dma_start3A_184, %dma_start3A_185] : memref<100000x128xf32, #tpu.memory_space<hbm>> -> memref<100000x128xf32, #tpu.memory_space<hbm>>
        tpu.enqueue_indirect_dma source(%dma_start3A_186 : memref<100000x128xf32, #tpu.memory_space<hbm>>) target(%arg12 : memref<128x128xf32, #tpu.memory_space<vmem>>) offsets(%dma_start3A_183 : memref<128xi32, #tpu.memory_space<vmem>>) semaphore(%arg22 : memref<!tpu.dma_semaphore, #tpu.memory_space<semaphore_mem>>)
      } else {
      }
      %dma_wait3A_159 = arith.constant 0 : i32
      %dma_wait3A_160 = tpu.memref_slice %arg8[%dma_wait3A_159] : memref<512xi32, #tpu.memory_space<vmem>> -> memref<128xi32, #tpu.memory_space<vmem>>
      %dma_wait3A_161 = arith.constant 0 : i32
      %dma_wait3A_162 = arith.constant 0 : i32
      %dma_wait3A_163 = tpu.memref_slice %arg4[%dma_wait3A_161, %dma_wait3A_162] : memref<100000x128xf32, #tpu.memory_space<hbm>> -> memref<100000x128xf32, #tpu.memory_space<hbm>>
      tpu.wait_indirect_dma semaphore(%arg23 : memref<!tpu.dma_semaphore, #tpu.memory_space<semaphore_mem>>) src(%dma_wait3A_163 : memref<100000x128xf32, #tpu.memory_space<hbm>>) dst(%arg13 : memref<128x128xf32, #tpu.memory_space<vmem>>)
      %dma_wait3A_164 = arith.constant 0 : i32
      %dma_wait3A_165 = tpu.memref_slice %arg9[%dma_wait3A_164] : memref<512xi32, #tpu.memory_space<vmem>> -> memref<128xi32, #tpu.memory_space<vmem>>
      %dma_wait3A_166 = arith.constant 0 : i32
      %dma_wait3A_167 = arith.constant 0 : i32
      %dma_wait3A_168 = tpu.memref_slice %arg5[%dma_wait3A_166, %dma_wait3A_167] : memref<100000x128xf32, #tpu.memory_space<hbm>> -> memref<100000x128xf32, #tpu.memory_space<hbm>>
      tpu.wait_indirect_dma semaphore(%arg24 : memref<!tpu.dma_semaphore, #tpu.memory_space<semaphore_mem>>) src(%dma_wait3A_168 : memref<100000x128xf32, #tpu.memory_space<hbm>>) dst(%arg14 : memref<128x128xf32, #tpu.memory_space<vmem>>)
      %add3A_169 = arith.constant 1 : i32
      %add3A_170 = arith.addi %mul3A_129, %add3A_169 : i32
      %parallel_loop3A_171 = arith.constant 0 : i32
      %parallel_loop3A_172 = arith.constant 8 : i32
      %parallel_loop3A_173 = arith.constant 1 : i32
      scf.for %parallel_loop3A_175 = %parallel_loop3A_171 to %parallel_loop3A_172 step %parallel_loop3A_173  : i32 {
        %parallel_loop3A_176 = arith.constant 272 : i32
        %parallel_loop3A_177 = arith.muli %parallel_loop3A_175, %parallel_loop3A_176 : i32
        %parallel_loop3A_178 = arith.constant 16 : i32
        %parallel_loop3A_179 = arith.muli %parallel_loop3A_175, %parallel_loop3A_178 : i32
        %parallel_loop3A_180 = arith.constant 0 : i32
        %parallel_loop3A_181 = arith.addi %parallel_loop3A_179, %parallel_loop3A_180 : i32
        %parallel_loop3A_182 = arith.index_cast %parallel_loop3A_181 : i32 to index
        %parallel_loop3A_183 = arith.constant 0 : index
        %parallel_loop3A_184 = tpu.vector_load %arg13[%parallel_loop3A_182, %parallel_loop3A_183] {strides = array<i32>} : memref<128x128xf32, #tpu.memory_space<vmem>>, vector<16xf32>,
        %parallel_loop3A_185 = arith.index_cast %parallel_loop3A_181 : i32 to index
        %parallel_loop3A_186 = arith.constant 0 : index
        %parallel_loop3A_187 = tpu.vector_load %arg14[%parallel_loop3A_185, %parallel_loop3A_186] {strides = array<i32>} : memref<128x128xf32, #tpu.memory_space<vmem>>, vector<16xf32>,
        %parallel_loop3A_188 = arith.mulf %parallel_loop3A_184, %parallel_loop3A_187 : vector<16xf32>
        %parallel_loop3A_189 = arith.index_cast %parallel_loop3A_181 : i32 to index
        %parallel_loop3A_190 = arith.constant 16 : index
        %parallel_loop3A_191 = tpu.vector_load %arg13[%parallel_loop3A_189, %parallel_loop3A_190] {strides = array<i32>} : memref<128x128xf32, #tpu.memory_space<vmem>>, vector<16xf32>,
        %parallel_loop3A_192 = arith.index_cast %parallel_loop3A_181 : i32 to index
        %parallel_loop3A_193 = arith.constant 16 : index
        %parallel_loop3A_194 = tpu.vector_load %arg14[%parallel_loop3A_192, %parallel_loop3A_193] {strides = array<i32>} : memref<128x128xf32, #tpu.memory_space<vmem>>, vector<16xf32>,
        %parallel_loop3A_195 = arith.mulf %parallel_loop3A_191, %parallel_loop3A_194 : vector<16xf32>
        %parallel_loop3A_196 = arith.addf %parallel_loop3A_188, %parallel_loop3A_195 : vector<16xf32>
        %parallel_loop3A_197 = arith.index_cast %parallel_loop3A_181 : i32 to index
        %parallel_loop3A_198 = arith.constant 32 : index
        %parallel_loop3A_199 = tpu.vector_load %arg13[%parallel_loop3A_197, %parallel_loop3A_198] {strides = array<i32>} : memref<128x128xf32, #tpu.memory_space<vmem>>, vector<16xf32>,
        %parallel_loop3A_200 = arith.index_cast %parallel_loop3A_181 : i32 to index
        %parallel_loop3A_201 = arith.constant 32 : index
        %parallel_loop3A_202 = tpu.vector_load %arg14[%parallel_loop3A_200, %parallel_loop3A_201] {strides = array<i32>} : memref<128x128xf32, #tpu.memory_space<vmem>>, vector<16xf32>,
        %parallel_loop3A_203 = arith.mulf %parallel_loop3A_199, %parallel_loop3A_202 : vector<16xf32>
        %parallel_loop3A_204 = arith.addf %parallel_loop3A_196, %parallel_loop3A_203 : vector<16xf32>
        %parallel_loop3A_205 = arith.index_cast %parallel_loop3A_181 : i32 to index
        %parallel_loop3A_206 = arith.constant 48 : index
        %parallel_loop3A_207 = tpu.vector_load %arg13[%parallel_loop3A_205, %parallel_loop3A_206] {strides = array<i32>} : memref<128x128xf32, #tpu.memory_space<vmem>>, vector<16xf32>,
        %parallel_loop3A_208 = arith.index_cast %parallel_loop3A_181 : i32 to index
        %parallel_loop3A_209 = arith.constant 48 : index
        %parallel_loop3A_210 = tpu.vector_load %arg14[%parallel_loop3A_208, %parallel_loop3A_209] {strides = array<i32>} : memref<128x128xf32, #tpu.memory_space<vmem>>, vector<16xf32>,
        %parallel_loop3A_211 = arith.mulf %parallel_loop3A_207, %parallel_loop3A_210 : vector<16xf32>
        %parallel_loop3A_212 = arith.addf %parallel_loop3A_204, %parallel_loop3A_211 : vector<16xf32>
        %parallel_loop3A_213 = arith.index_cast %parallel_loop3A_181 : i32 to index
        %parallel_loop3A_214 = arith.constant 64 : index
        %parallel_loop3A_215 = tpu.vector_load %arg13[%parallel_loop3A_213, %parallel_loop3A_214] {strides = array<i32>} : memref<128x128xf32, #tpu.memory_space<vmem>>, vector<16xf32>,
        %parallel_loop3A_216 = arith.index_cast %parallel_loop3A_181 : i32 to index
        %parallel_loop3A_217 = arith.constant 64 : index
        %parallel_loop3A_218 = tpu.vector_load %arg14[%parallel_loop3A_216, %parallel_loop3A_217] {strides = array<i32>} : memref<128x128xf32, #tpu.memory_space<vmem>>, vector<16xf32>,
        %parallel_loop3A_219 = arith.mulf %parallel_loop3A_215, %parallel_loop3A_218 : vector<16xf32>
        %parallel_loop3A_220 = arith.addf %parallel_loop3A_212, %parallel_loop3A_219 : vector<16xf32>
        %parallel_loop3A_221 = arith.index_cast %parallel_loop3A_181 : i32 to index
        %parallel_loop3A_222 = arith.constant 80 : index
        %parallel_loop3A_223 = tpu.vector_load %arg13[%parallel_loop3A_221, %parallel_loop3A_222] {strides = array<i32>} : memref<128x128xf32, #tpu.memory_space<vmem>>, vector<16xf32>,
        %parallel_loop3A_224 = arith.index_cast %parallel_loop3A_181 : i32 to index
        %parallel_loop3A_225 = arith.constant 80 : index
        %parallel_loop3A_226 = tpu.vector_load %arg14[%parallel_loop3A_224, %parallel_loop3A_225] {strides = array<i32>} : memref<128x128xf32, #tpu.memory_space<vmem>>, vector<16xf32>,
        %parallel_loop3A_227 = arith.mulf %parallel_loop3A_223, %parallel_loop3A_226 : vector<16xf32>
        %parallel_loop3A_228 = arith.addf %parallel_loop3A_220, %parallel_loop3A_227 : vector<16xf32>
        %parallel_loop3A_229 = arith.index_cast %parallel_loop3A_181 : i32 to index
        %parallel_loop3A_230 = arith.constant 96 : index
        %parallel_loop3A_231 = tpu.vector_load %arg13[%parallel_loop3A_229, %parallel_loop3A_230] {strides = array<i32>} : memref<128x128xf32, #tpu.memory_space<vmem>>, vector<16xf32>,
        %parallel_loop3A_232 = arith.index_cast %parallel_loop3A_181 : i32 to index
        %parallel_loop3A_233 = arith.constant 96 : index
        %parallel_loop3A_234 = tpu.vector_load %arg14[%parallel_loop3A_232, %parallel_loop3A_233] {strides = array<i32>} : memref<128x128xf32, #tpu.memory_space<vmem>>, vector<16xf32>,
        %parallel_loop3A_235 = arith.mulf %parallel_loop3A_231, %parallel_loop3A_234 : vector<16xf32>
        %parallel_loop3A_236 = arith.addf %parallel_loop3A_228, %parallel_loop3A_235 : vector<16xf32>
        %parallel_loop3A_237 = arith.index_cast %parallel_loop3A_181 : i32 to index
        %parallel_loop3A_238 = arith.constant 112 : index
        %parallel_loop3A_239 = tpu.vector_load %arg13[%parallel_loop3A_237, %parallel_loop3A_238] {strides = array<i32>} : memref<128x128xf32, #tpu.memory_space<vmem>>, vector<16xf32>,
        %parallel_loop3A_240 = arith.index_cast %parallel_loop3A_181 : i32 to index
        %parallel_loop3A_241 = arith.constant 112 : index
        %parallel_loop3A_242 = tpu.vector_load %arg14[%parallel_loop3A_240, %parallel_loop3A_241] {strides = array<i32>} : memref<128x128xf32, #tpu.memory_space<vmem>>, vector<16xf32>,
        %parallel_loop3A_243 = arith.mulf %parallel_loop3A_239, %parallel_loop3A_242 : vector<16xf32>
        %parallel_loop3A_244 = arith.addf %parallel_loop3A_236, %parallel_loop3A_243 : vector<16xf32>
        %parallel_loop3A_245 = arith.constant 0 : i32
        %parallel_loop3A_246 = arith.addi %parallel_loop3A_177, %parallel_loop3A_245 : i32
        %parallel_loop3A_247 = arith.index_cast %parallel_loop3A_246 : i32 to index
        %parallel_loop3A_248 = tpu.vector_load %arg18[%parallel_loop3A_247] {strides = array<i32>} : memref<2176xf32, #tpu.memory_space<vmem>>, vector<16xf32>,
        tpu.vector_store %arg18[%parallel_loop3A_247], %parallel_loop3A_244 {strides = array<i32>} : memref<2176xf32, #tpu.memory_space<vmem>>, vector<16xf32>,
        %parallel_loop3A_249 = arith.constant 16 : i32
        %parallel_loop3A_250 = arith.muli %parallel_loop3A_175, %parallel_loop3A_249 : i32
        %parallel_loop3A_251 = arith.constant 1 : i32
        %parallel_loop3A_252 = arith.addi %parallel_loop3A_250, %parallel_loop3A_251 : i32
        %parallel_loop3A_253 = arith.index_cast %parallel_loop3A_252 : i32 to index
        %parallel_loop3A_254 = arith.constant 0 : index
        %parallel_loop3A_255 = tpu.vector_load %arg13[%parallel_loop3A_253, %parallel_loop3A_254] {strides = array<i32>} : memref<128x128xf32, #tpu.memory_space<vmem>>, vector<16xf32>,
        %parallel_loop3A_256 = arith.index_cast %parallel_loop3A_252 : i32 to index
        %parallel_loop3A_257 = arith.constant 0 : index
        %parallel_loop3A_258 = tpu.vector_load %arg14[%parallel_loop3A_256, %parallel_loop3A_257] {strides = array<i32>} : memref<128x128xf32, #tpu.memory_space<vmem>>, vector<16xf32>,
        %parallel_loop3A_259 = arith.mulf %parallel_loop3A_255, %parallel_loop3A_258 : vector<16xf32>
        %parallel_loop3A_260 = arith.index_cast %parallel_loop3A_252 : i32 to index
        %parallel_loop3A_261 = arith.constant 16 : index
        %parallel_loop3A_262 = tpu.vector_load %arg13[%parallel_loop3A_260, %parallel_loop3A_261] {strides = array<i32>} : memref<128x128xf32, #tpu.memory_space<vmem>>, vector<16xf32>,
        %parallel_loop3A_263 = arith.index_cast %parallel_loop3A_252 : i32 to index
        %parallel_loop3A_264 = arith.constant 16 : index
        %parallel_loop3A_265 = tpu.vector_load %arg14[%parallel_loop3A_263, %parallel_loop3A_264] {strides = array<i32>} : memref<128x128xf32, #tpu.memory_space<vmem>>, vector<16xf32>,
        %parallel_loop3A_266 = arith.mulf %parallel_loop3A_262, %parallel_loop3A_265 : vector<16xf32>
        %parallel_loop3A_267 = arith.addf %parallel_loop3A_259, %parallel_loop3A_266 : vector<16xf32>
        %parallel_loop3A_268 = arith.index_cast %parallel_loop3A_252 : i32 to index
        %parallel_loop3A_269 = arith.constant 32 : index
        %parallel_loop3A_270 = tpu.vector_load %arg13[%parallel_loop3A_268, %parallel_loop3A_269] {strides = array<i32>} : memref<128x128xf32, #tpu.memory_space<vmem>>, vector<16xf32>,
        %parallel_loop3A_271 = arith.index_cast %parallel_loop3A_252 : i32 to index
        %parallel_loop3A_272 = arith.constant 32 : index
        %parallel_loop3A_273 = tpu.vector_load %arg14[%parallel_loop3A_271, %parallel_loop3A_272] {strides = array<i32>} : memref<128x128xf32, #tpu.memory_space<vmem>>, vector<16xf32>,
        %parallel_loop3A_274 = arith.mulf %parallel_loop3A_270, %parallel_loop3A_273 : vector<16xf32>
        %parallel_loop3A_275 = arith.addf %parallel_loop3A_267, %parallel_loop3A_274 : vector<16xf32>
        %parallel_loop3A_276 = arith.index_cast %parallel_loop3A_252 : i32 to index
        %parallel_loop3A_277 = arith.constant 48 : index
        %parallel_loop3A_278 = tpu.vector_load %arg13[%parallel_loop3A_276, %parallel_loop3A_277] {strides = array<i32>} : memref<128x128xf32, #tpu.memory_space<vmem>>, vector<16xf32>,
        %parallel_loop3A_279 = arith.index_cast %parallel_loop3A_252 : i32 to index
        %parallel_loop3A_280 = arith.constant 48 : index
        %parallel_loop3A_281 = tpu.vector_load %arg14[%parallel_loop3A_279, %parallel_loop3A_280] {strides = array<i32>} : memref<128x128xf32, #tpu.memory_space<vmem>>, vector<16xf32>,
        %parallel_loop3A_282 = arith.mulf %parallel_loop3A_278, %parallel_loop3A_281 : vector<16xf32>
        %parallel_loop3A_283 = arith.addf %parallel_loop3A_275, %parallel_loop3A_282 : vector<16xf32>
        %parallel_loop3A_284 = arith.index_cast %parallel_loop3A_252 : i32 to index
        %parallel_loop3A_285 = arith.constant 64 : index
        %parallel_loop3A_286 = tpu.vector_load %arg13[%parallel_loop3A_284, %parallel_loop3A_285] {strides = array<i32>} : memref<128x128xf32, #tpu.memory_space<vmem>>, vector<16xf32>,
        %parallel_loop3A_287 = arith.index_cast %parallel_loop3A_252 : i32 to index
        %parallel_loop3A_288 = arith.constant 64 : index
        %parallel_loop3A_289 = tpu.vector_load %arg14[%parallel_loop3A_287, %parallel_loop3A_288] {strides = array<i32>} : memref<128x128xf32, #tpu.memory_space<vmem>>, vector<16xf32>,
        %parallel_loop3A_290 = arith.mulf %parallel_loop3A_286, %parallel_loop3A_289 : vector<16xf32>
        %parallel_loop3A_291 = arith.addf %parallel_loop3A_283, %parallel_loop3A_290 : vector<16xf32>
        %parallel_loop3A_292 = arith.index_cast %parallel_loop3A_252 : i32 to index
        %parallel_loop3A_293 = arith.constant 80 : index
        %parallel_loop3A_294 = tpu.vector_load %arg13[%parallel_loop3A_292, %parallel_loop3A_293] {strides = array<i32>} : memref<128x128xf32, #tpu.memory_space<vmem>>, vector<16xf32>,
        %parallel_loop3A_295 = arith.index_cast %parallel_loop3A_252 : i32 to index
        %parallel_loop3A_296 = arith.constant 80 : index
        %parallel_loop3A_297 = tpu.vector_load %arg14[%parallel_loop3A_295, %parallel_loop3A_296] {strides = array<i32>} : memref<128x128xf32, #tpu.memory_space<vmem>>, vector<16xf32>,
        %parallel_loop3A_298 = arith.mulf %parallel_loop3A_294, %parallel_loop3A_297 : vector<16xf32>
        %parallel_loop3A_299 = arith.addf %parallel_loop3A_291, %parallel_loop3A_298 : vector<16xf32>
        %parallel_loop3A_300 = arith.index_cast %parallel_loop3A_252 : i32 to index
        %parallel_loop3A_301 = arith.constant 96 : index
        %parallel_loop3A_302 = tpu.vector_load %arg13[%parallel_loop3A_300, %parallel_loop3A_301] {strides = array<i32>} : memref<128x128xf32, #tpu.memory_space<vmem>>, vector<16xf32>,
        %parallel_loop3A_303 = arith.index_cast %parallel_loop3A_252 : i32 to index
        %parallel_loop3A_304 = arith.constant 96 : index
        %parallel_loop3A_305 = tpu.vector_load %arg14[%parallel_loop3A_303, %parallel_loop3A_304] {strides = array<i32>} : memref<128x128xf32, #tpu.memory_space<vmem>>, vector<16xf32>,
        %parallel_loop3A_306 = arith.mulf %parallel_loop3A_302, %parallel_loop3A_305 : vector<16xf32>
        %parallel_loop3A_307 = arith.addf %parallel_loop3A_299, %parallel_loop3A_306 : vector<16xf32>
        %parallel_loop3A_308 = arith.index_cast %parallel_loop3A_252 : i32 to index
        %parallel_loop3A_309 = arith.constant 112 : index
        %parallel_loop3A_310 = tpu.vector_load %arg13[%parallel_loop3A_308, %parallel_loop3A_309] {strides = array<i32>} : memref<128x128xf32, #tpu.memory_space<vmem>>, vector<16xf32>,
        %parallel_loop3A_311 = arith.index_cast %parallel_loop3A_252 : i32 to index
        %parallel_loop3A_312 = arith.constant 112 : index
        %parallel_loop3A_313 = tpu.vector_load %arg14[%parallel_loop3A_311, %parallel_loop3A_312] {strides = array<i32>} : memref<128x128xf32, #tpu.memory_space<vmem>>, vector<16xf32>,
        %parallel_loop3A_314 = arith.mulf %parallel_loop3A_310, %parallel_loop3A_313 : vector<16xf32>
        %parallel_loop3A_315 = arith.addf %parallel_loop3A_307, %parallel_loop3A_314 : vector<16xf32>
        %parallel_loop3A_316 = arith.constant 17 : i32
        %parallel_loop3A_317 = arith.addi %parallel_loop3A_177, %parallel_loop3A_316 : i32
        %parallel_loop3A_318 = arith.index_cast %parallel_loop3A_317 : i32 to index
        %parallel_loop3A_319 = tpu.vector_load %arg18[%parallel_loop3A_318] {strides = array<i32>} : memref<2176xf32, #tpu.memory_space<vmem>>, vector<16xf32>,
        tpu.vector_store %arg18[%parallel_loop3A_318], %parallel_loop3A_315 {strides = array<i32>} : memref<2176xf32, #tpu.memory_space<vmem>>, vector<16xf32>,
        %parallel_loop3A_320 = arith.constant 16 : i32
        %parallel_loop3A_321 = arith.muli %parallel_loop3A_175, %parallel_loop3A_320 : i32
        %parallel_loop3A_322 = arith.constant 2 : i32
        %parallel_loop3A_323 = arith.addi %parallel_loop3A_321, %parallel_loop3A_322 : i32
        %parallel_loop3A_324 = arith.index_cast %parallel_loop3A_323 : i32 to index
        %parallel_loop3A_325 = arith.constant 0 : index
        %parallel_loop3A_326 = tpu.vector_load %arg13[%parallel_loop3A_324, %parallel_loop3A_325] {strides = array<i32>} : memref<128x128xf32, #tpu.memory_space<vmem>>, vector<16xf32>,
        %parallel_loop3A_327 = arith.index_cast %parallel_loop3A_323 : i32 to index
        %parallel_loop3A_328 = arith.constant 0 : index
        %parallel_loop3A_329 = tpu.vector_load %arg14[%parallel_loop3A_327, %parallel_loop3A_328] {strides = array<i32>} : memref<128x128xf32, #tpu.memory_space<vmem>>, vector<16xf32>,
        %parallel_loop3A_330 = arith.mulf %parallel_loop3A_326, %parallel_loop3A_329 : vector<16xf32>
        %parallel_loop3A_331 = arith.index_cast %parallel_loop3A_323 : i32 to index
        %parallel_loop3A_332 = arith.constant 16 : index
        %parallel_loop3A_333 = tpu.vector_load %arg13[%parallel_loop3A_331, %parallel_loop3A_332] {strides = array<i32>} : memref<128x128xf32, #tpu.memory_space<vmem>>, vector<16xf32>,
        %parallel_loop3A_334 = arith.index_cast %parallel_loop3A_323 : i32 to index
        %parallel_loop3A_335 = arith.constant 16 : index
        %parallel_loop3A_336 = tpu.vector_load %arg14[%parallel_loop3A_334, %parallel_loop3A_335] {strides = array<i32>} : memref<128x128xf32, #tpu.memory_space<vmem>>, vector<16xf32>,
        %parallel_loop3A_337 = arith.mulf %parallel_loop3A_333, %parallel_loop3A_336 : vector<16xf32>
        %parallel_loop3A_338 = arith.addf %parallel_loop3A_330, %parallel_loop3A_337 : vector<16xf32>
        %parallel_loop3A_339 = arith.index_cast %parallel_loop3A_323 : i32 to index
        %parallel_loop3A_340 = arith.constant 32 : index
        %parallel_loop3A_341 = tpu.vector_load %arg13[%parallel_loop3A_339, %parallel_loop3A_340] {strides = array<i32>} : memref<128x128xf32, #tpu.memory_space<vmem>>, vector<16xf32>,
        %parallel_loop3A_342 = arith.index_cast %parallel_loop3A_323 : i32 to index
        %parallel_loop3A_343 = arith.constant 32 : index
        %parallel_loop3A_344 = tpu.vector_load %arg14[%parallel_loop3A_342, %parallel_loop3A_343] {strides = array<i32>} : memref<128x128xf32, #tpu.memory_space<vmem>>, vector<16xf32>,
        %parallel_loop3A_345 = arith.mulf %parallel_loop3A_341, %parallel_loop3A_344 : vector<16xf32>
        %parallel_loop3A_346 = arith.addf %parallel_loop3A_338, %parallel_loop3A_345 : vector<16xf32>
        %parallel_loop3A_347 = arith.index_cast %parallel_loop3A_323 : i32 to index
        %parallel_loop3A_348 = arith.constant 48 : index
        %parallel_loop3A_349 = tpu.vector_load %arg13[%parallel_loop3A_347, %parallel_loop3A_348] {strides = array<i32>} : memref<128x128xf32, #tpu.memory_space<vmem>>, vector<16xf32>,
        %parallel_loop3A_350 = arith.index_cast %parallel_loop3A_323 : i32 to index
        %parallel_loop3A_351 = arith.constant 48 : index
        %parallel_loop3A_352 = tpu.vector_load %arg14[%parallel_loop3A_350, %parallel_loop3A_351] {strides = array<i32>} : memref<128x128xf32, #tpu.memory_space<vmem>>, vector<16xf32>,
        %parallel_loop3A_353 = arith.mulf %parallel_loop3A_349, %parallel_loop3A_352 : vector<16xf32>
        %parallel_loop3A_354 = arith.addf %parallel_loop3A_346, %parallel_loop3A_353 : vector<16xf32>
        %parallel_loop3A_355 = arith.index_cast %parallel_loop3A_323 : i32 to index
        %parallel_loop3A_356 = arith.constant 64 : index
        %parallel_loop3A_357 = tpu.vector_load %arg13[%parallel_loop3A_355, %parallel_loop3A_356] {strides = array<i32>} : memref<128x128xf32, #tpu.memory_space<vmem>>, vector<16xf32>,
        %parallel_loop3A_358 = arith.index_cast %parallel_loop3A_323 : i32 to index
        %parallel_loop3A_359 = arith.constant 64 : index
        %parallel_loop3A_360 = tpu.vector_load %arg14[%parallel_loop3A_358, %parallel_loop3A_359] {strides = array<i32>} : memref<128x128xf32, #tpu.memory_space<vmem>>, vector<16xf32>,
        %parallel_loop3A_361 = arith.mulf %parallel_loop3A_357, %parallel_loop3A_360 : vector<16xf32>
        %parallel_loop3A_362 = arith.addf %parallel_loop3A_354, %parallel_loop3A_361 : vector<16xf32>
        %parallel_loop3A_363 = arith.index_cast %parallel_loop3A_323 : i32 to index
        %parallel_loop3A_364 = arith.constant 80 : index
        %parallel_loop3A_365 = tpu.vector_load %arg13[%parallel_loop3A_363, %parallel_loop3A_364] {strides = array<i32>} : memref<128x128xf32, #tpu.memory_space<vmem>>, vector<16xf32>,
        %parallel_loop3A_366 = arith.index_cast %parallel_loop3A_323 : i32 to index
        %parallel_loop3A_367 = arith.constant 80 : index
        %parallel_loop3A_368 = tpu.vector_load %arg14[%parallel_loop3A_366, %parallel_loop3A_367] {strides = array<i32>} : memref<128x128xf32, #tpu.memory_space<vmem>>, vector<16xf32>,
        %parallel_loop3A_369 = arith.mulf %parallel_loop3A_365, %parallel_loop3A_368 : vector<16xf32>
        %parallel_loop3A_370 = arith.addf %parallel_loop3A_362, %parallel_loop3A_369 : vector<16xf32>
        %parallel_loop3A_371 = arith.index_cast %parallel_loop3A_323 : i32 to index
        %parallel_loop3A_372 = arith.constant 96 : index
        %parallel_loop3A_373 = tpu.vector_load %arg13[%parallel_loop3A_371, %parallel_loop3A_372] {strides = array<i32>} : memref<128x128xf32, #tpu.memory_space<vmem>>, vector<16xf32>,
        %parallel_loop3A_374 = arith.index_cast %parallel_loop3A_323 : i32 to index
        %parallel_loop3A_375 = arith.constant 96 : index
        %parallel_loop3A_376 = tpu.vector_load %arg14[%parallel_loop3A_374, %parallel_loop3A_375] {strides = array<i32>} : memref<128x128xf32, #tpu.memory_space<vmem>>, vector<16xf32>,
        %parallel_loop3A_377 = arith.mulf %parallel_loop3A_373, %parallel_loop3A_376 : vector<16xf32>
        %parallel_loop3A_378 = arith.addf %parallel_loop3A_370, %parallel_loop3A_377 : vector<16xf32>
        %parallel_loop3A_379 = arith.index_cast %parallel_loop3A_323 : i32 to index
        %parallel_loop3A_380 = arith.constant 112 : index
        %parallel_loop3A_381 = tpu.vector_load %arg13[%parallel_loop3A_379, %parallel_loop3A_380] {strides = array<i32>} : memref<128x128xf32, #tpu.memory_space<vmem>>, vector<16xf32>,
        %parallel_loop3A_382 = arith.index_cast %parallel_loop3A_323 : i32 to index
        %parallel_loop3A_383 = arith.constant 112 : index
        %parallel_loop3A_384 = tpu.vector_load %arg14[%parallel_loop3A_382, %parallel_loop3A_383] {strides = array<i32>} : memref<128x128xf32, #tpu.memory_space<vmem>>, vector<16xf32>,
        %parallel_loop3A_385 = arith.mulf %parallel_loop3A_381, %parallel_loop3A_384 : vector<16xf32>
        %parallel_loop3A_386 = arith.addf %parallel_loop3A_378, %parallel_loop3A_385 : vector<16xf32>
        %parallel_loop3A_387 = arith.constant 34 : i32
        %parallel_loop3A_388 = arith.addi %parallel_loop3A_177, %parallel_loop3A_387 : i32
        %parallel_loop3A_389 = arith.index_cast %parallel_loop3A_388 : i32 to index
        %parallel_loop3A_390 = tpu.vector_load %arg18[%parallel_loop3A_389] {strides = array<i32>} : memref<2176xf32, #tpu.memory_space<vmem>>, vector<16xf32>,
        tpu.vector_store %arg18[%parallel_loop3A_389], %parallel_loop3A_386 {strides = array<i32>} : memref<2176xf32, #tpu.memory_space<vmem>>, vector<16xf32>,
        %parallel_loop3A_391 = arith.constant 16 : i32
        %parallel_loop3A_392 = arith.muli %parallel_loop3A_175, %parallel_loop3A_391 : i32
        %parallel_loop3A_393 = arith.constant 3 : i32
        %parallel_loop3A_394 = arith.addi %parallel_loop3A_392, %parallel_loop3A_393 : i32
        %parallel_loop3A_395 = arith.index_cast %parallel_loop3A_394 : i32 to index
        %parallel_loop3A_396 = arith.constant 0 : index
        %parallel_loop3A_397 = tpu.vector_load %arg13[%parallel_loop3A_395, %parallel_loop3A_396] {strides = array<i32>} : memref<128x128xf32, #tpu.memory_space<vmem>>, vector<16xf32>,
        %parallel_loop3A_398 = arith.index_cast %parallel_loop3A_394 : i32 to index
        %parallel_loop3A_399 = arith.constant 0 : index
        %parallel_loop3A_400 = tpu.vector_load %arg14[%parallel_loop3A_398, %parallel_loop3A_399] {strides = array<i32>} : memref<128x128xf32, #tpu.memory_space<vmem>>, vector<16xf32>,
        %parallel_loop3A_401 = arith.mulf %parallel_loop3A_397, %parallel_loop3A_400 : vector<16xf32>
        %parallel_loop3A_402 = arith.index_cast %parallel_loop3A_394 : i32 to index
        %parallel_loop3A_403 = arith.constant 16 : index
        %parallel_loop3A_404 = tpu.vector_load %arg13[%parallel_loop3A_402, %parallel_loop3A_403] {strides = array<i32>} : memref<128x128xf32, #tpu.memory_space<vmem>>, vector<16xf32>,
        %parallel_loop3A_405 = arith.index_cast %parallel_loop3A_394 : i32 to index
        %parallel_loop3A_406 = arith.constant 16 : index
        %parallel_loop3A_407 = tpu.vector_load %arg14[%parallel_loop3A_405, %parallel_loop3A_406] {strides = array<i32>} : memref<128x128xf32, #tpu.memory_space<vmem>>, vector<16xf32>,
        %parallel_loop3A_408 = arith.mulf %parallel_loop3A_404, %parallel_loop3A_407 : vector<16xf32>
        %parallel_loop3A_409 = arith.addf %parallel_loop3A_401, %parallel_loop3A_408 : vector<16xf32>
        %parallel_loop3A_410 = arith.index_cast %parallel_loop3A_394 : i32 to index
        %parallel_loop3A_411 = arith.constant 32 : index
        %parallel_loop3A_412 = tpu.vector_load %arg13[%parallel_loop3A_410, %parallel_loop3A_411] {strides = array<i32>} : memref<128x128xf32, #tpu.memory_space<vmem>>, vector<16xf32>,
        %parallel_loop3A_413 = arith.index_cast %parallel_loop3A_394 : i32 to index
        %parallel_loop3A_414 = arith.constant 32 : index
        %parallel_loop3A_415 = tpu.vector_load %arg14[%parallel_loop3A_413, %parallel_loop3A_414] {strides = array<i32>} : memref<128x128xf32, #tpu.memory_space<vmem>>, vector<16xf32>,
        %parallel_loop3A_416 = arith.mulf %parallel_loop3A_412, %parallel_loop3A_415 : vector<16xf32>
        %parallel_loop3A_417 = arith.addf %parallel_loop3A_409, %parallel_loop3A_416 : vector<16xf32>
        %parallel_loop3A_418 = arith.index_cast %parallel_loop3A_394 : i32 to index
        %parallel_loop3A_419 = arith.constant 48 : index
        %parallel_loop3A_420 = tpu.vector_load %arg13[%parallel_loop3A_418, %parallel_loop3A_419] {strides = array<i32>} : memref<128x128xf32, #tpu.memory_space<vmem>>, vector<16xf32>,
        %parallel_loop3A_421 = arith.index_cast %parallel_loop3A_394 : i32 to index
        %parallel_loop3A_422 = arith.constant 48 : index
        %parallel_loop3A_423 = tpu.vector_load %arg14[%parallel_loop3A_421, %parallel_loop3A_422] {strides = array<i32>} : memref<128x128xf32, #tpu.memory_space<vmem>>, vector<16xf32>,
        %parallel_loop3A_424 = arith.mulf %parallel_loop3A_420, %parallel_loop3A_423 : vector<16xf32>
        %parallel_loop3A_425 = arith.addf %parallel_loop3A_417, %parallel_loop3A_424 : vector<16xf32>
        %parallel_loop3A_426 = arith.index_cast %parallel_loop3A_394 : i32 to index
        %parallel_loop3A_427 = arith.constant 64 : index
        %parallel_loop3A_428 = tpu.vector_load %arg13[%parallel_loop3A_426, %parallel_loop3A_427] {strides = array<i32>} : memref<128x128xf32, #tpu.memory_space<vmem>>, vector<16xf32>,
        %parallel_loop3A_429 = arith.index_cast %parallel_loop3A_394 : i32 to index
        %parallel_loop3A_430 = arith.constant 64 : index
        %parallel_loop3A_431 = tpu.vector_load %arg14[%parallel_loop3A_429, %parallel_loop3A_430] {strides = array<i32>} : memref<128x128xf32, #tpu.memory_space<vmem>>, vector<16xf32>,
        %parallel_loop3A_432 = arith.mulf %parallel_loop3A_428, %parallel_loop3A_431 : vector<16xf32>
        %parallel_loop3A_433 = arith.addf %parallel_loop3A_425, %parallel_loop3A_432 : vector<16xf32>
        %parallel_loop3A_434 = arith.index_cast %parallel_loop3A_394 : i32 to index
        %parallel_loop3A_435 = arith.constant 80 : index
        %parallel_loop3A_436 = tpu.vector_load %arg13[%parallel_loop3A_434, %parallel_loop3A_435] {strides = array<i32>} : memref<128x128xf32, #tpu.memory_space<vmem>>, vector<16xf32>,
        %parallel_loop3A_437 = arith.index_cast %parallel_loop3A_394 : i32 to index
        %parallel_loop3A_438 = arith.constant 80 : index
        %parallel_loop3A_439 = tpu.vector_load %arg14[%parallel_loop3A_437, %parallel_loop3A_438] {strides = array<i32>} : memref<128x128xf32, #tpu.memory_space<vmem>>, vector<16xf32>,
        %parallel_loop3A_440 = arith.mulf %parallel_loop3A_436, %parallel_loop3A_439 : vector<16xf32>
        %parallel_loop3A_441 = arith.addf %parallel_loop3A_433, %parallel_loop3A_440 : vector<16xf32>
        %parallel_loop3A_442 = arith.index_cast %parallel_loop3A_394 : i32 to index
        %parallel_loop3A_443 = arith.constant 96 : index
        %parallel_loop3A_444 = tpu.vector_load %arg13[%parallel_loop3A_442, %parallel_loop3A_443] {strides = array<i32>} : memref<128x128xf32, #tpu.memory_space<vmem>>, vector<16xf32>,
        %parallel_loop3A_445 = arith.index_cast %parallel_loop3A_394 : i32 to index
        %parallel_loop3A_446 = arith.constant 96 : index
        %parallel_loop3A_447 = tpu.vector_load %arg14[%parallel_loop3A_445, %parallel_loop3A_446] {strides = array<i32>} : memref<128x128xf32, #tpu.memory_space<vmem>>, vector<16xf32>,
        %parallel_loop3A_448 = arith.mulf %parallel_loop3A_444, %parallel_loop3A_447 : vector<16xf32>
        %parallel_loop3A_449 = arith.addf %parallel_loop3A_441, %parallel_loop3A_448 : vector<16xf32>
        %parallel_loop3A_450 = arith.index_cast %parallel_loop3A_394 : i32 to index
        %parallel_loop3A_451 = arith.constant 112 : index
        %parallel_loop3A_452 = tpu.vector_load %arg13[%parallel_loop3A_450, %parallel_loop3A_451] {strides = array<i32>} : memref<128x128xf32, #tpu.memory_space<vmem>>, vector<16xf32>,
        %parallel_loop3A_453 = arith.index_cast %parallel_loop3A_394 : i32 to index
        %parallel_loop3A_454 = arith.constant 112 : index
        %parallel_loop3A_455 = tpu.vector_load %arg14[%parallel_loop3A_453, %parallel_loop3A_454] {strides = array<i32>} : memref<128x128xf32, #tpu.memory_space<vmem>>, vector<16xf32>,
        %parallel_loop3A_456 = arith.mulf %parallel_loop3A_452, %parallel_loop3A_455 : vector<16xf32>
        %parallel_loop3A_457 = arith.addf %parallel_loop3A_449, %parallel_loop3A_456 : vector<16xf32>
        %parallel_loop3A_458 = arith.constant 51 : i32
        %parallel_loop3A_459 = arith.addi %parallel_loop3A_177, %parallel_loop3A_458 : i32
        %parallel_loop3A_460 = arith.index_cast %parallel_loop3A_459 : i32 to index
        %parallel_loop3A_461 = tpu.vector_load %arg18[%parallel_loop3A_460] {strides = array<i32>} : memref<2176xf32, #tpu.memory_space<vmem>>, vector<16xf32>,
        tpu.vector_store %arg18[%parallel_loop3A_460], %parallel_loop3A_457 {strides = array<i32>} : memref<2176xf32, #tpu.memory_space<vmem>>, vector<16xf32>,
        %parallel_loop3A_462 = arith.constant 16 : i32
        %parallel_loop3A_463 = arith.muli %parallel_loop3A_175, %parallel_loop3A_462 : i32
        %parallel_loop3A_464 = arith.constant 4 : i32
        %parallel_loop3A_465 = arith.addi %parallel_loop3A_463, %parallel_loop3A_464 : i32
        %parallel_loop3A_466 = arith.index_cast %parallel_loop3A_465 : i32 to index
        %parallel_loop3A_467 = arith.constant 0 : index
        %parallel_loop3A_468 = tpu.vector_load %arg13[%parallel_loop3A_466, %parallel_loop3A_467] {strides = array<i32>} : memref<128x128xf32, #tpu.memory_space<vmem>>, vector<16xf32>,
        %parallel_loop3A_469 = arith.index_cast %parallel_loop3A_465 : i32 to index
        %parallel_loop3A_470 = arith.constant 0 : index
        %parallel_loop3A_471 = tpu.vector_load %arg14[%parallel_loop3A_469, %parallel_loop3A_470] {strides = array<i32>} : memref<128x128xf32, #tpu.memory_space<vmem>>, vector<16xf32>,
        %parallel_loop3A_472 = arith.mulf %parallel_loop3A_468, %parallel_loop3A_471 : vector<16xf32>
        %parallel_loop3A_473 = arith.index_cast %parallel_loop3A_465 : i32 to index
        %parallel_loop3A_474 = arith.constant 16 : index
        %parallel_loop3A_475 = tpu.vector_load %arg13[%parallel_loop3A_473, %parallel_loop3A_474] {strides = array<i32>} : memref<128x128xf32, #tpu.memory_space<vmem>>, vector<16xf32>,
        %parallel_loop3A_476 = arith.index_cast %parallel_loop3A_465 : i32 to index
        %parallel_loop3A_477 = arith.constant 16 : index
        %parallel_loop3A_478 = tpu.vector_load %arg14[%parallel_loop3A_476, %parallel_loop3A_477] {strides = array<i32>} : memref<128x128xf32, #tpu.memory_space<vmem>>, vector<16xf32>,
        %parallel_loop3A_479 = arith.mulf %parallel_loop3A_475, %parallel_loop3A_478 : vector<16xf32>
        %parallel_loop3A_480 = arith.addf %parallel_loop3A_472, %parallel_loop3A_479 : vector<16xf32>
        %parallel_loop3A_481 = arith.index_cast %parallel_loop3A_465 : i32 to index
        %parallel_loop3A_482 = arith.constant 32 : index
        %parallel_loop3A_483 = tpu.vector_load %arg13[%parallel_loop3A_481, %parallel_loop3A_482] {strides = array<i32>} : memref<128x128xf32, #tpu.memory_space<vmem>>, vector<16xf32>,
        %parallel_loop3A_484 = arith.index_cast %parallel_loop3A_465 : i32 to index
        %parallel_loop3A_485 = arith.constant 32 : index
        %parallel_loop3A_486 = tpu.vector_load %arg14[%parallel_loop3A_484, %parallel_loop3A_485] {strides = array<i32>} : memref<128x128xf32, #tpu.memory_space<vmem>>, vector<16xf32>,
        %parallel_loop3A_487 = arith.mulf %parallel_loop3A_483, %parallel_loop3A_486 : vector<16xf32>
        %parallel_loop3A_488 = arith.addf %parallel_loop3A_480, %parallel_loop3A_487 : vector<16xf32>
        %parallel_loop3A_489 = arith.index_cast %parallel_loop3A_465 : i32 to index
        %parallel_loop3A_490 = arith.constant 48 : index
        %parallel_loop3A_491 = tpu.vector_load %arg13[%parallel_loop3A_489, %parallel_loop3A_490] {strides = array<i32>} : memref<128x128xf32, #tpu.memory_space<vmem>>, vector<16xf32>,
        %parallel_loop3A_492 = arith.index_cast %parallel_loop3A_465 : i32 to index
        %parallel_loop3A_493 = arith.constant 48 : index
        %parallel_loop3A_494 = tpu.vector_load %arg14[%parallel_loop3A_492, %parallel_loop3A_493] {strides = array<i32>} : memref<128x128xf32, #tpu.memory_space<vmem>>, vector<16xf32>,
        %parallel_loop3A_495 = arith.mulf %parallel_loop3A_491, %parallel_loop3A_494 : vector<16xf32>
        %parallel_loop3A_496 = arith.addf %parallel_loop3A_488, %parallel_loop3A_495 : vector<16xf32>
        %parallel_loop3A_497 = arith.index_cast %parallel_loop3A_465 : i32 to index
        %parallel_loop3A_498 = arith.constant 64 : index
        %parallel_loop3A_499 = tpu.vector_load %arg13[%parallel_loop3A_497, %parallel_loop3A_498] {strides = array<i32>} : memref<128x128xf32, #tpu.memory_space<vmem>>, vector<16xf32>,
        %parallel_loop3A_500 = arith.index_cast %parallel_loop3A_465 : i32 to index
        %parallel_loop3A_501 = arith.constant 64 : index
        %parallel_loop3A_502 = tpu.vector_load %arg14[%parallel_loop3A_500, %parallel_loop3A_501] {strides = array<i32>} : memref<128x128xf32, #tpu.memory_space<vmem>>, vector<16xf32>,
        %parallel_loop3A_503 = arith.mulf %parallel_loop3A_499, %parallel_loop3A_502 : vector<16xf32>
        %parallel_loop3A_504 = arith.addf %parallel_loop3A_496, %parallel_loop3A_503 : vector<16xf32>
        %parallel_loop3A_505 = arith.index_cast %parallel_loop3A_465 : i32 to index
        %parallel_loop3A_506 = arith.constant 80 : index
        %parallel_loop3A_507 = tpu.vector_load %arg13[%parallel_loop3A_505, %parallel_loop3A_506] {strides = array<i32>} : memref<128x128xf32, #tpu.memory_space<vmem>>, vector<16xf32>,
        %parallel_loop3A_508 = arith.index_cast %parallel_loop3A_465 : i32 to index
        %parallel_loop3A_509 = arith.constant 80 : index
        %parallel_loop3A_510 = tpu.vector_load %arg14[%parallel_loop3A_508, %parallel_loop3A_509] {strides = array<i32>} : memref<128x128xf32, #tpu.memory_space<vmem>>, vector<16xf32>,
        %parallel_loop3A_511 = arith.mulf %parallel_loop3A_507, %parallel_loop3A_510 : vector<16xf32>
        %parallel_loop3A_512 = arith.addf %parallel_loop3A_504, %parallel_loop3A_511 : vector<16xf32>
        %parallel_loop3A_513 = arith.index_cast %parallel_loop3A_465 : i32 to index
        %parallel_loop3A_514 = arith.constant 96 : index
        %parallel_loop3A_515 = tpu.vector_load %arg13[%parallel_loop3A_513, %parallel_loop3A_514] {strides = array<i32>} : memref<128x128xf32, #tpu.memory_space<vmem>>, vector<16xf32>,
        %parallel_loop3A_516 = arith.index_cast %parallel_loop3A_465 : i32 to index
        %parallel_loop3A_517 = arith.constant 96 : index
        %parallel_loop3A_518 = tpu.vector_load %arg14[%parallel_loop3A_516, %parallel_loop3A_517] {strides = array<i32>} : memref<128x128xf32, #tpu.memory_space<vmem>>, vector<16xf32>,
        %parallel_loop3A_519 = arith.mulf %parallel_loop3A_515, %parallel_loop3A_518 : vector<16xf32>
        %parallel_loop3A_520 = arith.addf %parallel_loop3A_512, %parallel_loop3A_519 : vector<16xf32>
        %parallel_loop3A_521 = arith.index_cast %parallel_loop3A_465 : i32 to index
        %parallel_loop3A_522 = arith.constant 112 : index
        %parallel_loop3A_523 = tpu.vector_load %arg13[%parallel_loop3A_521, %parallel_loop3A_522] {strides = array<i32>} : memref<128x128xf32, #tpu.memory_space<vmem>>, vector<16xf32>,
        %parallel_loop3A_524 = arith.index_cast %parallel_loop3A_465 : i32 to index
        %parallel_loop3A_525 = arith.constant 112 : index
        %parallel_loop3A_526 = tpu.vector_load %arg14[%parallel_loop3A_524, %parallel_loop3A_525] {strides = array<i32>} : memref<128x128xf32, #tpu.memory_space<vmem>>, vector<16xf32>,
        %parallel_loop3A_527 = arith.mulf %parallel_loop3A_523, %parallel_loop3A_526 : vector<16xf32>
        %parallel_loop3A_528 = arith.addf %parallel_loop3A_520, %parallel_loop3A_527 : vector<16xf32>
        %parallel_loop3A_529 = arith.constant 68 : i32
        %parallel_loop3A_530 = arith.addi %parallel_loop3A_177, %parallel_loop3A_529 : i32
        %parallel_loop3A_531 = arith.index_cast %parallel_loop3A_530 : i32 to index
        %parallel_loop3A_532 = tpu.vector_load %arg18[%parallel_loop3A_531] {strides = array<i32>} : memref<2176xf32, #tpu.memory_space<vmem>>, vector<16xf32>,
        tpu.vector_store %arg18[%parallel_loop3A_531], %parallel_loop3A_528 {strides = array<i32>} : memref<2176xf32, #tpu.memory_space<vmem>>, vector<16xf32>,
        %parallel_loop3A_533 = arith.constant 16 : i32
        %parallel_loop3A_534 = arith.muli %parallel_loop3A_175, %parallel_loop3A_533 : i32
        %parallel_loop3A_535 = arith.constant 5 : i32
        %parallel_loop3A_536 = arith.addi %parallel_loop3A_534, %parallel_loop3A_535 : i32
        %parallel_loop3A_537 = arith.index_cast %parallel_loop3A_536 : i32 to index
        %parallel_loop3A_538 = arith.constant 0 : index
        %parallel_loop3A_539 = tpu.vector_load %arg13[%parallel_loop3A_537, %parallel_loop3A_538] {strides = array<i32>} : memref<128x128xf32, #tpu.memory_space<vmem>>, vector<16xf32>,
        %parallel_loop3A_540 = arith.index_cast %parallel_loop3A_536 : i32 to index
        %parallel_loop3A_541 = arith.constant 0 : index
        %parallel_loop3A_542 = tpu.vector_load %arg14[%parallel_loop3A_540, %parallel_loop3A_541] {strides = array<i32>} : memref<128x128xf32, #tpu.memory_space<vmem>>, vector<16xf32>,
        %parallel_loop3A_543 = arith.mulf %parallel_loop3A_539, %parallel_loop3A_542 : vector<16xf32>
        %parallel_loop3A_544 = arith.index_cast %parallel_loop3A_536 : i32 to index
        %parallel_loop3A_545 = arith.constant 16 : index
        %parallel_loop3A_546 = tpu.vector_load %arg13[%parallel_loop3A_544, %parallel_loop3A_545] {strides = array<i32>} : memref<128x128xf32, #tpu.memory_space<vmem>>, vector<16xf32>,
        %parallel_loop3A_547 = arith.index_cast %parallel_loop3A_536 : i32 to index
        %parallel_loop3A_548 = arith.constant 16 : index
        %parallel_loop3A_549 = tpu.vector_load %arg14[%parallel_loop3A_547, %parallel_loop3A_548] {strides = array<i32>} : memref<128x128xf32, #tpu.memory_space<vmem>>, vector<16xf32>,
        %parallel_loop3A_550 = arith.mulf %parallel_loop3A_546, %parallel_loop3A_549 : vector<16xf32>
        %parallel_loop3A_551 = arith.addf %parallel_loop3A_543, %parallel_loop3A_550 : vector<16xf32>
        %parallel_loop3A_552 = arith.index_cast %parallel_loop3A_536 : i32 to index
        %parallel_loop3A_553 = arith.constant 32 : index
        %parallel_loop3A_554 = tpu.vector_load %arg13[%parallel_loop3A_552, %parallel_loop3A_553] {strides = array<i32>} : memref<128x128xf32, #tpu.memory_space<vmem>>, vector<16xf32>,
        %parallel_loop3A_555 = arith.index_cast %parallel_loop3A_536 : i32 to index
        %parallel_loop3A_556 = arith.constant 32 : index
        %parallel_loop3A_557 = tpu.vector_load %arg14[%parallel_loop3A_555, %parallel_loop3A_556] {strides = array<i32>} : memref<128x128xf32, #tpu.memory_space<vmem>>, vector<16xf32>,
        %parallel_loop3A_558 = arith.mulf %parallel_loop3A_554, %parallel_loop3A_557 : vector<16xf32>
        %parallel_loop3A_559 = arith.addf %parallel_loop3A_551, %parallel_loop3A_558 : vector<16xf32>
        %parallel_loop3A_560 = arith.index_cast %parallel_loop3A_536 : i32 to index
        %parallel_loop3A_561 = arith.constant 48 : index
        %parallel_loop3A_562 = tpu.vector_load %arg13[%parallel_loop3A_560, %parallel_loop3A_561] {strides = array<i32>} : memref<128x128xf32, #tpu.memory_space<vmem>>, vector<16xf32>,
        %parallel_loop3A_563 = arith.index_cast %parallel_loop3A_536 : i32 to index
        %parallel_loop3A_564 = arith.constant 48 : index
        %parallel_loop3A_565 = tpu.vector_load %arg14[%parallel_loop3A_563, %parallel_loop3A_564] {strides = array<i32>} : memref<128x128xf32, #tpu.memory_space<vmem>>, vector<16xf32>,
        %parallel_loop3A_566 = arith.mulf %parallel_loop3A_562, %parallel_loop3A_565 : vector<16xf32>
        %parallel_loop3A_567 = arith.addf %parallel_loop3A_559, %parallel_loop3A_566 : vector<16xf32>
        %parallel_loop3A_568 = arith.index_cast %parallel_loop3A_536 : i32 to index
        %parallel_loop3A_569 = arith.constant 64 : index
        %parallel_loop3A_570 = tpu.vector_load %arg13[%parallel_loop3A_568, %parallel_loop3A_569] {strides = array<i32>} : memref<128x128xf32, #tpu.memory_space<vmem>>, vector<16xf32>,
        %parallel_loop3A_571 = arith.index_cast %parallel_loop3A_536 : i32 to index
        %parallel_loop3A_572 = arith.constant 64 : index
        %parallel_loop3A_573 = tpu.vector_load %arg14[%parallel_loop3A_571, %parallel_loop3A_572] {strides = array<i32>} : memref<128x128xf32, #tpu.memory_space<vmem>>, vector<16xf32>,
        %parallel_loop3A_574 = arith.mulf %parallel_loop3A_570, %parallel_loop3A_573 : vector<16xf32>
        %parallel_loop3A_575 = arith.addf %parallel_loop3A_567, %parallel_loop3A_574 : vector<16xf32>
        %parallel_loop3A_576 = arith.index_cast %parallel_loop3A_536 : i32 to index
        %parallel_loop3A_577 = arith.constant 80 : index
        %parallel_loop3A_578 = tpu.vector_load %arg13[%parallel_loop3A_576, %parallel_loop3A_577] {strides = array<i32>} : memref<128x128xf32, #tpu.memory_space<vmem>>, vector<16xf32>,
        %parallel_loop3A_579 = arith.index_cast %parallel_loop3A_536 : i32 to index
        %parallel_loop3A_580 = arith.constant 80 : index
        %parallel_loop3A_581 = tpu.vector_load %arg14[%parallel_loop3A_579, %parallel_loop3A_580] {strides = array<i32>} : memref<128x128xf32, #tpu.memory_space<vmem>>, vector<16xf32>,
        %parallel_loop3A_582 = arith.mulf %parallel_loop3A_578, %parallel_loop3A_581 : vector<16xf32>
        %parallel_loop3A_583 = arith.addf %parallel_loop3A_575, %parallel_loop3A_582 : vector<16xf32>
        %parallel_loop3A_584 = arith.index_cast %parallel_loop3A_536 : i32 to index
        %parallel_loop3A_585 = arith.constant 96 : index
        %parallel_loop3A_586 = tpu.vector_load %arg13[%parallel_loop3A_584, %parallel_loop3A_585] {strides = array<i32>} : memref<128x128xf32, #tpu.memory_space<vmem>>, vector<16xf32>,
        %parallel_loop3A_587 = arith.index_cast %parallel_loop3A_536 : i32 to index
        %parallel_loop3A_588 = arith.constant 96 : index
        %parallel_loop3A_589 = tpu.vector_load %arg14[%parallel_loop3A_587, %parallel_loop3A_588] {strides = array<i32>} : memref<128x128xf32, #tpu.memory_space<vmem>>, vector<16xf32>,
        %parallel_loop3A_590 = arith.mulf %parallel_loop3A_586, %parallel_loop3A_589 : vector<16xf32>
        %parallel_loop3A_591 = arith.addf %parallel_loop3A_583, %parallel_loop3A_590 : vector<16xf32>
        %parallel_loop3A_592 = arith.index_cast %parallel_loop3A_536 : i32 to index
        %parallel_loop3A_593 = arith.constant 112 : index
        %parallel_loop3A_594 = tpu.vector_load %arg13[%parallel_loop3A_592, %parallel_loop3A_593] {strides = array<i32>} : memref<128x128xf32, #tpu.memory_space<vmem>>, vector<16xf32>,
        %parallel_loop3A_595 = arith.index_cast %parallel_loop3A_536 : i32 to index
        %parallel_loop3A_596 = arith.constant 112 : index
        %parallel_loop3A_597 = tpu.vector_load %arg14[%parallel_loop3A_595, %parallel_loop3A_596] {strides = array<i32>} : memref<128x128xf32, #tpu.memory_space<vmem>>, vector<16xf32>,
        %parallel_loop3A_598 = arith.mulf %parallel_loop3A_594, %parallel_loop3A_597 : vector<16xf32>
        %parallel_loop3A_599 = arith.addf %parallel_loop3A_591, %parallel_loop3A_598 : vector<16xf32>
        %parallel_loop3A_600 = arith.constant 85 : i32
        %parallel_loop3A_601 = arith.addi %parallel_loop3A_177, %parallel_loop3A_600 : i32
        %parallel_loop3A_602 = arith.index_cast %parallel_loop3A_601 : i32 to index
        %parallel_loop3A_603 = tpu.vector_load %arg18[%parallel_loop3A_602] {strides = array<i32>} : memref<2176xf32, #tpu.memory_space<vmem>>, vector<16xf32>,
        tpu.vector_store %arg18[%parallel_loop3A_602], %parallel_loop3A_599 {strides = array<i32>} : memref<2176xf32, #tpu.memory_space<vmem>>, vector<16xf32>,
        %parallel_loop3A_604 = arith.constant 16 : i32
        %parallel_loop3A_605 = arith.muli %parallel_loop3A_175, %parallel_loop3A_604 : i32
        %parallel_loop3A_606 = arith.constant 6 : i32
        %parallel_loop3A_607 = arith.addi %parallel_loop3A_605, %parallel_loop3A_606 : i32
        %parallel_loop3A_608 = arith.index_cast %parallel_loop3A_607 : i32 to index
        %parallel_loop3A_609 = arith.constant 0 : index
        %parallel_loop3A_610 = tpu.vector_load %arg13[%parallel_loop3A_608, %parallel_loop3A_609] {strides = array<i32>} : memref<128x128xf32, #tpu.memory_space<vmem>>, vector<16xf32>,
        %parallel_loop3A_611 = arith.index_cast %parallel_loop3A_607 : i32 to index
        %parallel_loop3A_612 = arith.constant 0 : index
        %parallel_loop3A_613 = tpu.vector_load %arg14[%parallel_loop3A_611, %parallel_loop3A_612] {strides = array<i32>} : memref<128x128xf32, #tpu.memory_space<vmem>>, vector<16xf32>,
        %parallel_loop3A_614 = arith.mulf %parallel_loop3A_610, %parallel_loop3A_613 : vector<16xf32>
        %parallel_loop3A_615 = arith.index_cast %parallel_loop3A_607 : i32 to index
        %parallel_loop3A_616 = arith.constant 16 : index
        %parallel_loop3A_617 = tpu.vector_load %arg13[%parallel_loop3A_615, %parallel_loop3A_616] {strides = array<i32>} : memref<128x128xf32, #tpu.memory_space<vmem>>, vector<16xf32>,
        %parallel_loop3A_618 = arith.index_cast %parallel_loop3A_607 : i32 to index
        %parallel_loop3A_619 = arith.constant 16 : index
        %parallel_loop3A_620 = tpu.vector_load %arg14[%parallel_loop3A_618, %parallel_loop3A_619] {strides = array<i32>} : memref<128x128xf32, #tpu.memory_space<vmem>>, vector<16xf32>,
        %parallel_loop3A_621 = arith.mulf %parallel_loop3A_617, %parallel_loop3A_620 : vector<16xf32>
        %parallel_loop3A_622 = arith.addf %parallel_loop3A_614, %parallel_loop3A_621 : vector<16xf32>
        %parallel_loop3A_623 = arith.index_cast %parallel_loop3A_607 : i32 to index
        %parallel_loop3A_624 = arith.constant 32 : index
        %parallel_loop3A_625 = tpu.vector_load %arg13[%parallel_loop3A_623, %parallel_loop3A_624] {strides = array<i32>} : memref<128x128xf32, #tpu.memory_space<vmem>>, vector<16xf32>,
        %parallel_loop3A_626 = arith.index_cast %parallel_loop3A_607 : i32 to index
        %parallel_loop3A_627 = arith.constant 32 : index
        %parallel_loop3A_628 = tpu.vector_load %arg14[%parallel_loop3A_626, %parallel_loop3A_627] {strides = array<i32>} : memref<128x128xf32, #tpu.memory_space<vmem>>, vector<16xf32>,
        %parallel_loop3A_629 = arith.mulf %parallel_loop3A_625, %parallel_loop3A_628 : vector<16xf32>
        %parallel_loop3A_630 = arith.addf %parallel_loop3A_622, %parallel_loop3A_629 : vector<16xf32>
        %parallel_loop3A_631 = arith.index_cast %parallel_loop3A_607 : i32 to index
        %parallel_loop3A_632 = arith.constant 48 : index
        %parallel_loop3A_633 = tpu.vector_load %arg13[%parallel_loop3A_631, %parallel_loop3A_632] {strides = array<i32>} : memref<128x128xf32, #tpu.memory_space<vmem>>, vector<16xf32>,
        %parallel_loop3A_634 = arith.index_cast %parallel_loop3A_607 : i32 to index
        %parallel_loop3A_635 = arith.constant 48 : index
        %parallel_loop3A_636 = tpu.vector_load %arg14[%parallel_loop3A_634, %parallel_loop3A_635] {strides = array<i32>} : memref<128x128xf32, #tpu.memory_space<vmem>>, vector<16xf32>,
        %parallel_loop3A_637 = arith.mulf %parallel_loop3A_633, %parallel_loop3A_636 : vector<16xf32>
        %parallel_loop3A_638 = arith.addf %parallel_loop3A_630, %parallel_loop3A_637 : vector<16xf32>
        %parallel_loop3A_639 = arith.index_cast %parallel_loop3A_607 : i32 to index
        %parallel_loop3A_640 = arith.constant 64 : index
        %parallel_loop3A_641 = tpu.vector_load %arg13[%parallel_loop3A_639, %parallel_loop3A_640] {strides = array<i32>} : memref<128x128xf32, #tpu.memory_space<vmem>>, vector<16xf32>,
        %parallel_loop3A_642 = arith.index_cast %parallel_loop3A_607 : i32 to index
        %parallel_loop3A_643 = arith.constant 64 : index
        %parallel_loop3A_644 = tpu.vector_load %arg14[%parallel_loop3A_642, %parallel_loop3A_643] {strides = array<i32>} : memref<128x128xf32, #tpu.memory_space<vmem>>, vector<16xf32>,
        %parallel_loop3A_645 = arith.mulf %parallel_loop3A_641, %parallel_loop3A_644 : vector<16xf32>
        %parallel_loop3A_646 = arith.addf %parallel_loop3A_638, %parallel_loop3A_645 : vector<16xf32>
        %parallel_loop3A_647 = arith.index_cast %parallel_loop3A_607 : i32 to index
        %parallel_loop3A_648 = arith.constant 80 : index
        %parallel_loop3A_649 = tpu.vector_load %arg13[%parallel_loop3A_647, %parallel_loop3A_648] {strides = array<i32>} : memref<128x128xf32, #tpu.memory_space<vmem>>, vector<16xf32>,
        %parallel_loop3A_650 = arith.index_cast %parallel_loop3A_607 : i32 to index
        %parallel_loop3A_651 = arith.constant 80 : index
        %parallel_loop3A_652 = tpu.vector_load %arg14[%parallel_loop3A_650, %parallel_loop3A_651] {strides = array<i32>} : memref<128x128xf32, #tpu.memory_space<vmem>>, vector<16xf32>,
        %parallel_loop3A_653 = arith.mulf %parallel_loop3A_649, %parallel_loop3A_652 : vector<16xf32>
        %parallel_loop3A_654 = arith.addf %parallel_loop3A_646, %parallel_loop3A_653 : vector<16xf32>
        %parallel_loop3A_655 = arith.index_cast %parallel_loop3A_607 : i32 to index
        %parallel_loop3A_656 = arith.constant 96 : index
        %parallel_loop3A_657 = tpu.vector_load %arg13[%parallel_loop3A_655, %parallel_loop3A_656] {strides = array<i32>} : memref<128x128xf32, #tpu.memory_space<vmem>>, vector<16xf32>,
        %parallel_loop3A_658 = arith.index_cast %parallel_loop3A_607 : i32 to index
        %parallel_loop3A_659 = arith.constant 96 : index
        %parallel_loop3A_660 = tpu.vector_load %arg14[%parallel_loop3A_658, %parallel_loop3A_659] {strides = array<i32>} : memref<128x128xf32, #tpu.memory_space<vmem>>, vector<16xf32>,
        %parallel_loop3A_661 = arith.mulf %parallel_loop3A_657, %parallel_loop3A_660 : vector<16xf32>
        %parallel_loop3A_662 = arith.addf %parallel_loop3A_654, %parallel_loop3A_661 : vector<16xf32>
        %parallel_loop3A_663 = arith.index_cast %parallel_loop3A_607 : i32 to index
        %parallel_loop3A_664 = arith.constant 112 : index
        %parallel_loop3A_665 = tpu.vector_load %arg13[%parallel_loop3A_663, %parallel_loop3A_664] {strides = array<i32>} : memref<128x128xf32, #tpu.memory_space<vmem>>, vector<16xf32>,
        %parallel_loop3A_666 = arith.index_cast %parallel_loop3A_607 : i32 to index
        %parallel_loop3A_667 = arith.constant 112 : index
        %parallel_loop3A_668 = tpu.vector_load %arg14[%parallel_loop3A_666, %parallel_loop3A_667] {strides = array<i32>} : memref<128x128xf32, #tpu.memory_space<vmem>>, vector<16xf32>,
        %parallel_loop3A_669 = arith.mulf %parallel_loop3A_665, %parallel_loop3A_668 : vector<16xf32>
        %parallel_loop3A_670 = arith.addf %parallel_loop3A_662, %parallel_loop3A_669 : vector<16xf32>
        %parallel_loop3A_671 = arith.constant 102 : i32
        %parallel_loop3A_672 = arith.addi %parallel_loop3A_177, %parallel_loop3A_671 : i32
        %parallel_loop3A_673 = arith.index_cast %parallel_loop3A_672 : i32 to index
        %parallel_loop3A_674 = tpu.vector_load %arg18[%parallel_loop3A_673] {strides = array<i32>} : memref<2176xf32, #tpu.memory_space<vmem>>, vector<16xf32>,
        tpu.vector_store %arg18[%parallel_loop3A_673], %parallel_loop3A_670 {strides = array<i32>} : memref<2176xf32, #tpu.memory_space<vmem>>, vector<16xf32>,
        %parallel_loop3A_675 = arith.constant 16 : i32
        %parallel_loop3A_676 = arith.muli %parallel_loop3A_175, %parallel_loop3A_675 : i32
        %parallel_loop3A_677 = arith.constant 7 : i32
        %parallel_loop3A_678 = arith.addi %parallel_loop3A_676, %parallel_loop3A_677 : i32
        %parallel_loop3A_679 = arith.index_cast %parallel_loop3A_678 : i32 to index
        %parallel_loop3A_680 = arith.constant 0 : index
        %parallel_loop3A_681 = tpu.vector_load %arg13[%parallel_loop3A_679, %parallel_loop3A_680] {strides = array<i32>} : memref<128x128xf32, #tpu.memory_space<vmem>>, vector<16xf32>,
        %parallel_loop3A_682 = arith.index_cast %parallel_loop3A_678 : i32 to index
        %parallel_loop3A_683 = arith.constant 0 : index
        %parallel_loop3A_684 = tpu.vector_load %arg14[%parallel_loop3A_682, %parallel_loop3A_683] {strides = array<i32>} : memref<128x128xf32, #tpu.memory_space<vmem>>, vector<16xf32>,
        %parallel_loop3A_685 = arith.mulf %parallel_loop3A_681, %parallel_loop3A_684 : vector<16xf32>
        %parallel_loop3A_686 = arith.index_cast %parallel_loop3A_678 : i32 to index
        %parallel_loop3A_687 = arith.constant 16 : index
        %parallel_loop3A_688 = tpu.vector_load %arg13[%parallel_loop3A_686, %parallel_loop3A_687] {strides = array<i32>} : memref<128x128xf32, #tpu.memory_space<vmem>>, vector<16xf32>,
        %parallel_loop3A_689 = arith.index_cast %parallel_loop3A_678 : i32 to index
        %parallel_loop3A_690 = arith.constant 16 : index
        %parallel_loop3A_691 = tpu.vector_load %arg14[%parallel_loop3A_689, %parallel_loop3A_690] {strides = array<i32>} : memref<128x128xf32, #tpu.memory_space<vmem>>, vector<16xf32>,
        %parallel_loop3A_692 = arith.mulf %parallel_loop3A_688, %parallel_loop3A_691 : vector<16xf32>
        %parallel_loop3A_693 = arith.addf %parallel_loop3A_685, %parallel_loop3A_692 : vector<16xf32>
        %parallel_loop3A_694 = arith.index_cast %parallel_loop3A_678 : i32 to index
        %parallel_loop3A_695 = arith.constant 32 : index
        %parallel_loop3A_696 = tpu.vector_load %arg13[%parallel_loop3A_694, %parallel_loop3A_695] {strides = array<i32>} : memref<128x128xf32, #tpu.memory_space<vmem>>, vector<16xf32>,
        %parallel_loop3A_697 = arith.index_cast %parallel_loop3A_678 : i32 to index
        %parallel_loop3A_698 = arith.constant 32 : index
        %parallel_loop3A_699 = tpu.vector_load %arg14[%parallel_loop3A_697, %parallel_loop3A_698] {strides = array<i32>} : memref<128x128xf32, #tpu.memory_space<vmem>>, vector<16xf32>,
        %parallel_loop3A_700 = arith.mulf %parallel_loop3A_696, %parallel_loop3A_699 : vector<16xf32>
        %parallel_loop3A_701 = arith.addf %parallel_loop3A_693, %parallel_loop3A_700 : vector<16xf32>
        %parallel_loop3A_702 = arith.index_cast %parallel_loop3A_678 : i32 to index
        %parallel_loop3A_703 = arith.constant 48 : index
        %parallel_loop3A_704 = tpu.vector_load %arg13[%parallel_loop3A_702, %parallel_loop3A_703] {strides = array<i32>} : memref<128x128xf32, #tpu.memory_space<vmem>>, vector<16xf32>,
        %parallel_loop3A_705 = arith.index_cast %parallel_loop3A_678 : i32 to index
        %parallel_loop3A_706 = arith.constant 48 : index
        %parallel_loop3A_707 = tpu.vector_load %arg14[%parallel_loop3A_705, %parallel_loop3A_706] {strides = array<i32>} : memref<128x128xf32, #tpu.memory_space<vmem>>, vector<16xf32>,
        %parallel_loop3A_708 = arith.mulf %parallel_loop3A_704, %parallel_loop3A_707 : vector<16xf32>
        %parallel_loop3A_709 = arith.addf %parallel_loop3A_701, %parallel_loop3A_708 : vector<16xf32>
        %parallel_loop3A_710 = arith.index_cast %parallel_loop3A_678 : i32 to index
        %parallel_loop3A_711 = arith.constant 64 : index
        %parallel_loop3A_712 = tpu.vector_load %arg13[%parallel_loop3A_710, %parallel_loop3A_711] {strides = array<i32>} : memref<128x128xf32, #tpu.memory_space<vmem>>, vector<16xf32>,
        %parallel_loop3A_713 = arith.index_cast %parallel_loop3A_678 : i32 to index
        %parallel_loop3A_714 = arith.constant 64 : index
        %parallel_loop3A_715 = tpu.vector_load %arg14[%parallel_loop3A_713, %parallel_loop3A_714] {strides = array<i32>} : memref<128x128xf32, #tpu.memory_space<vmem>>, vector<16xf32>,
        %parallel_loop3A_716 = arith.mulf %parallel_loop3A_712, %parallel_loop3A_715 : vector<16xf32>
        %parallel_loop3A_717 = arith.addf %parallel_loop3A_709, %parallel_loop3A_716 : vector<16xf32>
        %parallel_loop3A_718 = arith.index_cast %parallel_loop3A_678 : i32 to index
        %parallel_loop3A_719 = arith.constant 80 : index
        %parallel_loop3A_720 = tpu.vector_load %arg13[%parallel_loop3A_718, %parallel_loop3A_719] {strides = array<i32>} : memref<128x128xf32, #tpu.memory_space<vmem>>, vector<16xf32>,
        %parallel_loop3A_721 = arith.index_cast %parallel_loop3A_678 : i32 to index
        %parallel_loop3A_722 = arith.constant 80 : index
        %parallel_loop3A_723 = tpu.vector_load %arg14[%parallel_loop3A_721, %parallel_loop3A_722] {strides = array<i32>} : memref<128x128xf32, #tpu.memory_space<vmem>>, vector<16xf32>,
        %parallel_loop3A_724 = arith.mulf %parallel_loop3A_720, %parallel_loop3A_723 : vector<16xf32>
        %parallel_loop3A_725 = arith.addf %parallel_loop3A_717, %parallel_loop3A_724 : vector<16xf32>
        %parallel_loop3A_726 = arith.index_cast %parallel_loop3A_678 : i32 to index
        %parallel_loop3A_727 = arith.constant 96 : index
        %parallel_loop3A_728 = tpu.vector_load %arg13[%parallel_loop3A_726, %parallel_loop3A_727] {strides = array<i32>} : memref<128x128xf32, #tpu.memory_space<vmem>>, vector<16xf32>,
        %parallel_loop3A_729 = arith.index_cast %parallel_loop3A_678 : i32 to index
        %parallel_loop3A_730 = arith.constant 96 : index
        %parallel_loop3A_731 = tpu.vector_load %arg14[%parallel_loop3A_729, %parallel_loop3A_730] {strides = array<i32>} : memref<128x128xf32, #tpu.memory_space<vmem>>, vector<16xf32>,
        %parallel_loop3A_732 = arith.mulf %parallel_loop3A_728, %parallel_loop3A_731 : vector<16xf32>
        %parallel_loop3A_733 = arith.addf %parallel_loop3A_725, %parallel_loop3A_732 : vector<16xf32>
        %parallel_loop3A_734 = arith.index_cast %parallel_loop3A_678 : i32 to index
        %parallel_loop3A_735 = arith.constant 112 : index
        %parallel_loop3A_736 = tpu.vector_load %arg13[%parallel_loop3A_734, %parallel_loop3A_735] {strides = array<i32>} : memref<128x128xf32, #tpu.memory_space<vmem>>, vector<16xf32>,
        %parallel_loop3A_737 = arith.index_cast %parallel_loop3A_678 : i32 to index
        %parallel_loop3A_738 = arith.constant 112 : index
        %parallel_loop3A_739 = tpu.vector_load %arg14[%parallel_loop3A_737, %parallel_loop3A_738] {strides = array<i32>} : memref<128x128xf32, #tpu.memory_space<vmem>>, vector<16xf32>,
        %parallel_loop3A_740 = arith.mulf %parallel_loop3A_736, %parallel_loop3A_739 : vector<16xf32>
        %parallel_loop3A_741 = arith.addf %parallel_loop3A_733, %parallel_loop3A_740 : vector<16xf32>
        %parallel_loop3A_742 = arith.constant 119 : i32
        %parallel_loop3A_743 = arith.addi %parallel_loop3A_177, %parallel_loop3A_742 : i32
        %parallel_loop3A_744 = arith.index_cast %parallel_loop3A_743 : i32 to index
        %parallel_loop3A_745 = tpu.vector_load %arg18[%parallel_loop3A_744] {strides = array<i32>} : memref<2176xf32, #tpu.memory_space<vmem>>, vector<16xf32>,
        tpu.vector_store %arg18[%parallel_loop3A_744], %parallel_loop3A_741 {strides = array<i32>} : memref<2176xf32, #tpu.memory_space<vmem>>, vector<16xf32>,
        %parallel_loop3A_746 = arith.constant 16 : i32
        %parallel_loop3A_747 = arith.muli %parallel_loop3A_175, %parallel_loop3A_746 : i32
        %parallel_loop3A_748 = arith.constant 8 : i32
        %parallel_loop3A_749 = arith.addi %parallel_loop3A_747, %parallel_loop3A_748 : i32
        %parallel_loop3A_750 = arith.index_cast %parallel_loop3A_749 : i32 to index
        %parallel_loop3A_751 = arith.constant 0 : index
        %parallel_loop3A_752 = tpu.vector_load %arg13[%parallel_loop3A_750, %parallel_loop3A_751] {strides = array<i32>} : memref<128x128xf32, #tpu.memory_space<vmem>>, vector<16xf32>,
        %parallel_loop3A_753 = arith.index_cast %parallel_loop3A_749 : i32 to index
        %parallel_loop3A_754 = arith.constant 0 : index
        %parallel_loop3A_755 = tpu.vector_load %arg14[%parallel_loop3A_753, %parallel_loop3A_754] {strides = array<i32>} : memref<128x128xf32, #tpu.memory_space<vmem>>, vector<16xf32>,
        %parallel_loop3A_756 = arith.mulf %parallel_loop3A_752, %parallel_loop3A_755 : vector<16xf32>
        %parallel_loop3A_757 = arith.index_cast %parallel_loop3A_749 : i32 to index
        %parallel_loop3A_758 = arith.constant 16 : index
        %parallel_loop3A_759 = tpu.vector_load %arg13[%parallel_loop3A_757, %parallel_loop3A_758] {strides = array<i32>} : memref<128x128xf32, #tpu.memory_space<vmem>>, vector<16xf32>,
        %parallel_loop3A_760 = arith.index_cast %parallel_loop3A_749 : i32 to index
        %parallel_loop3A_761 = arith.constant 16 : index
        %parallel_loop3A_762 = tpu.vector_load %arg14[%parallel_loop3A_760, %parallel_loop3A_761] {strides = array<i32>} : memref<128x128xf32, #tpu.memory_space<vmem>>, vector<16xf32>,
        %parallel_loop3A_763 = arith.mulf %parallel_loop3A_759, %parallel_loop3A_762 : vector<16xf32>
        %parallel_loop3A_764 = arith.addf %parallel_loop3A_756, %parallel_loop3A_763 : vector<16xf32>
        %parallel_loop3A_765 = arith.index_cast %parallel_loop3A_749 : i32 to index
        %parallel_loop3A_766 = arith.constant 32 : index
        %parallel_loop3A_767 = tpu.vector_load %arg13[%parallel_loop3A_765, %parallel_loop3A_766] {strides = array<i32>} : memref<128x128xf32, #tpu.memory_space<vmem>>, vector<16xf32>,
        %parallel_loop3A_768 = arith.index_cast %parallel_loop3A_749 : i32 to index
        %parallel_loop3A_769 = arith.constant 32 : index
        %parallel_loop3A_770 = tpu.vector_load %arg14[%parallel_loop3A_768, %parallel_loop3A_769] {strides = array<i32>} : memref<128x128xf32, #tpu.memory_space<vmem>>, vector<16xf32>,
        %parallel_loop3A_771 = arith.mulf %parallel_loop3A_767, %parallel_loop3A_770 : vector<16xf32>
        %parallel_loop3A_772 = arith.addf %parallel_loop3A_764, %parallel_loop3A_771 : vector<16xf32>
        %parallel_loop3A_773 = arith.index_cast %parallel_loop3A_749 : i32 to index
        %parallel_loop3A_774 = arith.constant 48 : index
        %parallel_loop3A_775 = tpu.vector_load %arg13[%parallel_loop3A_773, %parallel_loop3A_774] {strides = array<i32>} : memref<128x128xf32, #tpu.memory_space<vmem>>, vector<16xf32>,
        %parallel_loop3A_776 = arith.index_cast %parallel_loop3A_749 : i32 to index
        %parallel_loop3A_777 = arith.constant 48 : index
        %parallel_loop3A_778 = tpu.vector_load %arg14[%parallel_loop3A_776, %parallel_loop3A_777] {strides = array<i32>} : memref<128x128xf32, #tpu.memory_space<vmem>>, vector<16xf32>,
        %parallel_loop3A_779 = arith.mulf %parallel_loop3A_775, %parallel_loop3A_778 : vector<16xf32>
        %parallel_loop3A_780 = arith.addf %parallel_loop3A_772, %parallel_loop3A_779 : vector<16xf32>
        %parallel_loop3A_781 = arith.index_cast %parallel_loop3A_749 : i32 to index
        %parallel_loop3A_782 = arith.constant 64 : index
        %parallel_loop3A_783 = tpu.vector_load %arg13[%parallel_loop3A_781, %parallel_loop3A_782] {strides = array<i32>} : memref<128x128xf32, #tpu.memory_space<vmem>>, vector<16xf32>,
        %parallel_loop3A_784 = arith.index_cast %parallel_loop3A_749 : i32 to index
        %parallel_loop3A_785 = arith.constant 64 : index
        %parallel_loop3A_786 = tpu.vector_load %arg14[%parallel_loop3A_784, %parallel_loop3A_785] {strides = array<i32>} : memref<128x128xf32, #tpu.memory_space<vmem>>, vector<16xf32>,
        %parallel_loop3A_787 = arith.mulf %parallel_loop3A_783, %parallel_loop3A_786 : vector<16xf32>
        %parallel_loop3A_788 = arith.addf %parallel_loop3A_780, %parallel_loop3A_787 : vector<16xf32>
        %parallel_loop3A_789 = arith.index_cast %parallel_loop3A_749 : i32 to index
        %parallel_loop3A_790 = arith.constant 80 : index
        %parallel_loop3A_791 = tpu.vector_load %arg13[%parallel_loop3A_789, %parallel_loop3A_790] {strides = array<i32>} : memref<128x128xf32, #tpu.memory_space<vmem>>, vector<16xf32>,
        %parallel_loop3A_792 = arith.index_cast %parallel_loop3A_749 : i32 to index
        %parallel_loop3A_793 = arith.constant 80 : index
        %parallel_loop3A_794 = tpu.vector_load %arg14[%parallel_loop3A_792, %parallel_loop3A_793] {strides = array<i32>} : memref<128x128xf32, #tpu.memory_space<vmem>>, vector<16xf32>,
        %parallel_loop3A_795 = arith.mulf %parallel_loop3A_791, %parallel_loop3A_794 : vector<16xf32>
        %parallel_loop3A_796 = arith.addf %parallel_loop3A_788, %parallel_loop3A_795 : vector<16xf32>
        %parallel_loop3A_797 = arith.index_cast %parallel_loop3A_749 : i32 to index
        %parallel_loop3A_798 = arith.constant 96 : index
        %parallel_loop3A_799 = tpu.vector_load %arg13[%parallel_loop3A_797, %parallel_loop3A_798] {strides = array<i32>} : memref<128x128xf32, #tpu.memory_space<vmem>>, vector<16xf32>,
        %parallel_loop3A_800 = arith.index_cast %parallel_loop3A_749 : i32 to index
        %parallel_loop3A_801 = arith.constant 96 : index
        %parallel_loop3A_802 = tpu.vector_load %arg14[%parallel_loop3A_800, %parallel_loop3A_801] {strides = array<i32>} : memref<128x128xf32, #tpu.memory_space<vmem>>, vector<16xf32>,
        %parallel_loop3A_803 = arith.mulf %parallel_loop3A_799, %parallel_loop3A_802 : vector<16xf32>
        %parallel_loop3A_804 = arith.addf %parallel_loop3A_796, %parallel_loop3A_803 : vector<16xf32>
        %parallel_loop3A_805 = arith.index_cast %parallel_loop3A_749 : i32 to index
        %parallel_loop3A_806 = arith.constant 112 : index
        %parallel_loop3A_807 = tpu.vector_load %arg13[%parallel_loop3A_805, %parallel_loop3A_806] {strides = array<i32>} : memref<128x128xf32, #tpu.memory_space<vmem>>, vector<16xf32>,
        %parallel_loop3A_808 = arith.index_cast %parallel_loop3A_749 : i32 to index
        %parallel_loop3A_809 = arith.constant 112 : index
        %parallel_loop3A_810 = tpu.vector_load %arg14[%parallel_loop3A_808, %parallel_loop3A_809] {strides = array<i32>} : memref<128x128xf32, #tpu.memory_space<vmem>>, vector<16xf32>,
        %parallel_loop3A_811 = arith.mulf %parallel_loop3A_807, %parallel_loop3A_810 : vector<16xf32>
        %parallel_loop3A_812 = arith.addf %parallel_loop3A_804, %parallel_loop3A_811 : vector<16xf32>
        %parallel_loop3A_813 = arith.constant 136 : i32
        %parallel_loop3A_814 = arith.addi %parallel_loop3A_177, %parallel_loop3A_813 : i32
        %parallel_loop3A_815 = arith.index_cast %parallel_loop3A_814 : i32 to index
        %parallel_loop3A_816 = tpu.vector_load %arg18[%parallel_loop3A_815] {strides = array<i32>} : memref<2176xf32, #tpu.memory_space<vmem>>, vector<16xf32>,
        tpu.vector_store %arg18[%parallel_loop3A_815], %parallel_loop3A_812 {strides = array<i32>} : memref<2176xf32, #tpu.memory_space<vmem>>, vector<16xf32>,
        %parallel_loop3A_817 = arith.constant 16 : i32
        %parallel_loop3A_818 = arith.muli %parallel_loop3A_175, %parallel_loop3A_817 : i32
        %parallel_loop3A_819 = arith.constant 9 : i32
        %parallel_loop3A_820 = arith.addi %parallel_loop3A_818, %parallel_loop3A_819 : i32
        %parallel_loop3A_821 = arith.index_cast %parallel_loop3A_820 : i32 to index
        %parallel_loop3A_822 = arith.constant 0 : index
        %parallel_loop3A_823 = tpu.vector_load %arg13[%parallel_loop3A_821, %parallel_loop3A_822] {strides = array<i32>} : memref<128x128xf32, #tpu.memory_space<vmem>>, vector<16xf32>,
        %parallel_loop3A_824 = arith.index_cast %parallel_loop3A_820 : i32 to index
        %parallel_loop3A_825 = arith.constant 0 : index
        %parallel_loop3A_826 = tpu.vector_load %arg14[%parallel_loop3A_824, %parallel_loop3A_825] {strides = array<i32>} : memref<128x128xf32, #tpu.memory_space<vmem>>, vector<16xf32>,
        %parallel_loop3A_827 = arith.mulf %parallel_loop3A_823, %parallel_loop3A_826 : vector<16xf32>
        %parallel_loop3A_828 = arith.index_cast %parallel_loop3A_820 : i32 to index
        %parallel_loop3A_829 = arith.constant 16 : index
        %parallel_loop3A_830 = tpu.vector_load %arg13[%parallel_loop3A_828, %parallel_loop3A_829] {strides = array<i32>} : memref<128x128xf32, #tpu.memory_space<vmem>>, vector<16xf32>,
        %parallel_loop3A_831 = arith.index_cast %parallel_loop3A_820 : i32 to index
        %parallel_loop3A_832 = arith.constant 16 : index
        %parallel_loop3A_833 = tpu.vector_load %arg14[%parallel_loop3A_831, %parallel_loop3A_832] {strides = array<i32>} : memref<128x128xf32, #tpu.memory_space<vmem>>, vector<16xf32>,
        %parallel_loop3A_834 = arith.mulf %parallel_loop3A_830, %parallel_loop3A_833 : vector<16xf32>
        %parallel_loop3A_835 = arith.addf %parallel_loop3A_827, %parallel_loop3A_834 : vector<16xf32>
        %parallel_loop3A_836 = arith.index_cast %parallel_loop3A_820 : i32 to index
        %parallel_loop3A_837 = arith.constant 32 : index
        %parallel_loop3A_838 = tpu.vector_load %arg13[%parallel_loop3A_836, %parallel_loop3A_837] {strides = array<i32>} : memref<128x128xf32, #tpu.memory_space<vmem>>, vector<16xf32>,
        %parallel_loop3A_839 = arith.index_cast %parallel_loop3A_820 : i32 to index
        %parallel_loop3A_840 = arith.constant 32 : index
        %parallel_loop3A_841 = tpu.vector_load %arg14[%parallel_loop3A_839, %parallel_loop3A_840] {strides = array<i32>} : memref<128x128xf32, #tpu.memory_space<vmem>>, vector<16xf32>,
        %parallel_loop3A_842 = arith.mulf %parallel_loop3A_838, %parallel_loop3A_841 : vector<16xf32>
        %parallel_loop3A_843 = arith.addf %parallel_loop3A_835, %parallel_loop3A_842 : vector<16xf32>
        %parallel_loop3A_844 = arith.index_cast %parallel_loop3A_820 : i32 to index
        %parallel_loop3A_845 = arith.constant 48 : index
        %parallel_loop3A_846 = tpu.vector_load %arg13[%parallel_loop3A_844, %parallel_loop3A_845] {strides = array<i32>} : memref<128x128xf32, #tpu.memory_space<vmem>>, vector<16xf32>,
        %parallel_loop3A_847 = arith.index_cast %parallel_loop3A_820 : i32 to index
        %parallel_loop3A_848 = arith.constant 48 : index
        %parallel_loop3A_849 = tpu.vector_load %arg14[%parallel_loop3A_847, %parallel_loop3A_848] {strides = array<i32>} : memref<128x128xf32, #tpu.memory_space<vmem>>, vector<16xf32>,
        %parallel_loop3A_850 = arith.mulf %parallel_loop3A_846, %parallel_loop3A_849 : vector<16xf32>
        %parallel_loop3A_851 = arith.addf %parallel_loop3A_843, %parallel_loop3A_850 : vector<16xf32>
        %parallel_loop3A_852 = arith.index_cast %parallel_loop3A_820 : i32 to index
        %parallel_loop3A_853 = arith.constant 64 : index
        %parallel_loop3A_854 = tpu.vector_load %arg13[%parallel_loop3A_852, %parallel_loop3A_853] {strides = array<i32>} : memref<128x128xf32, #tpu.memory_space<vmem>>, vector<16xf32>,
        %parallel_loop3A_855 = arith.index_cast %parallel_loop3A_820 : i32 to index
        %parallel_loop3A_856 = arith.constant 64 : index
        %parallel_loop3A_857 = tpu.vector_load %arg14[%parallel_loop3A_855, %parallel_loop3A_856] {strides = array<i32>} : memref<128x128xf32, #tpu.memory_space<vmem>>, vector<16xf32>,
        %parallel_loop3A_858 = arith.mulf %parallel_loop3A_854, %parallel_loop3A_857 : vector<16xf32>
        %parallel_loop3A_859 = arith.addf %parallel_loop3A_851, %parallel_loop3A_858 : vector<16xf32>
        %parallel_loop3A_860 = arith.index_cast %parallel_loop3A_820 : i32 to index
        %parallel_loop3A_861 = arith.constant 80 : index
        %parallel_loop3A_862 = tpu.vector_load %arg13[%parallel_loop3A_860, %parallel_loop3A_861] {strides = array<i32>} : memref<128x128xf32, #tpu.memory_space<vmem>>, vector<16xf32>,
        %parallel_loop3A_863 = arith.index_cast %parallel_loop3A_820 : i32 to index
        %parallel_loop3A_864 = arith.constant 80 : index
        %parallel_loop3A_865 = tpu.vector_load %arg14[%parallel_loop3A_863, %parallel_loop3A_864] {strides = array<i32>} : memref<128x128xf32, #tpu.memory_space<vmem>>, vector<16xf32>,
        %parallel_loop3A_866 = arith.mulf %parallel_loop3A_862, %parallel_loop3A_865 : vector<16xf32>
        %parallel_loop3A_867 = arith.addf %parallel_loop3A_859, %parallel_loop3A_866 : vector<16xf32>
        %parallel_loop3A_868 = arith.index_cast %parallel_loop3A_820 : i32 to index
        %parallel_loop3A_869 = arith.constant 96 : index
        %parallel_loop3A_870 = tpu.vector_load %arg13[%parallel_loop3A_868, %parallel_loop3A_869] {strides = array<i32>} : memref<128x128xf32, #tpu.memory_space<vmem>>, vector<16xf32>,
        %parallel_loop3A_871 = arith.index_cast %parallel_loop3A_820 : i32 to index
        %parallel_loop3A_872 = arith.constant 96 : index
        %parallel_loop3A_873 = tpu.vector_load %arg14[%parallel_loop3A_871, %parallel_loop3A_872] {strides = array<i32>} : memref<128x128xf32, #tpu.memory_space<vmem>>, vector<16xf32>,
        %parallel_loop3A_874 = arith.mulf %parallel_loop3A_870, %parallel_loop3A_873 : vector<16xf32>
        %parallel_loop3A_875 = arith.addf %parallel_loop3A_867, %parallel_loop3A_874 : vector<16xf32>
        %parallel_loop3A_876 = arith.index_cast %parallel_loop3A_820 : i32 to index
        %parallel_loop3A_877 = arith.constant 112 : index
        %parallel_loop3A_878 = tpu.vector_load %arg13[%parallel_loop3A_876, %parallel_loop3A_877] {strides = array<i32>} : memref<128x128xf32, #tpu.memory_space<vmem>>, vector<16xf32>,
        %parallel_loop3A_879 = arith.index_cast %parallel_loop3A_820 : i32 to index
        %parallel_loop3A_880 = arith.constant 112 : index
        %parallel_loop3A_881 = tpu.vector_load %arg14[%parallel_loop3A_879, %parallel_loop3A_880] {strides = array<i32>} : memref<128x128xf32, #tpu.memory_space<vmem>>, vector<16xf32>,
        %parallel_loop3A_882 = arith.mulf %parallel_loop3A_878, %parallel_loop3A_881 : vector<16xf32>
        %parallel_loop3A_883 = arith.addf %parallel_loop3A_875, %parallel_loop3A_882 : vector<16xf32>
        %parallel_loop3A_884 = arith.constant 153 : i32
        %parallel_loop3A_885 = arith.addi %parallel_loop3A_177, %parallel_loop3A_884 : i32
        %parallel_loop3A_886 = arith.index_cast %parallel_loop3A_885 : i32 to index
        %parallel_loop3A_887 = tpu.vector_load %arg18[%parallel_loop3A_886] {strides = array<i32>} : memref<2176xf32, #tpu.memory_space<vmem>>, vector<16xf32>,
        tpu.vector_store %arg18[%parallel_loop3A_886], %parallel_loop3A_883 {strides = array<i32>} : memref<2176xf32, #tpu.memory_space<vmem>>, vector<16xf32>,
        %parallel_loop3A_888 = arith.constant 16 : i32
        %parallel_loop3A_889 = arith.muli %parallel_loop3A_175, %parallel_loop3A_888 : i32
        %parallel_loop3A_890 = arith.constant 10 : i32
        %parallel_loop3A_891 = arith.addi %parallel_loop3A_889, %parallel_loop3A_890 : i32
        %parallel_loop3A_892 = arith.index_cast %parallel_loop3A_891 : i32 to index
        %parallel_loop3A_893 = arith.constant 0 : index
        %parallel_loop3A_894 = tpu.vector_load %arg13[%parallel_loop3A_892, %parallel_loop3A_893] {strides = array<i32>} : memref<128x128xf32, #tpu.memory_space<vmem>>, vector<16xf32>,
        %parallel_loop3A_895 = arith.index_cast %parallel_loop3A_891 : i32 to index
        %parallel_loop3A_896 = arith.constant 0 : index
        %parallel_loop3A_897 = tpu.vector_load %arg14[%parallel_loop3A_895, %parallel_loop3A_896] {strides = array<i32>} : memref<128x128xf32, #tpu.memory_space<vmem>>, vector<16xf32>,
        %parallel_loop3A_898 = arith.mulf %parallel_loop3A_894, %parallel_loop3A_897 : vector<16xf32>
        %parallel_loop3A_899 = arith.index_cast %parallel_loop3A_891 : i32 to index
        %parallel_loop3A_900 = arith.constant 16 : index
        %parallel_loop3A_901 = tpu.vector_load %arg13[%parallel_loop3A_899, %parallel_loop3A_900] {strides = array<i32>} : memref<128x128xf32, #tpu.memory_space<vmem>>, vector<16xf32>,
        %parallel_loop3A_902 = arith.index_cast %parallel_loop3A_891 : i32 to index
        %parallel_loop3A_903 = arith.constant 16 : index
        %parallel_loop3A_904 = tpu.vector_load %arg14[%parallel_loop3A_902, %parallel_loop3A_903] {strides = array<i32>} : memref<128x128xf32, #tpu.memory_space<vmem>>, vector<16xf32>,
        %parallel_loop3A_905 = arith.mulf %parallel_loop3A_901, %parallel_loop3A_904 : vector<16xf32>
        %parallel_loop3A_906 = arith.addf %parallel_loop3A_898, %parallel_loop3A_905 : vector<16xf32>
        %parallel_loop3A_907 = arith.index_cast %parallel_loop3A_891 : i32 to index
        %parallel_loop3A_908 = arith.constant 32 : index
        %parallel_loop3A_909 = tpu.vector_load %arg13[%parallel_loop3A_907, %parallel_loop3A_908] {strides = array<i32>} : memref<128x128xf32, #tpu.memory_space<vmem>>, vector<16xf32>,
        %parallel_loop3A_910 = arith.index_cast %parallel_loop3A_891 : i32 to index
        %parallel_loop3A_911 = arith.constant 32 : index
        %parallel_loop3A_912 = tpu.vector_load %arg14[%parallel_loop3A_910, %parallel_loop3A_911] {strides = array<i32>} : memref<128x128xf32, #tpu.memory_space<vmem>>, vector<16xf32>,
        %parallel_loop3A_913 = arith.mulf %parallel_loop3A_909, %parallel_loop3A_912 : vector<16xf32>
        %parallel_loop3A_914 = arith.addf %parallel_loop3A_906, %parallel_loop3A_913 : vector<16xf32>
        %parallel_loop3A_915 = arith.index_cast %parallel_loop3A_891 : i32 to index
        %parallel_loop3A_916 = arith.constant 48 : index
        %parallel_loop3A_917 = tpu.vector_load %arg13[%parallel_loop3A_915, %parallel_loop3A_916] {strides = array<i32>} : memref<128x128xf32, #tpu.memory_space<vmem>>, vector<16xf32>,
        %parallel_loop3A_918 = arith.index_cast %parallel_loop3A_891 : i32 to index
        %parallel_loop3A_919 = arith.constant 48 : index
        %parallel_loop3A_920 = tpu.vector_load %arg14[%parallel_loop3A_918, %parallel_loop3A_919] {strides = array<i32>} : memref<128x128xf32, #tpu.memory_space<vmem>>, vector<16xf32>,
        %parallel_loop3A_921 = arith.mulf %parallel_loop3A_917, %parallel_loop3A_920 : vector<16xf32>
        %parallel_loop3A_922 = arith.addf %parallel_loop3A_914, %parallel_loop3A_921 : vector<16xf32>
        %parallel_loop3A_923 = arith.index_cast %parallel_loop3A_891 : i32 to index
        %parallel_loop3A_924 = arith.constant 64 : index
        %parallel_loop3A_925 = tpu.vector_load %arg13[%parallel_loop3A_923, %parallel_loop3A_924] {strides = array<i32>} : memref<128x128xf32, #tpu.memory_space<vmem>>, vector<16xf32>,
        %parallel_loop3A_926 = arith.index_cast %parallel_loop3A_891 : i32 to index
        %parallel_loop3A_927 = arith.constant 64 : index
        %parallel_loop3A_928 = tpu.vector_load %arg14[%parallel_loop3A_926, %parallel_loop3A_927] {strides = array<i32>} : memref<128x128xf32, #tpu.memory_space<vmem>>, vector<16xf32>,
        %parallel_loop3A_929 = arith.mulf %parallel_loop3A_925, %parallel_loop3A_928 : vector<16xf32>
        %parallel_loop3A_930 = arith.addf %parallel_loop3A_922, %parallel_loop3A_929 : vector<16xf32>
        %parallel_loop3A_931 = arith.index_cast %parallel_loop3A_891 : i32 to index
        %parallel_loop3A_932 = arith.constant 80 : index
        %parallel_loop3A_933 = tpu.vector_load %arg13[%parallel_loop3A_931, %parallel_loop3A_932] {strides = array<i32>} : memref<128x128xf32, #tpu.memory_space<vmem>>, vector<16xf32>,
        %parallel_loop3A_934 = arith.index_cast %parallel_loop3A_891 : i32 to index
        %parallel_loop3A_935 = arith.constant 80 : index
        %parallel_loop3A_936 = tpu.vector_load %arg14[%parallel_loop3A_934, %parallel_loop3A_935] {strides = array<i32>} : memref<128x128xf32, #tpu.memory_space<vmem>>, vector<16xf32>,
        %parallel_loop3A_937 = arith.mulf %parallel_loop3A_933, %parallel_loop3A_936 : vector<16xf32>
        %parallel_loop3A_938 = arith.addf %parallel_loop3A_930, %parallel_loop3A_937 : vector<16xf32>
        %parallel_loop3A_939 = arith.index_cast %parallel_loop3A_891 : i32 to index
        %parallel_loop3A_940 = arith.constant 96 : index
        %parallel_loop3A_941 = tpu.vector_load %arg13[%parallel_loop3A_939, %parallel_loop3A_940] {strides = array<i32>} : memref<128x128xf32, #tpu.memory_space<vmem>>, vector<16xf32>,
        %parallel_loop3A_942 = arith.index_cast %parallel_loop3A_891 : i32 to index
        %parallel_loop3A_943 = arith.constant 96 : index
        %parallel_loop3A_944 = tpu.vector_load %arg14[%parallel_loop3A_942, %parallel_loop3A_943] {strides = array<i32>} : memref<128x128xf32, #tpu.memory_space<vmem>>, vector<16xf32>,
        %parallel_loop3A_945 = arith.mulf %parallel_loop3A_941, %parallel_loop3A_944 : vector<16xf32>
        %parallel_loop3A_946 = arith.addf %parallel_loop3A_938, %parallel_loop3A_945 : vector<16xf32>
        %parallel_loop3A_947 = arith.index_cast %parallel_loop3A_891 : i32 to index
        %parallel_loop3A_948 = arith.constant 112 : index
        %parallel_loop3A_949 = tpu.vector_load %arg13[%parallel_loop3A_947, %parallel_loop3A_948] {strides = array<i32>} : memref<128x128xf32, #tpu.memory_space<vmem>>, vector<16xf32>,
        %parallel_loop3A_950 = arith.index_cast %parallel_loop3A_891 : i32 to index
        %parallel_loop3A_951 = arith.constant 112 : index
        %parallel_loop3A_952 = tpu.vector_load %arg14[%parallel_loop3A_950, %parallel_loop3A_951] {strides = array<i32>} : memref<128x128xf32, #tpu.memory_space<vmem>>, vector<16xf32>,
        %parallel_loop3A_953 = arith.mulf %parallel_loop3A_949, %parallel_loop3A_952 : vector<16xf32>
        %parallel_loop3A_954 = arith.addf %parallel_loop3A_946, %parallel_loop3A_953 : vector<16xf32>
        %parallel_loop3A_955 = arith.constant 170 : i32
        %parallel_loop3A_956 = arith.addi %parallel_loop3A_177, %parallel_loop3A_955 : i32
        %parallel_loop3A_957 = arith.index_cast %parallel_loop3A_956 : i32 to index
        %parallel_loop3A_958 = tpu.vector_load %arg18[%parallel_loop3A_957] {strides = array<i32>} : memref<2176xf32, #tpu.memory_space<vmem>>, vector<16xf32>,
        tpu.vector_store %arg18[%parallel_loop3A_957], %parallel_loop3A_954 {strides = array<i32>} : memref<2176xf32, #tpu.memory_space<vmem>>, vector<16xf32>,
        %parallel_loop3A_959 = arith.constant 16 : i32
        %parallel_loop3A_960 = arith.muli %parallel_loop3A_175, %parallel_loop3A_959 : i32
        %parallel_loop3A_961 = arith.constant 11 : i32
        %parallel_loop3A_962 = arith.addi %parallel_loop3A_960, %parallel_loop3A_961 : i32
        %parallel_loop3A_963 = arith.index_cast %parallel_loop3A_962 : i32 to index
        %parallel_loop3A_964 = arith.constant 0 : index
        %parallel_loop3A_965 = tpu.vector_load %arg13[%parallel_loop3A_963, %parallel_loop3A_964] {strides = array<i32>} : memref<128x128xf32, #tpu.memory_space<vmem>>, vector<16xf32>,
        %parallel_loop3A_966 = arith.index_cast %parallel_loop3A_962 : i32 to index
        %parallel_loop3A_967 = arith.constant 0 : index
        %parallel_loop3A_968 = tpu.vector_load %arg14[%parallel_loop3A_966, %parallel_loop3A_967] {strides = array<i32>} : memref<128x128xf32, #tpu.memory_space<vmem>>, vector<16xf32>,
        %parallel_loop3A_969 = arith.mulf %parallel_loop3A_965, %parallel_loop3A_968 : vector<16xf32>
        %parallel_loop3A_970 = arith.index_cast %parallel_loop3A_962 : i32 to index
        %parallel_loop3A_971 = arith.constant 16 : index
        %parallel_loop3A_972 = tpu.vector_load %arg13[%parallel_loop3A_970, %parallel_loop3A_971] {strides = array<i32>} : memref<128x128xf32, #tpu.memory_space<vmem>>, vector<16xf32>,
        %parallel_loop3A_973 = arith.index_cast %parallel_loop3A_962 : i32 to index
        %parallel_loop3A_974 = arith.constant 16 : index
        %parallel_loop3A_975 = tpu.vector_load %arg14[%parallel_loop3A_973, %parallel_loop3A_974] {strides = array<i32>} : memref<128x128xf32, #tpu.memory_space<vmem>>, vector<16xf32>,
        %parallel_loop3A_976 = arith.mulf %parallel_loop3A_972, %parallel_loop3A_975 : vector<16xf32>
        %parallel_loop3A_977 = arith.addf %parallel_loop3A_969, %parallel_loop3A_976 : vector<16xf32>
        %parallel_loop3A_978 = arith.index_cast %parallel_loop3A_962 : i32 to index
        %parallel_loop3A_979 = arith.constant 32 : index
        %parallel_loop3A_980 = tpu.vector_load %arg13[%parallel_loop3A_978, %parallel_loop3A_979] {strides = array<i32>} : memref<128x128xf32, #tpu.memory_space<vmem>>, vector<16xf32>,
        %parallel_loop3A_981 = arith.index_cast %parallel_loop3A_962 : i32 to index
        %parallel_loop3A_982 = arith.constant 32 : index
        %parallel_loop3A_983 = tpu.vector_load %arg14[%parallel_loop3A_981, %parallel_loop3A_982] {strides = array<i32>} : memref<128x128xf32, #tpu.memory_space<vmem>>, vector<16xf32>,
        %parallel_loop3A_984 = arith.mulf %parallel_loop3A_980, %parallel_loop3A_983 : vector<16xf32>
        %parallel_loop3A_985 = arith.addf %parallel_loop3A_977, %parallel_loop3A_984 : vector<16xf32>
        %parallel_loop3A_986 = arith.index_cast %parallel_loop3A_962 : i32 to index
        %parallel_loop3A_987 = arith.constant 48 : index
        %parallel_loop3A_988 = tpu.vector_load %arg13[%parallel_loop3A_986, %parallel_loop3A_987] {strides = array<i32>} : memref<128x128xf32, #tpu.memory_space<vmem>>, vector<16xf32>,
        %parallel_loop3A_989 = arith.index_cast %parallel_loop3A_962 : i32 to index
        %parallel_loop3A_990 = arith.constant 48 : index
        %parallel_loop3A_991 = tpu.vector_load %arg14[%parallel_loop3A_989, %parallel_loop3A_990] {strides = array<i32>} : memref<128x128xf32, #tpu.memory_space<vmem>>, vector<16xf32>,
        %parallel_loop3A_992 = arith.mulf %parallel_loop3A_988, %parallel_loop3A_991 : vector<16xf32>
        %parallel_loop3A_993 = arith.addf %parallel_loop3A_985, %parallel_loop3A_992 : vector<16xf32>
        %parallel_loop3A_994 = arith.index_cast %parallel_loop3A_962 : i32 to index
        %parallel_loop3A_995 = arith.constant 64 : index
        %parallel_loop3A_996 = tpu.vector_load %arg13[%parallel_loop3A_994, %parallel_loop3A_995] {strides = array<i32>} : memref<128x128xf32, #tpu.memory_space<vmem>>, vector<16xf32>,
        %parallel_loop3A_997 = arith.index_cast %parallel_loop3A_962 : i32 to index
        %parallel_loop3A_998 = arith.constant 64 : index
        %parallel_loop3A_999 = tpu.vector_load %arg14[%parallel_loop3A_997, %parallel_loop3A_998] {strides = array<i32>} : memref<128x128xf32, #tpu.memory_space<vmem>>, vector<16xf32>,
        %parallel_loop3A_1000 = arith.mulf %parallel_loop3A_996, %parallel_loop3A_999 : vector<16xf32>
        %parallel_loop3A_1001 = arith.addf %parallel_loop3A_993, %parallel_loop3A_1000 : vector<16xf32>
        %parallel_loop3A_1002 = arith.index_cast %parallel_loop3A_962 : i32 to index
        %parallel_loop3A_1003 = arith.constant 80 : index
        %parallel_loop3A_1004 = tpu.vector_load %arg13[%parallel_loop3A_1002, %parallel_loop3A_1003] {strides = array<i32>} : memref<128x128xf32, #tpu.memory_space<vmem>>, vector<16xf32>,
        %parallel_loop3A_1005 = arith.index_cast %parallel_loop3A_962 : i32 to index
        %parallel_loop3A_1006 = arith.constant 80 : index
        %parallel_loop3A_1007 = tpu.vector_load %arg14[%parallel_loop3A_1005, %parallel_loop3A_1006] {strides = array<i32>} : memref<128x128xf32, #tpu.memory_space<vmem>>, vector<16xf32>,
        %parallel_loop3A_1008 = arith.mulf %parallel_loop3A_1004, %parallel_loop3A_1007 : vector<16xf32>
        %parallel_loop3A_1009 = arith.addf %parallel_loop3A_1001, %parallel_loop3A_1008 : vector<16xf32>
        %parallel_loop3A_1010 = arith.index_cast %parallel_loop3A_962 : i32 to index
        %parallel_loop3A_1011 = arith.constant 96 : index
        %parallel_loop3A_1012 = tpu.vector_load %arg13[%parallel_loop3A_1010, %parallel_loop3A_1011] {strides = array<i32>} : memref<128x128xf32, #tpu.memory_space<vmem>>, vector<16xf32>,
        %parallel_loop3A_1013 = arith.index_cast %parallel_loop3A_962 : i32 to index
        %parallel_loop3A_1014 = arith.constant 96 : index
        %parallel_loop3A_1015 = tpu.vector_load %arg14[%parallel_loop3A_1013, %parallel_loop3A_1014] {strides = array<i32>} : memref<128x128xf32, #tpu.memory_space<vmem>>, vector<16xf32>,
        %parallel_loop3A_1016 = arith.mulf %parallel_loop3A_1012, %parallel_loop3A_1015 : vector<16xf32>
        %parallel_loop3A_1017 = arith.addf %parallel_loop3A_1009, %parallel_loop3A_1016 : vector<16xf32>
        %parallel_loop3A_1018 = arith.index_cast %parallel_loop3A_962 : i32 to index
        %parallel_loop3A_1019 = arith.constant 112 : index
        %parallel_loop3A_1020 = tpu.vector_load %arg13[%parallel_loop3A_1018, %parallel_loop3A_1019] {strides = array<i32>} : memref<128x128xf32, #tpu.memory_space<vmem>>, vector<16xf32>,
        %parallel_loop3A_1021 = arith.index_cast %parallel_loop3A_962 : i32 to index
        %parallel_loop3A_1022 = arith.constant 112 : index
        %parallel_loop3A_1023 = tpu.vector_load %arg14[%parallel_loop3A_1021, %parallel_loop3A_1022] {strides = array<i32>} : memref<128x128xf32, #tpu.memory_space<vmem>>, vector<16xf32>,
        %parallel_loop3A_1024 = arith.mulf %parallel_loop3A_1020, %parallel_loop3A_1023 : vector<16xf32>
        %parallel_loop3A_1025 = arith.addf %parallel_loop3A_1017, %parallel_loop3A_1024 : vector<16xf32>
        %parallel_loop3A_1026 = arith.constant 187 : i32
        %parallel_loop3A_1027 = arith.addi %parallel_loop3A_177, %parallel_loop3A_1026 : i32
        %parallel_loop3A_1028 = arith.index_cast %parallel_loop3A_1027 : i32 to index
        %parallel_loop3A_1029 = tpu.vector_load %arg18[%parallel_loop3A_1028] {strides = array<i32>} : memref<2176xf32, #tpu.memory_space<vmem>>, vector<16xf32>,
        tpu.vector_store %arg18[%parallel_loop3A_1028], %parallel_loop3A_1025 {strides = array<i32>} : memref<2176xf32, #tpu.memory_space<vmem>>, vector<16xf32>,
        %parallel_loop3A_1030 = arith.constant 16 : i32
        %parallel_loop3A_1031 = arith.muli %parallel_loop3A_175, %parallel_loop3A_1030 : i32
        %parallel_loop3A_1032 = arith.constant 12 : i32
        %parallel_loop3A_1033 = arith.addi %parallel_loop3A_1031, %parallel_loop3A_1032 : i32
        %parallel_loop3A_1034 = arith.index_cast %parallel_loop3A_1033 : i32 to index
        %parallel_loop3A_1035 = arith.constant 0 : index
        %parallel_loop3A_1036 = tpu.vector_load %arg13[%parallel_loop3A_1034, %parallel_loop3A_1035] {strides = array<i32>} : memref<128x128xf32, #tpu.memory_space<vmem>>, vector<16xf32>,
        %parallel_loop3A_1037 = arith.index_cast %parallel_loop3A_1033 : i32 to index
        %parallel_loop3A_1038 = arith.constant 0 : index
        %parallel_loop3A_1039 = tpu.vector_load %arg14[%parallel_loop3A_1037, %parallel_loop3A_1038] {strides = array<i32>} : memref<128x128xf32, #tpu.memory_space<vmem>>, vector<16xf32>,
        %parallel_loop3A_1040 = arith.mulf %parallel_loop3A_1036, %parallel_loop3A_1039 : vector<16xf32>
        %parallel_loop3A_1041 = arith.index_cast %parallel_loop3A_1033 : i32 to index
        %parallel_loop3A_1042 = arith.constant 16 : index
        %parallel_loop3A_1043 = tpu.vector_load %arg13[%parallel_loop3A_1041, %parallel_loop3A_1042] {strides = array<i32>} : memref<128x128xf32, #tpu.memory_space<vmem>>, vector<16xf32>,
        %parallel_loop3A_1044 = arith.index_cast %parallel_loop3A_1033 : i32 to index
        %parallel_loop3A_1045 = arith.constant 16 : index
        %parallel_loop3A_1046 = tpu.vector_load %arg14[%parallel_loop3A_1044, %parallel_loop3A_1045] {strides = array<i32>} : memref<128x128xf32, #tpu.memory_space<vmem>>, vector<16xf32>,
        %parallel_loop3A_1047 = arith.mulf %parallel_loop3A_1043, %parallel_loop3A_1046 : vector<16xf32>
        %parallel_loop3A_1048 = arith.addf %parallel_loop3A_1040, %parallel_loop3A_1047 : vector<16xf32>
        %parallel_loop3A_1049 = arith.index_cast %parallel_loop3A_1033 : i32 to index
        %parallel_loop3A_1050 = arith.constant 32 : index
        %parallel_loop3A_1051 = tpu.vector_load %arg13[%parallel_loop3A_1049, %parallel_loop3A_1050] {strides = array<i32>} : memref<128x128xf32, #tpu.memory_space<vmem>>, vector<16xf32>,
        %parallel_loop3A_1052 = arith.index_cast %parallel_loop3A_1033 : i32 to index
        %parallel_loop3A_1053 = arith.constant 32 : index
        %parallel_loop3A_1054 = tpu.vector_load %arg14[%parallel_loop3A_1052, %parallel_loop3A_1053] {strides = array<i32>} : memref<128x128xf32, #tpu.memory_space<vmem>>, vector<16xf32>,
        %parallel_loop3A_1055 = arith.mulf %parallel_loop3A_1051, %parallel_loop3A_1054 : vector<16xf32>
        %parallel_loop3A_1056 = arith.addf %parallel_loop3A_1048, %parallel_loop3A_1055 : vector<16xf32>
        %parallel_loop3A_1057 = arith.index_cast %parallel_loop3A_1033 : i32 to index
        %parallel_loop3A_1058 = arith.constant 48 : index
        %parallel_loop3A_1059 = tpu.vector_load %arg13[%parallel_loop3A_1057, %parallel_loop3A_1058] {strides = array<i32>} : memref<128x128xf32, #tpu.memory_space<vmem>>, vector<16xf32>,
        %parallel_loop3A_1060 = arith.index_cast %parallel_loop3A_1033 : i32 to index
        %parallel_loop3A_1061 = arith.constant 48 : index
        %parallel_loop3A_1062 = tpu.vector_load %arg14[%parallel_loop3A_1060, %parallel_loop3A_1061] {strides = array<i32>} : memref<128x128xf32, #tpu.memory_space<vmem>>, vector<16xf32>,
        %parallel_loop3A_1063 = arith.mulf %parallel_loop3A_1059, %parallel_loop3A_1062 : vector<16xf32>
        %parallel_loop3A_1064 = arith.addf %parallel_loop3A_1056, %parallel_loop3A_1063 : vector<16xf32>
        %parallel_loop3A_1065 = arith.index_cast %parallel_loop3A_1033 : i32 to index
        %parallel_loop3A_1066 = arith.constant 64 : index
        %parallel_loop3A_1067 = tpu.vector_load %arg13[%parallel_loop3A_1065, %parallel_loop3A_1066] {strides = array<i32>} : memref<128x128xf32, #tpu.memory_space<vmem>>, vector<16xf32>,
        %parallel_loop3A_1068 = arith.index_cast %parallel_loop3A_1033 : i32 to index
        %parallel_loop3A_1069 = arith.constant 64 : index
        %parallel_loop3A_1070 = tpu.vector_load %arg14[%parallel_loop3A_1068, %parallel_loop3A_1069] {strides = array<i32>} : memref<128x128xf32, #tpu.memory_space<vmem>>, vector<16xf32>,
        %parallel_loop3A_1071 = arith.mulf %parallel_loop3A_1067, %parallel_loop3A_1070 : vector<16xf32>
        %parallel_loop3A_1072 = arith.addf %parallel_loop3A_1064, %parallel_loop3A_1071 : vector<16xf32>
        %parallel_loop3A_1073 = arith.index_cast %parallel_loop3A_1033 : i32 to index
        %parallel_loop3A_1074 = arith.constant 80 : index
        %parallel_loop3A_1075 = tpu.vector_load %arg13[%parallel_loop3A_1073, %parallel_loop3A_1074] {strides = array<i32>} : memref<128x128xf32, #tpu.memory_space<vmem>>, vector<16xf32>,
        %parallel_loop3A_1076 = arith.index_cast %parallel_loop3A_1033 : i32 to index
        %parallel_loop3A_1077 = arith.constant 80 : index
        %parallel_loop3A_1078 = tpu.vector_load %arg14[%parallel_loop3A_1076, %parallel_loop3A_1077] {strides = array<i32>} : memref<128x128xf32, #tpu.memory_space<vmem>>, vector<16xf32>,
        %parallel_loop3A_1079 = arith.mulf %parallel_loop3A_1075, %parallel_loop3A_1078 : vector<16xf32>
        %parallel_loop3A_1080 = arith.addf %parallel_loop3A_1072, %parallel_loop3A_1079 : vector<16xf32>
        %parallel_loop3A_1081 = arith.index_cast %parallel_loop3A_1033 : i32 to index
        %parallel_loop3A_1082 = arith.constant 96 : index
        %parallel_loop3A_1083 = tpu.vector_load %arg13[%parallel_loop3A_1081, %parallel_loop3A_1082] {strides = array<i32>} : memref<128x128xf32, #tpu.memory_space<vmem>>, vector<16xf32>,
        %parallel_loop3A_1084 = arith.index_cast %parallel_loop3A_1033 : i32 to index
        %parallel_loop3A_1085 = arith.constant 96 : index
        %parallel_loop3A_1086 = tpu.vector_load %arg14[%parallel_loop3A_1084, %parallel_loop3A_1085] {strides = array<i32>} : memref<128x128xf32, #tpu.memory_space<vmem>>, vector<16xf32>,
        %parallel_loop3A_1087 = arith.mulf %parallel_loop3A_1083, %parallel_loop3A_1086 : vector<16xf32>
        %parallel_loop3A_1088 = arith.addf %parallel_loop3A_1080, %parallel_loop3A_1087 : vector<16xf32>
        %parallel_loop3A_1089 = arith.index_cast %parallel_loop3A_1033 : i32 to index
        %parallel_loop3A_1090 = arith.constant 112 : index
        %parallel_loop3A_1091 = tpu.vector_load %arg13[%parallel_loop3A_1089, %parallel_loop3A_1090] {strides = array<i32>} : memref<128x128xf32, #tpu.memory_space<vmem>>, vector<16xf32>,
        %parallel_loop3A_1092 = arith.index_cast %parallel_loop3A_1033 : i32 to index
        %parallel_loop3A_1093 = arith.constant 112 : index
        %parallel_loop3A_1094 = tpu.vector_load %arg14[%parallel_loop3A_1092, %parallel_loop3A_1093] {strides = array<i32>} : memref<128x128xf32, #tpu.memory_space<vmem>>, vector<16xf32>,
        %parallel_loop3A_1095 = arith.mulf %parallel_loop3A_1091, %parallel_loop3A_1094 : vector<16xf32>
        %parallel_loop3A_1096 = arith.addf %parallel_loop3A_1088, %parallel_loop3A_1095 : vector<16xf32>
        %parallel_loop3A_1097 = arith.constant 204 : i32
        %parallel_loop3A_1098 = arith.addi %parallel_loop3A_177, %parallel_loop3A_1097 : i32
        %parallel_loop3A_1099 = arith.index_cast %parallel_loop3A_1098 : i32 to index
        %parallel_loop3A_1100 = tpu.vector_load %arg18[%parallel_loop3A_1099] {strides = array<i32>} : memref<2176xf32, #tpu.memory_space<vmem>>, vector<16xf32>,
        tpu.vector_store %arg18[%parallel_loop3A_1099], %parallel_loop3A_1096 {strides = array<i32>} : memref<2176xf32, #tpu.memory_space<vmem>>, vector<16xf32>,
        %parallel_loop3A_1101 = arith.constant 16 : i32
        %parallel_loop3A_1102 = arith.muli %parallel_loop3A_175, %parallel_loop3A_1101 : i32
        %parallel_loop3A_1103 = arith.constant 13 : i32
        %parallel_loop3A_1104 = arith.addi %parallel_loop3A_1102, %parallel_loop3A_1103 : i32
        %parallel_loop3A_1105 = arith.index_cast %parallel_loop3A_1104 : i32 to index
        %parallel_loop3A_1106 = arith.constant 0 : index
        %parallel_loop3A_1107 = tpu.vector_load %arg13[%parallel_loop3A_1105, %parallel_loop3A_1106] {strides = array<i32>} : memref<128x128xf32, #tpu.memory_space<vmem>>, vector<16xf32>,
        %parallel_loop3A_1108 = arith.index_cast %parallel_loop3A_1104 : i32 to index
        %parallel_loop3A_1109 = arith.constant 0 : index
        %parallel_loop3A_1110 = tpu.vector_load %arg14[%parallel_loop3A_1108, %parallel_loop3A_1109] {strides = array<i32>} : memref<128x128xf32, #tpu.memory_space<vmem>>, vector<16xf32>,
        %parallel_loop3A_1111 = arith.mulf %parallel_loop3A_1107, %parallel_loop3A_1110 : vector<16xf32>
        %parallel_loop3A_1112 = arith.index_cast %parallel_loop3A_1104 : i32 to index
        %parallel_loop3A_1113 = arith.constant 16 : index
        %parallel_loop3A_1114 = tpu.vector_load %arg13[%parallel_loop3A_1112, %parallel_loop3A_1113] {strides = array<i32>} : memref<128x128xf32, #tpu.memory_space<vmem>>, vector<16xf32>,
        %parallel_loop3A_1115 = arith.index_cast %parallel_loop3A_1104 : i32 to index
        %parallel_loop3A_1116 = arith.constant 16 : index
        %parallel_loop3A_1117 = tpu.vector_load %arg14[%parallel_loop3A_1115, %parallel_loop3A_1116] {strides = array<i32>} : memref<128x128xf32, #tpu.memory_space<vmem>>, vector<16xf32>,
        %parallel_loop3A_1118 = arith.mulf %parallel_loop3A_1114, %parallel_loop3A_1117 : vector<16xf32>
        %parallel_loop3A_1119 = arith.addf %parallel_loop3A_1111, %parallel_loop3A_1118 : vector<16xf32>
        %parallel_loop3A_1120 = arith.index_cast %parallel_loop3A_1104 : i32 to index
        %parallel_loop3A_1121 = arith.constant 32 : index
        %parallel_loop3A_1122 = tpu.vector_load %arg13[%parallel_loop3A_1120, %parallel_loop3A_1121] {strides = array<i32>} : memref<128x128xf32, #tpu.memory_space<vmem>>, vector<16xf32>,
        %parallel_loop3A_1123 = arith.index_cast %parallel_loop3A_1104 : i32 to index
        %parallel_loop3A_1124 = arith.constant 32 : index
        %parallel_loop3A_1125 = tpu.vector_load %arg14[%parallel_loop3A_1123, %parallel_loop3A_1124] {strides = array<i32>} : memref<128x128xf32, #tpu.memory_space<vmem>>, vector<16xf32>,
        %parallel_loop3A_1126 = arith.mulf %parallel_loop3A_1122, %parallel_loop3A_1125 : vector<16xf32>
        %parallel_loop3A_1127 = arith.addf %parallel_loop3A_1119, %parallel_loop3A_1126 : vector<16xf32>
        %parallel_loop3A_1128 = arith.index_cast %parallel_loop3A_1104 : i32 to index
        %parallel_loop3A_1129 = arith.constant 48 : index
        %parallel_loop3A_1130 = tpu.vector_load %arg13[%parallel_loop3A_1128, %parallel_loop3A_1129] {strides = array<i32>} : memref<128x128xf32, #tpu.memory_space<vmem>>, vector<16xf32>,
        %parallel_loop3A_1131 = arith.index_cast %parallel_loop3A_1104 : i32 to index
        %parallel_loop3A_1132 = arith.constant 48 : index
        %parallel_loop3A_1133 = tpu.vector_load %arg14[%parallel_loop3A_1131, %parallel_loop3A_1132] {strides = array<i32>} : memref<128x128xf32, #tpu.memory_space<vmem>>, vector<16xf32>,
        %parallel_loop3A_1134 = arith.mulf %parallel_loop3A_1130, %parallel_loop3A_1133 : vector<16xf32>
        %parallel_loop3A_1135 = arith.addf %parallel_loop3A_1127, %parallel_loop3A_1134 : vector<16xf32>
        %parallel_loop3A_1136 = arith.index_cast %parallel_loop3A_1104 : i32 to index
        %parallel_loop3A_1137 = arith.constant 64 : index
        %parallel_loop3A_1138 = tpu.vector_load %arg13[%parallel_loop3A_1136, %parallel_loop3A_1137] {strides = array<i32>} : memref<128x128xf32, #tpu.memory_space<vmem>>, vector<16xf32>,
        %parallel_loop3A_1139 = arith.index_cast %parallel_loop3A_1104 : i32 to index
        %parallel_loop3A_1140 = arith.constant 64 : index
        %parallel_loop3A_1141 = tpu.vector_load %arg14[%parallel_loop3A_1139, %parallel_loop3A_1140] {strides = array<i32>} : memref<128x128xf32, #tpu.memory_space<vmem>>, vector<16xf32>,
        %parallel_loop3A_1142 = arith.mulf %parallel_loop3A_1138, %parallel_loop3A_1141 : vector<16xf32>
        %parallel_loop3A_1143 = arith.addf %parallel_loop3A_1135, %parallel_loop3A_1142 : vector<16xf32>
        %parallel_loop3A_1144 = arith.index_cast %parallel_loop3A_1104 : i32 to index
        %parallel_loop3A_1145 = arith.constant 80 : index
        %parallel_loop3A_1146 = tpu.vector_load %arg13[%parallel_loop3A_1144, %parallel_loop3A_1145] {strides = array<i32>} : memref<128x128xf32, #tpu.memory_space<vmem>>, vector<16xf32>,
        %parallel_loop3A_1147 = arith.index_cast %parallel_loop3A_1104 : i32 to index
        %parallel_loop3A_1148 = arith.constant 80 : index
        %parallel_loop3A_1149 = tpu.vector_load %arg14[%parallel_loop3A_1147, %parallel_loop3A_1148] {strides = array<i32>} : memref<128x128xf32, #tpu.memory_space<vmem>>, vector<16xf32>,
        %parallel_loop3A_1150 = arith.mulf %parallel_loop3A_1146, %parallel_loop3A_1149 : vector<16xf32>
        %parallel_loop3A_1151 = arith.addf %parallel_loop3A_1143, %parallel_loop3A_1150 : vector<16xf32>
        %parallel_loop3A_1152 = arith.index_cast %parallel_loop3A_1104 : i32 to index
        %parallel_loop3A_1153 = arith.constant 96 : index
        %parallel_loop3A_1154 = tpu.vector_load %arg13[%parallel_loop3A_1152, %parallel_loop3A_1153] {strides = array<i32>} : memref<128x128xf32, #tpu.memory_space<vmem>>, vector<16xf32>,
        %parallel_loop3A_1155 = arith.index_cast %parallel_loop3A_1104 : i32 to index
        %parallel_loop3A_1156 = arith.constant 96 : index
        %parallel_loop3A_1157 = tpu.vector_load %arg14[%parallel_loop3A_1155, %parallel_loop3A_1156] {strides = array<i32>} : memref<128x128xf32, #tpu.memory_space<vmem>>, vector<16xf32>,
        %parallel_loop3A_1158 = arith.mulf %parallel_loop3A_1154, %parallel_loop3A_1157 : vector<16xf32>
        %parallel_loop3A_1159 = arith.addf %parallel_loop3A_1151, %parallel_loop3A_1158 : vector<16xf32>
        %parallel_loop3A_1160 = arith.index_cast %parallel_loop3A_1104 : i32 to index
        %parallel_loop3A_1161 = arith.constant 112 : index
        %parallel_loop3A_1162 = tpu.vector_load %arg13[%parallel_loop3A_1160, %parallel_loop3A_1161] {strides = array<i32>} : memref<128x128xf32, #tpu.memory_space<vmem>>, vector<16xf32>,
        %parallel_loop3A_1163 = arith.index_cast %parallel_loop3A_1104 : i32 to index
        %parallel_loop3A_1164 = arith.constant 112 : index
        %parallel_loop3A_1165 = tpu.vector_load %arg14[%parallel_loop3A_1163, %parallel_loop3A_1164] {strides = array<i32>} : memref<128x128xf32, #tpu.memory_space<vmem>>, vector<16xf32>,
        %parallel_loop3A_1166 = arith.mulf %parallel_loop3A_1162, %parallel_loop3A_1165 : vector<16xf32>
        %parallel_loop3A_1167 = arith.addf %parallel_loop3A_1159, %parallel_loop3A_1166 : vector<16xf32>
        %parallel_loop3A_1168 = arith.constant 221 : i32
        %parallel_loop3A_1169 = arith.addi %parallel_loop3A_177, %parallel_loop3A_1168 : i32
        %parallel_loop3A_1170 = arith.index_cast %parallel_loop3A_1169 : i32 to index
        %parallel_loop3A_1171 = tpu.vector_load %arg18[%parallel_loop3A_1170] {strides = array<i32>} : memref<2176xf32, #tpu.memory_space<vmem>>, vector<16xf32>,
        tpu.vector_store %arg18[%parallel_loop3A_1170], %parallel_loop3A_1167 {strides = array<i32>} : memref<2176xf32, #tpu.memory_space<vmem>>, vector<16xf32>,
        %parallel_loop3A_1172 = arith.constant 16 : i32
        %parallel_loop3A_1173 = arith.muli %parallel_loop3A_175, %parallel_loop3A_1172 : i32
        %parallel_loop3A_1174 = arith.constant 14 : i32
        %parallel_loop3A_1175 = arith.addi %parallel_loop3A_1173, %parallel_loop3A_1174 : i32
        %parallel_loop3A_1176 = arith.index_cast %parallel_loop3A_1175 : i32 to index
        %parallel_loop3A_1177 = arith.constant 0 : index
        %parallel_loop3A_1178 = tpu.vector_load %arg13[%parallel_loop3A_1176, %parallel_loop3A_1177] {strides = array<i32>} : memref<128x128xf32, #tpu.memory_space<vmem>>, vector<16xf32>,
        %parallel_loop3A_1179 = arith.index_cast %parallel_loop3A_1175 : i32 to index
        %parallel_loop3A_1180 = arith.constant 0 : index
        %parallel_loop3A_1181 = tpu.vector_load %arg14[%parallel_loop3A_1179, %parallel_loop3A_1180] {strides = array<i32>} : memref<128x128xf32, #tpu.memory_space<vmem>>, vector<16xf32>,
        %parallel_loop3A_1182 = arith.mulf %parallel_loop3A_1178, %parallel_loop3A_1181 : vector<16xf32>
        %parallel_loop3A_1183 = arith.index_cast %parallel_loop3A_1175 : i32 to index
        %parallel_loop3A_1184 = arith.constant 16 : index
        %parallel_loop3A_1185 = tpu.vector_load %arg13[%parallel_loop3A_1183, %parallel_loop3A_1184] {strides = array<i32>} : memref<128x128xf32, #tpu.memory_space<vmem>>, vector<16xf32>,
        %parallel_loop3A_1186 = arith.index_cast %parallel_loop3A_1175 : i32 to index
        %parallel_loop3A_1187 = arith.constant 16 : index
        %parallel_loop3A_1188 = tpu.vector_load %arg14[%parallel_loop3A_1186, %parallel_loop3A_1187] {strides = array<i32>} : memref<128x128xf32, #tpu.memory_space<vmem>>, vector<16xf32>,
        %parallel_loop3A_1189 = arith.mulf %parallel_loop3A_1185, %parallel_loop3A_1188 : vector<16xf32>
        %parallel_loop3A_1190 = arith.addf %parallel_loop3A_1182, %parallel_loop3A_1189 : vector<16xf32>
        %parallel_loop3A_1191 = arith.index_cast %parallel_loop3A_1175 : i32 to index
        %parallel_loop3A_1192 = arith.constant 32 : index
        %parallel_loop3A_1193 = tpu.vector_load %arg13[%parallel_loop3A_1191, %parallel_loop3A_1192] {strides = array<i32>} : memref<128x128xf32, #tpu.memory_space<vmem>>, vector<16xf32>,
        %parallel_loop3A_1194 = arith.index_cast %parallel_loop3A_1175 : i32 to index
        %parallel_loop3A_1195 = arith.constant 32 : index
        %parallel_loop3A_1196 = tpu.vector_load %arg14[%parallel_loop3A_1194, %parallel_loop3A_1195] {strides = array<i32>} : memref<128x128xf32, #tpu.memory_space<vmem>>, vector<16xf32>,
        %parallel_loop3A_1197 = arith.mulf %parallel_loop3A_1193, %parallel_loop3A_1196 : vector<16xf32>
        %parallel_loop3A_1198 = arith.addf %parallel_loop3A_1190, %parallel_loop3A_1197 : vector<16xf32>
        %parallel_loop3A_1199 = arith.index_cast %parallel_loop3A_1175 : i32 to index
        %parallel_loop3A_1200 = arith.constant 48 : index
        %parallel_loop3A_1201 = tpu.vector_load %arg13[%parallel_loop3A_1199, %parallel_loop3A_1200] {strides = array<i32>} : memref<128x128xf32, #tpu.memory_space<vmem>>, vector<16xf32>,
        %parallel_loop3A_1202 = arith.index_cast %parallel_loop3A_1175 : i32 to index
        %parallel_loop3A_1203 = arith.constant 48 : index
        %parallel_loop3A_1204 = tpu.vector_load %arg14[%parallel_loop3A_1202, %parallel_loop3A_1203] {strides = array<i32>} : memref<128x128xf32, #tpu.memory_space<vmem>>, vector<16xf32>,
        %parallel_loop3A_1205 = arith.mulf %parallel_loop3A_1201, %parallel_loop3A_1204 : vector<16xf32>
        %parallel_loop3A_1206 = arith.addf %parallel_loop3A_1198, %parallel_loop3A_1205 : vector<16xf32>
        %parallel_loop3A_1207 = arith.index_cast %parallel_loop3A_1175 : i32 to index
        %parallel_loop3A_1208 = arith.constant 64 : index
        %parallel_loop3A_1209 = tpu.vector_load %arg13[%parallel_loop3A_1207, %parallel_loop3A_1208] {strides = array<i32>} : memref<128x128xf32, #tpu.memory_space<vmem>>, vector<16xf32>,
        %parallel_loop3A_1210 = arith.index_cast %parallel_loop3A_1175 : i32 to index
        %parallel_loop3A_1211 = arith.constant 64 : index
        %parallel_loop3A_1212 = tpu.vector_load %arg14[%parallel_loop3A_1210, %parallel_loop3A_1211] {strides = array<i32>} : memref<128x128xf32, #tpu.memory_space<vmem>>, vector<16xf32>,
        %parallel_loop3A_1213 = arith.mulf %parallel_loop3A_1209, %parallel_loop3A_1212 : vector<16xf32>
        %parallel_loop3A_1214 = arith.addf %parallel_loop3A_1206, %parallel_loop3A_1213 : vector<16xf32>
        %parallel_loop3A_1215 = arith.index_cast %parallel_loop3A_1175 : i32 to index
        %parallel_loop3A_1216 = arith.constant 80 : index
        %parallel_loop3A_1217 = tpu.vector_load %arg13[%parallel_loop3A_1215, %parallel_loop3A_1216] {strides = array<i32>} : memref<128x128xf32, #tpu.memory_space<vmem>>, vector<16xf32>,
        %parallel_loop3A_1218 = arith.index_cast %parallel_loop3A_1175 : i32 to index
        %parallel_loop3A_1219 = arith.constant 80 : index
        %parallel_loop3A_1220 = tpu.vector_load %arg14[%parallel_loop3A_1218, %parallel_loop3A_1219] {strides = array<i32>} : memref<128x128xf32, #tpu.memory_space<vmem>>, vector<16xf32>,
        %parallel_loop3A_1221 = arith.mulf %parallel_loop3A_1217, %parallel_loop3A_1220 : vector<16xf32>
        %parallel_loop3A_1222 = arith.addf %parallel_loop3A_1214, %parallel_loop3A_1221 : vector<16xf32>
        %parallel_loop3A_1223 = arith.index_cast %parallel_loop3A_1175 : i32 to index
        %parallel_loop3A_1224 = arith.constant 96 : index
        %parallel_loop3A_1225 = tpu.vector_load %arg13[%parallel_loop3A_1223, %parallel_loop3A_1224] {strides = array<i32>} : memref<128x128xf32, #tpu.memory_space<vmem>>, vector<16xf32>,
        %parallel_loop3A_1226 = arith.index_cast %parallel_loop3A_1175 : i32 to index
        %parallel_loop3A_1227 = arith.constant 96 : index
        %parallel_loop3A_1228 = tpu.vector_load %arg14[%parallel_loop3A_1226, %parallel_loop3A_1227] {strides = array<i32>} : memref<128x128xf32, #tpu.memory_space<vmem>>, vector<16xf32>,
        %parallel_loop3A_1229 = arith.mulf %parallel_loop3A_1225, %parallel_loop3A_1228 : vector<16xf32>
        %parallel_loop3A_1230 = arith.addf %parallel_loop3A_1222, %parallel_loop3A_1229 : vector<16xf32>
        %parallel_loop3A_1231 = arith.index_cast %parallel_loop3A_1175 : i32 to index
        %parallel_loop3A_1232 = arith.constant 112 : index
        %parallel_loop3A_1233 = tpu.vector_load %arg13[%parallel_loop3A_1231, %parallel_loop3A_1232] {strides = array<i32>} : memref<128x128xf32, #tpu.memory_space<vmem>>, vector<16xf32>,
        %parallel_loop3A_1234 = arith.index_cast %parallel_loop3A_1175 : i32 to index
        %parallel_loop3A_1235 = arith.constant 112 : index
        %parallel_loop3A_1236 = tpu.vector_load %arg14[%parallel_loop3A_1234, %parallel_loop3A_1235] {strides = array<i32>} : memref<128x128xf32, #tpu.memory_space<vmem>>, vector<16xf32>,
        %parallel_loop3A_1237 = arith.mulf %parallel_loop3A_1233, %parallel_loop3A_1236 : vector<16xf32>
        %parallel_loop3A_1238 = arith.addf %parallel_loop3A_1230, %parallel_loop3A_1237 : vector<16xf32>
        %parallel_loop3A_1239 = arith.constant 238 : i32
        %parallel_loop3A_1240 = arith.addi %parallel_loop3A_177, %parallel_loop3A_1239 : i32
        %parallel_loop3A_1241 = arith.index_cast %parallel_loop3A_1240 : i32 to index
        %parallel_loop3A_1242 = tpu.vector_load %arg18[%parallel_loop3A_1241] {strides = array<i32>} : memref<2176xf32, #tpu.memory_space<vmem>>, vector<16xf32>,
        tpu.vector_store %arg18[%parallel_loop3A_1241], %parallel_loop3A_1238 {strides = array<i32>} : memref<2176xf32, #tpu.memory_space<vmem>>, vector<16xf32>,
        %parallel_loop3A_1243 = arith.constant 16 : i32
        %parallel_loop3A_1244 = arith.muli %parallel_loop3A_175, %parallel_loop3A_1243 : i32
        %parallel_loop3A_1245 = arith.constant 15 : i32
        %parallel_loop3A_1246 = arith.addi %parallel_loop3A_1244, %parallel_loop3A_1245 : i32
        %parallel_loop3A_1247 = arith.index_cast %parallel_loop3A_1246 : i32 to index
        %parallel_loop3A_1248 = arith.constant 0 : index
        %parallel_loop3A_1249 = tpu.vector_load %arg13[%parallel_loop3A_1247, %parallel_loop3A_1248] {strides = array<i32>} : memref<128x128xf32, #tpu.memory_space<vmem>>, vector<16xf32>,
        %parallel_loop3A_1250 = arith.index_cast %parallel_loop3A_1246 : i32 to index
        %parallel_loop3A_1251 = arith.constant 0 : index
        %parallel_loop3A_1252 = tpu.vector_load %arg14[%parallel_loop3A_1250, %parallel_loop3A_1251] {strides = array<i32>} : memref<128x128xf32, #tpu.memory_space<vmem>>, vector<16xf32>,
        %parallel_loop3A_1253 = arith.mulf %parallel_loop3A_1249, %parallel_loop3A_1252 : vector<16xf32>
        %parallel_loop3A_1254 = arith.index_cast %parallel_loop3A_1246 : i32 to index
        %parallel_loop3A_1255 = arith.constant 16 : index
        %parallel_loop3A_1256 = tpu.vector_load %arg13[%parallel_loop3A_1254, %parallel_loop3A_1255] {strides = array<i32>} : memref<128x128xf32, #tpu.memory_space<vmem>>, vector<16xf32>,
        %parallel_loop3A_1257 = arith.index_cast %parallel_loop3A_1246 : i32 to index
        %parallel_loop3A_1258 = arith.constant 16 : index
        %parallel_loop3A_1259 = tpu.vector_load %arg14[%parallel_loop3A_1257, %parallel_loop3A_1258] {strides = array<i32>} : memref<128x128xf32, #tpu.memory_space<vmem>>, vector<16xf32>,
        %parallel_loop3A_1260 = arith.mulf %parallel_loop3A_1256, %parallel_loop3A_1259 : vector<16xf32>
        %parallel_loop3A_1261 = arith.addf %parallel_loop3A_1253, %parallel_loop3A_1260 : vector<16xf32>
        %parallel_loop3A_1262 = arith.index_cast %parallel_loop3A_1246 : i32 to index
        %parallel_loop3A_1263 = arith.constant 32 : index
        %parallel_loop3A_1264 = tpu.vector_load %arg13[%parallel_loop3A_1262, %parallel_loop3A_1263] {strides = array<i32>} : memref<128x128xf32, #tpu.memory_space<vmem>>, vector<16xf32>,
        %parallel_loop3A_1265 = arith.index_cast %parallel_loop3A_1246 : i32 to index
        %parallel_loop3A_1266 = arith.constant 32 : index
        %parallel_loop3A_1267 = tpu.vector_load %arg14[%parallel_loop3A_1265, %parallel_loop3A_1266] {strides = array<i32>} : memref<128x128xf32, #tpu.memory_space<vmem>>, vector<16xf32>,
        %parallel_loop3A_1268 = arith.mulf %parallel_loop3A_1264, %parallel_loop3A_1267 : vector<16xf32>
        %parallel_loop3A_1269 = arith.addf %parallel_loop3A_1261, %parallel_loop3A_1268 : vector<16xf32>
        %parallel_loop3A_1270 = arith.index_cast %parallel_loop3A_1246 : i32 to index
        %parallel_loop3A_1271 = arith.constant 48 : index
        %parallel_loop3A_1272 = tpu.vector_load %arg13[%parallel_loop3A_1270, %parallel_loop3A_1271] {strides = array<i32>} : memref<128x128xf32, #tpu.memory_space<vmem>>, vector<16xf32>,
        %parallel_loop3A_1273 = arith.index_cast %parallel_loop3A_1246 : i32 to index
        %parallel_loop3A_1274 = arith.constant 48 : index
        %parallel_loop3A_1275 = tpu.vector_load %arg14[%parallel_loop3A_1273, %parallel_loop3A_1274] {strides = array<i32>} : memref<128x128xf32, #tpu.memory_space<vmem>>, vector<16xf32>,
        %parallel_loop3A_1276 = arith.mulf %parallel_loop3A_1272, %parallel_loop3A_1275 : vector<16xf32>
        %parallel_loop3A_1277 = arith.addf %parallel_loop3A_1269, %parallel_loop3A_1276 : vector<16xf32>
        %parallel_loop3A_1278 = arith.index_cast %parallel_loop3A_1246 : i32 to index
        %parallel_loop3A_1279 = arith.constant 64 : index
        %parallel_loop3A_1280 = tpu.vector_load %arg13[%parallel_loop3A_1278, %parallel_loop3A_1279] {strides = array<i32>} : memref<128x128xf32, #tpu.memory_space<vmem>>, vector<16xf32>,
        %parallel_loop3A_1281 = arith.index_cast %parallel_loop3A_1246 : i32 to index
        %parallel_loop3A_1282 = arith.constant 64 : index
        %parallel_loop3A_1283 = tpu.vector_load %arg14[%parallel_loop3A_1281, %parallel_loop3A_1282] {strides = array<i32>} : memref<128x128xf32, #tpu.memory_space<vmem>>, vector<16xf32>,
        %parallel_loop3A_1284 = arith.mulf %parallel_loop3A_1280, %parallel_loop3A_1283 : vector<16xf32>
        %parallel_loop3A_1285 = arith.addf %parallel_loop3A_1277, %parallel_loop3A_1284 : vector<16xf32>
        %parallel_loop3A_1286 = arith.index_cast %parallel_loop3A_1246 : i32 to index
        %parallel_loop3A_1287 = arith.constant 80 : index
        %parallel_loop3A_1288 = tpu.vector_load %arg13[%parallel_loop3A_1286, %parallel_loop3A_1287] {strides = array<i32>} : memref<128x128xf32, #tpu.memory_space<vmem>>, vector<16xf32>,
        %parallel_loop3A_1289 = arith.index_cast %parallel_loop3A_1246 : i32 to index
        %parallel_loop3A_1290 = arith.constant 80 : index
        %parallel_loop3A_1291 = tpu.vector_load %arg14[%parallel_loop3A_1289, %parallel_loop3A_1290] {strides = array<i32>} : memref<128x128xf32, #tpu.memory_space<vmem>>, vector<16xf32>,
        %parallel_loop3A_1292 = arith.mulf %parallel_loop3A_1288, %parallel_loop3A_1291 : vector<16xf32>
        %parallel_loop3A_1293 = arith.addf %parallel_loop3A_1285, %parallel_loop3A_1292 : vector<16xf32>
        %parallel_loop3A_1294 = arith.index_cast %parallel_loop3A_1246 : i32 to index
        %parallel_loop3A_1295 = arith.constant 96 : index
        %parallel_loop3A_1296 = tpu.vector_load %arg13[%parallel_loop3A_1294, %parallel_loop3A_1295] {strides = array<i32>} : memref<128x128xf32, #tpu.memory_space<vmem>>, vector<16xf32>,
        %parallel_loop3A_1297 = arith.index_cast %parallel_loop3A_1246 : i32 to index
        %parallel_loop3A_1298 = arith.constant 96 : index
        %parallel_loop3A_1299 = tpu.vector_load %arg14[%parallel_loop3A_1297, %parallel_loop3A_1298] {strides = array<i32>} : memref<128x128xf32, #tpu.memory_space<vmem>>, vector<16xf32>,
        %parallel_loop3A_1300 = arith.mulf %parallel_loop3A_1296, %parallel_loop3A_1299 : vector<16xf32>
        %parallel_loop3A_1301 = arith.addf %parallel_loop3A_1293, %parallel_loop3A_1300 : vector<16xf32>
        %parallel_loop3A_1302 = arith.index_cast %parallel_loop3A_1246 : i32 to index
        %parallel_loop3A_1303 = arith.constant 112 : index
        %parallel_loop3A_1304 = tpu.vector_load %arg13[%parallel_loop3A_1302, %parallel_loop3A_1303] {strides = array<i32>} : memref<128x128xf32, #tpu.memory_space<vmem>>, vector<16xf32>,
        %parallel_loop3A_1305 = arith.index_cast %parallel_loop3A_1246 : i32 to index
        %parallel_loop3A_1306 = arith.constant 112 : index
        %parallel_loop3A_1307 = tpu.vector_load %arg14[%parallel_loop3A_1305, %parallel_loop3A_1306] {strides = array<i32>} : memref<128x128xf32, #tpu.memory_space<vmem>>, vector<16xf32>,
        %parallel_loop3A_1308 = arith.mulf %parallel_loop3A_1304, %parallel_loop3A_1307 : vector<16xf32>
        %parallel_loop3A_1309 = arith.addf %parallel_loop3A_1301, %parallel_loop3A_1308 : vector<16xf32>
        %parallel_loop3A_1310 = arith.constant 255 : i32
        %parallel_loop3A_1311 = arith.addi %parallel_loop3A_177, %parallel_loop3A_1310 : i32
        %parallel_loop3A_1312 = arith.index_cast %parallel_loop3A_1311 : i32 to index
        %parallel_loop3A_1313 = tpu.vector_load %arg18[%parallel_loop3A_1312] {strides = array<i32>} : memref<2176xf32, #tpu.memory_space<vmem>>, vector<16xf32>,
        tpu.vector_store %arg18[%parallel_loop3A_1312], %parallel_loop3A_1309 {strides = array<i32>} : memref<2176xf32, #tpu.memory_space<vmem>>, vector<16xf32>,
        %parallel_loop3A_1314 = arith.constant 128 : i32
        %parallel_loop3A_1315 = arith.muli %add3A_170, %parallel_loop3A_1314 : i32
        %parallel_loop3A_1316 = arith.constant 16 : i32
        %parallel_loop3A_1317 = arith.muli %parallel_loop3A_175, %parallel_loop3A_1316 : i32
        %parallel_loop3A_1318 = arith.addi %parallel_loop3A_1315, %parallel_loop3A_1317 : i32
        %parallel_loop3A_1319 = arith.index_cast %parallel_loop3A_1318 : i32 to index
        %parallel_loop3A_1320 = tpu.vector_load %arg15[%parallel_loop3A_1319] {strides = array<i32>} : memref<512xf32, #tpu.memory_space<vmem>>, vector<16xf32>,
        %parallel_loop3A_1321 = arith.index_cast %parallel_loop3A_1318 : i32 to index
        %parallel_loop3A_1322 = tpu.vector_load %arg16[%parallel_loop3A_1321] {strides = array<i32>} : memref<512xf32, #tpu.memory_space<vmem>>, vector<16xf32>,
        %parallel_loop3A_1323 = arith.addf %parallel_loop3A_1320, %parallel_loop3A_1322 : vector<16xf32>
        %parallel_loop3A_1324 = vector.broadcast %parallel_loop3A_177 : i32 to vector<16xi32>
        %parallel_loop3A_1325 = arith.addi %parallel_loop3A_1324, %mul3A_5 : vector<16xi32>
        %parallel_loop3A_1326 = arith.constant 0 : i32
        %parallel_loop3A_1327 = vector.broadcast %parallel_loop3A_1326 : i32 to vector<16xi32>
        %parallel_loop3A_1328 = arith.addi %parallel_loop3A_1325, %parallel_loop3A_1327 : vector<16xi32>
        %parallel_loop3A_1329 = tpu.vector_load_idx %arg18[%parallel_loop3A_1328] : memref<2176xf32, #tpu.memory_space<vmem>>[vector<16xi32>], vector<16xf32>,
        %parallel_loop3A_1330 = arith.addf %parallel_loop3A_1323, %parallel_loop3A_1329 : vector<16xf32>
        %parallel_loop3A_1331 = vector.broadcast %parallel_loop3A_177 : i32 to vector<16xi32>
        %parallel_loop3A_1332 = arith.addi %parallel_loop3A_1331, %mul3A_5 : vector<16xi32>
        %parallel_loop3A_1333 = arith.constant 1 : i32
        %parallel_loop3A_1334 = vector.broadcast %parallel_loop3A_1333 : i32 to vector<16xi32>
        %parallel_loop3A_1335 = arith.addi %parallel_loop3A_1332, %parallel_loop3A_1334 : vector<16xi32>
        %parallel_loop3A_1336 = tpu.vector_load_idx %arg18[%parallel_loop3A_1335] : memref<2176xf32, #tpu.memory_space<vmem>>[vector<16xi32>], vector<16xf32>,
        %parallel_loop3A_1337 = arith.addf %parallel_loop3A_1330, %parallel_loop3A_1336 : vector<16xf32>
        %parallel_loop3A_1338 = vector.broadcast %parallel_loop3A_177 : i32 to vector<16xi32>
        %parallel_loop3A_1339 = arith.addi %parallel_loop3A_1338, %mul3A_5 : vector<16xi32>
        %parallel_loop3A_1340 = arith.constant 2 : i32
        %parallel_loop3A_1341 = vector.broadcast %parallel_loop3A_1340 : i32 to vector<16xi32>
        %parallel_loop3A_1342 = arith.addi %parallel_loop3A_1339, %parallel_loop3A_1341 : vector<16xi32>
        %parallel_loop3A_1343 = tpu.vector_load_idx %arg18[%parallel_loop3A_1342] : memref<2176xf32, #tpu.memory_space<vmem>>[vector<16xi32>], vector<16xf32>,
        %parallel_loop3A_1344 = arith.addf %parallel_loop3A_1337, %parallel_loop3A_1343 : vector<16xf32>
        %parallel_loop3A_1345 = vector.broadcast %parallel_loop3A_177 : i32 to vector<16xi32>
        %parallel_loop3A_1346 = arith.addi %parallel_loop3A_1345, %mul3A_5 : vector<16xi32>
        %parallel_loop3A_1347 = arith.constant 3 : i32
        %parallel_loop3A_1348 = vector.broadcast %parallel_loop3A_1347 : i32 to vector<16xi32>
        %parallel_loop3A_1349 = arith.addi %parallel_loop3A_1346, %parallel_loop3A_1348 : vector<16xi32>
        %parallel_loop3A_1350 = tpu.vector_load_idx %arg18[%parallel_loop3A_1349] : memref<2176xf32, #tpu.memory_space<vmem>>[vector<16xi32>], vector<16xf32>,
        %parallel_loop3A_1351 = arith.addf %parallel_loop3A_1344, %parallel_loop3A_1350 : vector<16xf32>
        %parallel_loop3A_1352 = vector.broadcast %parallel_loop3A_177 : i32 to vector<16xi32>
        %parallel_loop3A_1353 = arith.addi %parallel_loop3A_1352, %mul3A_5 : vector<16xi32>
        %parallel_loop3A_1354 = arith.constant 4 : i32
        %parallel_loop3A_1355 = vector.broadcast %parallel_loop3A_1354 : i32 to vector<16xi32>
        %parallel_loop3A_1356 = arith.addi %parallel_loop3A_1353, %parallel_loop3A_1355 : vector<16xi32>
        %parallel_loop3A_1357 = tpu.vector_load_idx %arg18[%parallel_loop3A_1356] : memref<2176xf32, #tpu.memory_space<vmem>>[vector<16xi32>], vector<16xf32>,
        %parallel_loop3A_1358 = arith.addf %parallel_loop3A_1351, %parallel_loop3A_1357 : vector<16xf32>
        %parallel_loop3A_1359 = vector.broadcast %parallel_loop3A_177 : i32 to vector<16xi32>
        %parallel_loop3A_1360 = arith.addi %parallel_loop3A_1359, %mul3A_5 : vector<16xi32>
        %parallel_loop3A_1361 = arith.constant 5 : i32
        %parallel_loop3A_1362 = vector.broadcast %parallel_loop3A_1361 : i32 to vector<16xi32>
        %parallel_loop3A_1363 = arith.addi %parallel_loop3A_1360, %parallel_loop3A_1362 : vector<16xi32>
        %parallel_loop3A_1364 = tpu.vector_load_idx %arg18[%parallel_loop3A_1363] : memref<2176xf32, #tpu.memory_space<vmem>>[vector<16xi32>], vector<16xf32>,
        %parallel_loop3A_1365 = arith.addf %parallel_loop3A_1358, %parallel_loop3A_1364 : vector<16xf32>
        %parallel_loop3A_1366 = vector.broadcast %parallel_loop3A_177 : i32 to vector<16xi32>
        %parallel_loop3A_1367 = arith.addi %parallel_loop3A_1366, %mul3A_5 : vector<16xi32>
        %parallel_loop3A_1368 = arith.constant 6 : i32
        %parallel_loop3A_1369 = vector.broadcast %parallel_loop3A_1368 : i32 to vector<16xi32>
        %parallel_loop3A_1370 = arith.addi %parallel_loop3A_1367, %parallel_loop3A_1369 : vector<16xi32>
        %parallel_loop3A_1371 = tpu.vector_load_idx %arg18[%parallel_loop3A_1370] : memref<2176xf32, #tpu.memory_space<vmem>>[vector<16xi32>], vector<16xf32>,
        %parallel_loop3A_1372 = arith.addf %parallel_loop3A_1365, %parallel_loop3A_1371 : vector<16xf32>
        %parallel_loop3A_1373 = vector.broadcast %parallel_loop3A_177 : i32 to vector<16xi32>
        %parallel_loop3A_1374 = arith.addi %parallel_loop3A_1373, %mul3A_5 : vector<16xi32>
        %parallel_loop3A_1375 = arith.constant 7 : i32
        %parallel_loop3A_1376 = vector.broadcast %parallel_loop3A_1375 : i32 to vector<16xi32>
        %parallel_loop3A_1377 = arith.addi %parallel_loop3A_1374, %parallel_loop3A_1376 : vector<16xi32>
        %parallel_loop3A_1378 = tpu.vector_load_idx %arg18[%parallel_loop3A_1377] : memref<2176xf32, #tpu.memory_space<vmem>>[vector<16xi32>], vector<16xf32>,
        %parallel_loop3A_1379 = arith.addf %parallel_loop3A_1372, %parallel_loop3A_1378 : vector<16xf32>
        %parallel_loop3A_1380 = vector.broadcast %parallel_loop3A_177 : i32 to vector<16xi32>
        %parallel_loop3A_1381 = arith.addi %parallel_loop3A_1380, %mul3A_5 : vector<16xi32>
        %parallel_loop3A_1382 = arith.constant 8 : i32
        %parallel_loop3A_1383 = vector.broadcast %parallel_loop3A_1382 : i32 to vector<16xi32>
        %parallel_loop3A_1384 = arith.addi %parallel_loop3A_1381, %parallel_loop3A_1383 : vector<16xi32>
        %parallel_loop3A_1385 = tpu.vector_load_idx %arg18[%parallel_loop3A_1384] : memref<2176xf32, #tpu.memory_space<vmem>>[vector<16xi32>], vector<16xf32>,
        %parallel_loop3A_1386 = arith.addf %parallel_loop3A_1379, %parallel_loop3A_1385 : vector<16xf32>
        %parallel_loop3A_1387 = vector.broadcast %parallel_loop3A_177 : i32 to vector<16xi32>
        %parallel_loop3A_1388 = arith.addi %parallel_loop3A_1387, %mul3A_5 : vector<16xi32>
        %parallel_loop3A_1389 = arith.constant 9 : i32
        %parallel_loop3A_1390 = vector.broadcast %parallel_loop3A_1389 : i32 to vector<16xi32>
        %parallel_loop3A_1391 = arith.addi %parallel_loop3A_1388, %parallel_loop3A_1390 : vector<16xi32>
        %parallel_loop3A_1392 = tpu.vector_load_idx %arg18[%parallel_loop3A_1391] : memref<2176xf32, #tpu.memory_space<vmem>>[vector<16xi32>], vector<16xf32>,
        %parallel_loop3A_1393 = arith.addf %parallel_loop3A_1386, %parallel_loop3A_1392 : vector<16xf32>
        %parallel_loop3A_1394 = vector.broadcast %parallel_loop3A_177 : i32 to vector<16xi32>
        %parallel_loop3A_1395 = arith.addi %parallel_loop3A_1394, %mul3A_5 : vector<16xi32>
        %parallel_loop3A_1396 = arith.constant 10 : i32
        %parallel_loop3A_1397 = vector.broadcast %parallel_loop3A_1396 : i32 to vector<16xi32>
        %parallel_loop3A_1398 = arith.addi %parallel_loop3A_1395, %parallel_loop3A_1397 : vector<16xi32>
        %parallel_loop3A_1399 = tpu.vector_load_idx %arg18[%parallel_loop3A_1398] : memref<2176xf32, #tpu.memory_space<vmem>>[vector<16xi32>], vector<16xf32>,
        %parallel_loop3A_1400 = arith.addf %parallel_loop3A_1393, %parallel_loop3A_1399 : vector<16xf32>
        %parallel_loop3A_1401 = vector.broadcast %parallel_loop3A_177 : i32 to vector<16xi32>
        %parallel_loop3A_1402 = arith.addi %parallel_loop3A_1401, %mul3A_5 : vector<16xi32>
        %parallel_loop3A_1403 = arith.constant 11 : i32
        %parallel_loop3A_1404 = vector.broadcast %parallel_loop3A_1403 : i32 to vector<16xi32>
        %parallel_loop3A_1405 = arith.addi %parallel_loop3A_1402, %parallel_loop3A_1404 : vector<16xi32>
        %parallel_loop3A_1406 = tpu.vector_load_idx %arg18[%parallel_loop3A_1405] : memref<2176xf32, #tpu.memory_space<vmem>>[vector<16xi32>], vector<16xf32>,
        %parallel_loop3A_1407 = arith.addf %parallel_loop3A_1400, %parallel_loop3A_1406 : vector<16xf32>
        %parallel_loop3A_1408 = vector.broadcast %parallel_loop3A_177 : i32 to vector<16xi32>
        %parallel_loop3A_1409 = arith.addi %parallel_loop3A_1408, %mul3A_5 : vector<16xi32>
        %parallel_loop3A_1410 = arith.constant 12 : i32
        %parallel_loop3A_1411 = vector.broadcast %parallel_loop3A_1410 : i32 to vector<16xi32>
        %parallel_loop3A_1412 = arith.addi %parallel_loop3A_1409, %parallel_loop3A_1411 : vector<16xi32>
        %parallel_loop3A_1413 = tpu.vector_load_idx %arg18[%parallel_loop3A_1412] : memref<2176xf32, #tpu.memory_space<vmem>>[vector<16xi32>], vector<16xf32>,
        %parallel_loop3A_1414 = arith.addf %parallel_loop3A_1407, %parallel_loop3A_1413 : vector<16xf32>
        %parallel_loop3A_1415 = vector.broadcast %parallel_loop3A_177 : i32 to vector<16xi32>
        %parallel_loop3A_1416 = arith.addi %parallel_loop3A_1415, %mul3A_5 : vector<16xi32>
        %parallel_loop3A_1417 = arith.constant 13 : i32
        %parallel_loop3A_1418 = vector.broadcast %parallel_loop3A_1417 : i32 to vector<16xi32>
        %parallel_loop3A_1419 = arith.addi %parallel_loop3A_1416, %parallel_loop3A_1418 : vector<16xi32>
        %parallel_loop3A_1420 = tpu.vector_load_idx %arg18[%parallel_loop3A_1419] : memref<2176xf32, #tpu.memory_space<vmem>>[vector<16xi32>], vector<16xf32>,
        %parallel_loop3A_1421 = arith.addf %parallel_loop3A_1414, %parallel_loop3A_1420 : vector<16xf32>
        %parallel_loop3A_1422 = vector.broadcast %parallel_loop3A_177 : i32 to vector<16xi32>
        %parallel_loop3A_1423 = arith.addi %parallel_loop3A_1422, %mul3A_5 : vector<16xi32>
        %parallel_loop3A_1424 = arith.constant 14 : i32
        %parallel_loop3A_1425 = vector.broadcast %parallel_loop3A_1424 : i32 to vector<16xi32>
        %parallel_loop3A_1426 = arith.addi %parallel_loop3A_1423, %parallel_loop3A_1425 : vector<16xi32>
        %parallel_loop3A_1427 = tpu.vector_load_idx %arg18[%parallel_loop3A_1426] : memref<2176xf32, #tpu.memory_space<vmem>>[vector<16xi32>], vector<16xf32>,
        %parallel_loop3A_1428 = arith.addf %parallel_loop3A_1421, %parallel_loop3A_1427 : vector<16xf32>
        %parallel_loop3A_1429 = vector.broadcast %parallel_loop3A_177 : i32 to vector<16xi32>
        %parallel_loop3A_1430 = arith.addi %parallel_loop3A_1429, %mul3A_5 : vector<16xi32>
        %parallel_loop3A_1431 = arith.constant 15 : i32
        %parallel_loop3A_1432 = vector.broadcast %parallel_loop3A_1431 : i32 to vector<16xi32>
        %parallel_loop3A_1433 = arith.addi %parallel_loop3A_1430, %parallel_loop3A_1432 : vector<16xi32>
        %parallel_loop3A_1434 = tpu.vector_load_idx %arg18[%parallel_loop3A_1433] : memref<2176xf32, #tpu.memory_space<vmem>>[vector<16xi32>], vector<16xf32>,
        %parallel_loop3A_1435 = arith.addf %parallel_loop3A_1428, %parallel_loop3A_1434 : vector<16xf32>
        %parallel_loop3A_1436 = arith.index_cast %parallel_loop3A_1318 : i32 to index
        %parallel_loop3A_1437 = tpu.vector_load %arg17[%parallel_loop3A_1436] {strides = array<i32>} : memref<512xf32, #tpu.memory_space<vmem>>, vector<16xf32>,
        tpu.vector_store %arg17[%parallel_loop3A_1436], %parallel_loop3A_1435 {strides = array<i32>} : memref<512xf32, #tpu.memory_space<vmem>>, vector<16xf32>,
      } {sc.loop_unroll_factor = 2 : i64, sc.parallel_access}
      %scan3A_174 = arith.constant 0 : i32
      scf.yield %scan3A_174 : i32
    }
    %scan3A_125 = arith.constant 2 : i32
    "tpu.region"() ({
      %run_scoped3A = tpu.sem_alloc : memref<!tpu.dma_semaphore, #tpu.memory_space<semaphore_mem>>
      %dma_start3A_126 = tpu.memref_slice %arg7[%mul3A_2] : memref<16384xf32, #tpu.memory_space<hbm>> -> memref<512xf32, #tpu.memory_space<hbm>>
      %dma_start3A_127 = tpu.memref_slice %arg7[%mul3A_2] : memref<16384xf32, #tpu.memory_space<hbm>> -> memref<512xf32, #tpu.memory_space<hbm>>
      tpu.enqueue_dma source(%arg17 : memref<512xf32, #tpu.memory_space<vmem>>) target(%dma_start3A_127 : memref<512xf32, #tpu.memory_space<hbm>>) target_semaphore(%run_scoped3A : memref<!tpu.dma_semaphore, #tpu.memory_space<semaphore_mem>>)
      %dma_wait3A_128 = tpu.memref_slice %arg7[%mul3A_2] : memref<16384xf32, #tpu.memory_space<hbm>> -> memref<512xf32, #tpu.memory_space<hbm>>
      %dma_wait3A_129 = tpu.memref_slice %arg7[%mul3A_2] : memref<16384xf32, #tpu.memory_space<hbm>> -> memref<512xf32, #tpu.memory_space<hbm>>
      tpu.wait_dma2 semaphore(%run_scoped3A : memref<!tpu.dma_semaphore, #tpu.memory_space<semaphore_mem>>) src(%arg17 : memref<512xf32, #tpu.memory_space<vmem>>) dst(%dma_wait3A_129 : memref<512xf32, #tpu.memory_space<hbm>>)
      tpu.yield
    }) : () -> ()
    return
  }
}

</mosaic_0001>

<sc_bundles>
// kernel: kernel.3.cloned.1.call-start
scs
__scs_entry_jumppad:
0x0: {  	(pc) =	sbr.rel $0x88, $3  }
0x1: {  	(tag) =	ssettag $0x0;
	lr =	simm.s32 $0x1  }
0x2: {  	[smem:$0x3F9B] =	sst lr;
	_ =	strace $0xD0000000  }
0x3: {  	_ = 	snop  }
0x4: {  	_ = 	snop  }
0x5: {  	_ = 	snop  }
0x6: {  	_ = 	snop  }
0x7: {  	_ = 	snop  }
__scs_overlays_trampoline_lowered:
0x8: {  	[smem:$0x3FAA] =	sst s0  }
0x9: {  	[smem:$0x3FAB] =	sst s1  }
0xa: {  	[smem:$0x3FAC] =	sst s2  }
0xb: {  	[smem:$0x3FAD] =	sst s3  }
0xc: {  	[smem:$0x3FAE] =	sst s4  }
0xd: {  	[smem:$0x3FAF] =	sst s5  }
0xe: {  	[smem:$0x3FB0] =	sst s6  }
0xf: {  	[smem:$0x3FB1] =	sst s7  }
0x10: {  	[smem:$0x3FB2] =	sst s8  }
0x11: {  	[smem:$0x3FB3] =	sst s9;
	s0 =	simm.s32 @!p0 $0x0  }
0x12: {  	s1 =	sld [smem:$0x3F99];
	s0 =	simm.s32 @p0 $0x1  }
0x13: {  	[smem:$0x3FB4] =	sst s0;
	s0 =	simm.s32 @!p1 $0x0  }
0x14: {  	s2 =	sld [smem:$0x3F98];
	s0 =	simm.s32 @p1 $0x1  }
0x15: {  	[smem:$0x3FB5] =	sst s0;
	s0 =	simm.s32 @!p2 $0x0  }
0x16: {  	s3 =	sld [smem:$0x3FDB];
	s0 =	simm.s32 @p2 $0x1  }
0x17: {  	s4 =	simm.s32 $0x1BF5;
	[smem:$0x3FB7] =	sst s0  }
0x18: {  	s0 =	sld [smem:$0x3F9A];
	_ =	swait.ge [sflag:s4], $0x0  }
0x19: {  	s7 =	sld [smem:$0x3F9B]  }
0x1a: {  	s8 =	sadd.s32 $0xFFFFE003, lr  }
0x1b: {  	s9 =	sadd.s32 $0xFFFFFEF7, lr;
	s5 =	simm.s32 $0xFFFFFFFF;
	p2 =	slt.u32 s8, $0xFFFFF086  }
0x1c: {  	p1 =	slt.u32 s9, $0xF7A;
	s5 =	simm.s32 @!p2 $0x0  }
0x1d: {  	s5 =	simm.s32 @p1 $0x1;
	p0 =	seq.s32 s7, s2  }
0x1e: {  	s7 =	smul.u32 @!p0 $0xF7A, s2;
	p2 =	seq.s32 @!p0 s5, $0x0  }
0x1f: {  	s9 =	smul.u32 $0xF7A, s1;
	s8 =	simm.s32 @!p0 $0x1BF5;
	p2 =	por !p2, p0  }
0x20: {  	[sflag:s8] =	ssyncset.s32 @!p0 $0xFFFFF086;
	s6 =	sadd.s32 @!p0 s3, s7;
	s7 =	simm.s32 @!p0 $0x108  }
0x21: {  	s3 =	sadd.s32 s3, s9;
	s6 =	sadd.s32 @!p0 $0x88, s6;
	s7 =	simm.s32 @p2 $0x1082  }
0x22: {  	[simem:s7], [sflag:s8] =	dma.local @!p0 [hbm:s6], $0xF7A  }
0x23: {  	s9 =	sor.u32 $0xD0000000, s2;
	s6 =	simm.s32 $0x108;
	_ =	swait.ge @!p0 [sflag:s8], $0x0  }
0x24: {  	s3 =	sadd.s32 $0x88, s3;
	s6 =	simm.s32 @!p1 $0x1082;
	[sflag:s4] =	ssyncset.s32 $0xFFFFF086  }
0x25: {  	[simem:s6], [sflag:s4] =	dma.local [hbm:s3], $0xF7A  }
0x26: {  	[smem:$0x3F9B] =	sst s1;
	(tag) =	ssettag s2;
	_ =	strace s9  }
0x27: {  	s1 =	sld [smem:$0x3FAB]  }
0x28: {  	s2 =	sld [smem:$0x3FAC]  }
0x29: {  	s4 =	sld [smem:$0x3FAE]  }
0x2a: {  	p0 =	seq.s32 s5, $0x0;
	s5 =	sld [smem:$0x3FAF]  }
0x2b: {  	s6 =	sld [smem:$0x3FB0]  }
0x2c: {  	s7 =	sld [smem:$0x3FB1]  }
0x2d: {  	s3 =	simm.s32 $0x108;
	s8 =	sld [smem:$0x3FB2]  }
0x2e: {  	s3 =	simm.s32 @!p0 $0x1082;
	s9 =	sld [smem:$0x3FB3]  }
0x2f: {  	lr =	sadd.s32 s0, s3;
	s0 =	sld [smem:$0x3FAA]  }
0x30: {  	s3 =	sld [smem:$0x3FAD]  }
0x31: {  	[smem:$0x3FB6] =	sst s10  }
0x32: {  	s10 =	sld [smem:$0x3FB4];
	_ =	sdelay $0x3  }
0x33: {  	p0 =	seq.s32 s10, $0x1;
	s10 =	sld [smem:$0x3FB6];
	_ =	sdelay $0x3  }
0x34: {  	[smem:$0x3FB6] =	sst s10  }
0x35: {  	s10 =	sld [smem:$0x3FB5];
	_ =	sdelay $0x3  }
0x36: {  	p1 =	seq.s32 s10, $0x1;
	s10 =	sld [smem:$0x3FB6];
	_ =	sdelay $0x3  }
0x37: {  	[smem:$0x3FB6] =	sst s10  }
0x38: {  	s10 =	sld [smem:$0x3FB7]  }
0x39: {  	_ = 	snop;
	(pc) =	sbr.ind lr, $3  }
0x3a: {  	_ = 	snop  }
0x3b: {  	_ = 	snop  }
0x3c: {  	p2 =	seq.s32 s10, $0x1;
	s10 =	sld [smem:$0x3FB6]  }
0x3d: {  	_ =	shalt  }
0x3e: {  	_ =	shalt  }
0x3f: {  	_ =	shalt  }
0x40: {  	_ =	shalt  }
0x41: {  	_ =	shalt  }
0x42: {  	_ =	shalt  }
0x43: {  	_ =	shalt  }
0x44: {  	_ =	shalt  }
0x45: {  	_ =	shalt  }
0x46: {  	_ =	shalt  }
0x47: {  	_ =	shalt  }
0x48: {  	_ =	shalt  }
0x49: {  	_ =	shalt  }
0x4a: {  	_ =	shalt  }
0x4b: {  	_ =	shalt  }
0x4c: {  	_ =	shalt  }
0x4d: {  	_ =	shalt  }
0x4e: {  	_ =	shalt  }
0x4f: {  	_ =	shalt  }
0x50: {  	_ =	shalt  }
0x51: {  	_ =	shalt  }
0x52: {  	_ =	shalt  }
0x53: {  	_ =	shalt  }
0x54: {  	_ =	shalt  }
0x55: {  	_ =	shalt  }
0x56: {  	_ =	shalt  }
0x57: {  	_ =	shalt  }
0x58: {  	_ =	shalt  }
0x59: {  	_ =	shalt  }
0x5a: {  	_ =	shalt  }
0x5b: {  	_ =	shalt  }
0x5c: {  	_ =	shalt  }
0x5d: {  	_ =	shalt  }
0x5e: {  	_ =	shalt  }
0x5f: {  	_ =	shalt  }
0x60: {  	_ =	shalt  }
0x61: {  	_ =	shalt  }
0x62: {  	_ =	shalt  }
0x63: {  	_ =	shalt  }
0x64: {  	_ =	shalt  }
0x65: {  	_ =	shalt  }
0x66: {  	_ =	shalt  }
0x67: {  	_ =	shalt  }
0x68: {  	_ =	shalt  }
0x69: {  	_ =	shalt  }
0x6a: {  	_ =	shalt  }
0x6b: {  	_ =	shalt  }
0x6c: {  	_ =	shalt  }
0x6d: {  	_ =	shalt  }
0x6e: {  	_ =	shalt  }
0x6f: {  	_ =	shalt  }
0x70: {  	_ =	shalt  }
0x71: {  	_ =	shalt  }
0x72: {  	_ =	shalt  }
0x73: {  	_ =	shalt  }
0x74: {  	_ =	shalt  }
0x75: {  	_ =	shalt  }
0x76: {  	_ =	shalt  }
0x77: {  	_ =	shalt  }
0x78: {  	_ =	shalt  }
0x79: {  	_ =	shalt  }
0x7a: {  	_ =	shalt  }
0x7b: {  	_ =	shalt  }
0x7c: {  	_ =	shalt  }
0x7d: {  	_ =	shalt  }
0x7e: {  	_ =	shalt  }
0x7f: {  	_ =	shalt  }
0x80: {  	_ =	shalt  }
0x81: {  	_ =	shalt  }
0x82: {  	_ =	shalt  }
0x83: {  	_ =	shalt  }
0x84: {  	_ =	shalt  }
0x85: {  	_ =	shalt  }
0x86: {  	_ =	shalt  }
0x87: {  	_ =	shalt  }
.Lfunc_end0:
.L_simem_size_0:
called_computation_lowered:
.L_overlay_start_0:
0x88: {  	s2 =	sld [smem:$0x3FD9]  }
0x89: {  	s3 =	sld [smem:$0x3FFE];
	_ =	sdelay $0x1  }
0x8a: {  	s1 =	srdreg.scid  }
0x8b: {  	s0 =	sand.u32 $0x1, s1  }
0x8c: {  	s17 =	sshll.u32 s0, $0xA;
	s2 =	sadd.s32 s3, s2  }
0x8d: {  	s2 =	sadd.s32 s2, s17  }
0x8e: {  	[smem:$0x3FC2] =	sst s2  }
0x8f: {  	_ = 	snop  }
0x90: {  	s2 =	sld [smem:$0x3FC9]  }
0x91: {  	s18 =	sld [smem:$0x3FC8]  }
0x92: {  	s4 =	sld [smem:$0x3FC7]  }
0x93: {  	s5 =	sld [smem:$0x3FC6]  }
0x94: {  	s6 =	sld [smem:$0x3FD0];
	(tm) =	ssettm $0x1  }
0x95: {  	s7 =	sld [smem:$0x3FFB];
	_ =	sdelay $0x3  }
0x96: {  	_ =	strace s7  }
0x97: {  	s7 =	sld [smem:$0x3FFC];
	_ =	sdelay $0x3  }
0x98: {  	_ =	strace s7  }
0x99: {  	s7 =	sld [smem:$0x3FFD];
	_ =	sdelay $0x3  }
0x9a: {  	_ =	strace s7  }
0x9b: {  	_ =	strace $0x8FFFFFFF  }
0x9c: {  	s19 =	sld [smem:$0x3FDB];
	_ =	sdelay $0x1  }
0x9d: {  	s8 =	simm.s32 $_scs_section_size  }
0x9e: {  	s9 =	simm.s32 $_size__tile_overlayer_lowered;
	s10 =	simm.s32 $_tile_overlayer_lowered  }
0x9f: {  	s22 =	simm.s32 $0x1BFF;
	s21 =	sshll.u32 s10, $0x1;
	s7 =	sadd.s32 s8, s19  }
0xa0: {  	s11 =	simm.s32 $0x0;
	s20 =	sshll.u32 s9, $0x1;
	s9 =	sadd.s32 s21, s7  }
0xa1: {  	[timem:s11], [sflag:s22] =	dma.local [hbm:s9], s20  }
0xa2: {  	_ =	swait.ge [sflag:s22], s20  }
0xa3: {  	s8 =	ssub.s32 $0x0, s20;
	[sflag:s22] =	ssyncset.done $0x0  }
0xa4: {  	[sflag:s22] =	ssyncadd.s32 s8;
	_ =	sdelay $0x1  }
0xa5: {  	s23 =	simm.s32 $0x1B8B  }
0xa6: {  	_ =	swait.ge [sflag:s23], $0x1  }
0xa7: {  	[sflag:s23] =	ssyncset.done $0x0  }
0xa8: {  	s25 =	simm.s32 $0x1B8E;
	s24 =	sld [smem:$0x3FFE];
	[sflag:s23] =	ssyncadd.s32 $0xFFFFFFFF  }
0xa9: {  	s26 =	simm.s32 $execute0_lowered;
	[smem:$0x3FD2] =	sst s25  }
0xaa: {  	s9 =	sshll.u32 s26, $0x1;
	_ =	strace $0x80000046;
	[dreg:$0x1] =	wrdreg $0xFFFFFFFF  }
0xab: {  	s28 =	simm.s32 $_size_execute0_lowered;
	s7 =	sadd.s32 s7, s9;
	[dreg:$0x0] =	wrdreg $0x0  }
0xac: {  	s9 =	sshll.u32 s28, $0x1;
	[dreg:$0x2] =	wrdreg s7  }
0xad: {  	[dreg:$0x3] =	wrdreg s9  }
0xae: {  	[dreg:$0x4] =	wrdreg $0xC0  }
0xaf: {  	_ =	task [dreg:s11], $0x5FFFF  }
0xb0: {  	[dreg:$0x1] =	wrdreg $0xFFFFFFFF  }
0xb1: {  	[dreg:$0x0] =	wrdreg $0x60  }
0xb2: {  	[dreg:$0x2] =	wrdreg s2  }
0xb3: {  	[dreg:$0x3] =	wrdreg s18  }
0xb4: {  	[dreg:$0x4] =	wrdreg s4  }
0xb5: {  	[dreg:$0x5] =	wrdreg s5  }
0xb6: {  	[dreg:$0x6] =	wrdreg s24  }
0xb7: {  	[dreg:$0x7] =	wrdreg s6  }
0xb8: {  	[dreg:$0x8] =	wrdreg $0x9  }
0xb9: {  	_ =	task.clear_ibuf [dreg:s11], $0x9FFFF;
	_ =	strace $0x90000046  }
0xba: {  	s29 =	simm.s32 $0x9;
	_ =	strace $0x80000048  }
0xbb: {  	_ =	swait.ge [sflag:s29], $0x1  }
0xbc: {  	[sflag:s29] =	ssyncadd.s32 $0xFFFFFFFF  }
0xbd: {  	_ =	strace $0x90000048  }
0xbe: {  	_ =	sfence  }
0xbf: {  	s30 =	sld [smem:$0x0];
	_ =	sdelay $0x2  }
0xc0: {  	s31 =	sshll.u32 s1, $0xD;
	s1 =	sshrl.u32 s1, $0x2  }
0xc1: {  	s3 =	sand.u32 $0x4000, s31;
	s1 =	sadd.s32 s1, s30  }
0xc2: {  	s0 =	sor.u32 s3, s0;
	s1 =	sshll.u32 s1, $0x11  }
0xc3: {  	s0 =	sor.u32 s1, s0  }
0xc4: {  	s0 =	sadd.s32 $0x8F2B, s0  }
0xc5: {  	[sflag:s0] =	ssyncadd.remote.s32 $0x1  }
0xc6: {  	_ =	sfence.sel $0xFFFF  }
0xc7: {  	[dreg:$0x0] =	wrdreg $0xFFFFFFFF;
	(pc) =	sbr.abs _section_cstart, $3  }
0xc8: {  	[dreg:$0x1] =	wrdreg $0xFFFFFFFF  }
0xc9: {  	_ =	task.clear_ibuf [dreg:s11], $0x2FFFF;
	_ =	strace $0x9FFFFFFF  }
0xca: {  	(tm) =	ssettm $0x7FFFFFFF  }
0xcb: {  	_ =	shalt  }
tec
execute0_lowered:
.L_overlay_start_1:
0x0: {  	(tag) =	ssettag $0x1  }
0x1: {  	s0 =	rddreg [dreg:$0x0]  }
0x2: {  	s4 =	rddreg [dreg:$0x1]  }
0x3: {  	s1 =	rddreg [dreg:$0x2]  }
0x4: {  	s2 =	rddreg [dreg:$0x3]  }
0x5: {  	s3 =	rddreg [dreg:$0x4]  }
0x6: {  	s8 =	rddreg [dreg:$0x5];
	s6 =	srdreg.scid;
	s5 =	simm.s32 $0x0  }
0x7: {  	s9 =	stileid.u32;
	s11 =	simm.s32 $0x1;
	s12 =	simm.s32 $0x80  }
0x8: {  	s28 =	simm.s32 $0x600;
	s29 =	simm.s32 $0x4600;
	s30 =	simm.s32 $0x2  }
0x9: {  	v0 =	vlaneseq.u32;
	s31 =	simm.s32 $0x8600;
	s13 =	simm.s32 $0x4;
	s14 =	simm.s32 $0x10C00  }
0xa: {  	s15 =	simm.s32 $0x5;
	s16 =	simm.s32 $0x6;
	s17 =	simm.s32 $0x10A00;
	v0 =	vmul.u32 $0x11, v0  }
0xb: {  	s18 =	simm.s32 $0x7;
	s19 =	simm.s32 $0x0;
	s6 =	sand.u32 $0x1, s6  }
0xc: {  	s9 =	sshll.u32 s9, $0x7;
	s7 =	ssub.s32 $0x2, s6;
	s6 =	sshll.u32 s6, $0x6;
	v1 =	vadd.s32 $0x1, v0;
	v2 =	vadd.s32 $0x2, v0;
	v3 =	vadd.s32 $0x3, v0  }
0xd: {  	[smem:$0x7FF] =	sst s5;
	s10 =	sshrl.u32 s7, $0x1;
	s9 =	sor.u32 s6, s9;
	v4 =	vadd.s32 $0x4, v0;
	v5 =	vadd.s32 $0x5, v0;
	v6 =	vadd.s32 $0x6, v0  }
0xe: {  	_ =	strace $0x80000047;
	v7 =	vadd.s32 $0x7, v0;
	v8 =	vadd.s32 $0x8, v0;
	v9 =	vadd.s32 $0x9, v0;
	s10 =	ssub.s32 s7, s10;
	s6 =	sadd.s32 s0, s9  }
0xf: {  	v10 =	vadd.s32 $0xA, v0;
	v11 =	vadd.s32 $0xB, v0;
	v12 =	vadd.s32 $0xC, v0;
	s7 =	sadd.s32 s4, s9;
	s8 =	sadd.s32 s8, s9;
	s0 =	simm.s32 $0xC600  }
0x10: {  	v13 =	vadd.s32 $0xD, v0;
	v14 =	vadd.s32 $0xE, v0;
	v15 =	vadd.s32 $0xF, v0;
	s4 =	simm.s32 $0x3;
	s9 =	smax.u32 s10, $0x1;
	s10 =	simm.s32 $0x200  }
.LBB2_1:
0x11: {  	[tilespmem:s5], [sflag:$0x1] =	stream.linear.gather [hbm4b:s6+s5], $0x200, $0x38;
	[tilespmem:$0x11480] =	vst v63  }
0x12: {  	_ = 	snop  }
0x13: {  	[tilespmem:s10], [sflag:$0x1] =	stream.linear.gather [hbm4b:s7+s5], $0x200, $0x38;
	[tilespmem:$0x11480] =	vst v63  }
0x14: {  	_ =	swait.ge [sflag:s11], $0x200  }
0x15: {  	[sflag:s11] =	ssyncset.done $0x0  }
0x16: {  	[sflag:s11] =	ssyncadd.s32 $0xFFFFFE00  }
0x17: {  	_ =	swait.ge [sflag:s11], $0x200  }
0x18: {  	[sflag:s11] =	ssyncset.done $0x0  }
0x19: {  	s20 =	simm.s32 $0x0;
	[sflag:s11] =	ssyncadd.s32 $0xFFFFFE00  }
0x1a: {  	s21 =	simm.s32 $0x40;
	v16 =	vld [tilespmem:s20+$0x200]  }
.LBB2_2:
0x1b: {  	p0 =	sne.s32 s21, $0x7C0  }
.Ltmp0:
0x1c: {  	_ = 	snop;
	(pc) =	sbr.rel @p0 .LBB2_2-.Ltmp0, $3  }
0x1d: {  	_ =	sdelay $0x1  }
0x1e: {  	s22 =	sshra.s32 s21, $0x2;
	s21 =	sadd.s32 $0x40, s21;
	v17 =	vadd.s32 $0x186A0, v16  }
0x1f: {  	v16 =	vld [tilespmem:s22+$0x200];
	[tilespmem:s20+$0x400] =	vst v17;
	s20 =	smov.u32 s22  }
0x20: {  	_ =	sdelay $0x3  }
0x21: {  	v16 =	vadd.s32 $0x186A0, v16  }
0x22: {  	s21 =	simm.s32 $0x0;
	s22 =	simm.s32 $0x10600;
	[tilespmem:s20+$0x400] =	vst v16  }
0x23: {  	[tilespmem:s22], [sflag:$0x2] =	stream.indirect.gather [hbm4b:s3+s12], $0x1, s21, s12, $0xb8;
	[tilespmem:$0x11480] =	vst v63  }
0x24: {  	s23 =	simm.s32 $0x400;
	s22 =	simm.s32 $0x10800  }
0x25: {  	[tilespmem:s22], [sflag:$0x2] =	stream.indirect.gather [hbm4b:s3+s12], $0x1, s23, s12, $0xb8;
	[tilespmem:$0x11480] =	vst v63  }
0x26: {  	s24 =	simm.s32 $0x10680  }
0x27: {  	[tilespmem:s24], [sflag:$0x2] =	stream.indirect.gather [hbm4b:s3+s12], $0x1, s12, s12, $0xb8;
	[tilespmem:$0x11480] =	vst v63  }
0x28: {  	s25 =	simm.s32 $0x480;
	s26 =	simm.s32 $0x10880  }
0x29: {  	[tilespmem:s26], [sflag:$0x2] =	stream.indirect.gather [hbm4b:s3+s12], $0x1, s25, s12, $0xb8;
	[tilespmem:$0x11480] =	vst v63  }
0x2a: {  	s23 =	simm.s32 $0x100;
	s24 =	simm.s32 $0x10700  }
0x2b: {  	[tilespmem:s24], [sflag:$0x2] =	stream.indirect.gather [hbm4b:s3+s12], $0x1, s23, s12, $0xb8;
	[tilespmem:$0x11480] =	vst v63  }
0x2c: {  	s25 =	simm.s32 $0x500;
	s26 =	simm.s32 $0x10900  }
0x2d: {  	[tilespmem:s26], [sflag:$0x2] =	stream.indirect.gather [hbm4b:s3+s12], $0x1, s25, s12, $0xb8;
	[tilespmem:$0x11480] =	vst v63  }
0x2e: {  	s23 =	simm.s32 $0x180;
	s24 =	simm.s32 $0x10780  }
0x2f: {  	[tilespmem:s24], [sflag:$0x2] =	stream.indirect.gather [hbm4b:s3+s12], $0x1, s23, s12, $0xb8;
	[tilespmem:$0x11480] =	vst v63  }
0x30: {  	s25 =	simm.s32 $0x580;
	s26 =	simm.s32 $0x10980  }
0x31: {  	[tilespmem:s26], [sflag:$0x2] =	stream.indirect.gather [hbm4b:s3+s12], $0x1, s25, s12, $0xb8;
	[tilespmem:$0x11480] =	vst v63  }
0x32: {  	_ = 	snop  }
0x33: {  	[tilespmem:s28], [sflag:$0x3] =	stream.indirect.gather [hbm4b:s1+s12], $0x80, s21, s12, $0xb8;
	[tilespmem:$0x11480] =	vst v63  }
0x34: {  	_ = 	snop  }
0x35: {  	[tilespmem:s29], [sflag:$0x4] =	stream.indirect.gather [hbm4b:s2+s12], $0x80, s10, s12, $0xb8;
	[tilespmem:$0x11480] =	vst v63  }
0x36: {  	_ =	swait.ge [sflag:s30], $0x80  }
0x37: {  	[sflag:s30] =	ssyncset.done $0x0  }
0x38: {  	[sflag:s30] =	ssyncadd.s32 $0xFFFFFF80  }
0x39: {  	_ =	swait.ge [sflag:s30], $0x80  }
0x3a: {  	[sflag:s30] =	ssyncset.done $0x0  }
0x3b: {  	[sflag:s30] =	ssyncadd.s32 $0xFFFFFF80  }
0x3c: {  	_ =	swait.ge [sflag:s30], $0x80  }
0x3d: {  	[sflag:s30] =	ssyncset.done $0x0  }
0x3e: {  	[sflag:s30] =	ssyncadd.s32 $0xFFFFFF80  }
0x3f: {  	_ =	swait.ge [sflag:s30], $0x80  }
0x40: {  	[sflag:s30] =	ssyncset.done $0x0  }
0x41: {  	[sflag:s30] =	ssyncadd.s32 $0xFFFFFF80  }
0x42: {  	_ =	swait.ge [sflag:s30], $0x80  }
0x43: {  	[sflag:s30] =	ssyncset.done $0x0  }
0x44: {  	[sflag:s30] =	ssyncadd.s32 $0xFFFFFF80  }
0x45: {  	_ =	swait.ge [sflag:s30], $0x80  }
0x46: {  	[sflag:s30] =	ssyncset.done $0x0  }
0x47: {  	[sflag:s30] =	ssyncadd.s32 $0xFFFFFF80  }
0x48: {  	_ =	swait.ge [sflag:s30], $0x80  }
0x49: {  	[sflag:s30] =	ssyncset.done $0x0  }
0x4a: {  	[sflag:s30] =	ssyncadd.s32 $0xFFFFFF80  }
0x4b: {  	_ =	swait.ge [sflag:s30], $0x80  }
0x4c: {  	[sflag:s30] =	ssyncset.done $0x0  }
0x4d: {  	p1 =	por $0x1, $0x1;
	[sflag:s30] =	ssyncadd.s32 $0xFFFFFF80  }
.LBB2_4:
0x4e: {  	s20 =	sor.u32 $0x80, s21  }
0x4f: {  	[tilespmem:s31], [sflag:$0x5] =	stream.indirect.gather [hbm4b:s1+s12], $0x80, s20, s12, $0xb8;
	[tilespmem:$0x11480] =	vst v63  }
0x50: {  	s22 =	sadd.s32 $0x280, s21  }
0x51: {  	[tilespmem:s0], [sflag:$0x6] =	stream.indirect.gather [hbm4b:s2+s12], $0x80, s22, s12, $0xb8;
	[tilespmem:$0x11480] =	vst v63  }
0x52: {  	_ =	swait.ge [sflag:s4], $0x4000  }
0x53: {  	[sflag:s4] =	ssyncset.done $0x0  }
0x54: {  	[sflag:s4] =	ssyncadd.s32 $0xFFFFC000  }
0x55: {  	_ =	swait.ge [sflag:s13], $0x4000  }
0x56: {  	[sflag:s13] =	ssyncset.done $0x0  }
0x57: {  	p0 =	por p1, p1;
	v16 =	vmov s21;
	s21 =	simm.s32 $0x0;
	[sflag:s13] =	ssyncadd.s32 $0xFFFFC000  }
.LBB2_5:
0x58: {  	s23 =	sshll.u32 s21, $0xB  }
0x59: {  	v17 =	vld [tilespmem:s23+$0x600]  }
0x5a: {  	v18 =	vld [tilespmem:s23+$0x4600]  }
0x5b: {  	v19 =	vld [tilespmem:s23+$0x610]  }
0x5c: {  	v20 =	vld [tilespmem:s23+$0x4610]  }
0x5d: {  	v21 =	vld [tilespmem:s23+$0x620]  }
0x5e: {  	v22 =	vld [tilespmem:s23+$0x4620]  }
0x5f: {  	v23 =	vld [tilespmem:s23+$0x630]  }
0x60: {  	v24 =	vld [tilespmem:s23+$0x4630]  }
0x61: {  	v48 =	vld [tilespmem:s23+$0x4640];
	v17 =	vmul.f32 v18, v17;
	v18 =	vmul.f32 v20, v19  }
0x62: {  	v19 =	vld [tilespmem:s23+$0x640]  }
0x63: {  	v49 =	vld [tilespmem:s23+$0x650];
	v17 =	vadd.f32 v18, v17;
	v18 =	vmul.f32 v22, v21  }
0x64: {  	v50 =	vld [tilespmem:s23+$0x4650]  }
0x65: {  	v51 =	vld [tilespmem:s23+$0x660];
	v17 =	vadd.f32 v18, v17;
	v18 =	vmul.f32 v24, v23  }
0x66: {  	v52 =	vld [tilespmem:s23+$0x4660]  }
0x67: {  	v53 =	vld [tilespmem:s23+$0x4670];
	v17 =	vadd.f32 v18, v17;
	v18 =	vmul.f32 v48, v19  }
0x68: {  	v19 =	vld [tilespmem:s23+$0x670]  }
0x69: {  	v17 =	vadd.f32 v18, v17;
	v18 =	vmul.f32 v50, v49;
	_ =	sdelay $0x1  }
0x6a: {  	v17 =	vadd.f32 v18, v17;
	v18 =	vmul.f32 v52, v51;
	_ =	sdelay $0x1  }
0x6b: {  	v17 =	vadd.f32 v18, v17;
	v18 =	vmul.f32 v53, v19;
	_ =	sdelay $0x1  }
0x6c: {  	s22 =	smul.u32 $0x110, s21;
	v17 =	vadd.f32 v18, v17;
	_ =	sdelay $0x1  }
0x6d: {  	[tilespmem:s22+$0x10C00] =	vst v17  }
0x6e: {  	v17 =	vld [tilespmem:s23+$0x680]  }
0x6f: {  	v18 =	vld [tilespmem:s23+$0x4680]  }
0x70: {  	v19 =	vld [tilespmem:s23+$0x690]  }
0x71: {  	v54 =	vld [tilespmem:s23+$0x4690]  }
0x72: {  	v55 =	vld [tilespmem:s23+$0x6A0]  }
0x73: {  	v56 =	vld [tilespmem:s23+$0x46A0]  }
0x74: {  	v57 =	vld [tilespmem:s23+$0x6B0]  }
0x75: {  	v58 =	vld [tilespmem:s23+$0x46B0]  }
0x76: {  	v59 =	vld [tilespmem:s23+$0x46C0];
	v17 =	vmul.f32 v18, v17;
	v18 =	vmul.f32 v54, v19  }
0x77: {  	v19 =	vld [tilespmem:s23+$0x6C0]  }
0x78: {  	v60 =	vld [tilespmem:s23+$0x6D0];
	v17 =	vadd.f32 v18, v17;
	v18 =	vmul.f32 v56, v55  }
0x79: {  	v61 =	vld [tilespmem:s23+$0x46D0]  }
0x7a: {  	v62 =	vld [tilespmem:s23+$0x6E0];
	v17 =	vadd.f32 v18, v17;
	v18 =	vmul.f32 v58, v57  }
0x7b: {  	v63 =	vld [tilespmem:s23+$0x46E0]  }
0x7c: {  	v28 =	vld [tilespmem:s23+$0x46F0];
	v17 =	vadd.f32 v18, v17;
	v18 =	vmul.f32 v59, v19  }
0x7d: {  	v19 =	vld [tilespmem:s23+$0x6F0]  }
0x7e: {  	v17 =	vadd.f32 v18, v17;
	v18 =	vmul.f32 v61, v60;
	_ =	sdelay $0x1  }
0x7f: {  	v17 =	vadd.f32 v18, v17;
	v18 =	vmul.f32 v63, v62;
	_ =	sdelay $0x1  }
0x80: {  	v17 =	vadd.f32 v18, v17;
	v18 =	vmul.f32 v28, v19;
	_ =	sdelay $0x1  }
0x81: {  	v17 =	vadd.f32 v18, v17;
	_ =	sdelay $0x1  }
0x82: {  	[tilespmem:s22+$0x10C11] =	vst v17  }
0x83: {  	v17 =	vld [tilespmem:s23+$0x700]  }
0x84: {  	v18 =	vld [tilespmem:s23+$0x4700]  }
0x85: {  	v19 =	vld [tilespmem:s23+$0x710]  }
0x86: {  	v29 =	vld [tilespmem:s23+$0x4710]  }
0x87: {  	v30 =	vld [tilespmem:s23+$0x720]  }
0x88: {  	v31 =	vld [tilespmem:s23+$0x4720]  }
0x89: {  	v32 =	vld [tilespmem:s23+$0x730]  }
0x8a: {  	v33 =	vld [tilespmem:s23+$0x4730]  }
0x8b: {  	v34 =	vld [tilespmem:s23+$0x4740];
	v17 =	vmul.f32 v18, v17;
	v18 =	vmul.f32 v29, v19  }
0x8c: {  	v19 =	vld [tilespmem:s23+$0x740]  }
0x8d: {  	v35 =	vld [tilespmem:s23+$0x750];
	v17 =	vadd.f32 v18, v17;
	v18 =	vmul.f32 v31, v30  }
0x8e: {  	v36 =	vld [tilespmem:s23+$0x4750]  }
0x8f: {  	v37 =	vld [tilespmem:s23+$0x760];
	v17 =	vadd.f32 v18, v17;
	v18 =	vmul.f32 v33, v32  }
0x90: {  	v38 =	vld [tilespmem:s23+$0x4760]  }
0x91: {  	v39 =	vld [tilespmem:s23+$0x4770];
	v17 =	vadd.f32 v18, v17;
	v18 =	vmul.f32 v34, v19  }
0x92: {  	v19 =	vld [tilespmem:s23+$0x770]  }
0x93: {  	v17 =	vadd.f32 v18, v17;
	v18 =	vmul.f32 v36, v35;
	_ =	sdelay $0x1  }
0x94: {  	v17 =	vadd.f32 v18, v17;
	v18 =	vmul.f32 v38, v37;
	_ =	sdelay $0x1  }
0x95: {  	v17 =	vadd.f32 v18, v17;
	v18 =	vmul.f32 v39, v19;
	_ =	sdelay $0x1  }
0x96: {  	v17 =	vadd.f32 v18, v17;
	_ =	sdelay $0x1  }
0x97: {  	[tilespmem:s22+$0x10C22] =	vst v17  }
0x98: {  	v17 =	vld [tilespmem:s23+$0x780]  }
0x99: {  	v18 =	vld [tilespmem:s23+$0x4780]  }
0x9a: {  	v19 =	vld [tilespmem:s23+$0x790]  }
0x9b: {  	v40 =	vld [tilespmem:s23+$0x4790]  }
0x9c: {  	v41 =	vld [tilespmem:s23+$0x7A0]  }
0x9d: {  	v42 =	vld [tilespmem:s23+$0x47A0]  }
0x9e: {  	v43 =	vld [tilespmem:s23+$0x7B0]  }
0x9f: {  	v44 =	vld [tilespmem:s23+$0x47B0]  }
0xa0: {  	v45 =	vld [tilespmem:s23+$0x47C0];
	v17 =	vmul.f32 v18, v17;
	v18 =	vmul.f32 v40, v19  }
0xa1: {  	v19 =	vld [tilespmem:s23+$0x7C0]  }
0xa2: {  	v46 =	vld [tilespmem:s23+$0x7D0];
	v17 =	vadd.f32 v18, v17;
	v18 =	vmul.f32 v42, v41  }
0xa3: {  	v47 =	vld [tilespmem:s23+$0x47D0]  }
0xa4: {  	v48 =	vld [tilespmem:s23+$0x7E0];
	v17 =	vadd.f32 v18, v17;
	v18 =	vmul.f32 v44, v43  }
0xa5: {  	v49 =	vld [tilespmem:s23+$0x47E0]  }
0xa6: {  	v50 =	vld [tilespmem:s23+$0x47F0];
	v17 =	vadd.f32 v18, v17;
	v18 =	vmul.f32 v45, v19  }
0xa7: {  	v19 =	vld [tilespmem:s23+$0x7F0]  }
0xa8: {  	v17 =	vadd.f32 v18, v17;
	v18 =	vmul.f32 v47, v46;
	_ =	sdelay $0x1  }
0xa9: {  	v17 =	vadd.f32 v18, v17;
	v18 =	vmul.f32 v49, v48;
	_ =	sdelay $0x1  }
0xaa: {  	v17 =	vadd.f32 v18, v17;
	v18 =	vmul.f32 v50, v19;
	_ =	sdelay $0x1  }
0xab: {  	v17 =	vadd.f32 v18, v17;
	_ =	sdelay $0x1  }
0xac: {  	[tilespmem:s22+$0x10C33] =	vst v17  }
0xad: {  	v17 =	vld [tilespmem:s23+$0x800]  }
0xae: {  	v18 =	vld [tilespmem:s23+$0x4800]  }
0xaf: {  	v19 =	vld [tilespmem:s23+$0x810]  }
0xb0: {  	v51 =	vld [tilespmem:s23+$0x4810]  }
0xb1: {  	v52 =	vld [tilespmem:s23+$0x820]  }
0xb2: {  	v53 =	vld [tilespmem:s23+$0x4820]  }
0xb3: {  	v54 =	vld [tilespmem:s23+$0x830]  }
0xb4: {  	v55 =	vld [tilespmem:s23+$0x4830]  }
0xb5: {  	v56 =	vld [tilespmem:s23+$0x4840];
	v17 =	vmul.f32 v18, v17;
	v18 =	vmul.f32 v51, v19  }
0xb6: {  	v19 =	vld [tilespmem:s23+$0x840]  }
0xb7: {  	v57 =	vld [tilespmem:s23+$0x850];
	v17 =	vadd.f32 v18, v17;
	v18 =	vmul.f32 v53, v52  }
0xb8: {  	v58 =	vld [tilespmem:s23+$0x4850]  }
0xb9: {  	v59 =	vld [tilespmem:s23+$0x860];
	v17 =	vadd.f32 v18, v17;
	v18 =	vmul.f32 v55, v54  }
0xba: {  	v60 =	vld [tilespmem:s23+$0x4860]  }
0xbb: {  	v17 =	vadd.f32 v18, v17;
	v18 =	vmul.f32 v56, v19;
	v19 =	vld [tilespmem:s23+$0x870]  }
0xbc: {  	v61 =	vld [tilespmem:s23+$0x4870]  }
0xbd: {  	v17 =	vadd.f32 v18, v17;
	v18 =	vmul.f32 v58, v57;
	_ =	sdelay $0x1  }
0xbe: {  	v17 =	vadd.f32 v18, v17;
	v18 =	vmul.f32 v60, v59;
	_ =	sdelay $0x1  }
0xbf: {  	v17 =	vadd.f32 v18, v17;
	v18 =	vmul.f32 v61, v19;
	_ =	sdelay $0x1  }
0xc0: {  	v17 =	vadd.f32 v18, v17;
	_ =	sdelay $0x1  }
0xc1: {  	[tilespmem:s22+$0x10C44] =	vst v17  }
0xc2: {  	v17 =	vld [tilespmem:s23+$0x880]  }
0xc3: {  	v18 =	vld [tilespmem:s23+$0x4880]  }
0xc4: {  	v19 =	vld [tilespmem:s23+$0x890]  }
0xc5: {  	v62 =	vld [tilespmem:s23+$0x4890]  }
0xc6: {  	v63 =	vld [tilespmem:s23+$0x8A0]  }
0xc7: {  	v28 =	vld [tilespmem:s23+$0x48A0]  }
0xc8: {  	v29 =	vld [tilespmem:s23+$0x8B0]  }
0xc9: {  	v30 =	vld [tilespmem:s23+$0x48B0]  }
0xca: {  	v31 =	vld [tilespmem:s23+$0x48C0];
	v17 =	vmul.f32 v18, v17;
	v18 =	vmul.f32 v62, v19  }
0xcb: {  	v19 =	vld [tilespmem:s23+$0x8C0]  }
0xcc: {  	v32 =	vld [tilespmem:s23+$0x8D0];
	v17 =	vadd.f32 v18, v17;
	v18 =	vmul.f32 v28, v63  }
0xcd: {  	v33 =	vld [tilespmem:s23+$0x48D0]  }
0xce: {  	v34 =	vld [tilespmem:s23+$0x8E0];
	v17 =	vadd.f32 v18, v17;
	v18 =	vmul.f32 v30, v29  }
0xcf: {  	v35 =	vld [tilespmem:s23+$0x48E0]  }
0xd0: {  	v36 =	vld [tilespmem:s23+$0x48F0];
	v17 =	vadd.f32 v18, v17;
	v18 =	vmul.f32 v31, v19  }
0xd1: {  	v19 =	vld [tilespmem:s23+$0x8F0]  }
0xd2: {  	s25 =	sor.u32 $0x1, s21;
	v17 =	vadd.f32 v18, v17;
	v18 =	vmul.f32 v33, v32  }
0xd3: {  	s26 =	sshll.u32 s25, $0xB  }
0xd4: {  	v25 =	vld [tilespmem:s26+$0x4600];
	v17 =	vadd.f32 v18, v17;
	v18 =	vmul.f32 v35, v34  }
0xd5: {  	v26 =	vld [tilespmem:s26+$0x610]  }
0xd6: {  	v27 =	vld [tilespmem:s26+$0x4610];
	v17 =	vadd.f32 v18, v17;
	v18 =	vmul.f32 v36, v19  }
0xd7: {  	v63 =	vld [tilespmem:s26+$0x600]  }
0xd8: {  	v28 =	vld [tilespmem:s26+$0x620];
	v17 =	vadd.f32 v18, v17  }
0xd9: {  	v29 =	vld [tilespmem:s26+$0x4620]  }
0xda: {  	v30 =	vld [tilespmem:s26+$0x630];
	[tilespmem:s22+$0x10C55] =	vst v17  }
0xdb: {  	v17 =	vld [tilespmem:s23+$0x900]  }
0xdc: {  	v18 =	vld [tilespmem:s23+$0x4900]  }
0xdd: {  	v19 =	vld [tilespmem:s23+$0x910]  }
0xde: {  	v37 =	vld [tilespmem:s23+$0x4910]  }
0xdf: {  	v38 =	vld [tilespmem:s23+$0x920]  }
0xe0: {  	v39 =	vld [tilespmem:s23+$0x4920]  }
0xe1: {  	v40 =	vld [tilespmem:s23+$0x930]  }
0xe2: {  	v41 =	vld [tilespmem:s23+$0x4930]  }
0xe3: {  	v42 =	vld [tilespmem:s23+$0x4940];
	v17 =	vmul.f32 v18, v17;
	v18 =	vmul.f32 v37, v19  }
0xe4: {  	v19 =	vld [tilespmem:s23+$0x940]  }
0xe5: {  	v43 =	vld [tilespmem:s23+$0x950];
	v17 =	vadd.f32 v18, v17;
	v18 =	vmul.f32 v39, v38  }
0xe6: {  	v44 =	vld [tilespmem:s23+$0x4950]  }
0xe7: {  	v45 =	vld [tilespmem:s23+$0x960];
	v17 =	vadd.f32 v18, v17;
	v18 =	vmul.f32 v41, v40  }
0xe8: {  	v46 =	vld [tilespmem:s23+$0x4960]  }
0xe9: {  	v47 =	vld [tilespmem:s23+$0x4970];
	v17 =	vadd.f32 v18, v17;
	v18 =	vmul.f32 v42, v19  }
0xea: {  	v19 =	vld [tilespmem:s23+$0x970]  }
0xeb: {  	v31 =	vld [tilespmem:s26+$0x4630];
	v17 =	vadd.f32 v18, v17;
	v18 =	vmul.f32 v44, v43  }
0xec: {  	v34 =	vld [tilespmem:s26+$0x640]  }
0xed: {  	v35 =	vld [tilespmem:s26+$0x4640];
	v17 =	vadd.f32 v18, v17;
	v18 =	vmul.f32 v46, v45  }
0xee: {  	v37 =	vld [tilespmem:s26+$0x650]  }
0xef: {  	v38 =	vld [tilespmem:s26+$0x4650];
	v17 =	vadd.f32 v18, v17;
	v18 =	vmul.f32 v47, v19  }
0xf0: {  	v40 =	vld [tilespmem:s26+$0x660]  }
0xf1: {  	v41 =	vld [tilespmem:s26+$0x4660];
	v17 =	vadd.f32 v18, v17  }
0xf2: {  	v43 =	vld [tilespmem:s26+$0x670]  }
0xf3: {  	v44 =	vld [tilespmem:s26+$0x4670];
	[tilespmem:s22+$0x10C66] =	vst v17  }
0xf4: {  	v17 =	vld [tilespmem:s23+$0x980]  }
0xf5: {  	v18 =	vld [tilespmem:s23+$0x4980]  }
0xf6: {  	v19 =	vld [tilespmem:s23+$0x990]  }
0xf7: {  	v24 =	vmul.f32 v25, v63;
	v33 =	vmul.f32 v27, v26;
	v48 =	vld [tilespmem:s23+$0x4990]  }
0xf8: {  	v49 =	vld [tilespmem:s23+$0x9A0]  }
0xf9: {  	v24 =	vadd.f32 v33, v24;
	v36 =	vmul.f32 v29, v28;
	v50 =	vld [tilespmem:s23+$0x49A0]  }
0xfa: {  	v51 =	vld [tilespmem:s23+$0x9B0]  }
0xfb: {  	v24 =	vadd.f32 v36, v24;
	v39 =	vmul.f32 v31, v30;
	v52 =	vld [tilespmem:s23+$0x49B0]  }
0xfc: {  	v53 =	vld [tilespmem:s23+$0x49C0];
	v17 =	vmul.f32 v18, v17;
	v18 =	vmul.f32 v48, v19  }
0xfd: {  	v24 =	vadd.f32 v39, v24;
	v42 =	vmul.f32 v35, v34;
	v19 =	vld [tilespmem:s23+$0x9C0]  }
0xfe: {  	v54 =	vld [tilespmem:s23+$0x9D0];
	v17 =	vadd.f32 v18, v17;
	v18 =	vmul.f32 v50, v49  }
0xff: {  	v24 =	vadd.f32 v42, v24;
	v45 =	vmul.f32 v38, v37;
	v55 =	vld [tilespmem:s23+$0x49D0]  }
0x100: {  	v56 =	vld [tilespmem:s23+$0x9E0];
	v17 =	vadd.f32 v18, v17;
	v18 =	vmul.f32 v52, v51  }
0x101: {  	v24 =	vadd.f32 v45, v24;
	v57 =	vld [tilespmem:s23+$0x49E0];
	v48 =	vmul.f32 v41, v40  }
0x102: {  	v58 =	vld [tilespmem:s23+$0x49F0];
	v17 =	vadd.f32 v18, v17;
	v18 =	vmul.f32 v53, v19  }
0x103: {  	v24 =	vadd.f32 v48, v24;
	v51 =	vmul.f32 v44, v43;
	v19 =	vld [tilespmem:s23+$0x9F0]  }
0x104: {  	v17 =	vadd.f32 v18, v17;
	v18 =	vmul.f32 v55, v54  }
0x105: {  	s24 =	smul.u32 $0x110, s25;
	v24 =	vadd.f32 v51, v24  }
0x106: {  	v17 =	vadd.f32 v18, v17;
	v18 =	vmul.f32 v57, v56  }
0x107: {  	[tilespmem:s24+$0x10C00] =	vst v24  }
0x108: {  	v24 =	vld [tilespmem:s26+$0x680];
	v17 =	vadd.f32 v18, v17;
	v18 =	vmul.f32 v58, v19  }
0x109: {  	v55 =	vld [tilespmem:s26+$0x690]  }
0x10a: {  	v56 =	vld [tilespmem:s26+$0x4690];
	v17 =	vadd.f32 v18, v17  }
0x10b: {  	v57 =	vld [tilespmem:s26+$0x6A0]  }
0x10c: {  	v58 =	vld [tilespmem:s26+$0x46A0];
	[tilespmem:s22+$0x10C77] =	vst v17  }
0x10d: {  	v17 =	vld [tilespmem:s23+$0xA00]  }
0x10e: {  	v18 =	vld [tilespmem:s23+$0x4A00]  }
0x10f: {  	v19 =	vld [tilespmem:s23+$0xA10]  }
0x110: {  	v59 =	vld [tilespmem:s23+$0x4A10]  }
0x111: {  	v60 =	vld [tilespmem:s23+$0xA20]  }
0x112: {  	v61 =	vld [tilespmem:s23+$0x4A20]  }
0x113: {  	v62 =	vld [tilespmem:s23+$0xA30]  }
0x114: {  	v32 =	vld [tilespmem:s23+$0x4A30]  }
0x115: {  	v46 =	vld [tilespmem:s23+$0xA40]  }
0x116: {  	v47 =	vld [tilespmem:s23+$0x4A40]  }
0x117: {  	v49 =	vld [tilespmem:s23+$0xA50]  }
0x118: {  	v50 =	vld [tilespmem:s23+$0x4A50]  }
0x119: {  	v52 =	vld [tilespmem:s23+$0xA60];
	v17 =	vmul.f32 v18, v17;
	v18 =	vmul.f32 v59, v19  }
0x11a: {  	v53 =	vld [tilespmem:s23+$0x4A60]  }
0x11b: {  	v19 =	vld [tilespmem:s26+$0x4680];
	v17 =	vadd.f32 v18, v17;
	v18 =	vmul.f32 v61, v60  }
0x11c: {  	v54 =	vld [tilespmem:s23+$0xA70]  }
0x11d: {  	v33 =	vld [tilespmem:s23+$0x4A70];
	v17 =	vadd.f32 v18, v17;
	v18 =	vmul.f32 v32, v62  }
0x11e: {  	v59 =	vld [tilespmem:s26+$0x6B0]  }
0x11f: {  	v60 =	vld [tilespmem:s26+$0x46B0];
	v17 =	vadd.f32 v18, v17;
	v18 =	vmul.f32 v47, v46  }
0x120: {  	v20 =	vmul.f32 v56, v55;
	v61 =	vld [tilespmem:s26+$0x6C0];
	v19 =	vmul.f32 v19, v24  }
0x121: {  	v62 =	vld [tilespmem:s26+$0x46C0];
	v17 =	vadd.f32 v18, v17;
	v18 =	vmul.f32 v50, v49  }
0x122: {  	v29 =	vld [tilespmem:s26+$0x6D0];
	v63 =	vmul.f32 v58, v57;
	v19 =	vadd.f32 v20, v19  }
0x123: {  	v30 =	vld [tilespmem:s26+$0x46D0];
	v17 =	vadd.f32 v18, v17;
	v18 =	vmul.f32 v53, v52  }
0x124: {  	v32 =	vld [tilespmem:s26+$0x6E0];
	v31 =	vmul.f32 v60, v59;
	v19 =	vadd.f32 v63, v19  }
0x125: {  	v17 =	vadd.f32 v18, v17;
	v18 =	vmul.f32 v33, v54;
	v33 =	vld [tilespmem:s26+$0x46E0]  }
0x126: {  	v35 =	vld [tilespmem:s26+$0x6F0];
	v34 =	vmul.f32 v62, v61;
	v19 =	vadd.f32 v31, v19  }
0x127: {  	v17 =	vadd.f32 v18, v17;
	v18 =	vld [tilespmem:s26+$0x46F0]  }
0x128: {  	v36 =	vmul.f32 v30, v29;
	v19 =	vadd.f32 v34, v19  }
0x129: {  	[tilespmem:s22+$0x10C88] =	vst v17  }
0x12a: {  	v19 =	vadd.f32 v36, v19;
	v17 =	vld [tilespmem:s23+$0xA80];
	v37 =	vmul.f32 v33, v32  }
0x12b: {  	v22 =	vld [tilespmem:s23+$0x4A80]  }
0x12c: {  	v23 =	vld [tilespmem:s23+$0xA90];
	v19 =	vadd.f32 v37, v19;
	v18 =	vmul.f32 v18, v35  }
0x12d: {  	v20 =	vld [tilespmem:s23+$0x4A90]  }
0x12e: {  	v21 =	vld [tilespmem:s23+$0xAA0];
	v18 =	vadd.f32 v18, v19  }
0x12f: {  	v24 =	vld [tilespmem:s23+$0xAB0]  }
0x130: {  	v57 =	vld [tilespmem:s23+$0x4AB0];
	[tilespmem:s24+$0x10C11] =	vst v18  }
0x131: {  	v18 =	vld [tilespmem:s26+$0x700]  }
0x132: {  	v38 =	vld [tilespmem:s26+$0x4700]  }
0x133: {  	v39 =	vld [tilespmem:s26+$0x710]  }
0x134: {  	v40 =	vld [tilespmem:s26+$0x4710]  }
0x135: {  	v41 =	vld [tilespmem:s26+$0x720]  }
0x136: {  	v42 =	vld [tilespmem:s26+$0x4720]  }
0x137: {  	v43 =	vld [tilespmem:s26+$0x730]  }
0x138: {  	v44 =	vld [tilespmem:s26+$0x4730]  }
0x139: {  	v46 =	vld [tilespmem:s26+$0x740];
	v18 =	vmul.f32 v38, v18;
	v45 =	vmul.f32 v40, v39  }
0x13a: {  	v47 =	vld [tilespmem:s26+$0x4740]  }
0x13b: {  	v49 =	vld [tilespmem:s26+$0x750];
	v48 =	vmul.f32 v42, v41;
	v18 =	vadd.f32 v45, v18  }
0x13c: {  	v50 =	vld [tilespmem:s26+$0x4750]  }
0x13d: {  	v52 =	vld [tilespmem:s26+$0x760];
	v51 =	vmul.f32 v44, v43;
	v18 =	vadd.f32 v48, v18  }
0x13e: {  	v53 =	vld [tilespmem:s26+$0x4760]  }
0x13f: {  	v55 =	vld [tilespmem:s26+$0x770];
	v54 =	vmul.f32 v47, v46;
	v18 =	vadd.f32 v51, v18  }
0x140: {  	v56 =	vld [tilespmem:s26+$0x4770]  }
0x141: {  	v59 =	vld [tilespmem:s23+$0xAC0];
	v58 =	vmul.f32 v50, v49;
	v18 =	vadd.f32 v54, v18  }
0x142: {  	v60 =	vld [tilespmem:s23+$0x4AC0]  }
0x143: {  	v62 =	vld [tilespmem:s23+$0xAD0];
	v61 =	vmul.f32 v53, v52;
	v18 =	vadd.f32 v58, v18  }
0x144: {  	v63 =	vld [tilespmem:s23+$0x4AD0]  }
0x145: {  	v37 =	vld [tilespmem:s23+$0xAE0];
	v36 =	vmul.f32 v56, v55;
	v18 =	vadd.f32 v61, v18  }
0x146: {  	v19 =	vld [tilespmem:s23+$0x4AA0]  }
0x147: {  	v38 =	vld [tilespmem:s23+$0x4AE0];
	v18 =	vadd.f32 v36, v18  }
0x148: {  	v39 =	vld [tilespmem:s23+$0xAF0]  }
0x149: {  	v40 =	vld [tilespmem:s23+$0x4AF0];
	[tilespmem:s24+$0x10C22] =	vst v18  }
0x14a: {  	v18 =	vld [tilespmem:s26+$0x780]  }
0x14b: {  	v17 =	vmul.f32 v22, v17;
	v20 =	vmul.f32 v20, v23;
	v41 =	vld [tilespmem:s26+$0x4780]  }
0x14c: {  	v42 =	vld [tilespmem:s26+$0x790]  }
0x14d: {  	v17 =	vadd.f32 v20, v17;
	v19 =	vmul.f32 v19, v21;
	v43 =	vld [tilespmem:s26+$0x4790]  }
0x14e: {  	v44 =	vld [tilespmem:s26+$0x7A0]  }
0x14f: {  	v17 =	vadd.f32 v19, v17;
	v19 =	vmul.f32 v57, v24;
	v45 =	vld [tilespmem:s26+$0x47A0]  }
0x150: {  	v46 =	vld [tilespmem:s26+$0x7B0]  }
0x151: {  	v17 =	vadd.f32 v19, v17;
	v19 =	vmul.f32 v60, v59;
	v47 =	vld [tilespmem:s26+$0x47B0]  }
0x152: {  	v48 =	vld [tilespmem:s26+$0x7C0];
	v18 =	vmul.f32 v41, v18;
	v20 =	vmul.f32 v43, v42  }
0x153: {  	v17 =	vadd.f32 v19, v17;
	v19 =	vmul.f32 v63, v62;
	v49 =	vld [tilespmem:s26+$0x47C0]  }
0x154: {  	v51 =	vld [tilespmem:s26+$0x7D0];
	v50 =	vmul.f32 v45, v44;
	v18 =	vadd.f32 v20, v18  }
0x155: {  	v17 =	vadd.f32 v19, v17;
	v19 =	vmul.f32 v38, v37;
	v52 =	vld [tilespmem:s26+$0x47D0]  }
0x156: {  	v54 =	vld [tilespmem:s26+$0x7E0];
	v53 =	vmul.f32 v47, v46;
	v18 =	vadd.f32 v50, v18  }
0x157: {  	v17 =	vadd.f32 v19, v17;
	v19 =	vmul.f32 v40, v39;
	v55 =	vld [tilespmem:s26+$0x47E0]  }
0x158: {  	v57 =	vld [tilespmem:s26+$0x7F0];
	v56 =	vmul.f32 v49, v48;
	v18 =	vadd.f32 v53, v18  }
0x159: {  	v17 =	vadd.f32 v19, v17;
	v19 =	vld [tilespmem:s26+$0x47F0]  }
0x15a: {  	v58 =	vmul.f32 v52, v51;
	v18 =	vadd.f32 v56, v18  }
0x15b: {  	[tilespmem:s22+$0x10C99] =	vst v17  }
0x15c: {  	v17 =	vld [tilespmem:s23+$0xB00];
	v59 =	vmul.f32 v55, v54;
	v18 =	vadd.f32 v58, v18  }
0x15d: {  	v21 =	vld [tilespmem:s23+$0x4B00]  }
0x15e: {  	v23 =	vld [tilespmem:s23+$0xB10];
	v19 =	vmul.f32 v19, v57;
	v18 =	vadd.f32 v59, v18  }
0x15f: {  	v22 =	vld [tilespmem:s23+$0xB20]  }
0x160: {  	v24 =	vld [tilespmem:s23+$0xB30];
	v18 =	vadd.f32 v19, v18  }
0x161: {  	v48 =	vld [tilespmem:s23+$0x4B30]  }
0x162: {  	v51 =	vld [tilespmem:s23+$0x4B40];
	[tilespmem:s24+$0x10C33] =	vst v18  }
0x163: {  	v18 =	vld [tilespmem:s26+$0x800]  }
0x164: {  	v60 =	vld [tilespmem:s26+$0x4800]  }
0x165: {  	v61 =	vld [tilespmem:s26+$0x810]  }
0x166: {  	v62 =	vld [tilespmem:s26+$0x4810]  }
0x167: {  	v63 =	vld [tilespmem:s26+$0x820]  }
0x168: {  	v33 =	vld [tilespmem:s26+$0x4820]  }
0x169: {  	v34 =	vld [tilespmem:s26+$0x830]  }
0x16a: {  	v35 =	vld [tilespmem:s26+$0x4830]  }
0x16b: {  	v37 =	vld [tilespmem:s26+$0x840];
	v18 =	vmul.f32 v60, v18;
	v36 =	vmul.f32 v62, v61  }
0x16c: {  	v38 =	vld [tilespmem:s26+$0x4840]  }
0x16d: {  	v40 =	vld [tilespmem:s26+$0x850];
	v39 =	vmul.f32 v33, v63;
	v18 =	vadd.f32 v36, v18  }
0x16e: {  	v41 =	vld [tilespmem:s26+$0x4850]  }
0x16f: {  	v43 =	vld [tilespmem:s26+$0x860];
	v42 =	vmul.f32 v35, v34;
	v18 =	vadd.f32 v39, v18  }
0x170: {  	v44 =	vld [tilespmem:s26+$0x4860]  }
0x171: {  	v46 =	vld [tilespmem:s26+$0x870];
	v45 =	vmul.f32 v38, v37;
	v18 =	vadd.f32 v42, v18  }
0x172: {  	v47 =	vld [tilespmem:s26+$0x4870]  }
0x173: {  	v54 =	vld [tilespmem:s23+$0x4B50];
	v49 =	vmul.f32 v41, v40;
	v18 =	vadd.f32 v45, v18  }
0x174: {  	v57 =	vld [tilespmem:s23+$0x4B60]  }
0x175: {  	v20 =	vld [tilespmem:s23+$0x4B10];
	v52 =	vmul.f32 v44, v43;
	v18 =	vadd.f32 v49, v18  }
0x176: {  	v50 =	vld [tilespmem:s23+$0xB40]  }
0x177: {  	v53 =	vld [tilespmem:s23+$0xB50];
	v55 =	vmul.f32 v47, v46;
	v18 =	vadd.f32 v52, v18  }
0x178: {  	v56 =	vld [tilespmem:s23+$0xB60]  }
0x179: {  	v58 =	vld [tilespmem:s23+$0xB70];
	v18 =	vadd.f32 v55, v18  }
0x17a: {  	v19 =	vld [tilespmem:s23+$0x4B20]  }
0x17b: {  	v59 =	vld [tilespmem:s23+$0x4B70];
	[tilespmem:s24+$0x10C44] =	vst v18  }
0x17c: {  	v18 =	vld [tilespmem:s26+$0x880]  }
0x17d: {  	v17 =	vmul.f32 v21, v17;
	v20 =	vmul.f32 v20, v23;
	v60 =	vld [tilespmem:s26+$0x4880]  }
0x17e: {  	v61 =	vld [tilespmem:s26+$0x890]  }
0x17f: {  	v17 =	vadd.f32 v20, v17;
	v19 =	vmul.f32 v19, v22;
	v62 =	vld [tilespmem:s26+$0x4890]  }
0x180: {  	v63 =	vld [tilespmem:s26+$0x8A0]  }
0x181: {  	v17 =	vadd.f32 v19, v17;
	v19 =	vmul.f32 v48, v24;
	v36 =	vld [tilespmem:s26+$0x48A0]  }
0x182: {  	v37 =	vld [tilespmem:s26+$0x8B0]  }
0x183: {  	v17 =	vadd.f32 v19, v17;
	v19 =	vmul.f32 v51, v50;
	v38 =	vld [tilespmem:s26+$0x48B0]  }
0x184: {  	v39 =	vld [tilespmem:s26+$0x8C0];
	v18 =	vmul.f32 v60, v18;
	v20 =	vmul.f32 v62, v61  }
0x185: {  	v17 =	vadd.f32 v19, v17;
	v19 =	vmul.f32 v54, v53;
	v40 =	vld [tilespmem:s26+$0x48C0]  }
0x186: {  	v42 =	vld [tilespmem:s26+$0x8D0];
	v41 =	vmul.f32 v36, v63;
	v18 =	vadd.f32 v20, v18  }
0x187: {  	v17 =	vadd.f32 v19, v17;
	v19 =	vmul.f32 v57, v56;
	v43 =	vld [tilespmem:s26+$0x48D0]  }
0x188: {  	v45 =	vld [tilespmem:s26+$0x8E0];
	v44 =	vmul.f32 v38, v37;
	v18 =	vadd.f32 v41, v18  }
0x189: {  	v17 =	vadd.f32 v19, v17;
	v19 =	vmul.f32 v59, v58;
	v46 =	vld [tilespmem:s26+$0x48E0]  }
0x18a: {  	v48 =	vld [tilespmem:s26+$0x8F0];
	v47 =	vmul.f32 v40, v39;
	v18 =	vadd.f32 v44, v18  }
0x18b: {  	v17 =	vadd.f32 v19, v17;
	v19 =	vld [tilespmem:s26+$0x48F0]  }
0x18c: {  	v49 =	vmul.f32 v43, v42;
	v18 =	vadd.f32 v47, v18  }
0x18d: {  	[tilespmem:s22+$0x10CAA] =	vst v17  }
0x18e: {  	v17 =	vld [tilespmem:s23+$0xB80];
	v50 =	vmul.f32 v46, v45;
	v18 =	vadd.f32 v49, v18  }
0x18f: {  	v22 =	vld [tilespmem:s23+$0x4B80]  }
0x190: {  	v23 =	vld [tilespmem:s23+$0xB90];
	v19 =	vmul.f32 v19, v48;
	v18 =	vadd.f32 v50, v18  }
0x191: {  	v21 =	vld [tilespmem:s23+$0xBA0]  }
0x192: {  	v24 =	vld [tilespmem:s23+$0xBB0];
	v18 =	vadd.f32 v19, v18  }
0x193: {  	v42 =	vld [tilespmem:s23+$0x4BB0]  }
0x194: {  	v45 =	vld [tilespmem:s23+$0x4BC0];
	[tilespmem:s24+$0x10C55] =	vst v18  }
0x195: {  	v18 =	vld [tilespmem:s26+$0x900]  }
0x196: {  	v51 =	vld [tilespmem:s26+$0x4900]  }
0x197: {  	v52 =	vld [tilespmem:s26+$0x910]  }
0x198: {  	v53 =	vld [tilespmem:s26+$0x4910]  }
0x199: {  	v54 =	vld [tilespmem:s26+$0x920]  }
0x19a: {  	v55 =	vld [tilespmem:s26+$0x4920]  }
0x19b: {  	v56 =	vld [tilespmem:s26+$0x930]  }
0x19c: {  	v57 =	vld [tilespmem:s26+$0x4930]  }
0x19d: {  	v59 =	vld [tilespmem:s26+$0x940];
	v18 =	vmul.f32 v51, v18;
	v58 =	vmul.f32 v53, v52  }
0x19e: {  	v60 =	vld [tilespmem:s26+$0x4940]  }
0x19f: {  	v62 =	vld [tilespmem:s26+$0x950];
	v61 =	vmul.f32 v55, v54;
	v18 =	vadd.f32 v58, v18  }
0x1a0: {  	v63 =	vld [tilespmem:s26+$0x4950]  }
0x1a1: {  	v37 =	vld [tilespmem:s26+$0x960];
	v36 =	vmul.f32 v57, v56;
	v18 =	vadd.f32 v61, v18  }
0x1a2: {  	v38 =	vld [tilespmem:s26+$0x4960]  }
0x1a3: {  	v40 =	vld [tilespmem:s26+$0x970];
	v39 =	vmul.f32 v60, v59;
	v18 =	vadd.f32 v36, v18  }
0x1a4: {  	v41 =	vld [tilespmem:s26+$0x4970]  }
0x1a5: {  	v48 =	vld [tilespmem:s23+$0x4BD0];
	v43 =	vmul.f32 v63, v62;
	v18 =	vadd.f32 v39, v18  }
0x1a6: {  	v20 =	vld [tilespmem:s23+$0x4B90]  }
0x1a7: {  	v44 =	vld [tilespmem:s23+$0xBC0];
	v46 =	vmul.f32 v38, v37;
	v18 =	vadd.f32 v43, v18  }
0x1a8: {  	v47 =	vld [tilespmem:s23+$0xBD0]  }
0x1a9: {  	v50 =	vld [tilespmem:s23+$0xBE0];
	v49 =	vmul.f32 v41, v40;
	v18 =	vadd.f32 v46, v18  }
0x1aa: {  	v19 =	vld [tilespmem:s23+$0x4BA0]  }
0x1ab: {  	v51 =	vld [tilespmem:s23+$0x4BE0];
	v18 =	vadd.f32 v49, v18  }
0x1ac: {  	v52 =	vld [tilespmem:s23+$0xBF0]  }
0x1ad: {  	v53 =	vld [tilespmem:s23+$0x4BF0];
	[tilespmem:s24+$0x10C66] =	vst v18  }
0x1ae: {  	v18 =	vld [tilespmem:s26+$0x980]  }
0x1af: {  	v17 =	vmul.f32 v22, v17;
	v20 =	vmul.f32 v20, v23;
	v54 =	vld [tilespmem:s26+$0x4980]  }
0x1b0: {  	v55 =	vld [tilespmem:s26+$0x990]  }
0x1b1: {  	v17 =	vadd.f32 v20, v17;
	v19 =	vmul.f32 v19, v21;
	v56 =	vld [tilespmem:s26+$0x4990]  }
0x1b2: {  	v57 =	vld [tilespmem:s26+$0x9A0]  }
0x1b3: {  	v17 =	vadd.f32 v19, v17;
	v19 =	vmul.f32 v42, v24;
	v58 =	vld [tilespmem:s26+$0x49A0]  }
0x1b4: {  	v59 =	vld [tilespmem:s26+$0x9B0]  }
0x1b5: {  	v17 =	vadd.f32 v19, v17;
	v19 =	vmul.f32 v45, v44;
	v60 =	vld [tilespmem:s26+$0x49B0]  }
0x1b6: {  	v61 =	vld [tilespmem:s26+$0x9C0];
	v18 =	vmul.f32 v54, v18;
	v20 =	vmul.f32 v56, v55  }
0x1b7: {  	v17 =	vadd.f32 v19, v17;
	v19 =	vmul.f32 v48, v47;
	v62 =	vld [tilespmem:s26+$0x49C0]  }
0x1b8: {  	v29 =	vld [tilespmem:s26+$0x9D0];
	v63 =	vmul.f32 v58, v57;
	v18 =	vadd.f32 v20, v18  }
0x1b9: {  	v17 =	vadd.f32 v19, v17;
	v19 =	vmul.f32 v51, v50;
	v30 =	vld [tilespmem:s26+$0x49D0]  }
0x1ba: {  	v32 =	vld [tilespmem:s26+$0x9E0];
	v31 =	vmul.f32 v60, v59;
	v18 =	vadd.f32 v63, v18  }
0x1bb: {  	v17 =	vadd.f32 v19, v17;
	v19 =	vmul.f32 v53, v52;
	v33 =	vld [tilespmem:s26+$0x49E0]  }
0x1bc: {  	v35 =	vld [tilespmem:s26+$0x9F0];
	v34 =	vmul.f32 v62, v61;
	v18 =	vadd.f32 v31, v18  }
0x1bd: {  	v17 =	vadd.f32 v19, v17;
	v19 =	vld [tilespmem:s26+$0x49F0]  }
0x1be: {  	v36 =	vmul.f32 v30, v29;
	v18 =	vadd.f32 v34, v18  }
0x1bf: {  	[tilespmem:s22+$0x10CBB] =	vst v17  }
0x1c0: {  	v17 =	vld [tilespmem:s23+$0xC00];
	v37 =	vmul.f32 v33, v32;
	v18 =	vadd.f32 v36, v18  }
0x1c1: {  	v21 =	vld [tilespmem:s23+$0x4C00]  }
0x1c2: {  	v23 =	vld [tilespmem:s23+$0xC10];
	v19 =	vmul.f32 v19, v35;
	v18 =	vadd.f32 v37, v18  }
0x1c3: {  	v22 =	vld [tilespmem:s23+$0xC20]  }
0x1c4: {  	v24 =	vld [tilespmem:s23+$0xC30];
	v18 =	vadd.f32 v19, v18  }
0x1c5: {  	v57 =	vld [tilespmem:s23+$0x4C30]  }
0x1c6: {  	v59 =	vld [tilespmem:s23+$0xC40];
	[tilespmem:s24+$0x10C77] =	vst v18  }
0x1c7: {  	v18 =	vld [tilespmem:s26+$0xA00]  }
0x1c8: {  	v38 =	vld [tilespmem:s26+$0x4A00]  }
0x1c9: {  	v39 =	vld [tilespmem:s26+$0xA10]  }
0x1ca: {  	v40 =	vld [tilespmem:s26+$0x4A10]  }
0x1cb: {  	v41 =	vld [tilespmem:s26+$0xA20]  }
0x1cc: {  	v42 =	vld [tilespmem:s26+$0x4A20]  }
0x1cd: {  	v43 =	vld [tilespmem:s26+$0xA30]  }
0x1ce: {  	v44 =	vld [tilespmem:s26+$0x4A30]  }
0x1cf: {  	v46 =	vld [tilespmem:s26+$0xA40];
	v18 =	vmul.f32 v38, v18;
	v45 =	vmul.f32 v40, v39  }
0x1d0: {  	v47 =	vld [tilespmem:s26+$0x4A40]  }
0x1d1: {  	v49 =	vld [tilespmem:s26+$0xA50];
	v48 =	vmul.f32 v42, v41;
	v18 =	vadd.f32 v45, v18  }
0x1d2: {  	v50 =	vld [tilespmem:s26+$0x4A50]  }
0x1d3: {  	v52 =	vld [tilespmem:s26+$0xA60];
	v51 =	vmul.f32 v44, v43;
	v18 =	vadd.f32 v48, v18  }
0x1d4: {  	v53 =	vld [tilespmem:s26+$0x4A60]  }
0x1d5: {  	v55 =	vld [tilespmem:s26+$0xA70];
	v54 =	vmul.f32 v47, v46;
	v18 =	vadd.f32 v51, v18  }
0x1d6: {  	v56 =	vld [tilespmem:s26+$0x4A70]  }
0x1d7: {  	v60 =	vld [tilespmem:s23+$0x4C40];
	v58 =	vmul.f32 v50, v49;
	v18 =	vadd.f32 v54, v18  }
0x1d8: {  	v62 =	vld [tilespmem:s23+$0xC50]  }
0x1d9: {  	v20 =	vld [tilespmem:s23+$0x4C10];
	v61 =	vmul.f32 v53, v52;
	v18 =	vadd.f32 v58, v18  }
0x1da: {  	v63 =	vld [tilespmem:s23+$0x4C50]  }
0x1db: {  	v37 =	vld [tilespmem:s23+$0xC60];
	v36 =	vmul.f32 v56, v55;
	v18 =	vadd.f32 v61, v18  }
0x1dc: {  	v19 =	vld [tilespmem:s23+$0x4C20]  }
0x1dd: {  	v38 =	vld [tilespmem:s23+$0x4C60];
	v18 =	vadd.f32 v36, v18  }
0x1de: {  	v39 =	vld [tilespmem:s23+$0xC70]  }
0x1df: {  	v40 =	vld [tilespmem:s23+$0x4C70];
	[tilespmem:s24+$0x10C88] =	vst v18  }
0x1e0: {  	v18 =	vld [tilespmem:s26+$0xA80]  }
0x1e1: {  	v17 =	vmul.f32 v21, v17;
	v20 =	vmul.f32 v20, v23;
	v41 =	vld [tilespmem:s26+$0x4A80]  }
0x1e2: {  	v42 =	vld [tilespmem:s26+$0xA90]  }
0x1e3: {  	v17 =	vadd.f32 v20, v17;
	v19 =	vmul.f32 v19, v22;
	v43 =	vld [tilespmem:s26+$0x4A90]  }
0x1e4: {  	v44 =	vld [tilespmem:s26+$0xAA0]  }
0x1e5: {  	v17 =	vadd.f32 v19, v17;
	v19 =	vmul.f32 v57, v24;
	v45 =	vld [tilespmem:s26+$0x4AA0]  }
0x1e6: {  	v46 =	vld [tilespmem:s26+$0xAB0]  }
0x1e7: {  	v17 =	vadd.f32 v19, v17;
	v19 =	vmul.f32 v60, v59;
	v47 =	vld [tilespmem:s26+$0x4AB0]  }
0x1e8: {  	v48 =	vld [tilespmem:s26+$0xAC0];
	v18 =	vmul.f32 v41, v18;
	v20 =	vmul.f32 v43, v42  }
0x1e9: {  	v17 =	vadd.f32 v19, v17;
	v19 =	vmul.f32 v63, v62;
	v49 =	vld [tilespmem:s26+$0x4AC0]  }
0x1ea: {  	v51 =	vld [tilespmem:s26+$0xAD0];
	v50 =	vmul.f32 v45, v44;
	v18 =	vadd.f32 v20, v18  }
0x1eb: {  	v17 =	vadd.f32 v19, v17;
	v19 =	vmul.f32 v38, v37;
	v52 =	vld [tilespmem:s26+$0x4AD0]  }
0x1ec: {  	v54 =	vld [tilespmem:s26+$0xAE0];
	v53 =	vmul.f32 v47, v46;
	v18 =	vadd.f32 v50, v18  }
0x1ed: {  	v17 =	vadd.f32 v19, v17;
	v19 =	vmul.f32 v40, v39;
	v55 =	vld [tilespmem:s26+$0x4AE0]  }
0x1ee: {  	v57 =	vld [tilespmem:s26+$0xAF0];
	v56 =	vmul.f32 v49, v48;
	v18 =	vadd.f32 v53, v18  }
0x1ef: {  	v17 =	vadd.f32 v19, v17;
	v19 =	vld [tilespmem:s26+$0x4AF0]  }
0x1f0: {  	v58 =	vmul.f32 v52, v51;
	v18 =	vadd.f32 v56, v18  }
0x1f1: {  	[tilespmem:s22+$0x10CCC] =	vst v17  }
0x1f2: {  	v17 =	vld [tilespmem:s23+$0xC80];
	v59 =	vmul.f32 v55, v54;
	v18 =	vadd.f32 v58, v18  }
0x1f3: {  	v22 =	vld [tilespmem:s23+$0x4C80]  }
0x1f4: {  	v23 =	vld [tilespmem:s23+$0xC90];
	v19 =	vmul.f32 v19, v57;
	v18 =	vadd.f32 v59, v18  }
0x1f5: {  	v21 =	vld [tilespmem:s23+$0xCA0]  }
0x1f6: {  	v24 =	vld [tilespmem:s23+$0xCB0];
	v18 =	vadd.f32 v19, v18  }
0x1f7: {  	v48 =	vld [tilespmem:s23+$0x4CB0]  }
0x1f8: {  	v51 =	vld [tilespmem:s23+$0x4CC0];
	[tilespmem:s24+$0x10C99] =	vst v18  }
0x1f9: {  	v18 =	vld [tilespmem:s26+$0xB00]  }
0x1fa: {  	v60 =	vld [tilespmem:s26+$0x4B00]  }
0x1fb: {  	v61 =	vld [tilespmem:s26+$0xB10]  }
0x1fc: {  	v62 =	vld [tilespmem:s26+$0x4B10]  }
0x1fd: {  	v63 =	vld [tilespmem:s26+$0xB20]  }
0x1fe: {  	v33 =	vld [tilespmem:s26+$0x4B20]  }
0x1ff: {  	v34 =	vld [tilespmem:s26+$0xB30]  }
0x200: {  	v35 =	vld [tilespmem:s26+$0x4B30]  }
0x201: {  	v37 =	vld [tilespmem:s26+$0xB40];
	v18 =	vmul.f32 v60, v18;
	v36 =	vmul.f32 v62, v61  }
0x202: {  	v38 =	vld [tilespmem:s26+$0x4B40]  }
0x203: {  	v40 =	vld [tilespmem:s26+$0xB50];
	v39 =	vmul.f32 v33, v63;
	v18 =	vadd.f32 v36, v18  }
0x204: {  	v41 =	vld [tilespmem:s26+$0x4B50]  }
0x205: {  	v43 =	vld [tilespmem:s26+$0xB60];
	v42 =	vmul.f32 v35, v34;
	v18 =	vadd.f32 v39, v18  }
0x206: {  	v44 =	vld [tilespmem:s26+$0x4B60]  }
0x207: {  	v46 =	vld [tilespmem:s26+$0xB70];
	v45 =	vmul.f32 v38, v37;
	v18 =	vadd.f32 v42, v18  }
0x208: {  	v47 =	vld [tilespmem:s26+$0x4B70]  }
0x209: {  	v54 =	vld [tilespmem:s23+$0x4CD0];
	v49 =	vmul.f32 v41, v40;
	v18 =	vadd.f32 v45, v18  }
0x20a: {  	v57 =	vld [tilespmem:s23+$0x4CE0]  }
0x20b: {  	v20 =	vld [tilespmem:s23+$0x4C90];
	v52 =	vmul.f32 v44, v43;
	v18 =	vadd.f32 v49, v18  }
0x20c: {  	v50 =	vld [tilespmem:s23+$0xCC0]  }
0x20d: {  	v53 =	vld [tilespmem:s23+$0xCD0];
	v55 =	vmul.f32 v47, v46;
	v18 =	vadd.f32 v52, v18  }
0x20e: {  	v56 =	vld [tilespmem:s23+$0xCE0]  }
0x20f: {  	v58 =	vld [tilespmem:s23+$0xCF0];
	v18 =	vadd.f32 v55, v18  }
0x210: {  	v19 =	vld [tilespmem:s23+$0x4CA0]  }
0x211: {  	v59 =	vld [tilespmem:s23+$0x4CF0];
	[tilespmem:s24+$0x10CAA] =	vst v18  }
0x212: {  	v18 =	vld [tilespmem:s26+$0xB80]  }
0x213: {  	v17 =	vmul.f32 v22, v17;
	v20 =	vmul.f32 v20, v23;
	v60 =	vld [tilespmem:s26+$0x4B80]  }
0x214: {  	v61 =	vld [tilespmem:s26+$0xB90]  }
0x215: {  	v17 =	vadd.f32 v20, v17;
	v19 =	vmul.f32 v19, v21;
	v62 =	vld [tilespmem:s26+$0x4B90]  }
0x216: {  	v63 =	vld [tilespmem:s26+$0xBA0]  }
0x217: {  	v17 =	vadd.f32 v19, v17;
	v19 =	vmul.f32 v48, v24;
	v36 =	vld [tilespmem:s26+$0x4BA0]  }
0x218: {  	v37 =	vld [tilespmem:s26+$0xBB0]  }
0x219: {  	v17 =	vadd.f32 v19, v17;
	v19 =	vmul.f32 v51, v50;
	v38 =	vld [tilespmem:s26+$0x4BB0]  }
0x21a: {  	v39 =	vld [tilespmem:s26+$0xBC0];
	v18 =	vmul.f32 v60, v18;
	v20 =	vmul.f32 v62, v61  }
0x21b: {  	v17 =	vadd.f32 v19, v17;
	v19 =	vmul.f32 v54, v53;
	v40 =	vld [tilespmem:s26+$0x4BC0]  }
0x21c: {  	v42 =	vld [tilespmem:s26+$0xBD0];
	v41 =	vmul.f32 v36, v63;
	v18 =	vadd.f32 v20, v18  }
0x21d: {  	v17 =	vadd.f32 v19, v17;
	v19 =	vmul.f32 v57, v56;
	v43 =	vld [tilespmem:s26+$0x4BD0]  }
0x21e: {  	v45 =	vld [tilespmem:s26+$0xBE0];
	v44 =	vmul.f32 v38, v37;
	v18 =	vadd.f32 v41, v18  }
0x21f: {  	v17 =	vadd.f32 v19, v17;
	v19 =	vmul.f32 v59, v58;
	v46 =	vld [tilespmem:s26+$0x4BE0]  }
0x220: {  	v48 =	vld [tilespmem:s26+$0xBF0];
	v47 =	vmul.f32 v40, v39;
	v18 =	vadd.f32 v44, v18  }
0x221: {  	v17 =	vadd.f32 v19, v17;
	v19 =	vld [tilespmem:s26+$0x4BF0]  }
0x222: {  	v49 =	vmul.f32 v43, v42;
	v18 =	vadd.f32 v47, v18  }
0x223: {  	[tilespmem:s22+$0x10CDD] =	vst v17  }
0x224: {  	v17 =	vld [tilespmem:s23+$0xD00];
	v50 =	vmul.f32 v46, v45;
	v18 =	vadd.f32 v49, v18  }
0x225: {  	v21 =	vld [tilespmem:s23+$0x4D00]  }
0x226: {  	v23 =	vld [tilespmem:s23+$0xD10];
	v19 =	vmul.f32 v19, v48;
	v18 =	vadd.f32 v50, v18  }
0x227: {  	v22 =	vld [tilespmem:s23+$0xD20]  }
0x228: {  	v24 =	vld [tilespmem:s23+$0xD30];
	v18 =	vadd.f32 v19, v18  }
0x229: {  	v42 =	vld [tilespmem:s23+$0x4D30]  }
0x22a: {  	v45 =	vld [tilespmem:s23+$0x4D40];
	[tilespmem:s24+$0x10CBB] =	vst v18  }
0x22b: {  	v18 =	vld [tilespmem:s26+$0xC00]  }
0x22c: {  	v51 =	vld [tilespmem:s26+$0x4C00]  }
0x22d: {  	v52 =	vld [tilespmem:s26+$0xC10]  }
0x22e: {  	v53 =	vld [tilespmem:s26+$0x4C10]  }
0x22f: {  	v54 =	vld [tilespmem:s26+$0xC20]  }
0x230: {  	v55 =	vld [tilespmem:s26+$0x4C20]  }
0x231: {  	v56 =	vld [tilespmem:s26+$0xC30]  }
0x232: {  	v57 =	vld [tilespmem:s26+$0x4C30]  }
0x233: {  	v59 =	vld [tilespmem:s26+$0xC40];
	v18 =	vmul.f32 v51, v18;
	v58 =	vmul.f32 v53, v52  }
0x234: {  	v60 =	vld [tilespmem:s26+$0x4C40]  }
0x235: {  	v62 =	vld [tilespmem:s26+$0xC50];
	v61 =	vmul.f32 v55, v54;
	v18 =	vadd.f32 v58, v18  }
0x236: {  	v63 =	vld [tilespmem:s26+$0x4C50]  }
0x237: {  	v37 =	vld [tilespmem:s26+$0xC60];
	v36 =	vmul.f32 v57, v56;
	v18 =	vadd.f32 v61, v18  }
0x238: {  	v38 =	vld [tilespmem:s26+$0x4C60]  }
0x239: {  	v40 =	vld [tilespmem:s26+$0xC70];
	v39 =	vmul.f32 v60, v59;
	v18 =	vadd.f32 v36, v18  }
0x23a: {  	v41 =	vld [tilespmem:s26+$0x4C70]  }
0x23b: {  	v48 =	vld [tilespmem:s23+$0x4D50];
	v43 =	vmul.f32 v63, v62;
	v18 =	vadd.f32 v39, v18  }
0x23c: {  	v20 =	vld [tilespmem:s23+$0x4D10]  }
0x23d: {  	v44 =	vld [tilespmem:s23+$0xD40];
	v46 =	vmul.f32 v38, v37;
	v18 =	vadd.f32 v43, v18  }
0x23e: {  	v47 =	vld [tilespmem:s23+$0xD50]  }
0x23f: {  	v50 =	vld [tilespmem:s23+$0xD60];
	v49 =	vmul.f32 v41, v40;
	v18 =	vadd.f32 v46, v18  }
0x240: {  	v19 =	vld [tilespmem:s23+$0x4D20]  }
0x241: {  	v51 =	vld [tilespmem:s23+$0x4D60];
	v18 =	vadd.f32 v49, v18  }
0x242: {  	v52 =	vld [tilespmem:s23+$0xD70]  }
0x243: {  	v53 =	vld [tilespmem:s23+$0x4D70];
	[tilespmem:s24+$0x10CCC] =	vst v18  }
0x244: {  	v18 =	vld [tilespmem:s26+$0xC80]  }
0x245: {  	v17 =	vmul.f32 v21, v17;
	v20 =	vmul.f32 v20, v23;
	v54 =	vld [tilespmem:s26+$0x4C80]  }
0x246: {  	v55 =	vld [tilespmem:s26+$0xC90]  }
0x247: {  	v17 =	vadd.f32 v20, v17;
	v19 =	vmul.f32 v19, v22;
	v56 =	vld [tilespmem:s26+$0x4C90]  }
0x248: {  	v57 =	vld [tilespmem:s26+$0xCA0]  }
0x249: {  	v17 =	vadd.f32 v19, v17;
	v19 =	vmul.f32 v42, v24;
	v58 =	vld [tilespmem:s26+$0x4CA0]  }
0x24a: {  	v59 =	vld [tilespmem:s26+$0xCB0]  }
0x24b: {  	v17 =	vadd.f32 v19, v17;
	v19 =	vmul.f32 v45, v44;
	v60 =	vld [tilespmem:s26+$0x4CB0]  }
0x24c: {  	v61 =	vld [tilespmem:s26+$0xCC0];
	v18 =	vmul.f32 v54, v18;
	v20 =	vmul.f32 v56, v55  }
0x24d: {  	v17 =	vadd.f32 v19, v17;
	v19 =	vmul.f32 v48, v47;
	v62 =	vld [tilespmem:s26+$0x4CC0]  }
0x24e: {  	v29 =	vld [tilespmem:s26+$0xCD0];
	v63 =	vmul.f32 v58, v57;
	v18 =	vadd.f32 v20, v18  }
0x24f: {  	v17 =	vadd.f32 v19, v17;
	v19 =	vmul.f32 v51, v50;
	v30 =	vld [tilespmem:s26+$0x4CD0]  }
0x250: {  	v32 =	vld [tilespmem:s26+$0xCE0];
	v31 =	vmul.f32 v60, v59;
	v18 =	vadd.f32 v63, v18  }
0x251: {  	v17 =	vadd.f32 v19, v17;
	v19 =	vmul.f32 v53, v52;
	v34 =	vld [tilespmem:s26+$0x4CE0]  }
0x252: {  	v36 =	vld [tilespmem:s26+$0xCF0];
	v35 =	vmul.f32 v62, v61;
	v18 =	vadd.f32 v31, v18  }
0x253: {  	v17 =	vadd.f32 v19, v17;
	v19 =	vld [tilespmem:s26+$0x4CF0]  }
0x254: {  	v37 =	vmul.f32 v30, v29;
	v18 =	vadd.f32 v35, v18  }
0x255: {  	[tilespmem:s22+$0x10CEE] =	vst v17  }
0x256: {  	v17 =	vld [tilespmem:s23+$0xD80];
	v38 =	vmul.f32 v34, v32;
	v18 =	vadd.f32 v37, v18  }
0x257: {  	v22 =	vld [tilespmem:s23+$0x4D80]  }
0x258: {  	v23 =	vld [tilespmem:s23+$0xD90];
	v19 =	vmul.f32 v19, v36;
	v18 =	vadd.f32 v38, v18  }
0x259: {  	v21 =	vld [tilespmem:s23+$0xDA0]  }
0x25a: {  	v24 =	vld [tilespmem:s23+$0xDB0];
	v18 =	vadd.f32 v19, v18  }
0x25b: {  	v58 =	vld [tilespmem:s23+$0x4DB0]  }
0x25c: {  	v60 =	vld [tilespmem:s23+$0xDC0];
	[tilespmem:s24+$0x10CDD] =	vst v18  }
0x25d: {  	v18 =	vld [tilespmem:s26+$0xD00]  }
0x25e: {  	v39 =	vld [tilespmem:s26+$0x4D00]  }
0x25f: {  	v40 =	vld [tilespmem:s26+$0xD10]  }
0x260: {  	v41 =	vld [tilespmem:s26+$0x4D10]  }
0x261: {  	v42 =	vld [tilespmem:s26+$0xD20]  }
0x262: {  	v43 =	vld [tilespmem:s26+$0x4D20]  }
0x263: {  	v44 =	vld [tilespmem:s26+$0xD30]  }
0x264: {  	v45 =	vld [tilespmem:s26+$0x4D30]  }
0x265: {  	v47 =	vld [tilespmem:s26+$0xD40];
	v18 =	vmul.f32 v39, v18;
	v46 =	vmul.f32 v41, v40  }
0x266: {  	v48 =	vld [tilespmem:s26+$0x4D40]  }
0x267: {  	v50 =	vld [tilespmem:s26+$0xD50];
	v49 =	vmul.f32 v43, v42;
	v18 =	vadd.f32 v46, v18  }
0x268: {  	v51 =	vld [tilespmem:s26+$0x4D50]  }
0x269: {  	v53 =	vld [tilespmem:s26+$0xD60];
	v52 =	vmul.f32 v45, v44;
	v18 =	vadd.f32 v49, v18  }
0x26a: {  	v54 =	vld [tilespmem:s26+$0x4D60]  }
0x26b: {  	v56 =	vld [tilespmem:s26+$0xD70];
	v55 =	vmul.f32 v48, v47;
	v18 =	vadd.f32 v52, v18  }
0x26c: {  	v57 =	vld [tilespmem:s26+$0x4D70]  }
0x26d: {  	v61 =	vld [tilespmem:s23+$0x4DC0];
	v59 =	vmul.f32 v51, v50;
	v18 =	vadd.f32 v55, v18  }
0x26e: {  	v20 =	vld [tilespmem:s23+$0x4D90]  }
0x26f: {  	v63 =	vld [tilespmem:s23+$0xDD0];
	v62 =	vmul.f32 v54, v53;
	v18 =	vadd.f32 v59, v18  }
0x270: {  	v19 =	vld [tilespmem:s23+$0x4DA0]  }
0x271: {  	v40 =	vld [tilespmem:s23+$0x4DD0];
	v41 =	vmul.f32 v57, v56;
	v18 =	vadd.f32 v62, v18  }
0x272: {  	v42 =	vld [tilespmem:s23+$0xDE0]  }
0x273: {  	v43 =	vld [tilespmem:s23+$0x4DE0];
	v18 =	vadd.f32 v41, v18  }
0x274: {  	v44 =	vld [tilespmem:s23+$0xDF0]  }
0x275: {  	v45 =	vld [tilespmem:s23+$0x4DF0];
	[tilespmem:s24+$0x10CEE] =	vst v18  }
0x276: {  	v18 =	vld [tilespmem:s26+$0xD80]  }
0x277: {  	v34 =	vld [tilespmem:s26+$0x4D80]  }
0x278: {  	v35 =	vld [tilespmem:s26+$0xD90]  }
0x279: {  	v36 =	vld [tilespmem:s26+$0x4D90]  }
0x27a: {  	v37 =	vld [tilespmem:s26+$0xDA0]  }
0x27b: {  	v17 =	vmul.f32 v22, v17;
	v20 =	vmul.f32 v20, v23;
	v46 =	vld [tilespmem:s26+$0x4DA0]  }
0x27c: {  	v47 =	vld [tilespmem:s26+$0xDB0]  }
0x27d: {  	v17 =	vadd.f32 v20, v17;
	v19 =	vmul.f32 v19, v21;
	v48 =	vld [tilespmem:s26+$0x4DB0]  }
0x27e: {  	v50 =	vld [tilespmem:s26+$0xDC0];
	v18 =	vmul.f32 v34, v18;
	v49 =	vmul.f32 v36, v35  }
0x27f: {  	v17 =	vadd.f32 v19, v17;
	v19 =	vmul.f32 v58, v24;
	v51 =	vld [tilespmem:s26+$0x4DC0]  }
0x280: {  	v53 =	vld [tilespmem:s26+$0xDD0];
	v52 =	vmul.f32 v46, v37;
	v18 =	vadd.f32 v49, v18  }
0x281: {  	v17 =	vadd.f32 v19, v17;
	v19 =	vmul.f32 v61, v60;
	v54 =	vld [tilespmem:s26+$0x4DD0]  }
0x282: {  	v55 =	vld [tilespmem:s26+$0xDE0];
	v20 =	vmul.f32 v48, v47;
	v18 =	vadd.f32 v52, v18  }
0x283: {  	v17 =	vadd.f32 v19, v17;
	v19 =	vmul.f32 v40, v63;
	v56 =	vld [tilespmem:s26+$0x4DE0]  }
0x284: {  	v58 =	vld [tilespmem:s26+$0xDF0];
	v57 =	vmul.f32 v51, v50;
	v18 =	vadd.f32 v20, v18  }
0x285: {  	v17 =	vadd.f32 v19, v17;
	v19 =	vmul.f32 v43, v42;
	v59 =	vld [tilespmem:s26+$0x4DF0]  }
0x286: {  	v60 =	vmul.f32 v54, v53;
	v18 =	vadd.f32 v57, v18  }
0x287: {  	v17 =	vadd.f32 v19, v17  }
0x288: {  	v19 =	vmul.f32 v45, v44;
	v61 =	vmul.f32 v56, v55;
	v18 =	vadd.f32 v60, v18;
	_ =	sdelay $0x1  }
0x289: {  	v17 =	vadd.f32 v19, v17;
	v19 =	vmul.f32 v59, v58;
	v18 =	vadd.f32 v61, v18;
	_ =	sdelay $0x1  }
0x28a: {  	[tilespmem:s22+$0x10CFF] =	vst v17;
	v17 =	vadd.s32 s22, v0;
	s26 =	sshll.u32 s21, $0x4;
	v18 =	vadd.f32 v19, v18  }
0x28b: {  	v62 =	vadd.s32 s24, v0;
	v63 =	vld.idx.msk [tilespmem:v16+s26+$0x10800 ss:$0x1], $0xffff  }
0x28c: {  	s25 =	sshll.u32 s25, $0x4;
	v32 =	vadd.s32 s22, v1;
	v19 =	vld.idx.msk [tilespmem:v16+s26+$0x10600 ss:$0x1], $0xffff;
	[tilespmem:s24+$0x10CFF] =	vst v18  }
0x28d: {  	v33 =	vadd.s32 s24, v1;
	v18 =	vld.idx.msk [tilespmem:v16+s25+$0x10600 ss:$0x1], $0xffff  }
0x28e: {  	v34 =	vadd.s32 s22, v2;
	v35 =	vld.idx.msk [tilespmem:v16+s25+$0x10800 ss:$0x1], $0xffff  }
0x28f: {  	v17 =	vld.idx.msk [tilespmem:v17+s14+$0x0], $0xffff;
	v36 =	vadd.s32 s24, v2  }
0x290: {  	v37 =	vadd.s32 s22, v3;
	v20 =	vld.idx.msk [tilespmem:v62+s14+$0x0], $0xffff  }
0x291: {  	v38 =	vadd.s32 s24, v3;
	v22 =	vld.idx.msk [tilespmem:v32+s14+$0x0], $0xffff  }
0x292: {  	v39 =	vadd.s32 s22, v4;
	v23 =	vld.idx.msk [tilespmem:v33+s14+$0x0], $0xffff;
	v19 =	vadd.f32 v63, v19  }
0x293: {  	v40 =	vadd.s32 s24, v4;
	v24 =	vld.idx.msk [tilespmem:v34+s14+$0x0], $0xffff;
	v18 =	vadd.f32 v35, v18  }
0x294: {  	v26 =	vld.idx.msk [tilespmem:v36+s14+$0x0], $0xffff;
	v17 =	vadd.f32 v17, v19;
	v19 =	vadd.s32 s22, v5  }
0x295: {  	v41 =	vadd.s32 s24, v5;
	v27 =	vld.idx.msk [tilespmem:v37+s14+$0x0], $0xffff;
	v18 =	vadd.f32 v20, v18  }
0x296: {  	v42 =	vadd.s32 s22, v6;
	v28 =	vld.idx.msk [tilespmem:v38+s14+$0x0], $0xffff;
	v17 =	vadd.f32 v22, v17  }
0x297: {  	v43 =	vadd.s32 s24, v6;
	v21 =	vld.idx.msk [tilespmem:v39+s14+$0x0], $0xffff;
	v18 =	vadd.f32 v23, v18  }
0x298: {  	v44 =	vadd.s32 s22, v7;
	v25 =	vld.idx.msk [tilespmem:v40+s14+$0x0], $0xffff;
	v17 =	vadd.f32 v24, v17  }
0x299: {  	v45 =	vadd.s32 s24, v7;
	v19 =	vld.idx.msk [tilespmem:v19+s14+$0x0], $0xffff;
	v18 =	vadd.f32 v26, v18  }
0x29a: {  	v46 =	vadd.s32 s22, v8;
	v20 =	vld.idx.msk [tilespmem:v41+s14+$0x0], $0xffff;
	v17 =	vadd.f32 v27, v17  }
0x29b: {  	v47 =	vadd.s32 s24, v8;
	v22 =	vld.idx.msk [tilespmem:v42+s14+$0x0], $0xffff;
	v18 =	vadd.f32 v28, v18  }
0x29c: {  	v48 =	vadd.s32 s22, v9;
	v23 =	vld.idx.msk [tilespmem:v43+s14+$0x0], $0xffff;
	v17 =	vadd.f32 v21, v17  }
0x29d: {  	v49 =	vadd.s32 s24, v9;
	v24 =	vld.idx.msk [tilespmem:v44+s14+$0x0], $0xffff;
	v18 =	vadd.f32 v25, v18  }
0x29e: {  	v26 =	vld.idx.msk [tilespmem:v45+s14+$0x0], $0xffff;
	v17 =	vadd.f32 v19, v17;
	v19 =	vadd.s32 s22, v10  }
0x29f: {  	v50 =	vadd.s32 s24, v10;
	v27 =	vld.idx.msk [tilespmem:v46+s14+$0x0], $0xffff;
	v18 =	vadd.f32 v20, v18  }
0x2a0: {  	v51 =	vadd.s32 s22, v11;
	v28 =	vld.idx.msk [tilespmem:v47+s14+$0x0], $0xffff;
	v17 =	vadd.f32 v22, v17  }
0x2a1: {  	v52 =	vadd.s32 s24, v11;
	v21 =	vld.idx.msk [tilespmem:v48+s14+$0x0], $0xffff;
	v18 =	vadd.f32 v23, v18  }
0x2a2: {  	v53 =	vadd.s32 s22, v12;
	v25 =	vld.idx.msk [tilespmem:v49+s14+$0x0], $0xffff;
	v17 =	vadd.f32 v24, v17  }
0x2a3: {  	v54 =	vadd.s32 s24, v12;
	v19 =	vld.idx.msk [tilespmem:v19+s14+$0x0], $0xffff;
	v18 =	vadd.f32 v26, v18  }
0x2a4: {  	v55 =	vadd.s32 s22, v13;
	v20 =	vld.idx.msk [tilespmem:v50+s14+$0x0], $0xffff;
	v17 =	vadd.f32 v27, v17  }
0x2a5: {  	v56 =	vadd.s32 s24, v13;
	v22 =	vld.idx.msk [tilespmem:v51+s14+$0x0], $0xffff;
	v18 =	vadd.f32 v28, v18  }
0x2a6: {  	v57 =	vadd.s32 s22, v14;
	v23 =	vld.idx.msk [tilespmem:v52+s14+$0x0], $0xffff;
	v17 =	vadd.f32 v21, v17  }
0x2a7: {  	v58 =	vadd.s32 s24, v14;
	v24 =	vld.idx.msk [tilespmem:v53+s14+$0x0], $0xffff;
	v18 =	vadd.f32 v25, v18  }
0x2a8: {  	v59 =	vadd.s32 s22, v15;
	v17 =	vadd.f32 v19, v17;
	v19 =	vld.idx.msk [tilespmem:v54+s14+$0x0], $0xffff  }
0x2a9: {  	v60 =	vld.idx.msk [tilespmem:v55+s14+$0x0], $0xffff;
	v61 =	vadd.s32 s24, v15;
	v18 =	vadd.f32 v20, v18  }
0x2aa: {  	v62 =	vld.idx.msk [tilespmem:v56+s14+$0x0], $0xffff;
	v17 =	vadd.f32 v22, v17  }
0x2ab: {  	v21 =	vld.idx.msk [tilespmem:v57+s14+$0x0], $0xffff;
	v18 =	vadd.f32 v23, v18  }
0x2ac: {  	v63 =	vld.idx.msk [tilespmem:v58+s14+$0x0], $0xffff;
	v17 =	vadd.f32 v24, v17  }
0x2ad: {  	v18 =	vadd.f32 v19, v18;
	v19 =	vld.idx.msk [tilespmem:v59+s14+$0x0], $0xffff  }
0x2ae: {  	v20 =	vld.idx.msk [tilespmem:v61+s14+$0x0], $0xffff;
	v17 =	vadd.f32 v60, v17  }
0x2af: {  	v18 =	vadd.f32 v62, v18  }
0x2b0: {  	p1 =	slt.u32 s21, $0x6;
	v17 =	vadd.f32 v21, v17  }
.Ltmp1:
0x2b1: {  	v18 =	vadd.f32 v63, v18;
	(pc) =	sbr.rel @p1 .LBB2_5-.Ltmp1, $4  }
0x2b2: {  	v17 =	vadd.f32 v19, v17  }
0x2b3: {  	v18 =	vadd.f32 v20, v18  }
0x2b4: {  	[tilespmem:v16+s26+$0x10A00 ss:$0x1] =	vst.idx.msk $0xffff, v17;
	s26 =	sadd.s32 $0x2, s21  }
0x2b5: {  	[tilespmem:v16+s25+$0x10A00 ss:$0x1] =	vst.idx.msk $0xffff, v18;
	s21 =	smov.u32 s26  }
0x2b6: {  	s21 =	simm.s32 @p0 $0x80;
	s22 =	simm.s32 @p0 $0x100;
	s23 =	simm.s32 @p0 $0x600  }
0x2b7: {  	[tilespmem:s23], [sflag:$0x3] =	stream.indirect.gather @p0 [hbm4b:s1+s21], $0x80, s22, s21, $0xb8;
	[tilespmem:$0x11480] =	vst v63  }
0x2b8: {  	s22 =	simm.s32 @p0 $0x300;
	s23 =	simm.s32 @p0 $0x4600  }
0x2b9: {  	[tilespmem:s23], [sflag:$0x4] =	stream.indirect.gather @p0 [hbm4b:s2+s21], $0x80, s22, s21, $0xb8;
	[tilespmem:$0x11480] =	vst v63  }
0x2ba: {  	_ =	swait.ge [sflag:s15], $0x4000  }
0x2bb: {  	[sflag:s15] =	ssyncset.done $0x0  }
0x2bc: {  	[sflag:s15] =	ssyncadd.s32 $0xFFFFC000  }
0x2bd: {  	_ =	swait.ge [sflag:s16], $0x4000  }
0x2be: {  	[sflag:s16] =	ssyncset.done $0x0  }
0x2bf: {  	v16 =	vmov s20;
	s21 =	simm.s32 $0x0;
	[sflag:s16] =	ssyncadd.s32 $0xFFFFC000  }
.LBB2_7:
0x2c0: {  	s22 =	sshll.u32 s21, $0xB  }
0x2c1: {  	v17 =	vld [tilespmem:s22+$0x8600]  }
0x2c2: {  	v18 =	vld [tilespmem:s22+$0xC600]  }
0x2c3: {  	v19 =	vld [tilespmem:s22+$0x8610]  }
0x2c4: {  	v20 =	vld [tilespmem:s22+$0xC610]  }
0x2c5: {  	v21 =	vld [tilespmem:s22+$0x8620]  }
0x2c6: {  	v22 =	vld [tilespmem:s22+$0xC620]  }
0x2c7: {  	v23 =	vld [tilespmem:s22+$0x8630]  }
0x2c8: {  	v24 =	vld [tilespmem:s22+$0xC630]  }
0x2c9: {  	v48 =	vld [tilespmem:s22+$0xC640];
	v17 =	vmul.f32 v18, v17;
	v18 =	vmul.f32 v20, v19  }
0x2ca: {  	v19 =	vld [tilespmem:s22+$0x8640]  }
0x2cb: {  	v49 =	vld [tilespmem:s22+$0x8650];
	v17 =	vadd.f32 v18, v17;
	v18 =	vmul.f32 v22, v21  }
0x2cc: {  	v50 =	vld [tilespmem:s22+$0xC650]  }
0x2cd: {  	v51 =	vld [tilespmem:s22+$0x8660];
	v17 =	vadd.f32 v18, v17;
	v18 =	vmul.f32 v24, v23  }
0x2ce: {  	v52 =	vld [tilespmem:s22+$0xC660]  }
0x2cf: {  	v53 =	vld [tilespmem:s22+$0xC670];
	v17 =	vadd.f32 v18, v17;
	v18 =	vmul.f32 v48, v19  }
0x2d0: {  	v19 =	vld [tilespmem:s22+$0x8670]  }
0x2d1: {  	v17 =	vadd.f32 v18, v17;
	v18 =	vmul.f32 v50, v49;
	_ =	sdelay $0x1  }
0x2d2: {  	v17 =	vadd.f32 v18, v17;
	v18 =	vmul.f32 v52, v51;
	_ =	sdelay $0x1  }
0x2d3: {  	v17 =	vadd.f32 v18, v17;
	v18 =	vmul.f32 v53, v19;
	_ =	sdelay $0x1  }
0x2d4: {  	s20 =	smul.u32 $0x110, s21;
	v17 =	vadd.f32 v18, v17;
	_ =	sdelay $0x1  }
0x2d5: {  	[tilespmem:s20+$0x10C00] =	vst v17  }
0x2d6: {  	v17 =	vld [tilespmem:s22+$0x8680]  }
0x2d7: {  	v18 =	vld [tilespmem:s22+$0xC680]  }
0x2d8: {  	v19 =	vld [tilespmem:s22+$0x8690]  }
0x2d9: {  	v54 =	vld [tilespmem:s22+$0xC690]  }
0x2da: {  	v55 =	vld [tilespmem:s22+$0x86A0]  }
0x2db: {  	v56 =	vld [tilespmem:s22+$0xC6A0]  }
0x2dc: {  	v57 =	vld [tilespmem:s22+$0x86B0]  }
0x2dd: {  	v58 =	vld [tilespmem:s22+$0xC6B0]  }
0x2de: {  	v59 =	vld [tilespmem:s22+$0xC6C0];
	v17 =	vmul.f32 v18, v17;
	v18 =	vmul.f32 v54, v19  }
0x2df: {  	v19 =	vld [tilespmem:s22+$0x86C0]  }
0x2e0: {  	v60 =	vld [tilespmem:s22+$0x86D0];
	v17 =	vadd.f32 v18, v17;
	v18 =	vmul.f32 v56, v55  }
0x2e1: {  	v61 =	vld [tilespmem:s22+$0xC6D0]  }
0x2e2: {  	v62 =	vld [tilespmem:s22+$0x86E0];
	v17 =	vadd.f32 v18, v17;
	v18 =	vmul.f32 v58, v57  }
0x2e3: {  	v63 =	vld [tilespmem:s22+$0xC6E0]  }
0x2e4: {  	v28 =	vld [tilespmem:s22+$0xC6F0];
	v17 =	vadd.f32 v18, v17;
	v18 =	vmul.f32 v59, v19  }
0x2e5: {  	v19 =	vld [tilespmem:s22+$0x86F0]  }
0x2e6: {  	v17 =	vadd.f32 v18, v17;
	v18 =	vmul.f32 v61, v60;
	_ =	sdelay $0x1  }
0x2e7: {  	v17 =	vadd.f32 v18, v17;
	v18 =	vmul.f32 v63, v62;
	_ =	sdelay $0x1  }
0x2e8: {  	v17 =	vadd.f32 v18, v17;
	v18 =	vmul.f32 v28, v19;
	_ =	sdelay $0x1  }
0x2e9: {  	v17 =	vadd.f32 v18, v17;
	_ =	sdelay $0x1  }
0x2ea: {  	[tilespmem:s20+$0x10C11] =	vst v17  }
0x2eb: {  	v17 =	vld [tilespmem:s22+$0x8700]  }
0x2ec: {  	v18 =	vld [tilespmem:s22+$0xC700]  }
0x2ed: {  	v19 =	vld [tilespmem:s22+$0x8710]  }
0x2ee: {  	v29 =	vld [tilespmem:s22+$0xC710]  }
0x2ef: {  	v30 =	vld [tilespmem:s22+$0x8720]  }
0x2f0: {  	v31 =	vld [tilespmem:s22+$0xC720]  }
0x2f1: {  	v32 =	vld [tilespmem:s22+$0x8730]  }
0x2f2: {  	v33 =	vld [tilespmem:s22+$0xC730]  }
0x2f3: {  	v34 =	vld [tilespmem:s22+$0xC740];
	v17 =	vmul.f32 v18, v17;
	v18 =	vmul.f32 v29, v19  }
0x2f4: {  	v19 =	vld [tilespmem:s22+$0x8740]  }
0x2f5: {  	v35 =	vld [tilespmem:s22+$0x8750];
	v17 =	vadd.f32 v18, v17;
	v18 =	vmul.f32 v31, v30  }
0x2f6: {  	v36 =	vld [tilespmem:s22+$0xC750]  }
0x2f7: {  	v37 =	vld [tilespmem:s22+$0x8760];
	v17 =	vadd.f32 v18, v17;
	v18 =	vmul.f32 v33, v32  }
0x2f8: {  	v38 =	vld [tilespmem:s22+$0xC760]  }
0x2f9: {  	v39 =	vld [tilespmem:s22+$0xC770];
	v17 =	vadd.f32 v18, v17;
	v18 =	vmul.f32 v34, v19  }
0x2fa: {  	v19 =	vld [tilespmem:s22+$0x8770]  }
0x2fb: {  	v17 =	vadd.f32 v18, v17;
	v18 =	vmul.f32 v36, v35;
	_ =	sdelay $0x1  }
0x2fc: {  	v17 =	vadd.f32 v18, v17;
	v18 =	vmul.f32 v38, v37;
	_ =	sdelay $0x1  }
0x2fd: {  	v17 =	vadd.f32 v18, v17;
	v18 =	vmul.f32 v39, v19;
	_ =	sdelay $0x1  }
0x2fe: {  	v17 =	vadd.f32 v18, v17;
	_ =	sdelay $0x1  }
0x2ff: {  	[tilespmem:s20+$0x10C22] =	vst v17  }
0x300: {  	v17 =	vld [tilespmem:s22+$0x8780]  }
0x301: {  	v18 =	vld [tilespmem:s22+$0xC780]  }
0x302: {  	v19 =	vld [tilespmem:s22+$0x8790]  }
0x303: {  	v40 =	vld [tilespmem:s22+$0xC790]  }
0x304: {  	v41 =	vld [tilespmem:s22+$0x87A0]  }
0x305: {  	v42 =	vld [tilespmem:s22+$0xC7A0]  }
0x306: {  	v43 =	vld [tilespmem:s22+$0x87B0]  }
0x307: {  	v44 =	vld [tilespmem:s22+$0xC7B0]  }
0x308: {  	v45 =	vld [tilespmem:s22+$0xC7C0];
	v17 =	vmul.f32 v18, v17;
	v18 =	vmul.f32 v40, v19  }
0x309: {  	v19 =	vld [tilespmem:s22+$0x87C0]  }
0x30a: {  	v46 =	vld [tilespmem:s22+$0x87D0];
	v17 =	vadd.f32 v18, v17;
	v18 =	vmul.f32 v42, v41  }
0x30b: {  	v47 =	vld [tilespmem:s22+$0xC7D0]  }
0x30c: {  	v48 =	vld [tilespmem:s22+$0x87E0];
	v17 =	vadd.f32 v18, v17;
	v18 =	vmul.f32 v44, v43  }
0x30d: {  	v49 =	vld [tilespmem:s22+$0xC7E0]  }
0x30e: {  	v50 =	vld [tilespmem:s22+$0xC7F0];
	v17 =	vadd.f32 v18, v17;
	v18 =	vmul.f32 v45, v19  }
0x30f: {  	v19 =	vld [tilespmem:s22+$0x87F0]  }
0x310: {  	v17 =	vadd.f32 v18, v17;
	v18 =	vmul.f32 v47, v46;
	_ =	sdelay $0x1  }
0x311: {  	v17 =	vadd.f32 v18, v17;
	v18 =	vmul.f32 v49, v48;
	_ =	sdelay $0x1  }
0x312: {  	v17 =	vadd.f32 v18, v17;
	v18 =	vmul.f32 v50, v19;
	_ =	sdelay $0x1  }
0x313: {  	v17 =	vadd.f32 v18, v17;
	_ =	sdelay $0x1  }
0x314: {  	[tilespmem:s20+$0x10C33] =	vst v17  }
0x315: {  	v17 =	vld [tilespmem:s22+$0x8800]  }
0x316: {  	v18 =	vld [tilespmem:s22+$0xC800]  }
0x317: {  	v19 =	vld [tilespmem:s22+$0x8810]  }
0x318: {  	v51 =	vld [tilespmem:s22+$0xC810]  }
0x319: {  	v52 =	vld [tilespmem:s22+$0x8820]  }
0x31a: {  	v53 =	vld [tilespmem:s22+$0xC820]  }
0x31b: {  	v54 =	vld [tilespmem:s22+$0x8830]  }
0x31c: {  	v55 =	vld [tilespmem:s22+$0xC830]  }
0x31d: {  	v56 =	vld [tilespmem:s22+$0xC840];
	v17 =	vmul.f32 v18, v17;
	v18 =	vmul.f32 v51, v19  }
0x31e: {  	v19 =	vld [tilespmem:s22+$0x8840]  }
0x31f: {  	v57 =	vld [tilespmem:s22+$0x8850];
	v17 =	vadd.f32 v18, v17;
	v18 =	vmul.f32 v53, v52  }
0x320: {  	v58 =	vld [tilespmem:s22+$0xC850]  }
0x321: {  	v59 =	vld [tilespmem:s22+$0x8860];
	v17 =	vadd.f32 v18, v17;
	v18 =	vmul.f32 v55, v54  }
0x322: {  	v60 =	vld [tilespmem:s22+$0xC860]  }
0x323: {  	v17 =	vadd.f32 v18, v17;
	v18 =	vmul.f32 v56, v19;
	v19 =	vld [tilespmem:s22+$0x8870]  }
0x324: {  	v61 =	vld [tilespmem:s22+$0xC870]  }
0x325: {  	v17 =	vadd.f32 v18, v17;
	v18 =	vmul.f32 v58, v57;
	_ =	sdelay $0x1  }
0x326: {  	v17 =	vadd.f32 v18, v17;
	v18 =	vmul.f32 v60, v59;
	_ =	sdelay $0x1  }
0x327: {  	v17 =	vadd.f32 v18, v17;
	v18 =	vmul.f32 v61, v19;
	_ =	sdelay $0x1  }
0x328: {  	v17 =	vadd.f32 v18, v17;
	_ =	sdelay $0x1  }
0x329: {  	[tilespmem:s20+$0x10C44] =	vst v17  }
0x32a: {  	v17 =	vld [tilespmem:s22+$0x8880]  }
0x32b: {  	v18 =	vld [tilespmem:s22+$0xC880]  }
0x32c: {  	v19 =	vld [tilespmem:s22+$0x8890]  }
0x32d: {  	v62 =	vld [tilespmem:s22+$0xC890]  }
0x32e: {  	v63 =	vld [tilespmem:s22+$0x88A0]  }
0x32f: {  	v28 =	vld [tilespmem:s22+$0xC8A0]  }
0x330: {  	v29 =	vld [tilespmem:s22+$0x88B0]  }
0x331: {  	v30 =	vld [tilespmem:s22+$0xC8B0]  }
0x332: {  	v31 =	vld [tilespmem:s22+$0xC8C0];
	v17 =	vmul.f32 v18, v17;
	v18 =	vmul.f32 v62, v19  }
0x333: {  	v19 =	vld [tilespmem:s22+$0x88C0]  }
0x334: {  	v32 =	vld [tilespmem:s22+$0x88D0];
	v17 =	vadd.f32 v18, v17;
	v18 =	vmul.f32 v28, v63  }
0x335: {  	v33 =	vld [tilespmem:s22+$0xC8D0]  }
0x336: {  	v34 =	vld [tilespmem:s22+$0x88E0];
	v17 =	vadd.f32 v18, v17;
	v18 =	vmul.f32 v30, v29  }
0x337: {  	v35 =	vld [tilespmem:s22+$0xC8E0]  }
0x338: {  	v36 =	vld [tilespmem:s22+$0xC8F0];
	v17 =	vadd.f32 v18, v17;
	v18 =	vmul.f32 v31, v19  }
0x339: {  	v19 =	vld [tilespmem:s22+$0x88F0]  }
0x33a: {  	s24 =	sor.u32 $0x1, s21;
	v17 =	vadd.f32 v18, v17;
	v18 =	vmul.f32 v33, v32  }
0x33b: {  	s25 =	sshll.u32 s24, $0xB  }
0x33c: {  	v25 =	vld [tilespmem:s25+$0xC600];
	v17 =	vadd.f32 v18, v17;
	v18 =	vmul.f32 v35, v34  }
0x33d: {  	v26 =	vld [tilespmem:s25+$0x8610]  }
0x33e: {  	v27 =	vld [tilespmem:s25+$0xC610];
	v17 =	vadd.f32 v18, v17;
	v18 =	vmul.f32 v36, v19  }
0x33f: {  	v63 =	vld [tilespmem:s25+$0x8600]  }
0x340: {  	v28 =	vld [tilespmem:s25+$0x8620];
	v17 =	vadd.f32 v18, v17  }
0x341: {  	v29 =	vld [tilespmem:s25+$0xC620]  }
0x342: {  	v30 =	vld [tilespmem:s25+$0x8630];
	[tilespmem:s20+$0x10C55] =	vst v17  }
0x343: {  	v17 =	vld [tilespmem:s22+$0x8900]  }
0x344: {  	v18 =	vld [tilespmem:s22+$0xC900]  }
0x345: {  	v19 =	vld [tilespmem:s22+$0x8910]  }
0x346: {  	v37 =	vld [tilespmem:s22+$0xC910]  }
0x347: {  	v38 =	vld [tilespmem:s22+$0x8920]  }
0x348: {  	v39 =	vld [tilespmem:s22+$0xC920]  }
0x349: {  	v40 =	vld [tilespmem:s22+$0x8930]  }
0x34a: {  	v41 =	vld [tilespmem:s22+$0xC930]  }
0x34b: {  	v42 =	vld [tilespmem:s22+$0xC940];
	v17 =	vmul.f32 v18, v17;
	v18 =	vmul.f32 v37, v19  }
0x34c: {  	v19 =	vld [tilespmem:s22+$0x8940]  }
0x34d: {  	v43 =	vld [tilespmem:s22+$0x8950];
	v17 =	vadd.f32 v18, v17;
	v18 =	vmul.f32 v39, v38  }
0x34e: {  	v44 =	vld [tilespmem:s22+$0xC950]  }
0x34f: {  	v45 =	vld [tilespmem:s22+$0x8960];
	v17 =	vadd.f32 v18, v17;
	v18 =	vmul.f32 v41, v40  }
0x350: {  	v46 =	vld [tilespmem:s22+$0xC960]  }
0x351: {  	v47 =	vld [tilespmem:s22+$0xC970];
	v17 =	vadd.f32 v18, v17;
	v18 =	vmul.f32 v42, v19  }
0x352: {  	v19 =	vld [tilespmem:s22+$0x8970]  }
0x353: {  	v31 =	vld [tilespmem:s25+$0xC630];
	v17 =	vadd.f32 v18, v17;
	v18 =	vmul.f32 v44, v43  }
0x354: {  	v34 =	vld [tilespmem:s25+$0x8640]  }
0x355: {  	v35 =	vld [tilespmem:s25+$0xC640];
	v17 =	vadd.f32 v18, v17;
	v18 =	vmul.f32 v46, v45  }
0x356: {  	v37 =	vld [tilespmem:s25+$0x8650]  }
0x357: {  	v38 =	vld [tilespmem:s25+$0xC650];
	v17 =	vadd.f32 v18, v17;
	v18 =	vmul.f32 v47, v19  }
0x358: {  	v40 =	vld [tilespmem:s25+$0x8660]  }
0x359: {  	v41 =	vld [tilespmem:s25+$0xC660];
	v17 =	vadd.f32 v18, v17  }
0x35a: {  	v43 =	vld [tilespmem:s25+$0x8670]  }
0x35b: {  	v44 =	vld [tilespmem:s25+$0xC670];
	[tilespmem:s20+$0x10C66] =	vst v17  }
0x35c: {  	v17 =	vld [tilespmem:s22+$0x8980]  }
0x35d: {  	v18 =	vld [tilespmem:s22+$0xC980]  }
0x35e: {  	v19 =	vld [tilespmem:s22+$0x8990]  }
0x35f: {  	v24 =	vmul.f32 v25, v63;
	v33 =	vmul.f32 v27, v26;
	v48 =	vld [tilespmem:s22+$0xC990]  }
0x360: {  	v49 =	vld [tilespmem:s22+$0x89A0]  }
0x361: {  	v24 =	vadd.f32 v33, v24;
	v36 =	vmul.f32 v29, v28;
	v50 =	vld [tilespmem:s22+$0xC9A0]  }
0x362: {  	v51 =	vld [tilespmem:s22+$0x89B0]  }
0x363: {  	v24 =	vadd.f32 v36, v24;
	v39 =	vmul.f32 v31, v30;
	v52 =	vld [tilespmem:s22+$0xC9B0]  }
0x364: {  	v53 =	vld [tilespmem:s22+$0xC9C0];
	v17 =	vmul.f32 v18, v17;
	v18 =	vmul.f32 v48, v19  }
0x365: {  	v24 =	vadd.f32 v39, v24;
	v42 =	vmul.f32 v35, v34;
	v19 =	vld [tilespmem:s22+$0x89C0]  }
0x366: {  	v54 =	vld [tilespmem:s22+$0x89D0];
	v17 =	vadd.f32 v18, v17;
	v18 =	vmul.f32 v50, v49  }
0x367: {  	v24 =	vadd.f32 v42, v24;
	v45 =	vmul.f32 v38, v37;
	v55 =	vld [tilespmem:s22+$0xC9D0]  }
0x368: {  	v56 =	vld [tilespmem:s22+$0x89E0];
	v17 =	vadd.f32 v18, v17;
	v18 =	vmul.f32 v52, v51  }
0x369: {  	v24 =	vadd.f32 v45, v24;
	v57 =	vld [tilespmem:s22+$0xC9E0];
	v48 =	vmul.f32 v41, v40  }
0x36a: {  	v58 =	vld [tilespmem:s22+$0xC9F0];
	v17 =	vadd.f32 v18, v17;
	v18 =	vmul.f32 v53, v19  }
0x36b: {  	v24 =	vadd.f32 v48, v24;
	v51 =	vmul.f32 v44, v43;
	v19 =	vld [tilespmem:s22+$0x89F0]  }
0x36c: {  	v17 =	vadd.f32 v18, v17;
	v18 =	vmul.f32 v55, v54  }
0x36d: {  	s23 =	smul.u32 $0x110, s24;
	v24 =	vadd.f32 v51, v24  }
0x36e: {  	v17 =	vadd.f32 v18, v17;
	v18 =	vmul.f32 v57, v56  }
0x36f: {  	[tilespmem:s23+$0x10C00] =	vst v24  }
0x370: {  	v24 =	vld [tilespmem:s25+$0x8680];
	v17 =	vadd.f32 v18, v17;
	v18 =	vmul.f32 v58, v19  }
0x371: {  	v55 =	vld [tilespmem:s25+$0x8690]  }
0x372: {  	v56 =	vld [tilespmem:s25+$0xC690];
	v17 =	vadd.f32 v18, v17  }
0x373: {  	v57 =	vld [tilespmem:s25+$0x86A0]  }
0x374: {  	v58 =	vld [tilespmem:s25+$0xC6A0];
	[tilespmem:s20+$0x10C77] =	vst v17  }
0x375: {  	v17 =	vld [tilespmem:s22+$0x8A00]  }
0x376: {  	v18 =	vld [tilespmem:s22+$0xCA00]  }
0x377: {  	v19 =	vld [tilespmem:s22+$0x8A10]  }
0x378: {  	v59 =	vld [tilespmem:s22+$0xCA10]  }
0x379: {  	v60 =	vld [tilespmem:s22+$0x8A20]  }
0x37a: {  	v61 =	vld [tilespmem:s22+$0xCA20]  }
0x37b: {  	v62 =	vld [tilespmem:s22+$0x8A30]  }
0x37c: {  	v32 =	vld [tilespmem:s22+$0xCA30]  }
0x37d: {  	v46 =	vld [tilespmem:s22+$0x8A40]  }
0x37e: {  	v47 =	vld [tilespmem:s22+$0xCA40]  }
0x37f: {  	v49 =	vld [tilespmem:s22+$0x8A50]  }
0x380: {  	v50 =	vld [tilespmem:s22+$0xCA50]  }
0x381: {  	v52 =	vld [tilespmem:s22+$0x8A60];
	v17 =	vmul.f32 v18, v17;
	v18 =	vmul.f32 v59, v19  }
0x382: {  	v53 =	vld [tilespmem:s22+$0xCA60]  }
0x383: {  	v19 =	vld [tilespmem:s25+$0xC680];
	v17 =	vadd.f32 v18, v17;
	v18 =	vmul.f32 v61, v60  }
0x384: {  	v54 =	vld [tilespmem:s22+$0x8A70]  }
0x385: {  	v33 =	vld [tilespmem:s22+$0xCA70];
	v17 =	vadd.f32 v18, v17;
	v18 =	vmul.f32 v32, v62  }
0x386: {  	v59 =	vld [tilespmem:s25+$0x86B0]  }
0x387: {  	v60 =	vld [tilespmem:s25+$0xC6B0];
	v17 =	vadd.f32 v18, v17;
	v18 =	vmul.f32 v47, v46  }
0x388: {  	v20 =	vmul.f32 v56, v55;
	v61 =	vld [tilespmem:s25+$0x86C0];
	v19 =	vmul.f32 v19, v24  }
0x389: {  	v62 =	vld [tilespmem:s25+$0xC6C0];
	v17 =	vadd.f32 v18, v17;
	v18 =	vmul.f32 v50, v49  }
0x38a: {  	v29 =	vld [tilespmem:s25+$0x86D0];
	v63 =	vmul.f32 v58, v57;
	v19 =	vadd.f32 v20, v19  }
0x38b: {  	v30 =	vld [tilespmem:s25+$0xC6D0];
	v17 =	vadd.f32 v18, v17;
	v18 =	vmul.f32 v53, v52  }
0x38c: {  	v32 =	vld [tilespmem:s25+$0x86E0];
	v31 =	vmul.f32 v60, v59;
	v19 =	vadd.f32 v63, v19  }
0x38d: {  	v17 =	vadd.f32 v18, v17;
	v18 =	vmul.f32 v33, v54;
	v33 =	vld [tilespmem:s25+$0xC6E0]  }
0x38e: {  	v35 =	vld [tilespmem:s25+$0x86F0];
	v34 =	vmul.f32 v62, v61;
	v19 =	vadd.f32 v31, v19  }
0x38f: {  	v17 =	vadd.f32 v18, v17;
	v18 =	vld [tilespmem:s25+$0xC6F0]  }
0x390: {  	v36 =	vmul.f32 v30, v29;
	v19 =	vadd.f32 v34, v19  }
0x391: {  	[tilespmem:s20+$0x10C88] =	vst v17  }
0x392: {  	v19 =	vadd.f32 v36, v19;
	v17 =	vld [tilespmem:s22+$0x8A80];
	v37 =	vmul.f32 v33, v32  }
0x393: {  	v22 =	vld [tilespmem:s22+$0xCA80]  }
0x394: {  	v23 =	vld [tilespmem:s22+$0x8A90];
	v19 =	vadd.f32 v37, v19;
	v18 =	vmul.f32 v18, v35  }
0x395: {  	v20 =	vld [tilespmem:s22+$0xCA90]  }
0x396: {  	v21 =	vld [tilespmem:s22+$0x8AA0];
	v18 =	vadd.f32 v18, v19  }
0x397: {  	v24 =	vld [tilespmem:s22+$0x8AB0]  }
0x398: {  	v57 =	vld [tilespmem:s22+$0xCAB0];
	[tilespmem:s23+$0x10C11] =	vst v18  }
0x399: {  	v18 =	vld [tilespmem:s25+$0x8700]  }
0x39a: {  	v38 =	vld [tilespmem:s25+$0xC700]  }
0x39b: {  	v39 =	vld [tilespmem:s25+$0x8710]  }
0x39c: {  	v40 =	vld [tilespmem:s25+$0xC710]  }
0x39d: {  	v41 =	vld [tilespmem:s25+$0x8720]  }
0x39e: {  	v42 =	vld [tilespmem:s25+$0xC720]  }
0x39f: {  	v43 =	vld [tilespmem:s25+$0x8730]  }
0x3a0: {  	v44 =	vld [tilespmem:s25+$0xC730]  }
0x3a1: {  	v46 =	vld [tilespmem:s25+$0x8740];
	v18 =	vmul.f32 v38, v18;
	v45 =	vmul.f32 v40, v39  }
0x3a2: {  	v47 =	vld [tilespmem:s25+$0xC740]  }
0x3a3: {  	v49 =	vld [tilespmem:s25+$0x8750];
	v48 =	vmul.f32 v42, v41;
	v18 =	vadd.f32 v45, v18  }
0x3a4: {  	v50 =	vld [tilespmem:s25+$0xC750]  }
0x3a5: {  	v52 =	vld [tilespmem:s25+$0x8760];
	v51 =	vmul.f32 v44, v43;
	v18 =	vadd.f32 v48, v18  }
0x3a6: {  	v53 =	vld [tilespmem:s25+$0xC760]  }
0x3a7: {  	v55 =	vld [tilespmem:s25+$0x8770];
	v54 =	vmul.f32 v47, v46;
	v18 =	vadd.f32 v51, v18  }
0x3a8: {  	v56 =	vld [tilespmem:s25+$0xC770]  }
0x3a9: {  	v59 =	vld [tilespmem:s22+$0x8AC0];
	v58 =	vmul.f32 v50, v49;
	v18 =	vadd.f32 v54, v18  }
0x3aa: {  	v60 =	vld [tilespmem:s22+$0xCAC0]  }
0x3ab: {  	v62 =	vld [tilespmem:s22+$0x8AD0];
	v61 =	vmul.f32 v53, v52;
	v18 =	vadd.f32 v58, v18  }
0x3ac: {  	v63 =	vld [tilespmem:s22+$0xCAD0]  }
0x3ad: {  	v37 =	vld [tilespmem:s22+$0x8AE0];
	v36 =	vmul.f32 v56, v55;
	v18 =	vadd.f32 v61, v18  }
0x3ae: {  	v19 =	vld [tilespmem:s22+$0xCAA0]  }
0x3af: {  	v38 =	vld [tilespmem:s22+$0xCAE0];
	v18 =	vadd.f32 v36, v18  }
0x3b0: {  	v39 =	vld [tilespmem:s22+$0x8AF0]  }
0x3b1: {  	v40 =	vld [tilespmem:s22+$0xCAF0];
	[tilespmem:s23+$0x10C22] =	vst v18  }
0x3b2: {  	v18 =	vld [tilespmem:s25+$0x8780]  }
0x3b3: {  	v17 =	vmul.f32 v22, v17;
	v20 =	vmul.f32 v20, v23;
	v41 =	vld [tilespmem:s25+$0xC780]  }
0x3b4: {  	v42 =	vld [tilespmem:s25+$0x8790]  }
0x3b5: {  	v17 =	vadd.f32 v20, v17;
	v19 =	vmul.f32 v19, v21;
	v43 =	vld [tilespmem:s25+$0xC790]  }
0x3b6: {  	v44 =	vld [tilespmem:s25+$0x87A0]  }
0x3b7: {  	v17 =	vadd.f32 v19, v17;
	v19 =	vmul.f32 v57, v24;
	v45 =	vld [tilespmem:s25+$0xC7A0]  }
0x3b8: {  	v46 =	vld [tilespmem:s25+$0x87B0]  }
0x3b9: {  	v17 =	vadd.f32 v19, v17;
	v19 =	vmul.f32 v60, v59;
	v47 =	vld [tilespmem:s25+$0xC7B0]  }
0x3ba: {  	v48 =	vld [tilespmem:s25+$0x87C0];
	v18 =	vmul.f32 v41, v18;
	v20 =	vmul.f32 v43, v42  }
0x3bb: {  	v17 =	vadd.f32 v19, v17;
	v19 =	vmul.f32 v63, v62;
	v49 =	vld [tilespmem:s25+$0xC7C0]  }
0x3bc: {  	v51 =	vld [tilespmem:s25+$0x87D0];
	v50 =	vmul.f32 v45, v44;
	v18 =	vadd.f32 v20, v18  }
0x3bd: {  	v17 =	vadd.f32 v19, v17;
	v19 =	vmul.f32 v38, v37;
	v52 =	vld [tilespmem:s25+$0xC7D0]  }
0x3be: {  	v54 =	vld [tilespmem:s25+$0x87E0];
	v53 =	vmul.f32 v47, v46;
	v18 =	vadd.f32 v50, v18  }
0x3bf: {  	v17 =	vadd.f32 v19, v17;
	v19 =	vmul.f32 v40, v39;
	v55 =	vld [tilespmem:s25+$0xC7E0]  }
0x3c0: {  	v57 =	vld [tilespmem:s25+$0x87F0];
	v56 =	vmul.f32 v49, v48;
	v18 =	vadd.f32 v53, v18  }
0x3c1: {  	v17 =	vadd.f32 v19, v17;
	v19 =	vld [tilespmem:s25+$0xC7F0]  }
0x3c2: {  	v58 =	vmul.f32 v52, v51;
	v18 =	vadd.f32 v56, v18  }
0x3c3: {  	[tilespmem:s20+$0x10C99] =	vst v17  }
0x3c4: {  	v17 =	vld [tilespmem:s22+$0x8B00];
	v59 =	vmul.f32 v55, v54;
	v18 =	vadd.f32 v58, v18  }
0x3c5: {  	v21 =	vld [tilespmem:s22+$0xCB00]  }
0x3c6: {  	v23 =	vld [tilespmem:s22+$0x8B10];
	v19 =	vmul.f32 v19, v57;
	v18 =	vadd.f32 v59, v18  }
0x3c7: {  	v22 =	vld [tilespmem:s22+$0x8B20]  }
0x3c8: {  	v24 =	vld [tilespmem:s22+$0x8B30];
	v18 =	vadd.f32 v19, v18  }
0x3c9: {  	v48 =	vld [tilespmem:s22+$0xCB30]  }
0x3ca: {  	v51 =	vld [tilespmem:s22+$0xCB40];
	[tilespmem:s23+$0x10C33] =	vst v18  }
0x3cb: {  	v18 =	vld [tilespmem:s25+$0x8800]  }
0x3cc: {  	v60 =	vld [tilespmem:s25+$0xC800]  }
0x3cd: {  	v61 =	vld [tilespmem:s25+$0x8810]  }
0x3ce: {  	v62 =	vld [tilespmem:s25+$0xC810]  }
0x3cf: {  	v63 =	vld [tilespmem:s25+$0x8820]  }
0x3d0: {  	v33 =	vld [tilespmem:s25+$0xC820]  }
0x3d1: {  	v34 =	vld [tilespmem:s25+$0x8830]  }
0x3d2: {  	v35 =	vld [tilespmem:s25+$0xC830]  }
0x3d3: {  	v37 =	vld [tilespmem:s25+$0x8840];
	v18 =	vmul.f32 v60, v18;
	v36 =	vmul.f32 v62, v61  }
0x3d4: {  	v38 =	vld [tilespmem:s25+$0xC840]  }
0x3d5: {  	v40 =	vld [tilespmem:s25+$0x8850];
	v39 =	vmul.f32 v33, v63;
	v18 =	vadd.f32 v36, v18  }
0x3d6: {  	v41 =	vld [tilespmem:s25+$0xC850]  }
0x3d7: {  	v43 =	vld [tilespmem:s25+$0x8860];
	v42 =	vmul.f32 v35, v34;
	v18 =	vadd.f32 v39, v18  }
0x3d8: {  	v44 =	vld [tilespmem:s25+$0xC860]  }
0x3d9: {  	v46 =	vld [tilespmem:s25+$0x8870];
	v45 =	vmul.f32 v38, v37;
	v18 =	vadd.f32 v42, v18  }
0x3da: {  	v47 =	vld [tilespmem:s25+$0xC870]  }
0x3db: {  	v54 =	vld [tilespmem:s22+$0xCB50];
	v49 =	vmul.f32 v41, v40;
	v18 =	vadd.f32 v45, v18  }
0x3dc: {  	v57 =	vld [tilespmem:s22+$0xCB60]  }
0x3dd: {  	v20 =	vld [tilespmem:s22+$0xCB10];
	v52 =	vmul.f32 v44, v43;
	v18 =	vadd.f32 v49, v18  }
0x3de: {  	v50 =	vld [tilespmem:s22+$0x8B40]  }
0x3df: {  	v53 =	vld [tilespmem:s22+$0x8B50];
	v55 =	vmul.f32 v47, v46;
	v18 =	vadd.f32 v52, v18  }
0x3e0: {  	v56 =	vld [tilespmem:s22+$0x8B60]  }
0x3e1: {  	v58 =	vld [tilespmem:s22+$0x8B70];
	v18 =	vadd.f32 v55, v18  }
0x3e2: {  	v19 =	vld [tilespmem:s22+$0xCB20]  }
0x3e3: {  	v59 =	vld [tilespmem:s22+$0xCB70];
	[tilespmem:s23+$0x10C44] =	vst v18  }
0x3e4: {  	v18 =	vld [tilespmem:s25+$0x8880]  }
0x3e5: {  	v17 =	vmul.f32 v21, v17;
	v20 =	vmul.f32 v20, v23;
	v60 =	vld [tilespmem:s25+$0xC880]  }
0x3e6: {  	v61 =	vld [tilespmem:s25+$0x8890]  }
0x3e7: {  	v17 =	vadd.f32 v20, v17;
	v19 =	vmul.f32 v19, v22;
	v62 =	vld [tilespmem:s25+$0xC890]  }
0x3e8: {  	v63 =	vld [tilespmem:s25+$0x88A0]  }
0x3e9: {  	v17 =	vadd.f32 v19, v17;
	v19 =	vmul.f32 v48, v24;
	v36 =	vld [tilespmem:s25+$0xC8A0]  }
0x3ea: {  	v37 =	vld [tilespmem:s25+$0x88B0]  }
0x3eb: {  	v17 =	vadd.f32 v19, v17;
	v19 =	vmul.f32 v51, v50;
	v38 =	vld [tilespmem:s25+$0xC8B0]  }
0x3ec: {  	v39 =	vld [tilespmem:s25+$0x88C0];
	v18 =	vmul.f32 v60, v18;
	v20 =	vmul.f32 v62, v61  }
0x3ed: {  	v17 =	vadd.f32 v19, v17;
	v19 =	vmul.f32 v54, v53;
	v40 =	vld [tilespmem:s25+$0xC8C0]  }
0x3ee: {  	v42 =	vld [tilespmem:s25+$0x88D0];
	v41 =	vmul.f32 v36, v63;
	v18 =	vadd.f32 v20, v18  }
0x3ef: {  	v17 =	vadd.f32 v19, v17;
	v19 =	vmul.f32 v57, v56;
	v43 =	vld [tilespmem:s25+$0xC8D0]  }
0x3f0: {  	v45 =	vld [tilespmem:s25+$0x88E0];
	v44 =	vmul.f32 v38, v37;
	v18 =	vadd.f32 v41, v18  }
0x3f1: {  	v17 =	vadd.f32 v19, v17;
	v19 =	vmul.f32 v59, v58;
	v46 =	vld [tilespmem:s25+$0xC8E0]  }
0x3f2: {  	v48 =	vld [tilespmem:s25+$0x88F0];
	v47 =	vmul.f32 v40, v39;
	v18 =	vadd.f32 v44, v18  }
0x3f3: {  	v17 =	vadd.f32 v19, v17;
	v19 =	vld [tilespmem:s25+$0xC8F0]  }
0x3f4: {  	v49 =	vmul.f32 v43, v42;
	v18 =	vadd.f32 v47, v18  }
0x3f5: {  	[tilespmem:s20+$0x10CAA] =	vst v17  }
0x3f6: {  	v17 =	vld [tilespmem:s22+$0x8B80];
	v50 =	vmul.f32 v46, v45;
	v18 =	vadd.f32 v49, v18  }
0x3f7: {  	v22 =	vld [tilespmem:s22+$0xCB80]  }
0x3f8: {  	v23 =	vld [tilespmem:s22+$0x8B90];
	v19 =	vmul.f32 v19, v48;
	v18 =	vadd.f32 v50, v18  }
0x3f9: {  	v21 =	vld [tilespmem:s22+$0x8BA0]  }
0x3fa: {  	v24 =	vld [tilespmem:s22+$0x8BB0];
	v18 =	vadd.f32 v19, v18  }
0x3fb: {  	v42 =	vld [tilespmem:s22+$0xCBB0]  }
0x3fc: {  	v45 =	vld [tilespmem:s22+$0xCBC0];
	[tilespmem:s23+$0x10C55] =	vst v18  }
0x3fd: {  	v18 =	vld [tilespmem:s25+$0x8900]  }
0x3fe: {  	v51 =	vld [tilespmem:s25+$0xC900]  }
0x3ff: {  	v52 =	vld [tilespmem:s25+$0x8910]  }
0x400: {  	v53 =	vld [tilespmem:s25+$0xC910]  }
0x401: {  	v54 =	vld [tilespmem:s25+$0x8920]  }
0x402: {  	v55 =	vld [tilespmem:s25+$0xC920]  }
0x403: {  	v56 =	vld [tilespmem:s25+$0x8930]  }
0x404: {  	v57 =	vld [tilespmem:s25+$0xC930]  }
0x405: {  	v59 =	vld [tilespmem:s25+$0x8940];
	v18 =	vmul.f32 v51, v18;
	v58 =	vmul.f32 v53, v52  }
0x406: {  	v60 =	vld [tilespmem:s25+$0xC940]  }
0x407: {  	v62 =	vld [tilespmem:s25+$0x8950];
	v61 =	vmul.f32 v55, v54;
	v18 =	vadd.f32 v58, v18  }
0x408: {  	v63 =	vld [tilespmem:s25+$0xC950]  }
0x409: {  	v37 =	vld [tilespmem:s25+$0x8960];
	v36 =	vmul.f32 v57, v56;
	v18 =	vadd.f32 v61, v18  }
0x40a: {  	v38 =	vld [tilespmem:s25+$0xC960]  }
0x40b: {  	v40 =	vld [tilespmem:s25+$0x8970];
	v39 =	vmul.f32 v60, v59;
	v18 =	vadd.f32 v36, v18  }
0x40c: {  	v41 =	vld [tilespmem:s25+$0xC970]  }
0x40d: {  	v48 =	vld [tilespmem:s22+$0xCBD0];
	v43 =	vmul.f32 v63, v62;
	v18 =	vadd.f32 v39, v18  }
0x40e: {  	v20 =	vld [tilespmem:s22+$0xCB90]  }
0x40f: {  	v44 =	vld [tilespmem:s22+$0x8BC0];
	v46 =	vmul.f32 v38, v37;
	v18 =	vadd.f32 v43, v18  }
0x410: {  	v47 =	vld [tilespmem:s22+$0x8BD0]  }
0x411: {  	v50 =	vld [tilespmem:s22+$0x8BE0];
	v49 =	vmul.f32 v41, v40;
	v18 =	vadd.f32 v46, v18  }
0x412: {  	v19 =	vld [tilespmem:s22+$0xCBA0]  }
0x413: {  	v51 =	vld [tilespmem:s22+$0xCBE0];
	v18 =	vadd.f32 v49, v18  }
0x414: {  	v52 =	vld [tilespmem:s22+$0x8BF0]  }
0x415: {  	v53 =	vld [tilespmem:s22+$0xCBF0];
	[tilespmem:s23+$0x10C66] =	vst v18  }
0x416: {  	v18 =	vld [tilespmem:s25+$0x8980]  }
0x417: {  	v17 =	vmul.f32 v22, v17;
	v20 =	vmul.f32 v20, v23;
	v54 =	vld [tilespmem:s25+$0xC980]  }
0x418: {  	v55 =	vld [tilespmem:s25+$0x8990]  }
0x419: {  	v17 =	vadd.f32 v20, v17;
	v19 =	vmul.f32 v19, v21;
	v56 =	vld [tilespmem:s25+$0xC990]  }
0x41a: {  	v57 =	vld [tilespmem:s25+$0x89A0]  }
0x41b: {  	v17 =	vadd.f32 v19, v17;
	v19 =	vmul.f32 v42, v24;
	v58 =	vld [tilespmem:s25+$0xC9A0]  }
0x41c: {  	v59 =	vld [tilespmem:s25+$0x89B0]  }
0x41d: {  	v17 =	vadd.f32 v19, v17;
	v19 =	vmul.f32 v45, v44;
	v60 =	vld [tilespmem:s25+$0xC9B0]  }
0x41e: {  	v61 =	vld [tilespmem:s25+$0x89C0];
	v18 =	vmul.f32 v54, v18;
	v20 =	vmul.f32 v56, v55  }
0x41f: {  	v17 =	vadd.f32 v19, v17;
	v19 =	vmul.f32 v48, v47;
	v62 =	vld [tilespmem:s25+$0xC9C0]  }
0x420: {  	v29 =	vld [tilespmem:s25+$0x89D0];
	v63 =	vmul.f32 v58, v57;
	v18 =	vadd.f32 v20, v18  }
0x421: {  	v17 =	vadd.f32 v19, v17;
	v19 =	vmul.f32 v51, v50;
	v30 =	vld [tilespmem:s25+$0xC9D0]  }
0x422: {  	v32 =	vld [tilespmem:s25+$0x89E0];
	v31 =	vmul.f32 v60, v59;
	v18 =	vadd.f32 v63, v18  }
0x423: {  	v17 =	vadd.f32 v19, v17;
	v19 =	vmul.f32 v53, v52;
	v33 =	vld [tilespmem:s25+$0xC9E0]  }
0x424: {  	v35 =	vld [tilespmem:s25+$0x89F0];
	v34 =	vmul.f32 v62, v61;
	v18 =	vadd.f32 v31, v18  }
0x425: {  	v17 =	vadd.f32 v19, v17;
	v19 =	vld [tilespmem:s25+$0xC9F0]  }
0x426: {  	v36 =	vmul.f32 v30, v29;
	v18 =	vadd.f32 v34, v18  }
0x427: {  	[tilespmem:s20+$0x10CBB] =	vst v17  }
0x428: {  	v17 =	vld [tilespmem:s22+$0x8C00];
	v37 =	vmul.f32 v33, v32;
	v18 =	vadd.f32 v36, v18  }
0x429: {  	v21 =	vld [tilespmem:s22+$0xCC00]  }
0x42a: {  	v23 =	vld [tilespmem:s22+$0x8C10];
	v19 =	vmul.f32 v19, v35;
	v18 =	vadd.f32 v37, v18  }
0x42b: {  	v22 =	vld [tilespmem:s22+$0x8C20]  }
0x42c: {  	v24 =	vld [tilespmem:s22+$0x8C30];
	v18 =	vadd.f32 v19, v18  }
0x42d: {  	v57 =	vld [tilespmem:s22+$0xCC30]  }
0x42e: {  	v59 =	vld [tilespmem:s22+$0x8C40];
	[tilespmem:s23+$0x10C77] =	vst v18  }
0x42f: {  	v18 =	vld [tilespmem:s25+$0x8A00]  }
0x430: {  	v38 =	vld [tilespmem:s25+$0xCA00]  }
0x431: {  	v39 =	vld [tilespmem:s25+$0x8A10]  }
0x432: {  	v40 =	vld [tilespmem:s25+$0xCA10]  }
0x433: {  	v41 =	vld [tilespmem:s25+$0x8A20]  }
0x434: {  	v42 =	vld [tilespmem:s25+$0xCA20]  }
0x435: {  	v43 =	vld [tilespmem:s25+$0x8A30]  }
0x436: {  	v44 =	vld [tilespmem:s25+$0xCA30]  }
0x437: {  	v46 =	vld [tilespmem:s25+$0x8A40];
	v18 =	vmul.f32 v38, v18;
	v45 =	vmul.f32 v40, v39  }
0x438: {  	v47 =	vld [tilespmem:s25+$0xCA40]  }
0x439: {  	v49 =	vld [tilespmem:s25+$0x8A50];
	v48 =	vmul.f32 v42, v41;
	v18 =	vadd.f32 v45, v18  }
0x43a: {  	v50 =	vld [tilespmem:s25+$0xCA50]  }
0x43b: {  	v52 =	vld [tilespmem:s25+$0x8A60];
	v51 =	vmul.f32 v44, v43;
	v18 =	vadd.f32 v48, v18  }
0x43c: {  	v53 =	vld [tilespmem:s25+$0xCA60]  }
0x43d: {  	v55 =	vld [tilespmem:s25+$0x8A70];
	v54 =	vmul.f32 v47, v46;
	v18 =	vadd.f32 v51, v18  }
0x43e: {  	v56 =	vld [tilespmem:s25+$0xCA70]  }
0x43f: {  	v60 =	vld [tilespmem:s22+$0xCC40];
	v58 =	vmul.f32 v50, v49;
	v18 =	vadd.f32 v54, v18  }
0x440: {  	v62 =	vld [tilespmem:s22+$0x8C50]  }
0x441: {  	v20 =	vld [tilespmem:s22+$0xCC10];
	v61 =	vmul.f32 v53, v52;
	v18 =	vadd.f32 v58, v18  }
0x442: {  	v63 =	vld [tilespmem:s22+$0xCC50]  }
0x443: {  	v37 =	vld [tilespmem:s22+$0x8C60];
	v36 =	vmul.f32 v56, v55;
	v18 =	vadd.f32 v61, v18  }
0x444: {  	v19 =	vld [tilespmem:s22+$0xCC20]  }
0x445: {  	v38 =	vld [tilespmem:s22+$0xCC60];
	v18 =	vadd.f32 v36, v18  }
0x446: {  	v39 =	vld [tilespmem:s22+$0x8C70]  }
0x447: {  	v40 =	vld [tilespmem:s22+$0xCC70];
	[tilespmem:s23+$0x10C88] =	vst v18  }
0x448: {  	v18 =	vld [tilespmem:s25+$0x8A80]  }
0x449: {  	v17 =	vmul.f32 v21, v17;
	v20 =	vmul.f32 v20, v23;
	v41 =	vld [tilespmem:s25+$0xCA80]  }
0x44a: {  	v42 =	vld [tilespmem:s25+$0x8A90]  }
0x44b: {  	v17 =	vadd.f32 v20, v17;
	v19 =	vmul.f32 v19, v22;
	v43 =	vld [tilespmem:s25+$0xCA90]  }
0x44c: {  	v44 =	vld [tilespmem:s25+$0x8AA0]  }
0x44d: {  	v17 =	vadd.f32 v19, v17;
	v19 =	vmul.f32 v57, v24;
	v45 =	vld [tilespmem:s25+$0xCAA0]  }
0x44e: {  	v46 =	vld [tilespmem:s25+$0x8AB0]  }
0x44f: {  	v17 =	vadd.f32 v19, v17;
	v19 =	vmul.f32 v60, v59;
	v47 =	vld [tilespmem:s25+$0xCAB0]  }
0x450: {  	v48 =	vld [tilespmem:s25+$0x8AC0];
	v18 =	vmul.f32 v41, v18;
	v20 =	vmul.f32 v43, v42  }
0x451: {  	v17 =	vadd.f32 v19, v17;
	v19 =	vmul.f32 v63, v62;
	v49 =	vld [tilespmem:s25+$0xCAC0]  }
0x452: {  	v51 =	vld [tilespmem:s25+$0x8AD0];
	v50 =	vmul.f32 v45, v44;
	v18 =	vadd.f32 v20, v18  }
0x453: {  	v17 =	vadd.f32 v19, v17;
	v19 =	vmul.f32 v38, v37;
	v52 =	vld [tilespmem:s25+$0xCAD0]  }
0x454: {  	v54 =	vld [tilespmem:s25+$0x8AE0];
	v53 =	vmul.f32 v47, v46;
	v18 =	vadd.f32 v50, v18  }
0x455: {  	v17 =	vadd.f32 v19, v17;
	v19 =	vmul.f32 v40, v39;
	v55 =	vld [tilespmem:s25+$0xCAE0]  }
0x456: {  	v57 =	vld [tilespmem:s25+$0x8AF0];
	v56 =	vmul.f32 v49, v48;
	v18 =	vadd.f32 v53, v18  }
0x457: {  	v17 =	vadd.f32 v19, v17;
	v19 =	vld [tilespmem:s25+$0xCAF0]  }
0x458: {  	v58 =	vmul.f32 v52, v51;
	v18 =	vadd.f32 v56, v18  }
0x459: {  	[tilespmem:s20+$0x10CCC] =	vst v17  }
0x45a: {  	v17 =	vld [tilespmem:s22+$0x8C80];
	v59 =	vmul.f32 v55, v54;
	v18 =	vadd.f32 v58, v18  }
0x45b: {  	v22 =	vld [tilespmem:s22+$0xCC80]  }
0x45c: {  	v23 =	vld [tilespmem:s22+$0x8C90];
	v19 =	vmul.f32 v19, v57;
	v18 =	vadd.f32 v59, v18  }
0x45d: {  	v21 =	vld [tilespmem:s22+$0x8CA0]  }
0x45e: {  	v24 =	vld [tilespmem:s22+$0x8CB0];
	v18 =	vadd.f32 v19, v18  }
0x45f: {  	v48 =	vld [tilespmem:s22+$0xCCB0]  }
0x460: {  	v51 =	vld [tilespmem:s22+$0xCCC0];
	[tilespmem:s23+$0x10C99] =	vst v18  }
0x461: {  	v18 =	vld [tilespmem:s25+$0x8B00]  }
0x462: {  	v60 =	vld [tilespmem:s25+$0xCB00]  }
0x463: {  	v61 =	vld [tilespmem:s25+$0x8B10]  }
0x464: {  	v62 =	vld [tilespmem:s25+$0xCB10]  }
0x465: {  	v63 =	vld [tilespmem:s25+$0x8B20]  }
0x466: {  	v33 =	vld [tilespmem:s25+$0xCB20]  }
0x467: {  	v34 =	vld [tilespmem:s25+$0x8B30]  }
0x468: {  	v35 =	vld [tilespmem:s25+$0xCB30]  }
0x469: {  	v37 =	vld [tilespmem:s25+$0x8B40];
	v18 =	vmul.f32 v60, v18;
	v36 =	vmul.f32 v62, v61  }
0x46a: {  	v38 =	vld [tilespmem:s25+$0xCB40]  }
0x46b: {  	v40 =	vld [tilespmem:s25+$0x8B50];
	v39 =	vmul.f32 v33, v63;
	v18 =	vadd.f32 v36, v18  }
0x46c: {  	v41 =	vld [tilespmem:s25+$0xCB50]  }
0x46d: {  	v43 =	vld [tilespmem:s25+$0x8B60];
	v42 =	vmul.f32 v35, v34;
	v18 =	vadd.f32 v39, v18  }
0x46e: {  	v44 =	vld [tilespmem:s25+$0xCB60]  }
0x46f: {  	v46 =	vld [tilespmem:s25+$0x8B70];
	v45 =	vmul.f32 v38, v37;
	v18 =	vadd.f32 v42, v18  }
0x470: {  	v47 =	vld [tilespmem:s25+$0xCB70]  }
0x471: {  	v54 =	vld [tilespmem:s22+$0xCCD0];
	v49 =	vmul.f32 v41, v40;
	v18 =	vadd.f32 v45, v18  }
0x472: {  	v57 =	vld [tilespmem:s22+$0xCCE0]  }
0x473: {  	v20 =	vld [tilespmem:s22+$0xCC90];
	v52 =	vmul.f32 v44, v43;
	v18 =	vadd.f32 v49, v18  }
0x474: {  	v50 =	vld [tilespmem:s22+$0x8CC0]  }
0x475: {  	v53 =	vld [tilespmem:s22+$0x8CD0];
	v55 =	vmul.f32 v47, v46;
	v18 =	vadd.f32 v52, v18  }
0x476: {  	v56 =	vld [tilespmem:s22+$0x8CE0]  }
0x477: {  	v58 =	vld [tilespmem:s22+$0x8CF0];
	v18 =	vadd.f32 v55, v18  }
0x478: {  	v19 =	vld [tilespmem:s22+$0xCCA0]  }
0x479: {  	v59 =	vld [tilespmem:s22+$0xCCF0];
	[tilespmem:s23+$0x10CAA] =	vst v18  }
0x47a: {  	v18 =	vld [tilespmem:s25+$0x8B80]  }
0x47b: {  	v17 =	vmul.f32 v22, v17;
	v20 =	vmul.f32 v20, v23;
	v60 =	vld [tilespmem:s25+$0xCB80]  }
0x47c: {  	v61 =	vld [tilespmem:s25+$0x8B90]  }
0x47d: {  	v17 =	vadd.f32 v20, v17;
	v19 =	vmul.f32 v19, v21;
	v62 =	vld [tilespmem:s25+$0xCB90]  }
0x47e: {  	v63 =	vld [tilespmem:s25+$0x8BA0]  }
0x47f: {  	v17 =	vadd.f32 v19, v17;
	v19 =	vmul.f32 v48, v24;
	v36 =	vld [tilespmem:s25+$0xCBA0]  }
0x480: {  	v37 =	vld [tilespmem:s25+$0x8BB0]  }
0x481: {  	v17 =	vadd.f32 v19, v17;
	v19 =	vmul.f32 v51, v50;
	v38 =	vld [tilespmem:s25+$0xCBB0]  }
0x482: {  	v39 =	vld [tilespmem:s25+$0x8BC0];
	v18 =	vmul.f32 v60, v18;
	v20 =	vmul.f32 v62, v61  }
0x483: {  	v17 =	vadd.f32 v19, v17;
	v19 =	vmul.f32 v54, v53;
	v40 =	vld [tilespmem:s25+$0xCBC0]  }
0x484: {  	v42 =	vld [tilespmem:s25+$0x8BD0];
	v41 =	vmul.f32 v36, v63;
	v18 =	vadd.f32 v20, v18  }
0x485: {  	v17 =	vadd.f32 v19, v17;
	v19 =	vmul.f32 v57, v56;
	v43 =	vld [tilespmem:s25+$0xCBD0]  }
0x486: {  	v45 =	vld [tilespmem:s25+$0x8BE0];
	v44 =	vmul.f32 v38, v37;
	v18 =	vadd.f32 v41, v18  }
0x487: {  	v17 =	vadd.f32 v19, v17;
	v19 =	vmul.f32 v59, v58;
	v46 =	vld [tilespmem:s25+$0xCBE0]  }
0x488: {  	v48 =	vld [tilespmem:s25+$0x8BF0];
	v47 =	vmul.f32 v40, v39;
	v18 =	vadd.f32 v44, v18  }
0x489: {  	v17 =	vadd.f32 v19, v17;
	v19 =	vld [tilespmem:s25+$0xCBF0]  }
0x48a: {  	v49 =	vmul.f32 v43, v42;
	v18 =	vadd.f32 v47, v18  }
0x48b: {  	[tilespmem:s20+$0x10CDD] =	vst v17  }
0x48c: {  	v17 =	vld [tilespmem:s22+$0x8D00];
	v50 =	vmul.f32 v46, v45;
	v18 =	vadd.f32 v49, v18  }
0x48d: {  	v21 =	vld [tilespmem:s22+$0xCD00]  }
0x48e: {  	v23 =	vld [tilespmem:s22+$0x8D10];
	v19 =	vmul.f32 v19, v48;
	v18 =	vadd.f32 v50, v18  }
0x48f: {  	v22 =	vld [tilespmem:s22+$0x8D20]  }
0x490: {  	v24 =	vld [tilespmem:s22+$0x8D30];
	v18 =	vadd.f32 v19, v18  }
0x491: {  	v42 =	vld [tilespmem:s22+$0xCD30]  }
0x492: {  	v45 =	vld [tilespmem:s22+$0xCD40];
	[tilespmem:s23+$0x10CBB] =	vst v18  }
0x493: {  	v18 =	vld [tilespmem:s25+$0x8C00]  }
0x494: {  	v51 =	vld [tilespmem:s25+$0xCC00]  }
0x495: {  	v52 =	vld [tilespmem:s25+$0x8C10]  }
0x496: {  	v53 =	vld [tilespmem:s25+$0xCC10]  }
0x497: {  	v54 =	vld [tilespmem:s25+$0x8C20]  }
0x498: {  	v55 =	vld [tilespmem:s25+$0xCC20]  }
0x499: {  	v56 =	vld [tilespmem:s25+$0x8C30]  }
0x49a: {  	v57 =	vld [tilespmem:s25+$0xCC30]  }
0x49b: {  	v59 =	vld [tilespmem:s25+$0x8C40];
	v18 =	vmul.f32 v51, v18;
	v58 =	vmul.f32 v53, v52  }
0x49c: {  	v60 =	vld [tilespmem:s25+$0xCC40]  }
0x49d: {  	v62 =	vld [tilespmem:s25+$0x8C50];
	v61 =	vmul.f32 v55, v54;
	v18 =	vadd.f32 v58, v18  }
0x49e: {  	v63 =	vld [tilespmem:s25+$0xCC50]  }
0x49f: {  	v37 =	vld [tilespmem:s25+$0x8C60];
	v36 =	vmul.f32 v57, v56;
	v18 =	vadd.f32 v61, v18  }
0x4a0: {  	v38 =	vld [tilespmem:s25+$0xCC60]  }
0x4a1: {  	v40 =	vld [tilespmem:s25+$0x8C70];
	v39 =	vmul.f32 v60, v59;
	v18 =	vadd.f32 v36, v18  }
0x4a2: {  	v41 =	vld [tilespmem:s25+$0xCC70]  }
0x4a3: {  	v48 =	vld [tilespmem:s22+$0xCD50];
	v43 =	vmul.f32 v63, v62;
	v18 =	vadd.f32 v39, v18  }
0x4a4: {  	v20 =	vld [tilespmem:s22+$0xCD10]  }
0x4a5: {  	v44 =	vld [tilespmem:s22+$0x8D40];
	v46 =	vmul.f32 v38, v37;
	v18 =	vadd.f32 v43, v18  }
0x4a6: {  	v47 =	vld [tilespmem:s22+$0x8D50]  }
0x4a7: {  	v50 =	vld [tilespmem:s22+$0x8D60];
	v49 =	vmul.f32 v41, v40;
	v18 =	vadd.f32 v46, v18  }
0x4a8: {  	v19 =	vld [tilespmem:s22+$0xCD20]  }
0x4a9: {  	v51 =	vld [tilespmem:s22+$0xCD60];
	v18 =	vadd.f32 v49, v18  }
0x4aa: {  	v52 =	vld [tilespmem:s22+$0x8D70]  }
0x4ab: {  	v53 =	vld [tilespmem:s22+$0xCD70];
	[tilespmem:s23+$0x10CCC] =	vst v18  }
0x4ac: {  	v18 =	vld [tilespmem:s25+$0x8C80]  }
0x4ad: {  	v17 =	vmul.f32 v21, v17;
	v20 =	vmul.f32 v20, v23;
	v54 =	vld [tilespmem:s25+$0xCC80]  }
0x4ae: {  	v55 =	vld [tilespmem:s25+$0x8C90]  }
0x4af: {  	v17 =	vadd.f32 v20, v17;
	v19 =	vmul.f32 v19, v22;
	v56 =	vld [tilespmem:s25+$0xCC90]  }
0x4b0: {  	v57 =	vld [tilespmem:s25+$0x8CA0]  }
0x4b1: {  	v17 =	vadd.f32 v19, v17;
	v19 =	vmul.f32 v42, v24;
	v58 =	vld [tilespmem:s25+$0xCCA0]  }
0x4b2: {  	v59 =	vld [tilespmem:s25+$0x8CB0]  }
0x4b3: {  	v17 =	vadd.f32 v19, v17;
	v19 =	vmul.f32 v45, v44;
	v60 =	vld [tilespmem:s25+$0xCCB0]  }
0x4b4: {  	v61 =	vld [tilespmem:s25+$0x8CC0];
	v18 =	vmul.f32 v54, v18;
	v20 =	vmul.f32 v56, v55  }
0x4b5: {  	v17 =	vadd.f32 v19, v17;
	v19 =	vmul.f32 v48, v47;
	v62 =	vld [tilespmem:s25+$0xCCC0]  }
0x4b6: {  	v29 =	vld [tilespmem:s25+$0x8CD0];
	v63 =	vmul.f32 v58, v57;
	v18 =	vadd.f32 v20, v18  }
0x4b7: {  	v17 =	vadd.f32 v19, v17;
	v19 =	vmul.f32 v51, v50;
	v30 =	vld [tilespmem:s25+$0xCCD0]  }
0x4b8: {  	v32 =	vld [tilespmem:s25+$0x8CE0];
	v31 =	vmul.f32 v60, v59;
	v18 =	vadd.f32 v63, v18  }
0x4b9: {  	v17 =	vadd.f32 v19, v17;
	v19 =	vmul.f32 v53, v52;
	v34 =	vld [tilespmem:s25+$0xCCE0]  }
0x4ba: {  	v36 =	vld [tilespmem:s25+$0x8CF0];
	v35 =	vmul.f32 v62, v61;
	v18 =	vadd.f32 v31, v18  }
0x4bb: {  	v17 =	vadd.f32 v19, v17;
	v19 =	vld [tilespmem:s25+$0xCCF0]  }
0x4bc: {  	v37 =	vmul.f32 v30, v29;
	v18 =	vadd.f32 v35, v18  }
0x4bd: {  	[tilespmem:s20+$0x10CEE] =	vst v17  }
0x4be: {  	v17 =	vld [tilespmem:s22+$0x8D80];
	v38 =	vmul.f32 v34, v32;
	v18 =	vadd.f32 v37, v18  }
0x4bf: {  	v22 =	vld [tilespmem:s22+$0xCD80]  }
0x4c0: {  	v23 =	vld [tilespmem:s22+$0x8D90];
	v19 =	vmul.f32 v19, v36;
	v18 =	vadd.f32 v38, v18  }
0x4c1: {  	v21 =	vld [tilespmem:s22+$0x8DA0]  }
0x4c2: {  	v24 =	vld [tilespmem:s22+$0x8DB0];
	v18 =	vadd.f32 v19, v18  }
0x4c3: {  	v58 =	vld [tilespmem:s22+$0xCDB0]  }
0x4c4: {  	v60 =	vld [tilespmem:s22+$0x8DC0];
	[tilespmem:s23+$0x10CDD] =	vst v18  }
0x4c5: {  	v18 =	vld [tilespmem:s25+$0x8D00]  }
0x4c6: {  	v39 =	vld [tilespmem:s25+$0xCD00]  }
0x4c7: {  	v40 =	vld [tilespmem:s25+$0x8D10]  }
0x4c8: {  	v41 =	vld [tilespmem:s25+$0xCD10]  }
0x4c9: {  	v42 =	vld [tilespmem:s25+$0x8D20]  }
0x4ca: {  	v43 =	vld [tilespmem:s25+$0xCD20]  }
0x4cb: {  	v44 =	vld [tilespmem:s25+$0x8D30]  }
0x4cc: {  	v45 =	vld [tilespmem:s25+$0xCD30]  }
0x4cd: {  	v47 =	vld [tilespmem:s25+$0x8D40];
	v18 =	vmul.f32 v39, v18;
	v46 =	vmul.f32 v41, v40  }
0x4ce: {  	v48 =	vld [tilespmem:s25+$0xCD40]  }
0x4cf: {  	v50 =	vld [tilespmem:s25+$0x8D50];
	v49 =	vmul.f32 v43, v42;
	v18 =	vadd.f32 v46, v18  }
0x4d0: {  	v51 =	vld [tilespmem:s25+$0xCD50]  }
0x4d1: {  	v53 =	vld [tilespmem:s25+$0x8D60];
	v52 =	vmul.f32 v45, v44;
	v18 =	vadd.f32 v49, v18  }
0x4d2: {  	v54 =	vld [tilespmem:s25+$0xCD60]  }
0x4d3: {  	v56 =	vld [tilespmem:s25+$0x8D70];
	v55 =	vmul.f32 v48, v47;
	v18 =	vadd.f32 v52, v18  }
0x4d4: {  	v57 =	vld [tilespmem:s25+$0xCD70]  }
0x4d5: {  	v61 =	vld [tilespmem:s22+$0xCDC0];
	v59 =	vmul.f32 v51, v50;
	v18 =	vadd.f32 v55, v18  }
0x4d6: {  	v20 =	vld [tilespmem:s22+$0xCD90]  }
0x4d7: {  	v63 =	vld [tilespmem:s22+$0x8DD0];
	v62 =	vmul.f32 v54, v53;
	v18 =	vadd.f32 v59, v18  }
0x4d8: {  	v19 =	vld [tilespmem:s22+$0xCDA0]  }
0x4d9: {  	v40 =	vld [tilespmem:s22+$0xCDD0];
	v41 =	vmul.f32 v57, v56;
	v18 =	vadd.f32 v62, v18  }
0x4da: {  	v42 =	vld [tilespmem:s22+$0x8DE0]  }
0x4db: {  	v43 =	vld [tilespmem:s22+$0xCDE0];
	v18 =	vadd.f32 v41, v18  }
0x4dc: {  	v44 =	vld [tilespmem:s22+$0x8DF0]  }
0x4dd: {  	v45 =	vld [tilespmem:s22+$0xCDF0];
	[tilespmem:s23+$0x10CEE] =	vst v18  }
0x4de: {  	v18 =	vld [tilespmem:s25+$0x8D80]  }
0x4df: {  	v34 =	vld [tilespmem:s25+$0xCD80]  }
0x4e0: {  	v35 =	vld [tilespmem:s25+$0x8D90]  }
0x4e1: {  	v36 =	vld [tilespmem:s25+$0xCD90]  }
0x4e2: {  	v37 =	vld [tilespmem:s25+$0x8DA0]  }
0x4e3: {  	v17 =	vmul.f32 v22, v17;
	v20 =	vmul.f32 v20, v23;
	v46 =	vld [tilespmem:s25+$0xCDA0]  }
0x4e4: {  	v47 =	vld [tilespmem:s25+$0x8DB0]  }
0x4e5: {  	v17 =	vadd.f32 v20, v17;
	v19 =	vmul.f32 v19, v21;
	v48 =	vld [tilespmem:s25+$0xCDB0]  }
0x4e6: {  	v50 =	vld [tilespmem:s25+$0x8DC0];
	v18 =	vmul.f32 v34, v18;
	v49 =	vmul.f32 v36, v35  }
0x4e7: {  	v17 =	vadd.f32 v19, v17;
	v19 =	vmul.f32 v58, v24;
	v51 =	vld [tilespmem:s25+$0xCDC0]  }
0x4e8: {  	v53 =	vld [tilespmem:s25+$0x8DD0];
	v52 =	vmul.f32 v46, v37;
	v18 =	vadd.f32 v49, v18  }
0x4e9: {  	v17 =	vadd.f32 v19, v17;
	v19 =	vmul.f32 v61, v60;
	v54 =	vld [tilespmem:s25+$0xCDD0]  }
0x4ea: {  	v55 =	vld [tilespmem:s25+$0x8DE0];
	v20 =	vmul.f32 v48, v47;
	v18 =	vadd.f32 v52, v18  }
0x4eb: {  	v17 =	vadd.f32 v19, v17;
	v19 =	vmul.f32 v40, v63;
	v56 =	vld [tilespmem:s25+$0xCDE0]  }
0x4ec: {  	v58 =	vld [tilespmem:s25+$0x8DF0];
	v57 =	vmul.f32 v51, v50;
	v18 =	vadd.f32 v20, v18  }
0x4ed: {  	v17 =	vadd.f32 v19, v17;
	v19 =	vmul.f32 v43, v42;
	v59 =	vld [tilespmem:s25+$0xCDF0]  }
0x4ee: {  	v60 =	vmul.f32 v54, v53;
	v18 =	vadd.f32 v57, v18  }
0x4ef: {  	v17 =	vadd.f32 v19, v17  }
0x4f0: {  	v19 =	vmul.f32 v45, v44;
	v61 =	vmul.f32 v56, v55;
	v18 =	vadd.f32 v60, v18;
	_ =	sdelay $0x1  }
0x4f1: {  	v17 =	vadd.f32 v19, v17;
	v19 =	vmul.f32 v59, v58;
	v18 =	vadd.f32 v61, v18;
	_ =	sdelay $0x1  }
0x4f2: {  	[tilespmem:s20+$0x10CFF] =	vst v17;
	v17 =	vadd.s32 s20, v0;
	s25 =	sshll.u32 s21, $0x4;
	v18 =	vadd.f32 v19, v18  }
0x4f3: {  	v62 =	vadd.s32 s23, v0;
	v63 =	vld.idx.msk [tilespmem:v16+s25+$0x10800 ss:$0x1], $0xffff  }
0x4f4: {  	s24 =	sshll.u32 s24, $0x4;
	v32 =	vadd.s32 s20, v1;
	v19 =	vld.idx.msk [tilespmem:v16+s25+$0x10600 ss:$0x1], $0xffff;
	[tilespmem:s23+$0x10CFF] =	vst v18  }
0x4f5: {  	v33 =	vadd.s32 s23, v1;
	v18 =	vld.idx.msk [tilespmem:v16+s24+$0x10600 ss:$0x1], $0xffff  }
0x4f6: {  	v34 =	vadd.s32 s20, v2;
	v35 =	vld.idx.msk [tilespmem:v16+s24+$0x10800 ss:$0x1], $0xffff  }
0x4f7: {  	v17 =	vld.idx.msk [tilespmem:v17+s14+$0x0], $0xffff;
	v36 =	vadd.s32 s23, v2  }
0x4f8: {  	v37 =	vadd.s32 s20, v3;
	v20 =	vld.idx.msk [tilespmem:v62+s14+$0x0], $0xffff  }
0x4f9: {  	v38 =	vadd.s32 s23, v3;
	v22 =	vld.idx.msk [tilespmem:v32+s14+$0x0], $0xffff  }
0x4fa: {  	v39 =	vadd.s32 s20, v4;
	v23 =	vld.idx.msk [tilespmem:v33+s14+$0x0], $0xffff;
	v19 =	vadd.f32 v63, v19  }
0x4fb: {  	v40 =	vadd.s32 s23, v4;
	v24 =	vld.idx.msk [tilespmem:v34+s14+$0x0], $0xffff;
	v18 =	vadd.f32 v35, v18  }
0x4fc: {  	v26 =	vld.idx.msk [tilespmem:v36+s14+$0x0], $0xffff;
	v17 =	vadd.f32 v17, v19;
	v19 =	vadd.s32 s20, v5  }
0x4fd: {  	v41 =	vadd.s32 s23, v5;
	v27 =	vld.idx.msk [tilespmem:v37+s14+$0x0], $0xffff;
	v18 =	vadd.f32 v20, v18  }
0x4fe: {  	v42 =	vadd.s32 s20, v6;
	v28 =	vld.idx.msk [tilespmem:v38+s14+$0x0], $0xffff;
	v17 =	vadd.f32 v22, v17  }
0x4ff: {  	v43 =	vadd.s32 s23, v6;
	v21 =	vld.idx.msk [tilespmem:v39+s14+$0x0], $0xffff;
	v18 =	vadd.f32 v23, v18  }
0x500: {  	v44 =	vadd.s32 s20, v7;
	v25 =	vld.idx.msk [tilespmem:v40+s14+$0x0], $0xffff;
	v17 =	vadd.f32 v24, v17  }
0x501: {  	v45 =	vadd.s32 s23, v7;
	v19 =	vld.idx.msk [tilespmem:v19+s14+$0x0], $0xffff;
	v18 =	vadd.f32 v26, v18  }
0x502: {  	v46 =	vadd.s32 s20, v8;
	v20 =	vld.idx.msk [tilespmem:v41+s14+$0x0], $0xffff;
	v17 =	vadd.f32 v27, v17  }
0x503: {  	v47 =	vadd.s32 s23, v8;
	v22 =	vld.idx.msk [tilespmem:v42+s14+$0x0], $0xffff;
	v18 =	vadd.f32 v28, v18  }
0x504: {  	v48 =	vadd.s32 s20, v9;
	v23 =	vld.idx.msk [tilespmem:v43+s14+$0x0], $0xffff;
	v17 =	vadd.f32 v21, v17  }
0x505: {  	v49 =	vadd.s32 s23, v9;
	v24 =	vld.idx.msk [tilespmem:v44+s14+$0x0], $0xffff;
	v18 =	vadd.f32 v25, v18  }
0x506: {  	v26 =	vld.idx.msk [tilespmem:v45+s14+$0x0], $0xffff;
	v17 =	vadd.f32 v19, v17;
	v19 =	vadd.s32 s20, v10  }
0x507: {  	v50 =	vadd.s32 s23, v10;
	v27 =	vld.idx.msk [tilespmem:v46+s14+$0x0], $0xffff;
	v18 =	vadd.f32 v20, v18  }
0x508: {  	v51 =	vadd.s32 s20, v11;
	v28 =	vld.idx.msk [tilespmem:v47+s14+$0x0], $0xffff;
	v17 =	vadd.f32 v22, v17  }
0x509: {  	v52 =	vadd.s32 s23, v11;
	v21 =	vld.idx.msk [tilespmem:v48+s14+$0x0], $0xffff;
	v18 =	vadd.f32 v23, v18  }
0x50a: {  	v53 =	vadd.s32 s20, v12;
	v25 =	vld.idx.msk [tilespmem:v49+s14+$0x0], $0xffff;
	v17 =	vadd.f32 v24, v17  }
0x50b: {  	v54 =	vadd.s32 s23, v12;
	v19 =	vld.idx.msk [tilespmem:v19+s14+$0x0], $0xffff;
	v18 =	vadd.f32 v26, v18  }
0x50c: {  	v55 =	vadd.s32 s20, v13;
	v20 =	vld.idx.msk [tilespmem:v50+s14+$0x0], $0xffff;
	v17 =	vadd.f32 v27, v17  }
0x50d: {  	v56 =	vadd.s32 s23, v13;
	v22 =	vld.idx.msk [tilespmem:v51+s14+$0x0], $0xffff;
	v18 =	vadd.f32 v28, v18  }
0x50e: {  	v57 =	vadd.s32 s20, v14;
	v23 =	vld.idx.msk [tilespmem:v52+s14+$0x0], $0xffff;
	v17 =	vadd.f32 v21, v17  }
0x50f: {  	v58 =	vadd.s32 s23, v14;
	v24 =	vld.idx.msk [tilespmem:v53+s14+$0x0], $0xffff;
	v18 =	vadd.f32 v25, v18  }
0x510: {  	v59 =	vadd.s32 s20, v15;
	v17 =	vadd.f32 v19, v17;
	v19 =	vld.idx.msk [tilespmem:v54+s14+$0x0], $0xffff  }
0x511: {  	v60 =	vld.idx.msk [tilespmem:v55+s14+$0x0], $0xffff;
	v61 =	vadd.s32 s23, v15;
	v18 =	vadd.f32 v20, v18  }
0x512: {  	v62 =	vld.idx.msk [tilespmem:v56+s14+$0x0], $0xffff;
	v17 =	vadd.f32 v22, v17  }
0x513: {  	v21 =	vld.idx.msk [tilespmem:v57+s14+$0x0], $0xffff;
	v18 =	vadd.f32 v23, v18  }
0x514: {  	v63 =	vld.idx.msk [tilespmem:v58+s14+$0x0], $0xffff;
	v17 =	vadd.f32 v24, v17  }
0x515: {  	v18 =	vadd.f32 v19, v18;
	v19 =	vld.idx.msk [tilespmem:v59+s14+$0x0], $0xffff  }
0x516: {  	v20 =	vld.idx.msk [tilespmem:v61+s14+$0x0], $0xffff;
	v17 =	vadd.f32 v60, v17  }
0x517: {  	v18 =	vadd.f32 v62, v18  }
0x518: {  	p1 =	slt.u32 s21, $0x6;
	v17 =	vadd.f32 v21, v17  }
.Ltmp2:
0x519: {  	v18 =	vadd.f32 v63, v18;
	(pc) =	sbr.rel @p1 .LBB2_7-.Ltmp2, $4  }
0x51a: {  	v17 =	vadd.f32 v19, v17  }
0x51b: {  	v18 =	vadd.f32 v20, v18  }
0x51c: {  	s26 =	sadd.s32 $0x2, s21;
	[tilespmem:v16+s25+$0x10A00 ss:$0x1] =	vst.idx.msk $0xffff, v17  }
0x51d: {  	s21 =	smov.u32 s26;
	[tilespmem:v16+s24+$0x10A00 ss:$0x1] =	vst.idx.msk $0xffff, v18  }
.Ltmp3:
0x51e: {  	(pc) =	sbr.rel @p0 .LBB2_4-.Ltmp3, $2  }
0x51f: {  	_ =	sdelay $0x2  }
0x520: {  	s21 =	simm.s32 $0x100;
	p1 =	por $0x0, $0x0  }
0x521: {  	s19 =	sadd.s32 $0x1, s19  }
0x522: {  	p0 =	sne.s32 s19, s9  }
.Ltmp4:
0x523: {  	_ = 	snop;
	(pc) =	sbr.rel @p0 .LBB2_1-.Ltmp4, $4  }
0x524: {  	[hbm4b:s8+s5] =	stream.linear.scatter [tilespmem:s17], [sflag:$0x7], $0x200, $0x38;
	[tilespmem:$0x11480] =	vst v63  }
0x525: {  	_ =	swait.ge [sflag:s18], $0x200  }
0x526: {  	[sflag:s18] =	ssyncset.done $0x0  }
0x527: {  	[sflag:s18] =	ssyncadd.s32 $0xFFFFFE00  }
0x528: {  	_ =	sfence.sel $0x180000  }
0x529: {  	[bflag:$0x0] =	sbarrier.arrive $0xFFFF  }
0x52a: {  	_ =	strace $0x90000047  }
0x52b: {  	s0 =	stileid.u32;
	[bflag:$0x2] =	sbarrier.arrive $0xFFFF  }
0x52c: {  	p0 =	sne.s32 s0, $0x0;
	s0 =	rddreg [dreg:$0x6]  }
0x52d: {  	s0 =	sadd.s32 @!p0 $0x100000, s0  }
0x52e: {  	[sflag:s0] =	ssyncadd.tile.s32 @!p0 $0x1;
	_ =	shalt  }
.Lfunc_end2:
_tile_overlayer_lowered:
.L_overlay_start_2:
0x52f: {  	(tag) =	ssettag $0x2  }
0x530: {  	s0 =	rddreg [dreg:$0x0];
	s2 =	stileid.u32  }
0x531: {  	s1 =	rddreg [dreg:$0x1];
	p0 =	sne.s32 s2, $0x0  }
0x532: {  	s3 =	rddreg [dreg:$0x2];
	[bflag:$0x3] =	sbarrier.arrive $0xFFFF;
	s2 =	simm.s32 @!p0 $0x1C07  }
0x533: {  	[timem:s3], [sflag:s2] =	dma.local @!p0 [hbm:s0], s1  }
0x534: {  	s0 =	simm.s32 @!p0 $0x7  }
0x535: {  	_ =	swait.ge @!p0 [sflag:s0], s1  }
0x536: {  	s1 =	ssub.s32 @!p0 $0x0, s1;
	[sflag:s0] =	ssyncset.done @!p0 $0x0  }
0x537: {  	[sflag:s0] =	ssyncadd.s32 @!p0 s1  }
0x538: {  	[bflag:$0x3] =	sbarrier.arrive $0xFFFF  }
0x539: {  	_ =	shalt  }

</sc_bundles>
